<compile_context>
chip_gen: v7x
topology: tpu7x:2x2x1
jax: 0.10.2.dev20260603
libtpu: 0.0.44.dev20260713+nightly
codegen_flags: <defaults>
</compile_context>

<pallas_src>
import functools
import math

import jax
import jax.numpy as jnp
from jax import lax
from jax.experimental import pallas as pl
from jax.experimental.pallas import tpu as pltpu
from jax.experimental.pallas import tpu_sc as plsc

NS = 16
NC = 2
CW = 128
CB = 8
NBLK = 20
EPTP = NBLK * CB * CW
NACC = 10112
SPARE = 10104
ZPT = NACC // NS
WPT = 632
OPT = 640
NPOUT = OPT * NS



def _make_spmm():
  mesh = plsc.VectorSubcoreMesh(core_axis_name="c", subcore_axis_name="s")

  @functools.partial(
      pl.kernel,
      out_type=jax.ShapeDtypeStruct((NC, NPOUT, 128), jnp.float32),
      mesh=mesh,
      scratch_types=[
          pltpu.VMEM_SHARED((NACC, 128), jnp.float32),
          pltpu.VMEM((CB, CW), jnp.int32),
          pltpu.VMEM((CB, CW), jnp.int32),
          pltpu.VMEM((CW, 128), jnp.float32),
          pltpu.VMEM((CW, 128), jnp.float32),
          pltpu.SemaphoreType.DMA,
          pltpu.SemaphoreType.DMA,
          pltpu.SemaphoreType.DMA,
          pltpu.SemaphoreType.DMA,
      ],
  )
  def spmm(src_hbm, gidx_hbm, sidx_hbm, zeros_hbm, out_hbm,
           acc, gi_b, si_b, rows0, rows1, sg0, sg1, ss0, ss1):
    cid = lax.axis_index("c")
    sid = lax.axis_index("s")
    pltpu.sync_copy(zeros_hbm, acc.at[pl.ds(sid * ZPT, ZPT)])
    plsc.subcore_barrier()

    def block(k, carry):
      pltpu.sync_copy(gidx_hbm.at[cid, sid, k], gi_b)
      pltpu.sync_copy(sidx_hbm.at[cid, sid, k], si_b)
      for j in range(CB // 2):
        g0 = pltpu.async_copy(src_hbm.at[gi_b.at[2 * j]], rows0, sg0)
        g1 = pltpu.async_copy(src_hbm.at[gi_b.at[2 * j + 1]], rows1, sg1)
        g0.wait()
        g1.wait()
        pltpu.async_copy(rows0, acc.at[si_b.at[2 * j]], ss0,
                         add=True).wait()
        pltpu.async_copy(rows1, acc.at[si_b.at[2 * j + 1]], ss0,
                         add=True).wait()
      return carry

    lax.fori_loop(0, NBLK, block, 0)
    plsc.subcore_barrier()
    pltpu.sync_copy(acc.at[pl.ds(sid * WPT, WPT)],
                    out_hbm.at[cid, pl.ds(sid * OPT, WPT)])

  return spmm


def _make_degrees():
  mesh = plsc.VectorSubcoreMesh(core_axis_name="c", subcore_axis_name="s")

  @functools.partial(
      pl.kernel,
      out_type=jax.ShapeDtypeStruct((NC, NPOUT, 128), jnp.float32),
      mesh=mesh,
      scratch_types=[
          pltpu.VMEM_SHARED((NACC, 128), jnp.float32),
          pltpu.VMEM((CB, CW), jnp.int32),
          pltpu.VMEM((CW, 128), jnp.float32),
          pltpu.SemaphoreType.DMA,
      ],
  )
  def degrees(sidx_hbm, ones_hbm, zeros_hbm, deg_hbm, acc, si_b, ones_v, ssem):
    cid = lax.axis_index("c")
    sid = lax.axis_index("s")
    pltpu.sync_copy(zeros_hbm, acc.at[pl.ds(sid * ZPT, ZPT)])
    pltpu.sync_copy(ones_hbm, ones_v)
    plsc.subcore_barrier()

    def block(k, carry):
      pltpu.sync_copy(sidx_hbm.at[cid, sid, k], si_b)
      for q in range(CB):
        pltpu.async_copy(ones_v, acc.at[si_b.at[q]], ssem, add=True).wait()
      return carry

    lax.fori_loop(0, NBLK, block, 0)
    plsc.subcore_barrier()
    pltpu.sync_copy(acc.at[pl.ds(sid * WPT, WPT)],
                    deg_hbm.at[cid, pl.ds(sid * OPT, WPT)])

  return degrees




def _layernorm(z, g, b):
  m = jnp.mean(z, axis=1, keepdims=True)
  v = jnp.mean((z - m) ** 2, axis=1, keepdims=True)
  return (z - m) * lax.rsqrt(v + 1e-5) * g + b


def _deg_inv_sqrt(deg_ref):
  deg = deg_ref[...][:, 0:1]
  return jnp.where(deg > 0, lax.rsqrt(deg), 0.0)


def _enc_x_body(xt, tsb, degx, w1a, w1b, b1, g1, bb1, fr2,
                zx0_o, zx1_o, p0_o, p1_o):
  ang = tsb[...] * fr2[...]
  lane = lax.broadcasted_iota(jnp.int32, ang.shape, 1)
  te = jnp.where(lane < 64, jnp.cos(ang), jnp.sin(ang))
  z = jnp.dot(xt[...], w1a[...], preferred_element_type=jnp.float32)
  z = z + jnp.dot(te, w1b[...], preferred_element_type=jnp.float32)
  z = _layernorm(z + b1[...], g1[...], bb1[...])
  z = jnp.maximum(z, 0.0)
  p = z * _deg_inv_sqrt(degx)
  zx0_o[...] = z[:, :128]
  zx1_o[...] = z[:, 128:]
  p0_o[...] = p[:, :128]
  p1_o[...] = p[:, 128:]


def _enc_y_body(yy, degy, w2, b2, g2, bb2, q0_o, q1_o):
  z = jnp.dot(yy[...], w2[...], preferred_element_type=jnp.float32)
  z = _layernorm(z + b2[...], g2[...], bb2[...])
  z = jnp.maximum(z, 0.0)
  q = z * _deg_inv_sqrt(degy)
  q0_o[...] = q[:, :128]
  q1_o[...] = q[:, 128:]


def _scale_body(p0, p1, s0, s1, deg_r, o0, o1):
  deg = deg_r[...][:, 0:1]
  d2 = jnp.where(deg > 0, 1.0 / deg, 0.0)
  o0[...] = p0[...] + d2 * s0[...]
  o1[...] = p1[...] + d2 * s1[...]


def _dec_body(zx0, zx1, v0, v1, degx, w3a, w3b, b3, g3, bb3, out_o):
  dx = _deg_inv_sqrt(degx)
  h0 = (zx0[...] + dx * v0[...]) * 0.25
  h1 = (zx1[...] + dx * v1[...]) * 0.25
  o = jnp.dot(h0, w3a[...], preferred_element_type=jnp.float32)
  o = o + jnp.dot(h1, w3b[...], preferred_element_type=jnp.float32)
  o = _layernorm(o + b3[...], g3[...], bb3[...])
  out_o[...] = jnp.tanh(o)


def _row_spec(r, cols):
  return pl.BlockSpec((r, cols), lambda i: (i, 0))


def _full_spec(shape):
  return pl.BlockSpec(shape, lambda i: tuple(0 for _ in shape))




def kernel(x_t, timestep, edge_index, y, W1, b1, ln1_g, ln1_b,
           W2, b2, ln2_g, ln2_b, W3, b3, ln3_g, ln3_b):
  N, D = x_t.shape
  M = y.shape[0]
  E = edge_index.shape[1]
  H = W1.shape[0]
  O = W3.shape[0]
  ept = E // NS

  f32 = jnp.float32

  def pack_idx(ei, padval):
    t = ei.astype(jnp.int32).reshape(NS, ept)
    t = jnp.pad(t, ((0, 0), (0, EPTP - ept)), constant_values=padval)
    return t.reshape(NS, NBLK, CB, CW)

  e0 = edge_index[0]
  e1 = edge_index[1]
  e0g = pack_idx(e0, 0)
  e0s = pack_idx(e0, SPARE)
  e1g = pack_idx(e1, 0)
  e1s = pack_idx(e1, SPARE)
  ge0 = jnp.stack([e0g, e0g + N])
  ge1 = jnp.stack([e1g, e1g + M])
  se0 = jnp.stack([e0s, e0s])
  se1 = jnp.stack([e1s, e1s])
  sidx2 = jnp.stack([e0s, e1s])

  def unpack(o):
    cols = o.shape[-1]
    return o.reshape(NS, OPT, cols)[:, :WPT].reshape(NS * WPT, cols)[:N]

  half = D // 2
  freqs = jnp.exp(-math.log(10000.0) *
                  jnp.arange(0, half, dtype=f32) / half)
  fr2 = jnp.concatenate([freqs, freqs]).reshape(1, D)
  tsb = jnp.broadcast_to(timestep.astype(f32)[:, None], (N, D))

  zerosb = jnp.zeros((ZPT, 128), f32)
  ones128 = jnp.ones((CW, 128), f32)

  degrees = _make_degrees()
  spmm_p = _make_spmm()

  def spmm(a0, a1, gi, si):
    o = spmm_p(jnp.concatenate([a0, a1], axis=0), gi, si, zerosb)
    return unpack(o[0]), unpack(o[1])

  degf = degrees(sidx2, ones128, zerosb)
  degx = unpack(degf[0])
  degy = unpack(degf[1])

  R = 1000
  grid = (N // R,)
  w1aT = W1[:, :D].T
  w1bT = W1[:, D:].T
  zx0, zx1, p0, p1 = pl.pallas_call(
      _enc_x_body,
      grid=grid,
      in_specs=[
          _row_spec(R, D), _row_spec(R, D), _row_spec(R, 128),
          _full_spec((D, H)), _full_spec((D, H)), _full_spec((1, H)),
          _full_spec((1, H)), _full_spec((1, H)), _full_spec((1, D)),
      ],
      out_specs=[_row_spec(R, 128)] * 4,
      out_shape=[jax.ShapeDtypeStruct((N, 128), f32)] * 4,
  )(x_t, tsb, degx, w1aT, w1bT, b1.reshape(1, H), ln1_g.reshape(1, H),
    ln1_b.reshape(1, H), fr2)

  q0, q1 = pl.pallas_call(
      _enc_y_body,
      grid=grid,
      in_specs=[
          _row_spec(R, D), _row_spec(R, 128),
          _full_spec((D, H)), _full_spec((1, H)), _full_spec((1, H)),
          _full_spec((1, H)),
      ],
      out_specs=[_row_spec(R, 128)] * 2,
      out_shape=[jax.ShapeDtypeStruct((M, 128), f32)] * 2,
  )(y, degy, W2.T, b2.reshape(1, H), ln2_g.reshape(1, H),
    ln2_b.reshape(1, H))

  def scale(a0, a1, s0, s1, degs):
    return pl.pallas_call(
        _scale_body,
        grid=grid,
        in_specs=[_row_spec(R, 128)] * 4 + [_row_spec(R, 128)],
        out_specs=[_row_spec(R, 128)] * 2,
        out_shape=[jax.ShapeDtypeStruct((N, 128), f32)] * 2,
    )(a0, a1, s0, s1, degs)

  s0, s1 = spmm(q0, q1, ge1, se0)
  c0, c1 = scale(p0, p1, s0, s1, degx)
  u0, u1 = spmm(c0, c1, ge0, se1)
  d0, d1 = scale(q0, q1, u0, u1, degy)
  v0, v1 = spmm(d0, d1, ge1, se0)

  w3T = W3.T
  out = pl.pallas_call(
      _dec_body,
      grid=grid,
      in_specs=[_row_spec(R, 128)] * 4 + [
          _row_spec(R, 128),
          _full_spec((D, O)), _full_spec((D, O)), _full_spec((1, O)),
          _full_spec((1, O)), _full_spec((1, O)),
      ],
      out_specs=_row_spec(R, O),
      out_shape=jax.ShapeDtypeStruct((N, O), f32),
  )(zx0, zx1, v0, v1, degx, w3T[:D], w3T[D:], b3.reshape(1, O),
    ln3_g.reshape(1, O), ln3_b.reshape(1, O))
  return out

# --- scband reference (transcript-rebuilt; emitter-appended) ---
"""Pipeline reference for scband-idenoise-62577673502785 (READ-ONLY COPY).

The authoritative reference and input builder live on the scoring server;
editing this copy changes nothing except your own understanding.
"""

import jax, jax.numpy as jnp
import numpy as np
import math


def layernorm(x, g, b):
    m = jnp.mean(x, axis=-1, keepdims=True)
    v = jnp.mean((x - m) ** 2, axis=-1, keepdims=True)
    return (x - m) / jnp.sqrt(v + 1e-5) * g + b


def cosine_pe(timestep, dim):
    half = dim // 2
    freqs = jnp.exp(-math.log(10000.0) * jnp.arange(0, half, dtype=jnp.float32) / half)
    temp = timestep[:, None].astype(jnp.float32) * freqs[None]
    return jnp.concatenate([jnp.cos(temp), jnp.sin(temp)], axis=-1)


def lay(x, edge_index, k=3):
    num_nodes = x.shape[0]
    adj = jnp.concatenate([edge_index, edge_index[::-1]], axis=1)
    row, col = adj[0], adj[1]
    deg = jnp.bincount(row, length=num_nodes).astype(jnp.float32)
    deg_inv_sqrt = jnp.where(deg > 0, jnp.where(deg > 0, deg, 1.0) ** -0.5, 0.0)
    norm = deg_inv_sqrt[row] * deg_inv_sqrt[col]
    emb_k = x
    embs = [emb_k]
    for _ in range(k):
        emb_k = jax.ops.segment_sum(norm[:, None] * emb_k[col], row, num_segments=num_nodes)
        embs.append(emb_k)
    return jnp.stack(embs, axis=1).mean(axis=1)


def setup_inputs(seed: int = 0):
    key = jax.random.key(seed)
    ks = jax.random.split(key, 12)
    N, M, E, D, H, O = 10000, 10000, 320000, 128, 256, 128
    x_t = jax.random.normal(ks[0], (N, D), dtype=jnp.float32)
    timestep = jax.random.randint(ks[1], (N,), 0, 1000)
    edge_index = jax.random.randint(ks[2], (2, E), 0, N)
    y = jax.random.normal(ks[3], (M, D), dtype=jnp.float32)
    s1 = 1.0 / np.sqrt(2 * D)
    s2 = 1.0 / np.sqrt(D)
    s3 = 1.0 / np.sqrt(H)
    W1 = jax.random.uniform(ks[4], (H, 2 * D), minval=-s1, maxval=s1, dtype=jnp.float32)
    b1 = jax.random.uniform(ks[5], (H,), minval=-s1, maxval=s1, dtype=jnp.float32)
    W2 = jax.random.uniform(ks[6], (H, D), minval=-s2, maxval=s2, dtype=jnp.float32)
    b2 = jax.random.uniform(ks[7], (H,), minval=-s2, maxval=s2, dtype=jnp.float32)
    W3 = jax.random.uniform(ks[8], (O, H), minval=-s3, maxval=s3, dtype=jnp.float32)
    b3 = jax.random.uniform(ks[9], (O,), minval=-s3, maxval=s3, dtype=jnp.float32)
    return {
        "x_t": x_t, "timestep": timestep, "edge_index": edge_index, "y": y,
        "W1": W1, "b1": b1, "ln1_g": jnp.ones((H,), jnp.float32), "ln1_b": jnp.zeros((H,), jnp.float32),
        "W2": W2, "b2": b2, "ln2_g": jnp.ones((H,), jnp.float32), "ln2_b": jnp.zeros((H,), jnp.float32),
        "W3": W3, "b3": b3, "ln3_g": jnp.ones((O,), jnp.float32), "ln3_b": jnp.zeros((O,), jnp.float32),
    }


def reference(x_t, timestep, edge_index, y, W1, b1, ln1_g, ln1_b, W2, b2, ln2_g, ln2_b, W3, b3, ln3_g, ln3_b):
    N = x_t.shape[0]
    time_emb = cosine_pe(timestep, x_t.shape[1])
    adj = jnp.stack([edge_index[0], edge_index[1] + N], axis=0)
    x_and_t = jnp.concatenate([x_t, time_emb], axis=1)
    z = jax.nn.relu(layernorm(x_and_t @ W1.T + b1, ln1_g, ln1_b))
    z_y = jax.nn.relu(layernorm(y @ W2.T + b2, ln2_g, ln2_b))
    z = jnp.concatenate([z, z_y], axis=0)
    z = lay(z, adj, k=3)
    pre_x0 = jnp.tanh(layernorm(z @ W3.T + b3, ln3_g, ln3_b))
    return pre_x0[:N]

if __name__ == "__main__":
    import jax
    _d = setup_inputs()
    print(jax.jit(kernel)(*tuple(_d.values())))

</pallas_src>

<mosaic_0001>
#map = affine_map<(d0, d1) -> (0, 0)>
#map1 = affine_map<(d0, d1) -> (0, 0, 0, 0, 0)>
#map2 = affine_map<(d0, d1) -> (0, 0, 0)>
module attributes {stable_mosaic.version = 14 : i64} {
  func.func @spmm(%arg0: i32, %arg1: i32, %arg2: memref<20000x128xf32, #tpu.memory_space<hbm>>, %arg3: memref<2x16x20x8x128xi32, #tpu.memory_space<hbm>>, %arg4: memref<2x16x20x8x128xi32, #tpu.memory_space<hbm>>, %arg5: memref<632x128xf32, #tpu.memory_space<hbm>>, %arg6: memref<2x10240x128xf32, #tpu.memory_space<hbm>>, %arg7: memref<10112x128xf32, #tpu.memory_space<vmem_shared>>, %arg8: memref<8x128xi32, #tpu.memory_space<vmem>>, %arg9: memref<8x128xi32, #tpu.memory_space<vmem>>, %arg10: memref<128x128xf32, #tpu.memory_space<vmem>>, %arg11: memref<128x128xf32, #tpu.memory_space<vmem>>, %arg12: memref<!tpu.dma_semaphore, #tpu.memory_space<semaphore_mem>>, %arg13: memref<!tpu.dma_semaphore, #tpu.memory_space<semaphore_mem>>, %arg14: memref<!tpu.dma_semaphore, #tpu.memory_space<semaphore_mem>>, %arg15: memref<!tpu.dma_semaphore, #tpu.memory_space<semaphore_mem>>) attributes {dimension_semantics = [#tpu.dimension_semantics<core_parallel>, #tpu.dimension_semantics<subcore_parallel>], iteration_bounds = array<i64: 2, 16>, scalar_prefetch = 0 : i64, scratch_operands = 9 : i64, tpu.core_type = #tpu.core_type<sc_vector_subcore>, window_params = [{transform_indices = #map}, {transform_indices = #map1}, {transform_indices = #map1}, {transform_indices = #map}, {transform_indices = #map2}]} {
    %mul3A = arith.constant 632 : i32
    %mul3A_0 = arith.muli %arg1, %mul3A : i32
    "tpu.region"() ({
      %run_scoped3A = tpu.sem_alloc : memref<!tpu.dma_semaphore, #tpu.memory_space<semaphore_mem>>
      %dma_start3A = arith.constant 0 : i32
      %dma_start3A_11 = tpu.memref_slice %arg7[%mul3A_0, %dma_start3A] : memref<10112x128xf32, #tpu.memory_space<vmem_shared>> -> memref<632x128xf32, #tpu.memory_space<vmem_shared>>
      tpu.enqueue_dma source(%arg5 : memref<632x128xf32, #tpu.memory_space<hbm>>) target(%dma_start3A_11 : memref<632x128xf32, #tpu.memory_space<vmem_shared>>) target_semaphore(%run_scoped3A : memref<!tpu.dma_semaphore, #tpu.memory_space<semaphore_mem>>)
      %dma_wait3A = arith.constant 0 : i32
      %dma_wait3A_12 = tpu.memref_slice %arg7[%mul3A_0, %dma_wait3A] : memref<10112x128xf32, #tpu.memory_space<vmem_shared>> -> memref<632x128xf32, #tpu.memory_space<vmem_shared>>
      tpu.wait_dma2 semaphore(%run_scoped3A : memref<!tpu.dma_semaphore, #tpu.memory_space<semaphore_mem>>) src(%arg5 : memref<632x128xf32, #tpu.memory_space<hbm>>) dst(%dma_wait3A_12 : memref<632x128xf32, #tpu.memory_space<vmem_shared>>)
      tpu.yield
    }) : () -> ()
    %barrier3A = arith.constant 0 : index
    tpu.barrier barrier_id(%barrier3A)
    %scan3A = arith.constant 0 : i32
    %scan3A_1 = arith.constant 0 : i32
    %scan3A_2 = arith.constant 20 : i32
    %scan3A_3 = arith.addi %scan3A_1, %scan3A_2 : i32
    %scan3A_4 = arith.constant 1 : i32
    scf.for %scan3A_11 = %scan3A_1 to %scan3A_3 step %scan3A_4  : i32 {
      "tpu.region"() ({
        %run_scoped3A = tpu.sem_alloc : memref<!tpu.dma_semaphore, #tpu.memory_space<semaphore_mem>>
        %dma_start3A_234 = arith.constant 0 : i32
        %dma_start3A_235 = arith.constant 0 : i32
        %dma_start3A_236 = tpu.memref_slice %arg3[%arg0, %arg1, %scan3A_11, %dma_start3A_234, %dma_start3A_235] : memref<2x16x20x8x128xi32, #tpu.memory_space<hbm>> -> memref<1x1x1x8x128xi32, #tpu.memory_space<hbm>>
        %dma_start3A_237 = tpu.memref_squeeze %dma_start3A_236 : memref<1x1x1x8x128xi32, #tpu.memory_space<hbm>> -> memref<8x128xi32, #tpu.memory_space<hbm>>
        %dma_start3A_238 = arith.constant 0 : i32
        %dma_start3A_239 = arith.constant 0 : i32
        %dma_start3A_240 = tpu.memref_slice %arg3[%arg0, %arg1, %scan3A_11, %dma_start3A_238, %dma_start3A_239] : memref<2x16x20x8x128xi32, #tpu.memory_space<hbm>> -> memref<1x1x1x8x128xi32, #tpu.memory_space<hbm>>
        %dma_start3A_241 = tpu.memref_squeeze %dma_start3A_240 : memref<1x1x1x8x128xi32, #tpu.memory_space<hbm>> -> memref<8x128xi32, #tpu.memory_space<hbm>>
        tpu.enqueue_dma source(%dma_start3A_241 : memref<8x128xi32, #tpu.memory_space<hbm>>) target(%arg8 : memref<8x128xi32, #tpu.memory_space<vmem>>) target_semaphore(%run_scoped3A : memref<!tpu.dma_semaphore, #tpu.memory_space<semaphore_mem>>)
        %dma_wait3A_242 = arith.constant 0 : i32
        %dma_wait3A_243 = arith.constant 0 : i32
        %dma_wait3A_244 = tpu.memref_slice %arg3[%arg0, %arg1, %scan3A_11, %dma_wait3A_242, %dma_wait3A_243] : memref<2x16x20x8x128xi32, #tpu.memory_space<hbm>> -> memref<1x1x1x8x128xi32, #tpu.memory_space<hbm>>
        %dma_wait3A_245 = tpu.memref_squeeze %dma_wait3A_244 : memref<1x1x1x8x128xi32, #tpu.memory_space<hbm>> -> memref<8x128xi32, #tpu.memory_space<hbm>>
        %dma_wait3A_246 = arith.constant 0 : i32
        %dma_wait3A_247 = arith.constant 0 : i32
        %dma_wait3A_248 = tpu.memref_slice %arg3[%arg0, %arg1, %scan3A_11, %dma_wait3A_246, %dma_wait3A_247] : memref<2x16x20x8x128xi32, #tpu.memory_space<hbm>> -> memref<1x1x1x8x128xi32, #tpu.memory_space<hbm>>
        %dma_wait3A_249 = tpu.memref_squeeze %dma_wait3A_248 : memref<1x1x1x8x128xi32, #tpu.memory_space<hbm>> -> memref<8x128xi32, #tpu.memory_space<hbm>>
        tpu.wait_dma2 semaphore(%run_scoped3A : memref<!tpu.dma_semaphore, #tpu.memory_space<semaphore_mem>>) src(%dma_wait3A_249 : memref<8x128xi32, #tpu.memory_space<hbm>>) dst(%arg8 : memref<8x128xi32, #tpu.memory_space<vmem>>)
        tpu.yield
      }) : () -> ()
      "tpu.region"() ({
        %run_scoped3A = tpu.sem_alloc : memref<!tpu.dma_semaphore, #tpu.memory_space<semaphore_mem>>
        %dma_start3A_234 = arith.constant 0 : i32
        %dma_start3A_235 = arith.constant 0 : i32
        %dma_start3A_236 = tpu.memref_slice %arg4[%arg0, %arg1, %scan3A_11, %dma_start3A_234, %dma_start3A_235] : memref<2x16x20x8x128xi32, #tpu.memory_space<hbm>> -> memref<1x1x1x8x128xi32, #tpu.memory_space<hbm>>
        %dma_start3A_237 = tpu.memref_squeeze %dma_start3A_236 : memref<1x1x1x8x128xi32, #tpu.memory_space<hbm>> -> memref<8x128xi32, #tpu.memory_space<hbm>>
        %dma_start3A_238 = arith.constant 0 : i32
        %dma_start3A_239 = arith.constant 0 : i32
        %dma_start3A_240 = tpu.memref_slice %arg4[%arg0, %arg1, %scan3A_11, %dma_start3A_238, %dma_start3A_239] : memref<2x16x20x8x128xi32, #tpu.memory_space<hbm>> -> memref<1x1x1x8x128xi32, #tpu.memory_space<hbm>>
        %dma_start3A_241 = tpu.memref_squeeze %dma_start3A_240 : memref<1x1x1x8x128xi32, #tpu.memory_space<hbm>> -> memref<8x128xi32, #tpu.memory_space<hbm>>
        tpu.enqueue_dma source(%dma_start3A_241 : memref<8x128xi32, #tpu.memory_space<hbm>>) target(%arg9 : memref<8x128xi32, #tpu.memory_space<vmem>>) target_semaphore(%run_scoped3A : memref<!tpu.dma_semaphore, #tpu.memory_space<semaphore_mem>>)
        %dma_wait3A_242 = arith.constant 0 : i32
        %dma_wait3A_243 = arith.constant 0 : i32
        %dma_wait3A_244 = tpu.memref_slice %arg4[%arg0, %arg1, %scan3A_11, %dma_wait3A_242, %dma_wait3A_243] : memref<2x16x20x8x128xi32, #tpu.memory_space<hbm>> -> memref<1x1x1x8x128xi32, #tpu.memory_space<hbm>>
        %dma_wait3A_245 = tpu.memref_squeeze %dma_wait3A_244 : memref<1x1x1x8x128xi32, #tpu.memory_space<hbm>> -> memref<8x128xi32, #tpu.memory_space<hbm>>
        %dma_wait3A_246 = arith.constant 0 : i32
        %dma_wait3A_247 = arith.constant 0 : i32
        %dma_wait3A_248 = tpu.memref_slice %arg4[%arg0, %arg1, %scan3A_11, %dma_wait3A_246, %dma_wait3A_247] : memref<2x16x20x8x128xi32, #tpu.memory_space<hbm>> -> memref<1x1x1x8x128xi32, #tpu.memory_space<hbm>>
        %dma_wait3A_249 = tpu.memref_squeeze %dma_wait3A_248 : memref<1x1x1x8x128xi32, #tpu.memory_space<hbm>> -> memref<8x128xi32, #tpu.memory_space<hbm>>
        tpu.wait_dma2 semaphore(%run_scoped3A : memref<!tpu.dma_semaphore, #tpu.memory_space<semaphore_mem>>) src(%dma_wait3A_249 : memref<8x128xi32, #tpu.memory_space<hbm>>) dst(%arg9 : memref<8x128xi32, #tpu.memory_space<vmem>>)
        tpu.yield
      }) : () -> ()
      %dma_start3A = arith.constant 0 : i32
      %dma_start3A_12 = arith.constant 0 : i32
      %dma_start3A_13 = tpu.memref_slice %arg8[%dma_start3A, %dma_start3A_12] : memref<8x128xi32, #tpu.memory_space<vmem>> -> memref<1x128xi32, #tpu.memory_space<vmem>>
      %dma_start3A_14 = tpu.memref_squeeze %dma_start3A_13 : memref<1x128xi32, #tpu.memory_space<vmem>> -> memref<128xi32, #tpu.memory_space<vmem>>
      %dma_start3A_15 = arith.constant 0 : i32
      %dma_start3A_16 = arith.constant 0 : i32
      %dma_start3A_17 = tpu.memref_slice %arg2[%dma_start3A_15, %dma_start3A_16] : memref<20000x128xf32, #tpu.memory_space<hbm>> -> memref<20000x128xf32, #tpu.memory_space<hbm>>
      tpu.enqueue_indirect_dma source(%dma_start3A_17 : memref<20000x128xf32, #tpu.memory_space<hbm>>) target(%arg10 : memref<128x128xf32, #tpu.memory_space<vmem>>) offsets(%dma_start3A_14 : memref<128xi32, #tpu.memory_space<vmem>>) semaphore(%arg12 : memref<!tpu.dma_semaphore, #tpu.memory_space<semaphore_mem>>)
      %dma_start3A_18 = arith.constant 1 : i32
      %dma_start3A_19 = arith.constant 0 : i32
      %dma_start3A_20 = tpu.memref_slice %arg8[%dma_start3A_18, %dma_start3A_19] : memref<8x128xi32, #tpu.memory_space<vmem>> -> memref<1x128xi32, #tpu.memory_space<vmem>>
      %dma_start3A_21 = tpu.memref_squeeze %dma_start3A_20 : memref<1x128xi32, #tpu.memory_space<vmem>> -> memref<128xi32, #tpu.memory_space<vmem>>
      %dma_start3A_22 = arith.constant 0 : i32
      %dma_start3A_23 = arith.constant 0 : i32
      %dma_start3A_24 = tpu.memref_slice %arg2[%dma_start3A_22, %dma_start3A_23] : memref<20000x128xf32, #tpu.memory_space<hbm>> -> memref<20000x128xf32, #tpu.memory_space<hbm>>
      tpu.enqueue_indirect_dma source(%dma_start3A_24 : memref<20000x128xf32, #tpu.memory_space<hbm>>) target(%arg11 : memref<128x128xf32, #tpu.memory_space<vmem>>) offsets(%dma_start3A_21 : memref<128xi32, #tpu.memory_space<vmem>>) semaphore(%arg13 : memref<!tpu.dma_semaphore, #tpu.memory_space<semaphore_mem>>)
      %dma_wait3A = arith.constant 0 : i32
      %dma_wait3A_25 = arith.constant 0 : i32
      %dma_wait3A_26 = tpu.memref_slice %arg8[%dma_wait3A, %dma_wait3A_25] : memref<8x128xi32, #tpu.memory_space<vmem>> -> memref<1x128xi32, #tpu.memory_space<vmem>>
      %dma_wait3A_27 = tpu.memref_squeeze %dma_wait3A_26 : memref<1x128xi32, #tpu.memory_space<vmem>> -> memref<128xi32, #tpu.memory_space<vmem>>
      %dma_wait3A_28 = arith.constant 0 : i32
      %dma_wait3A_29 = arith.constant 0 : i32
      %dma_wait3A_30 = tpu.memref_slice %arg2[%dma_wait3A_28, %dma_wait3A_29] : memref<20000x128xf32, #tpu.memory_space<hbm>> -> memref<20000x128xf32, #tpu.memory_space<hbm>>
      tpu.wait_indirect_dma semaphore(%arg12 : memref<!tpu.dma_semaphore, #tpu.memory_space<semaphore_mem>>) src(%dma_wait3A_30 : memref<20000x128xf32, #tpu.memory_space<hbm>>) dst(%arg10 : memref<128x128xf32, #tpu.memory_space<vmem>>)
      %dma_wait3A_31 = arith.constant 1 : i32
      %dma_wait3A_32 = arith.constant 0 : i32
      %dma_wait3A_33 = tpu.memref_slice %arg8[%dma_wait3A_31, %dma_wait3A_32] : memref<8x128xi32, #tpu.memory_space<vmem>> -> memref<1x128xi32, #tpu.memory_space<vmem>>
      %dma_wait3A_34 = tpu.memref_squeeze %dma_wait3A_33 : memref<1x128xi32, #tpu.memory_space<vmem>> -> memref<128xi32, #tpu.memory_space<vmem>>
      %dma_wait3A_35 = arith.constant 0 : i32
      %dma_wait3A_36 = arith.constant 0 : i32
      %dma_wait3A_37 = tpu.memref_slice %arg2[%dma_wait3A_35, %dma_wait3A_36] : memref<20000x128xf32, #tpu.memory_space<hbm>> -> memref<20000x128xf32, #tpu.memory_space<hbm>>
      tpu.wait_indirect_dma semaphore(%arg13 : memref<!tpu.dma_semaphore, #tpu.memory_space<semaphore_mem>>) src(%dma_wait3A_37 : memref<20000x128xf32, #tpu.memory_space<hbm>>) dst(%arg11 : memref<128x128xf32, #tpu.memory_space<vmem>>)
      %dma_start3A_38 = arith.constant 0 : i32
      %dma_start3A_39 = arith.constant 0 : i32
      %dma_start3A_40 = tpu.memref_slice %arg9[%dma_start3A_38, %dma_start3A_39] : memref<8x128xi32, #tpu.memory_space<vmem>> -> memref<1x128xi32, #tpu.memory_space<vmem>>
      %dma_start3A_41 = tpu.memref_squeeze %dma_start3A_40 : memref<1x128xi32, #tpu.memory_space<vmem>> -> memref<128xi32, #tpu.memory_space<vmem>>
      %dma_start3A_42 = arith.constant 0 : i32
      %dma_start3A_43 = arith.constant 0 : i32
      %dma_start3A_44 = tpu.memref_slice %arg7[%dma_start3A_42, %dma_start3A_43] : memref<10112x128xf32, #tpu.memory_space<vmem_shared>> -> memref<10112x128xf32, #tpu.memory_space<vmem_shared>>
      tpu.enqueue_indirect_dma source(%arg10 : memref<128x128xf32, #tpu.memory_space<vmem>>) target(%dma_start3A_44 : memref<10112x128xf32, #tpu.memory_space<vmem_shared>>) offsets(%dma_start3A_41 : memref<128xi32, #tpu.memory_space<vmem>>) semaphore(%arg14 : memref<!tpu.dma_semaphore, #tpu.memory_space<semaphore_mem>>) {add = true}
      %dma_wait3A_45 = arith.constant 0 : i32
      %dma_wait3A_46 = arith.constant 0 : i32
      %dma_wait3A_47 = tpu.memref_slice %arg9[%dma_wait3A_45, %dma_wait3A_46] : memref<8x128xi32, #tpu.memory_space<vmem>> -> memref<1x128xi32, #tpu.memory_space<vmem>>
      %dma_wait3A_48 = tpu.memref_squeeze %dma_wait3A_47 : memref<1x128xi32, #tpu.memory_space<vmem>> -> memref<128xi32, #tpu.memory_space<vmem>>
      %dma_wait3A_49 = arith.constant 0 : i32
      %dma_wait3A_50 = arith.constant 0 : i32
      %dma_wait3A_51 = tpu.memref_slice %arg7[%dma_wait3A_49, %dma_wait3A_50] : memref<10112x128xf32, #tpu.memory_space<vmem_shared>> -> memref<10112x128xf32, #tpu.memory_space<vmem_shared>>
      tpu.wait_indirect_dma semaphore(%arg14 : memref<!tpu.dma_semaphore, #tpu.memory_space<semaphore_mem>>) src(%arg10 : memref<128x128xf32, #tpu.memory_space<vmem>>) dst(%dma_wait3A_51 : memref<10112x128xf32, #tpu.memory_space<vmem_shared>>)
      %dma_start3A_52 = arith.constant 1 : i32
      %dma_start3A_53 = arith.constant 0 : i32
      %dma_start3A_54 = tpu.memref_slice %arg9[%dma_start3A_52, %dma_start3A_53] : memref<8x128xi32, #tpu.memory_space<vmem>> -> memref<1x128xi32, #tpu.memory_space<vmem>>
      %dma_start3A_55 = tpu.memref_squeeze %dma_start3A_54 : memref<1x128xi32, #tpu.memory_space<vmem>> -> memref<128xi32, #tpu.memory_space<vmem>>
      %dma_start3A_56 = arith.constant 0 : i32
      %dma_start3A_57 = arith.constant 0 : i32
      %dma_start3A_58 = tpu.memref_slice %arg7[%dma_start3A_56, %dma_start3A_57] : memref<10112x128xf32, #tpu.memory_space<vmem_shared>> -> memref<10112x128xf32, #tpu.memory_space<vmem_shared>>
      tpu.enqueue_indirect_dma source(%arg11 : memref<128x128xf32, #tpu.memory_space<vmem>>) target(%dma_start3A_58 : memref<10112x128xf32, #tpu.memory_space<vmem_shared>>) offsets(%dma_start3A_55 : memref<128xi32, #tpu.memory_space<vmem>>) semaphore(%arg14 : memref<!tpu.dma_semaphore, #tpu.memory_space<semaphore_mem>>) {add = true}
      %dma_wait3A_59 = arith.constant 1 : i32
      %dma_wait3A_60 = arith.constant 0 : i32
      %dma_wait3A_61 = tpu.memref_slice %arg9[%dma_wait3A_59, %dma_wait3A_60] : memref<8x128xi32, #tpu.memory_space<vmem>> -> memref<1x128xi32, #tpu.memory_space<vmem>>
      %dma_wait3A_62 = tpu.memref_squeeze %dma_wait3A_61 : memref<1x128xi32, #tpu.memory_space<vmem>> -> memref<128xi32, #tpu.memory_space<vmem>>
      %dma_wait3A_63 = arith.constant 0 : i32
      %dma_wait3A_64 = arith.constant 0 : i32
      %dma_wait3A_65 = tpu.memref_slice %arg7[%dma_wait3A_63, %dma_wait3A_64] : memref<10112x128xf32, #tpu.memory_space<vmem_shared>> -> memref<10112x128xf32, #tpu.memory_space<vmem_shared>>
      tpu.wait_indirect_dma semaphore(%arg14 : memref<!tpu.dma_semaphore, #tpu.memory_space<semaphore_mem>>) src(%arg11 : memref<128x128xf32, #tpu.memory_space<vmem>>) dst(%dma_wait3A_65 : memref<10112x128xf32, #tpu.memory_space<vmem_shared>>)
      %dma_start3A_66 = arith.constant 2 : i32
      %dma_start3A_67 = arith.constant 0 : i32
      %dma_start3A_68 = tpu.memref_slice %arg8[%dma_start3A_66, %dma_start3A_67] : memref<8x128xi32, #tpu.memory_space<vmem>> -> memref<1x128xi32, #tpu.memory_space<vmem>>
      %dma_start3A_69 = tpu.memref_squeeze %dma_start3A_68 : memref<1x128xi32, #tpu.memory_space<vmem>> -> memref<128xi32, #tpu.memory_space<vmem>>
      %dma_start3A_70 = arith.constant 0 : i32
      %dma_start3A_71 = arith.constant 0 : i32
      %dma_start3A_72 = tpu.memref_slice %arg2[%dma_start3A_70, %dma_start3A_71] : memref<20000x128xf32, #tpu.memory_space<hbm>> -> memref<20000x128xf32, #tpu.memory_space<hbm>>
      tpu.enqueue_indirect_dma source(%dma_start3A_72 : memref<20000x128xf32, #tpu.memory_space<hbm>>) target(%arg10 : memref<128x128xf32, #tpu.memory_space<vmem>>) offsets(%dma_start3A_69 : memref<128xi32, #tpu.memory_space<vmem>>) semaphore(%arg12 : memref<!tpu.dma_semaphore, #tpu.memory_space<semaphore_mem>>)
      %dma_start3A_73 = arith.constant 3 : i32
      %dma_start3A_74 = arith.constant 0 : i32
      %dma_start3A_75 = tpu.memref_slice %arg8[%dma_start3A_73, %dma_start3A_74] : memref<8x128xi32, #tpu.memory_space<vmem>> -> memref<1x128xi32, #tpu.memory_space<vmem>>
      %dma_start3A_76 = tpu.memref_squeeze %dma_start3A_75 : memref<1x128xi32, #tpu.memory_space<vmem>> -> memref<128xi32, #tpu.memory_space<vmem>>
      %dma_start3A_77 = arith.constant 0 : i32
      %dma_start3A_78 = arith.constant 0 : i32
      %dma_start3A_79 = tpu.memref_slice %arg2[%dma_start3A_77, %dma_start3A_78] : memref<20000x128xf32, #tpu.memory_space<hbm>> -> memref<20000x128xf32, #tpu.memory_space<hbm>>
      tpu.enqueue_indirect_dma source(%dma_start3A_79 : memref<20000x128xf32, #tpu.memory_space<hbm>>) target(%arg11 : memref<128x128xf32, #tpu.memory_space<vmem>>) offsets(%dma_start3A_76 : memref<128xi32, #tpu.memory_space<vmem>>) semaphore(%arg13 : memref<!tpu.dma_semaphore, #tpu.memory_space<semaphore_mem>>)
      %dma_wait3A_80 = arith.constant 2 : i32
      %dma_wait3A_81 = arith.constant 0 : i32
      %dma_wait3A_82 = tpu.memref_slice %arg8[%dma_wait3A_80, %dma_wait3A_81] : memref<8x128xi32, #tpu.memory_space<vmem>> -> memref<1x128xi32, #tpu.memory_space<vmem>>
      %dma_wait3A_83 = tpu.memref_squeeze %dma_wait3A_82 : memref<1x128xi32, #tpu.memory_space<vmem>> -> memref<128xi32, #tpu.memory_space<vmem>>
      %dma_wait3A_84 = arith.constant 0 : i32
      %dma_wait3A_85 = arith.constant 0 : i32
      %dma_wait3A_86 = tpu.memref_slice %arg2[%dma_wait3A_84, %dma_wait3A_85] : memref<20000x128xf32, #tpu.memory_space<hbm>> -> memref<20000x128xf32, #tpu.memory_space<hbm>>
      tpu.wait_indirect_dma semaphore(%arg12 : memref<!tpu.dma_semaphore, #tpu.memory_space<semaphore_mem>>) src(%dma_wait3A_86 : memref<20000x128xf32, #tpu.memory_space<hbm>>) dst(%arg10 : memref<128x128xf32, #tpu.memory_space<vmem>>)
      %dma_wait3A_87 = arith.constant 3 : i32
      %dma_wait3A_88 = arith.constant 0 : i32
      %dma_wait3A_89 = tpu.memref_slice %arg8[%dma_wait3A_87, %dma_wait3A_88] : memref<8x128xi32, #tpu.memory_space<vmem>> -> memref<1x128xi32, #tpu.memory_space<vmem>>
      %dma_wait3A_90 = tpu.memref_squeeze %dma_wait3A_89 : memref<1x128xi32, #tpu.memory_space<vmem>> -> memref<128xi32, #tpu.memory_space<vmem>>
      %dma_wait3A_91 = arith.constant 0 : i32
      %dma_wait3A_92 = arith.constant 0 : i32
      %dma_wait3A_93 = tpu.memref_slice %arg2[%dma_wait3A_91, %dma_wait3A_92] : memref<20000x128xf32, #tpu.memory_space<hbm>> -> memref<20000x128xf32, #tpu.memory_space<hbm>>
      tpu.wait_indirect_dma semaphore(%arg13 : memref<!tpu.dma_semaphore, #tpu.memory_space<semaphore_mem>>) src(%dma_wait3A_93 : memref<20000x128xf32, #tpu.memory_space<hbm>>) dst(%arg11 : memref<128x128xf32, #tpu.memory_space<vmem>>)
      %dma_start3A_94 = arith.constant 2 : i32
      %dma_start3A_95 = arith.constant 0 : i32
      %dma_start3A_96 = tpu.memref_slice %arg9[%dma_start3A_94, %dma_start3A_95] : memref<8x128xi32, #tpu.memory_space<vmem>> -> memref<1x128xi32, #tpu.memory_space<vmem>>
      %dma_start3A_97 = tpu.memref_squeeze %dma_start3A_96 : memref<1x128xi32, #tpu.memory_space<vmem>> -> memref<128xi32, #tpu.memory_space<vmem>>
      %dma_start3A_98 = arith.constant 0 : i32
      %dma_start3A_99 = arith.constant 0 : i32
      %dma_start3A_100 = tpu.memref_slice %arg7[%dma_start3A_98, %dma_start3A_99] : memref<10112x128xf32, #tpu.memory_space<vmem_shared>> -> memref<10112x128xf32, #tpu.memory_space<vmem_shared>>
      tpu.enqueue_indirect_dma source(%arg10 : memref<128x128xf32, #tpu.memory_space<vmem>>) target(%dma_start3A_100 : memref<10112x128xf32, #tpu.memory_space<vmem_shared>>) offsets(%dma_start3A_97 : memref<128xi32, #tpu.memory_space<vmem>>) semaphore(%arg14 : memref<!tpu.dma_semaphore, #tpu.memory_space<semaphore_mem>>) {add = true}
      %dma_wait3A_101 = arith.constant 2 : i32
      %dma_wait3A_102 = arith.constant 0 : i32
      %dma_wait3A_103 = tpu.memref_slice %arg9[%dma_wait3A_101, %dma_wait3A_102] : memref<8x128xi32, #tpu.memory_space<vmem>> -> memref<1x128xi32, #tpu.memory_space<vmem>>
      %dma_wait3A_104 = tpu.memref_squeeze %dma_wait3A_103 : memref<1x128xi32, #tpu.memory_space<vmem>> -> memref<128xi32, #tpu.memory_space<vmem>>
      %dma_wait3A_105 = arith.constant 0 : i32
      %dma_wait3A_106 = arith.constant 0 : i32
      %dma_wait3A_107 = tpu.memref_slice %arg7[%dma_wait3A_105, %dma_wait3A_106] : memref<10112x128xf32, #tpu.memory_space<vmem_shared>> -> memref<10112x128xf32, #tpu.memory_space<vmem_shared>>
      tpu.wait_indirect_dma semaphore(%arg14 : memref<!tpu.dma_semaphore, #tpu.memory_space<semaphore_mem>>) src(%arg10 : memref<128x128xf32, #tpu.memory_space<vmem>>) dst(%dma_wait3A_107 : memref<10112x128xf32, #tpu.memory_space<vmem_shared>>)
      %dma_start3A_108 = arith.constant 3 : i32
      %dma_start3A_109 = arith.constant 0 : i32
      %dma_start3A_110 = tpu.memref_slice %arg9[%dma_start3A_108, %dma_start3A_109] : memref<8x128xi32, #tpu.memory_space<vmem>> -> memref<1x128xi32, #tpu.memory_space<vmem>>
      %dma_start3A_111 = tpu.memref_squeeze %dma_start3A_110 : memref<1x128xi32, #tpu.memory_space<vmem>> -> memref<128xi32, #tpu.memory_space<vmem>>
      %dma_start3A_112 = arith.constant 0 : i32
      %dma_start3A_113 = arith.constant 0 : i32
      %dma_start3A_114 = tpu.memref_slice %arg7[%dma_start3A_112, %dma_start3A_113] : memref<10112x128xf32, #tpu.memory_space<vmem_shared>> -> memref<10112x128xf32, #tpu.memory_space<vmem_shared>>
      tpu.enqueue_indirect_dma source(%arg11 : memref<128x128xf32, #tpu.memory_space<vmem>>) target(%dma_start3A_114 : memref<10112x128xf32, #tpu.memory_space<vmem_shared>>) offsets(%dma_start3A_111 : memref<128xi32, #tpu.memory_space<vmem>>) semaphore(%arg14 : memref<!tpu.dma_semaphore, #tpu.memory_space<semaphore_mem>>) {add = true}
      %dma_wait3A_115 = arith.constant 3 : i32
      %dma_wait3A_116 = arith.constant 0 : i32
      %dma_wait3A_117 = tpu.memref_slice %arg9[%dma_wait3A_115, %dma_wait3A_116] : memref<8x128xi32, #tpu.memory_space<vmem>> -> memref<1x128xi32, #tpu.memory_space<vmem>>
      %dma_wait3A_118 = tpu.memref_squeeze %dma_wait3A_117 : memref<1x128xi32, #tpu.memory_space<vmem>> -> memref<128xi32, #tpu.memory_space<vmem>>
      %dma_wait3A_119 = arith.constant 0 : i32
      %dma_wait3A_120 = arith.constant 0 : i32
      %dma_wait3A_121 = tpu.memref_slice %arg7[%dma_wait3A_119, %dma_wait3A_120] : memref<10112x128xf32, #tpu.memory_space<vmem_shared>> -> memref<10112x128xf32, #tpu.memory_space<vmem_shared>>
      tpu.wait_indirect_dma semaphore(%arg14 : memref<!tpu.dma_semaphore, #tpu.memory_space<semaphore_mem>>) src(%arg11 : memref<128x128xf32, #tpu.memory_space<vmem>>) dst(%dma_wait3A_121 : memref<10112x128xf32, #tpu.memory_space<vmem_shared>>)
      %dma_start3A_122 = arith.constant 4 : i32
      %dma_start3A_123 = arith.constant 0 : i32
      %dma_start3A_124 = tpu.memref_slice %arg8[%dma_start3A_122, %dma_start3A_123] : memref<8x128xi32, #tpu.memory_space<vmem>> -> memref<1x128xi32, #tpu.memory_space<vmem>>
      %dma_start3A_125 = tpu.memref_squeeze %dma_start3A_124 : memref<1x128xi32, #tpu.memory_space<vmem>> -> memref<128xi32, #tpu.memory_space<vmem>>
      %dma_start3A_126 = arith.constant 0 : i32
      %dma_start3A_127 = arith.constant 0 : i32
      %dma_start3A_128 = tpu.memref_slice %arg2[%dma_start3A_126, %dma_start3A_127] : memref<20000x128xf32, #tpu.memory_space<hbm>> -> memref<20000x128xf32, #tpu.memory_space<hbm>>
      tpu.enqueue_indirect_dma source(%dma_start3A_128 : memref<20000x128xf32, #tpu.memory_space<hbm>>) target(%arg10 : memref<128x128xf32, #tpu.memory_space<vmem>>) offsets(%dma_start3A_125 : memref<128xi32, #tpu.memory_space<vmem>>) semaphore(%arg12 : memref<!tpu.dma_semaphore, #tpu.memory_space<semaphore_mem>>)
      %dma_start3A_129 = arith.constant 5 : i32
      %dma_start3A_130 = arith.constant 0 : i32
      %dma_start3A_131 = tpu.memref_slice %arg8[%dma_start3A_129, %dma_start3A_130] : memref<8x128xi32, #tpu.memory_space<vmem>> -> memref<1x128xi32, #tpu.memory_space<vmem>>
      %dma_start3A_132 = tpu.memref_squeeze %dma_start3A_131 : memref<1x128xi32, #tpu.memory_space<vmem>> -> memref<128xi32, #tpu.memory_space<vmem>>
      %dma_start3A_133 = arith.constant 0 : i32
      %dma_start3A_134 = arith.constant 0 : i32
      %dma_start3A_135 = tpu.memref_slice %arg2[%dma_start3A_133, %dma_start3A_134] : memref<20000x128xf32, #tpu.memory_space<hbm>> -> memref<20000x128xf32, #tpu.memory_space<hbm>>
      tpu.enqueue_indirect_dma source(%dma_start3A_135 : memref<20000x128xf32, #tpu.memory_space<hbm>>) target(%arg11 : memref<128x128xf32, #tpu.memory_space<vmem>>) offsets(%dma_start3A_132 : memref<128xi32, #tpu.memory_space<vmem>>) semaphore(%arg13 : memref<!tpu.dma_semaphore, #tpu.memory_space<semaphore_mem>>)
      %dma_wait3A_136 = arith.constant 4 : i32
      %dma_wait3A_137 = arith.constant 0 : i32
      %dma_wait3A_138 = tpu.memref_slice %arg8[%dma_wait3A_136, %dma_wait3A_137] : memref<8x128xi32, #tpu.memory_space<vmem>> -> memref<1x128xi32, #tpu.memory_space<vmem>>
      %dma_wait3A_139 = tpu.memref_squeeze %dma_wait3A_138 : memref<1x128xi32, #tpu.memory_space<vmem>> -> memref<128xi32, #tpu.memory_space<vmem>>
      %dma_wait3A_140 = arith.constant 0 : i32
      %dma_wait3A_141 = arith.constant 0 : i32
      %dma_wait3A_142 = tpu.memref_slice %arg2[%dma_wait3A_140, %dma_wait3A_141] : memref<20000x128xf32, #tpu.memory_space<hbm>> -> memref<20000x128xf32, #tpu.memory_space<hbm>>
      tpu.wait_indirect_dma semaphore(%arg12 : memref<!tpu.dma_semaphore, #tpu.memory_space<semaphore_mem>>) src(%dma_wait3A_142 : memref<20000x128xf32, #tpu.memory_space<hbm>>) dst(%arg10 : memref<128x128xf32, #tpu.memory_space<vmem>>)
      %dma_wait3A_143 = arith.constant 5 : i32
      %dma_wait3A_144 = arith.constant 0 : i32
      %dma_wait3A_145 = tpu.memref_slice %arg8[%dma_wait3A_143, %dma_wait3A_144] : memref<8x128xi32, #tpu.memory_space<vmem>> -> memref<1x128xi32, #tpu.memory_space<vmem>>
      %dma_wait3A_146 = tpu.memref_squeeze %dma_wait3A_145 : memref<1x128xi32, #tpu.memory_space<vmem>> -> memref<128xi32, #tpu.memory_space<vmem>>
      %dma_wait3A_147 = arith.constant 0 : i32
      %dma_wait3A_148 = arith.constant 0 : i32
      %dma_wait3A_149 = tpu.memref_slice %arg2[%dma_wait3A_147, %dma_wait3A_148] : memref<20000x128xf32, #tpu.memory_space<hbm>> -> memref<20000x128xf32, #tpu.memory_space<hbm>>
      tpu.wait_indirect_dma semaphore(%arg13 : memref<!tpu.dma_semaphore, #tpu.memory_space<semaphore_mem>>) src(%dma_wait3A_149 : memref<20000x128xf32, #tpu.memory_space<hbm>>) dst(%arg11 : memref<128x128xf32, #tpu.memory_space<vmem>>)
      %dma_start3A_150 = arith.constant 4 : i32
      %dma_start3A_151 = arith.constant 0 : i32
      %dma_start3A_152 = tpu.memref_slice %arg9[%dma_start3A_150, %dma_start3A_151] : memref<8x128xi32, #tpu.memory_space<vmem>> -> memref<1x128xi32, #tpu.memory_space<vmem>>
      %dma_start3A_153 = tpu.memref_squeeze %dma_start3A_152 : memref<1x128xi32, #tpu.memory_space<vmem>> -> memref<128xi32, #tpu.memory_space<vmem>>
      %dma_start3A_154 = arith.constant 0 : i32
      %dma_start3A_155 = arith.constant 0 : i32
      %dma_start3A_156 = tpu.memref_slice %arg7[%dma_start3A_154, %dma_start3A_155] : memref<10112x128xf32, #tpu.memory_space<vmem_shared>> -> memref<10112x128xf32, #tpu.memory_space<vmem_shared>>
      tpu.enqueue_indirect_dma source(%arg10 : memref<128x128xf32, #tpu.memory_space<vmem>>) target(%dma_start3A_156 : memref<10112x128xf32, #tpu.memory_space<vmem_shared>>) offsets(%dma_start3A_153 : memref<128xi32, #tpu.memory_space<vmem>>) semaphore(%arg14 : memref<!tpu.dma_semaphore, #tpu.memory_space<semaphore_mem>>) {add = true}
      %dma_wait3A_157 = arith.constant 4 : i32
      %dma_wait3A_158 = arith.constant 0 : i32
      %dma_wait3A_159 = tpu.memref_slice %arg9[%dma_wait3A_157, %dma_wait3A_158] : memref<8x128xi32, #tpu.memory_space<vmem>> -> memref<1x128xi32, #tpu.memory_space<vmem>>
      %dma_wait3A_160 = tpu.memref_squeeze %dma_wait3A_159 : memref<1x128xi32, #tpu.memory_space<vmem>> -> memref<128xi32, #tpu.memory_space<vmem>>
      %dma_wait3A_161 = arith.constant 0 : i32
      %dma_wait3A_162 = arith.constant 0 : i32
      %dma_wait3A_163 = tpu.memref_slice %arg7[%dma_wait3A_161, %dma_wait3A_162] : memref<10112x128xf32, #tpu.memory_space<vmem_shared>> -> memref<10112x128xf32, #tpu.memory_space<vmem_shared>>
      tpu.wait_indirect_dma semaphore(%arg14 : memref<!tpu.dma_semaphore, #tpu.memory_space<semaphore_mem>>) src(%arg10 : memref<128x128xf32, #tpu.memory_space<vmem>>) dst(%dma_wait3A_163 : memref<10112x128xf32, #tpu.memory_space<vmem_shared>>)
      %dma_start3A_164 = arith.constant 5 : i32
      %dma_start3A_165 = arith.constant 0 : i32
      %dma_start3A_166 = tpu.memref_slice %arg9[%dma_start3A_164, %dma_start3A_165] : memref<8x128xi32, #tpu.memory_space<vmem>> -> memref<1x128xi32, #tpu.memory_space<vmem>>
      %dma_start3A_167 = tpu.memref_squeeze %dma_start3A_166 : memref<1x128xi32, #tpu.memory_space<vmem>> -> memref<128xi32, #tpu.memory_space<vmem>>
      %dma_start3A_168 = arith.constant 0 : i32
      %dma_start3A_169 = arith.constant 0 : i32
      %dma_start3A_170 = tpu.memref_slice %arg7[%dma_start3A_168, %dma_start3A_169] : memref<10112x128xf32, #tpu.memory_space<vmem_shared>> -> memref<10112x128xf32, #tpu.memory_space<vmem_shared>>
      tpu.enqueue_indirect_dma source(%arg11 : memref<128x128xf32, #tpu.memory_space<vmem>>) target(%dma_start3A_170 : memref<10112x128xf32, #tpu.memory_space<vmem_shared>>) offsets(%dma_start3A_167 : memref<128xi32, #tpu.memory_space<vmem>>) semaphore(%arg14 : memref<!tpu.dma_semaphore, #tpu.memory_space<semaphore_mem>>) {add = true}
      %dma_wait3A_171 = arith.constant 5 : i32
      %dma_wait3A_172 = arith.constant 0 : i32
      %dma_wait3A_173 = tpu.memref_slice %arg9[%dma_wait3A_171, %dma_wait3A_172] : memref<8x128xi32, #tpu.memory_space<vmem>> -> memref<1x128xi32, #tpu.memory_space<vmem>>
      %dma_wait3A_174 = tpu.memref_squeeze %dma_wait3A_173 : memref<1x128xi32, #tpu.memory_space<vmem>> -> memref<128xi32, #tpu.memory_space<vmem>>
      %dma_wait3A_175 = arith.constant 0 : i32
      %dma_wait3A_176 = arith.constant 0 : i32
      %dma_wait3A_177 = tpu.memref_slice %arg7[%dma_wait3A_175, %dma_wait3A_176] : memref<10112x128xf32, #tpu.memory_space<vmem_shared>> -> memref<10112x128xf32, #tpu.memory_space<vmem_shared>>
      tpu.wait_indirect_dma semaphore(%arg14 : memref<!tpu.dma_semaphore, #tpu.memory_space<semaphore_mem>>) src(%arg11 : memref<128x128xf32, #tpu.memory_space<vmem>>) dst(%dma_wait3A_177 : memref<10112x128xf32, #tpu.memory_space<vmem_shared>>)
      %dma_start3A_178 = arith.constant 6 : i32
      %dma_start3A_179 = arith.constant 0 : i32
      %dma_start3A_180 = tpu.memref_slice %arg8[%dma_start3A_178, %dma_start3A_179] : memref<8x128xi32, #tpu.memory_space<vmem>> -> memref<1x128xi32, #tpu.memory_space<vmem>>
      %dma_start3A_181 = tpu.memref_squeeze %dma_start3A_180 : memref<1x128xi32, #tpu.memory_space<vmem>> -> memref<128xi32, #tpu.memory_space<vmem>>
      %dma_start3A_182 = arith.constant 0 : i32
      %dma_start3A_183 = arith.constant 0 : i32
      %dma_start3A_184 = tpu.memref_slice %arg2[%dma_start3A_182, %dma_start3A_183] : memref<20000x128xf32, #tpu.memory_space<hbm>> -> memref<20000x128xf32, #tpu.memory_space<hbm>>
      tpu.enqueue_indirect_dma source(%dma_start3A_184 : memref<20000x128xf32, #tpu.memory_space<hbm>>) target(%arg10 : memref<128x128xf32, #tpu.memory_space<vmem>>) offsets(%dma_start3A_181 : memref<128xi32, #tpu.memory_space<vmem>>) semaphore(%arg12 : memref<!tpu.dma_semaphore, #tpu.memory_space<semaphore_mem>>)
      %dma_start3A_185 = arith.constant 7 : i32
      %dma_start3A_186 = arith.constant 0 : i32
      %dma_start3A_187 = tpu.memref_slice %arg8[%dma_start3A_185, %dma_start3A_186] : memref<8x128xi32, #tpu.memory_space<vmem>> -> memref<1x128xi32, #tpu.memory_space<vmem>>
      %dma_start3A_188 = tpu.memref_squeeze %dma_start3A_187 : memref<1x128xi32, #tpu.memory_space<vmem>> -> memref<128xi32, #tpu.memory_space<vmem>>
      %dma_start3A_189 = arith.constant 0 : i32
      %dma_start3A_190 = arith.constant 0 : i32
      %dma_start3A_191 = tpu.memref_slice %arg2[%dma_start3A_189, %dma_start3A_190] : memref<20000x128xf32, #tpu.memory_space<hbm>> -> memref<20000x128xf32, #tpu.memory_space<hbm>>
      tpu.enqueue_indirect_dma source(%dma_start3A_191 : memref<20000x128xf32, #tpu.memory_space<hbm>>) target(%arg11 : memref<128x128xf32, #tpu.memory_space<vmem>>) offsets(%dma_start3A_188 : memref<128xi32, #tpu.memory_space<vmem>>) semaphore(%arg13 : memref<!tpu.dma_semaphore, #tpu.memory_space<semaphore_mem>>)
      %dma_wait3A_192 = arith.constant 6 : i32
      %dma_wait3A_193 = arith.constant 0 : i32
      %dma_wait3A_194 = tpu.memref_slice %arg8[%dma_wait3A_192, %dma_wait3A_193] : memref<8x128xi32, #tpu.memory_space<vmem>> -> memref<1x128xi32, #tpu.memory_space<vmem>>
      %dma_wait3A_195 = tpu.memref_squeeze %dma_wait3A_194 : memref<1x128xi32, #tpu.memory_space<vmem>> -> memref<128xi32, #tpu.memory_space<vmem>>
      %dma_wait3A_196 = arith.constant 0 : i32
      %dma_wait3A_197 = arith.constant 0 : i32
      %dma_wait3A_198 = tpu.memref_slice %arg2[%dma_wait3A_196, %dma_wait3A_197] : memref<20000x128xf32, #tpu.memory_space<hbm>> -> memref<20000x128xf32, #tpu.memory_space<hbm>>
      tpu.wait_indirect_dma semaphore(%arg12 : memref<!tpu.dma_semaphore, #tpu.memory_space<semaphore_mem>>) src(%dma_wait3A_198 : memref<20000x128xf32, #tpu.memory_space<hbm>>) dst(%arg10 : memref<128x128xf32, #tpu.memory_space<vmem>>)
      %dma_wait3A_199 = arith.constant 7 : i32
      %dma_wait3A_200 = arith.constant 0 : i32
      %dma_wait3A_201 = tpu.memref_slice %arg8[%dma_wait3A_199, %dma_wait3A_200] : memref<8x128xi32, #tpu.memory_space<vmem>> -> memref<1x128xi32, #tpu.memory_space<vmem>>
      %dma_wait3A_202 = tpu.memref_squeeze %dma_wait3A_201 : memref<1x128xi32, #tpu.memory_space<vmem>> -> memref<128xi32, #tpu.memory_space<vmem>>
      %dma_wait3A_203 = arith.constant 0 : i32
      %dma_wait3A_204 = arith.constant 0 : i32
      %dma_wait3A_205 = tpu.memref_slice %arg2[%dma_wait3A_203, %dma_wait3A_204] : memref<20000x128xf32, #tpu.memory_space<hbm>> -> memref<20000x128xf32, #tpu.memory_space<hbm>>
      tpu.wait_indirect_dma semaphore(%arg13 : memref<!tpu.dma_semaphore, #tpu.memory_space<semaphore_mem>>) src(%dma_wait3A_205 : memref<20000x128xf32, #tpu.memory_space<hbm>>) dst(%arg11 : memref<128x128xf32, #tpu.memory_space<vmem>>)
      %dma_start3A_206 = arith.constant 6 : i32
      %dma_start3A_207 = arith.constant 0 : i32
      %dma_start3A_208 = tpu.memref_slice %arg9[%dma_start3A_206, %dma_start3A_207] : memref<8x128xi32, #tpu.memory_space<vmem>> -> memref<1x128xi32, #tpu.memory_space<vmem>>
      %dma_start3A_209 = tpu.memref_squeeze %dma_start3A_208 : memref<1x128xi32, #tpu.memory_space<vmem>> -> memref<128xi32, #tpu.memory_space<vmem>>
      %dma_start3A_210 = arith.constant 0 : i32
      %dma_start3A_211 = arith.constant 0 : i32
      %dma_start3A_212 = tpu.memref_slice %arg7[%dma_start3A_210, %dma_start3A_211] : memref<10112x128xf32, #tpu.memory_space<vmem_shared>> -> memref<10112x128xf32, #tpu.memory_space<vmem_shared>>
      tpu.enqueue_indirect_dma source(%arg10 : memref<128x128xf32, #tpu.memory_space<vmem>>) target(%dma_start3A_212 : memref<10112x128xf32, #tpu.memory_space<vmem_shared>>) offsets(%dma_start3A_209 : memref<128xi32, #tpu.memory_space<vmem>>) semaphore(%arg14 : memref<!tpu.dma_semaphore, #tpu.memory_space<semaphore_mem>>) {add = true}
      %dma_wait3A_213 = arith.constant 6 : i32
      %dma_wait3A_214 = arith.constant 0 : i32
      %dma_wait3A_215 = tpu.memref_slice %arg9[%dma_wait3A_213, %dma_wait3A_214] : memref<8x128xi32, #tpu.memory_space<vmem>> -> memref<1x128xi32, #tpu.memory_space<vmem>>
      %dma_wait3A_216 = tpu.memref_squeeze %dma_wait3A_215 : memref<1x128xi32, #tpu.memory_space<vmem>> -> memref<128xi32, #tpu.memory_space<vmem>>
      %dma_wait3A_217 = arith.constant 0 : i32
      %dma_wait3A_218 = arith.constant 0 : i32
      %dma_wait3A_219 = tpu.memref_slice %arg7[%dma_wait3A_217, %dma_wait3A_218] : memref<10112x128xf32, #tpu.memory_space<vmem_shared>> -> memref<10112x128xf32, #tpu.memory_space<vmem_shared>>
      tpu.wait_indirect_dma semaphore(%arg14 : memref<!tpu.dma_semaphore, #tpu.memory_space<semaphore_mem>>) src(%arg10 : memref<128x128xf32, #tpu.memory_space<vmem>>) dst(%dma_wait3A_219 : memref<10112x128xf32, #tpu.memory_space<vmem_shared>>)
      %dma_start3A_220 = arith.constant 7 : i32
      %dma_start3A_221 = arith.constant 0 : i32
      %dma_start3A_222 = tpu.memref_slice %arg9[%dma_start3A_220, %dma_start3A_221] : memref<8x128xi32, #tpu.memory_space<vmem>> -> memref<1x128xi32, #tpu.memory_space<vmem>>
      %dma_start3A_223 = tpu.memref_squeeze %dma_start3A_222 : memref<1x128xi32, #tpu.memory_space<vmem>> -> memref<128xi32, #tpu.memory_space<vmem>>
      %dma_start3A_224 = arith.constant 0 : i32
      %dma_start3A_225 = arith.constant 0 : i32
      %dma_start3A_226 = tpu.memref_slice %arg7[%dma_start3A_224, %dma_start3A_225] : memref<10112x128xf32, #tpu.memory_space<vmem_shared>> -> memref<10112x128xf32, #tpu.memory_space<vmem_shared>>
      tpu.enqueue_indirect_dma source(%arg11 : memref<128x128xf32, #tpu.memory_space<vmem>>) target(%dma_start3A_226 : memref<10112x128xf32, #tpu.memory_space<vmem_shared>>) offsets(%dma_start3A_223 : memref<128xi32, #tpu.memory_space<vmem>>) semaphore(%arg14 : memref<!tpu.dma_semaphore, #tpu.memory_space<semaphore_mem>>) {add = true}
      %dma_wait3A_227 = arith.constant 7 : i32
      %dma_wait3A_228 = arith.constant 0 : i32
      %dma_wait3A_229 = tpu.memref_slice %arg9[%dma_wait3A_227, %dma_wait3A_228] : memref<8x128xi32, #tpu.memory_space<vmem>> -> memref<1x128xi32, #tpu.memory_space<vmem>>
      %dma_wait3A_230 = tpu.memref_squeeze %dma_wait3A_229 : memref<1x128xi32, #tpu.memory_space<vmem>> -> memref<128xi32, #tpu.memory_space<vmem>>
      %dma_wait3A_231 = arith.constant 0 : i32
      %dma_wait3A_232 = arith.constant 0 : i32
      %dma_wait3A_233 = tpu.memref_slice %arg7[%dma_wait3A_231, %dma_wait3A_232] : memref<10112x128xf32, #tpu.memory_space<vmem_shared>> -> memref<10112x128xf32, #tpu.memory_space<vmem_shared>>
      tpu.wait_indirect_dma semaphore(%arg14 : memref<!tpu.dma_semaphore, #tpu.memory_space<semaphore_mem>>) src(%arg11 : memref<128x128xf32, #tpu.memory_space<vmem>>) dst(%dma_wait3A_233 : memref<10112x128xf32, #tpu.memory_space<vmem_shared>>)
    }
    %scan3A_5 = arith.constant 20 : i32
    %barrier3A_6 = arith.constant 0 : index
    tpu.barrier barrier_id(%barrier3A_6)
    %mul3A_7 = arith.constant 632 : i32
    %mul3A_8 = arith.muli %arg1, %mul3A_7 : i32
    %mul3A_9 = arith.constant 640 : i32
    %mul3A_10 = arith.muli %arg1, %mul3A_9 : i32
    "tpu.region"() ({
      %run_scoped3A = tpu.sem_alloc : memref<!tpu.dma_semaphore, #tpu.memory_space<semaphore_mem>>
      %dma_start3A = arith.constant 0 : i32
      %dma_start3A_11 = tpu.memref_slice %arg6[%arg0, %mul3A_10, %dma_start3A] : memref<2x10240x128xf32, #tpu.memory_space<hbm>> -> memref<1x632x128xf32, #tpu.memory_space<hbm>>
      %dma_start3A_12 = tpu.memref_squeeze %dma_start3A_11 : memref<1x632x128xf32, #tpu.memory_space<hbm>> -> memref<632x128xf32, #tpu.memory_space<hbm>>
      %dma_start3A_13 = arith.constant 0 : i32
      %dma_start3A_14 = tpu.memref_slice %arg7[%mul3A_8, %dma_start3A_13] : memref<10112x128xf32, #tpu.memory_space<vmem_shared>> -> memref<632x128xf32, #tpu.memory_space<vmem_shared>>
      tpu.enqueue_dma source(%dma_start3A_14 : memref<632x128xf32, #tpu.memory_space<vmem_shared>>) target(%dma_start3A_12 : memref<632x128xf32, #tpu.memory_space<hbm>>) target_semaphore(%run_scoped3A : memref<!tpu.dma_semaphore, #tpu.memory_space<semaphore_mem>>)
      %dma_wait3A = arith.constant 0 : i32
      %dma_wait3A_15 = tpu.memref_slice %arg6[%arg0, %mul3A_10, %dma_wait3A] : memref<2x10240x128xf32, #tpu.memory_space<hbm>> -> memref<1x632x128xf32, #tpu.memory_space<hbm>>
      %dma_wait3A_16 = tpu.memref_squeeze %dma_wait3A_15 : memref<1x632x128xf32, #tpu.memory_space<hbm>> -> memref<632x128xf32, #tpu.memory_space<hbm>>
      %dma_wait3A_17 = arith.constant 0 : i32
      %dma_wait3A_18 = tpu.memref_slice %arg7[%mul3A_8, %dma_wait3A_17] : memref<10112x128xf32, #tpu.memory_space<vmem_shared>> -> memref<632x128xf32, #tpu.memory_space<vmem_shared>>
      tpu.wait_dma2 semaphore(%run_scoped3A : memref<!tpu.dma_semaphore, #tpu.memory_space<semaphore_mem>>) src(%dma_wait3A_18 : memref<632x128xf32, #tpu.memory_space<vmem_shared>>) dst(%dma_wait3A_16 : memref<632x128xf32, #tpu.memory_space<hbm>>)
      tpu.yield
    }) : () -> ()
    return
  }
}

#map = affine_map<(d0, d1) -> (0, 0)>
#map1 = affine_map<(d0, d1) -> (0, 0, 0, 0, 0)>
#map2 = affine_map<(d0, d1) -> (0, 0, 0)>
module attributes {stable_mosaic.version = 14 : i64} {
  func.func @spmm(%arg0: i32, %arg1: i32, %arg2: memref<20000x128xf32, #tpu.memory_space<hbm>>, %arg3: memref<2x16x20x8x128xi32, #tpu.memory_space<hbm>>, %arg4: memref<2x16x20x8x128xi32, #tpu.memory_space<hbm>>, %arg5: memref<632x128xf32, #tpu.memory_space<hbm>>, %arg6: memref<2x10240x128xf32, #tpu.memory_space<hbm>>, %arg7: memref<10112x128xf32, #tpu.memory_space<vmem_shared>>, %arg8: memref<8x128xi32, #tpu.memory_space<vmem>>, %arg9: memref<8x128xi32, #tpu.memory_space<vmem>>, %arg10: memref<128x128xf32, #tpu.memory_space<vmem>>, %arg11: memref<128x128xf32, #tpu.memory_space<vmem>>, %arg12: memref<!tpu.dma_semaphore, #tpu.memory_space<semaphore_mem>>, %arg13: memref<!tpu.dma_semaphore, #tpu.memory_space<semaphore_mem>>, %arg14: memref<!tpu.dma_semaphore, #tpu.memory_space<semaphore_mem>>, %arg15: memref<!tpu.dma_semaphore, #tpu.memory_space<semaphore_mem>>) attributes {dimension_semantics = [#tpu.dimension_semantics<core_parallel>, #tpu.dimension_semantics<subcore_parallel>], iteration_bounds = array<i64: 2, 16>, scalar_prefetch = 0 : i64, scratch_operands = 9 : i64, tpu.core_type = #tpu.core_type<sc_vector_subcore>, window_params = [{transform_indices = #map}, {transform_indices = #map1}, {transform_indices = #map1}, {transform_indices = #map}, {transform_indices = #map2}]} {
    %mul3A = arith.constant 632 : i32
    %mul3A_0 = arith.muli %arg1, %mul3A : i32
    "tpu.region"() ({
      %run_scoped3A = tpu.sem_alloc : memref<!tpu.dma_semaphore, #tpu.memory_space<semaphore_mem>>
      %dma_start3A = arith.constant 0 : i32
      %dma_start3A_11 = tpu.memref_slice %arg7[%mul3A_0, %dma_start3A] : memref<10112x128xf32, #tpu.memory_space<vmem_shared>> -> memref<632x128xf32, #tpu.memory_space<vmem_shared>>
      tpu.enqueue_dma source(%arg5 : memref<632x128xf32, #tpu.memory_space<hbm>>) target(%dma_start3A_11 : memref<632x128xf32, #tpu.memory_space<vmem_shared>>) target_semaphore(%run_scoped3A : memref<!tpu.dma_semaphore, #tpu.memory_space<semaphore_mem>>)
      %dma_wait3A = arith.constant 0 : i32
      %dma_wait3A_12 = tpu.memref_slice %arg7[%mul3A_0, %dma_wait3A] : memref<10112x128xf32, #tpu.memory_space<vmem_shared>> -> memref<632x128xf32, #tpu.memory_space<vmem_shared>>
      tpu.wait_dma2 semaphore(%run_scoped3A : memref<!tpu.dma_semaphore, #tpu.memory_space<semaphore_mem>>) src(%arg5 : memref<632x128xf32, #tpu.memory_space<hbm>>) dst(%dma_wait3A_12 : memref<632x128xf32, #tpu.memory_space<vmem_shared>>)
      tpu.yield
    }) : () -> ()
    %barrier3A = arith.constant 0 : index
    tpu.barrier barrier_id(%barrier3A)
    %scan3A = arith.constant 0 : i32
    %scan3A_1 = arith.constant 0 : i32
    %scan3A_2 = arith.constant 20 : i32
    %scan3A_3 = arith.addi %scan3A_1, %scan3A_2 : i32
    %scan3A_4 = arith.constant 1 : i32
    scf.for %scan3A_11 = %scan3A_1 to %scan3A_3 step %scan3A_4  : i32 {
      "tpu.region"() ({
        %run_scoped3A = tpu.sem_alloc : memref<!tpu.dma_semaphore, #tpu.memory_space<semaphore_mem>>
        %dma_start3A_234 = arith.constant 0 : i32
        %dma_start3A_235 = arith.constant 0 : i32
        %dma_start3A_236 = tpu.memref_slice %arg3[%arg0, %arg1, %scan3A_11, %dma_start3A_234, %dma_start3A_235] : memref<2x16x20x8x128xi32, #tpu.memory_space<hbm>> -> memref<1x1x1x8x128xi32, #tpu.memory_space<hbm>>
        %dma_start3A_237 = tpu.memref_squeeze %dma_start3A_236 : memref<1x1x1x8x128xi32, #tpu.memory_space<hbm>> -> memref<8x128xi32, #tpu.memory_space<hbm>>
        %dma_start3A_238 = arith.constant 0 : i32
        %dma_start3A_239 = arith.constant 0 : i32
        %dma_start3A_240 = tpu.memref_slice %arg3[%arg0, %arg1, %scan3A_11, %dma_start3A_238, %dma_start3A_239] : memref<2x16x20x8x128xi32, #tpu.memory_space<hbm>> -> memref<1x1x1x8x128xi32, #tpu.memory_space<hbm>>
        %dma_start3A_241 = tpu.memref_squeeze %dma_start3A_240 : memref<1x1x1x8x128xi32, #tpu.memory_space<hbm>> -> memref<8x128xi32, #tpu.memory_space<hbm>>
        tpu.enqueue_dma source(%dma_start3A_241 : memref<8x128xi32, #tpu.memory_space<hbm>>) target(%arg8 : memref<8x128xi32, #tpu.memory_space<vmem>>) target_semaphore(%run_scoped3A : memref<!tpu.dma_semaphore, #tpu.memory_space<semaphore_mem>>)
        %dma_wait3A_242 = arith.constant 0 : i32
        %dma_wait3A_243 = arith.constant 0 : i32
        %dma_wait3A_244 = tpu.memref_slice %arg3[%arg0, %arg1, %scan3A_11, %dma_wait3A_242, %dma_wait3A_243] : memref<2x16x20x8x128xi32, #tpu.memory_space<hbm>> -> memref<1x1x1x8x128xi32, #tpu.memory_space<hbm>>
        %dma_wait3A_245 = tpu.memref_squeeze %dma_wait3A_244 : memref<1x1x1x8x128xi32, #tpu.memory_space<hbm>> -> memref<8x128xi32, #tpu.memory_space<hbm>>
        %dma_wait3A_246 = arith.constant 0 : i32
        %dma_wait3A_247 = arith.constant 0 : i32
        %dma_wait3A_248 = tpu.memref_slice %arg3[%arg0, %arg1, %scan3A_11, %dma_wait3A_246, %dma_wait3A_247] : memref<2x16x20x8x128xi32, #tpu.memory_space<hbm>> -> memref<1x1x1x8x128xi32, #tpu.memory_space<hbm>>
        %dma_wait3A_249 = tpu.memref_squeeze %dma_wait3A_248 : memref<1x1x1x8x128xi32, #tpu.memory_space<hbm>> -> memref<8x128xi32, #tpu.memory_space<hbm>>
        tpu.wait_dma2 semaphore(%run_scoped3A : memref<!tpu.dma_semaphore, #tpu.memory_space<semaphore_mem>>) src(%dma_wait3A_249 : memref<8x128xi32, #tpu.memory_space<hbm>>) dst(%arg8 : memref<8x128xi32, #tpu.memory_space<vmem>>)
        tpu.yield
      }) : () -> ()
      "tpu.region"() ({
        %run_scoped3A = tpu.sem_alloc : memref<!tpu.dma_semaphore, #tpu.memory_space<semaphore_mem>>
        %dma_start3A_234 = arith.constant 0 : i32
        %dma_start3A_235 = arith.constant 0 : i32
        %dma_start3A_236 = tpu.memref_slice %arg4[%arg0, %arg1, %scan3A_11, %dma_start3A_234, %dma_start3A_235] : memref<2x16x20x8x128xi32, #tpu.memory_space<hbm>> -> memref<1x1x1x8x128xi32, #tpu.memory_space<hbm>>
        %dma_start3A_237 = tpu.memref_squeeze %dma_start3A_236 : memref<1x1x1x8x128xi32, #tpu.memory_space<hbm>> -> memref<8x128xi32, #tpu.memory_space<hbm>>
        %dma_start3A_238 = arith.constant 0 : i32
        %dma_start3A_239 = arith.constant 0 : i32
        %dma_start3A_240 = tpu.memref_slice %arg4[%arg0, %arg1, %scan3A_11, %dma_start3A_238, %dma_start3A_239] : memref<2x16x20x8x128xi32, #tpu.memory_space<hbm>> -> memref<1x1x1x8x128xi32, #tpu.memory_space<hbm>>
        %dma_start3A_241 = tpu.memref_squeeze %dma_start3A_240 : memref<1x1x1x8x128xi32, #tpu.memory_space<hbm>> -> memref<8x128xi32, #tpu.memory_space<hbm>>
        tpu.enqueue_dma source(%dma_start3A_241 : memref<8x128xi32, #tpu.memory_space<hbm>>) target(%arg9 : memref<8x128xi32, #tpu.memory_space<vmem>>) target_semaphore(%run_scoped3A : memref<!tpu.dma_semaphore, #tpu.memory_space<semaphore_mem>>)
        %dma_wait3A_242 = arith.constant 0 : i32
        %dma_wait3A_243 = arith.constant 0 : i32
        %dma_wait3A_244 = tpu.memref_slice %arg4[%arg0, %arg1, %scan3A_11, %dma_wait3A_242, %dma_wait3A_243] : memref<2x16x20x8x128xi32, #tpu.memory_space<hbm>> -> memref<1x1x1x8x128xi32, #tpu.memory_space<hbm>>
        %dma_wait3A_245 = tpu.memref_squeeze %dma_wait3A_244 : memref<1x1x1x8x128xi32, #tpu.memory_space<hbm>> -> memref<8x128xi32, #tpu.memory_space<hbm>>
        %dma_wait3A_246 = arith.constant 0 : i32
        %dma_wait3A_247 = arith.constant 0 : i32
        %dma_wait3A_248 = tpu.memref_slice %arg4[%arg0, %arg1, %scan3A_11, %dma_wait3A_246, %dma_wait3A_247] : memref<2x16x20x8x128xi32, #tpu.memory_space<hbm>> -> memref<1x1x1x8x128xi32, #tpu.memory_space<hbm>>
        %dma_wait3A_249 = tpu.memref_squeeze %dma_wait3A_248 : memref<1x1x1x8x128xi32, #tpu.memory_space<hbm>> -> memref<8x128xi32, #tpu.memory_space<hbm>>
        tpu.wait_dma2 semaphore(%run_scoped3A : memref<!tpu.dma_semaphore, #tpu.memory_space<semaphore_mem>>) src(%dma_wait3A_249 : memref<8x128xi32, #tpu.memory_space<hbm>>) dst(%arg9 : memref<8x128xi32, #tpu.memory_space<vmem>>)
        tpu.yield
      }) : () -> ()
      %dma_start3A = arith.constant 0 : i32
      %dma_start3A_12 = arith.constant 0 : i32
      %dma_start3A_13 = tpu.memref_slice %arg8[%dma_start3A, %dma_start3A_12] : memref<8x128xi32, #tpu.memory_space<vmem>> -> memref<1x128xi32, #tpu.memory_space<vmem>>
      %dma_start3A_14 = tpu.memref_squeeze %dma_start3A_13 : memref<1x128xi32, #tpu.memory_space<vmem>> -> memref<128xi32, #tpu.memory_space<vmem>>
      %dma_start3A_15 = arith.constant 0 : i32
      %dma_start3A_16 = arith.constant 0 : i32
      %dma_start3A_17 = tpu.memref_slice %arg2[%dma_start3A_15, %dma_start3A_16] : memref<20000x128xf32, #tpu.memory_space<hbm>> -> memref<20000x128xf32, #tpu.memory_space<hbm>>
      tpu.enqueue_indirect_dma source(%dma_start3A_17 : memref<20000x128xf32, #tpu.memory_space<hbm>>) target(%arg10 : memref<128x128xf32, #tpu.memory_space<vmem>>) offsets(%dma_start3A_14 : memref<128xi32, #tpu.memory_space<vmem>>) semaphore(%arg12 : memref<!tpu.dma_semaphore, #tpu.memory_space<semaphore_mem>>)
      %dma_start3A_18 = arith.constant 1 : i32
      %dma_start3A_19 = arith.constant 0 : i32
      %dma_start3A_20 = tpu.memref_slice %arg8[%dma_start3A_18, %dma_start3A_19] : memref<8x128xi32, #tpu.memory_space<vmem>> -> memref<1x128xi32, #tpu.memory_space<vmem>>
      %dma_start3A_21 = tpu.memref_squeeze %dma_start3A_20 : memref<1x128xi32, #tpu.memory_space<vmem>> -> memref<128xi32, #tpu.memory_space<vmem>>
      %dma_start3A_22 = arith.constant 0 : i32
      %dma_start3A_23 = arith.constant 0 : i32
      %dma_start3A_24 = tpu.memref_slice %arg2[%dma_start3A_22, %dma_start3A_23] : memref<20000x128xf32, #tpu.memory_space<hbm>> -> memref<20000x128xf32, #tpu.memory_space<hbm>>
      tpu.enqueue_indirect_dma source(%dma_start3A_24 : memref<20000x128xf32, #tpu.memory_space<hbm>>) target(%arg11 : memref<128x128xf32, #tpu.memory_space<vmem>>) offsets(%dma_start3A_21 : memref<128xi32, #tpu.memory_space<vmem>>) semaphore(%arg13 : memref<!tpu.dma_semaphore, #tpu.memory_space<semaphore_mem>>)
      %dma_wait3A = arith.constant 0 : i32
      %dma_wait3A_25 = arith.constant 0 : i32
      %dma_wait3A_26 = tpu.memref_slice %arg8[%dma_wait3A, %dma_wait3A_25] : memref<8x128xi32, #tpu.memory_space<vmem>> -> memref<1x128xi32, #tpu.memory_space<vmem>>
      %dma_wait3A_27 = tpu.memref_squeeze %dma_wait3A_26 : memref<1x128xi32, #tpu.memory_space<vmem>> -> memref<128xi32, #tpu.memory_space<vmem>>
      %dma_wait3A_28 = arith.constant 0 : i32
      %dma_wait3A_29 = arith.constant 0 : i32
      %dma_wait3A_30 = tpu.memref_slice %arg2[%dma_wait3A_28, %dma_wait3A_29] : memref<20000x128xf32, #tpu.memory_space<hbm>> -> memref<20000x128xf32, #tpu.memory_space<hbm>>
      tpu.wait_indirect_dma semaphore(%arg12 : memref<!tpu.dma_semaphore, #tpu.memory_space<semaphore_mem>>) src(%dma_wait3A_30 : memref<20000x128xf32, #tpu.memory_space<hbm>>) dst(%arg10 : memref<128x128xf32, #tpu.memory_space<vmem>>)
      %dma_wait3A_31 = arith.constant 1 : i32
      %dma_wait3A_32 = arith.constant 0 : i32
      %dma_wait3A_33 = tpu.memref_slice %arg8[%dma_wait3A_31, %dma_wait3A_32] : memref<8x128xi32, #tpu.memory_space<vmem>> -> memref<1x128xi32, #tpu.memory_space<vmem>>
      %dma_wait3A_34 = tpu.memref_squeeze %dma_wait3A_33 : memref<1x128xi32, #tpu.memory_space<vmem>> -> memref<128xi32, #tpu.memory_space<vmem>>
      %dma_wait3A_35 = arith.constant 0 : i32
      %dma_wait3A_36 = arith.constant 0 : i32
      %dma_wait3A_37 = tpu.memref_slice %arg2[%dma_wait3A_35, %dma_wait3A_36] : memref<20000x128xf32, #tpu.memory_space<hbm>> -> memref<20000x128xf32, #tpu.memory_space<hbm>>
      tpu.wait_indirect_dma semaphore(%arg13 : memref<!tpu.dma_semaphore, #tpu.memory_space<semaphore_mem>>) src(%dma_wait3A_37 : memref<20000x128xf32, #tpu.memory_space<hbm>>) dst(%arg11 : memref<128x128xf32, #tpu.memory_space<vmem>>)
      %dma_start3A_38 = arith.constant 0 : i32
      %dma_start3A_39 = arith.constant 0 : i32
      %dma_start3A_40 = tpu.memref_slice %arg9[%dma_start3A_38, %dma_start3A_39] : memref<8x128xi32, #tpu.memory_space<vmem>> -> memref<1x128xi32, #tpu.memory_space<vmem>>
      %dma_start3A_41 = tpu.memref_squeeze %dma_start3A_40 : memref<1x128xi32, #tpu.memory_space<vmem>> -> memref<128xi32, #tpu.memory_space<vmem>>
      %dma_start3A_42 = arith.constant 0 : i32
      %dma_start3A_43 = arith.constant 0 : i32
      %dma_start3A_44 = tpu.memref_slice %arg7[%dma_start3A_42, %dma_start3A_43] : memref<10112x128xf32, #tpu.memory_space<vmem_shared>> -> memref<10112x128xf32, #tpu.memory_space<vmem_shared>>
      tpu.enqueue_indirect_dma source(%arg10 : memref<128x128xf32, #tpu.memory_space<vmem>>) target(%dma_start3A_44 : memref<10112x128xf32, #tpu.memory_space<vmem_shared>>) offsets(%dma_start3A_41 : memref<128xi32, #tpu.memory_space<vmem>>) semaphore(%arg14 : memref<!tpu.dma_semaphore, #tpu.memory_space<semaphore_mem>>) {add = true}
      %dma_wait3A_45 = arith.constant 0 : i32
      %dma_wait3A_46 = arith.constant 0 : i32
      %dma_wait3A_47 = tpu.memref_slice %arg9[%dma_wait3A_45, %dma_wait3A_46] : memref<8x128xi32, #tpu.memory_space<vmem>> -> memref<1x128xi32, #tpu.memory_space<vmem>>
      %dma_wait3A_48 = tpu.memref_squeeze %dma_wait3A_47 : memref<1x128xi32, #tpu.memory_space<vmem>> -> memref<128xi32, #tpu.memory_space<vmem>>
      %dma_wait3A_49 = arith.constant 0 : i32
      %dma_wait3A_50 = arith.constant 0 : i32
      %dma_wait3A_51 = tpu.memref_slice %arg7[%dma_wait3A_49, %dma_wait3A_50] : memref<10112x128xf32, #tpu.memory_space<vmem_shared>> -> memref<10112x128xf32, #tpu.memory_space<vmem_shared>>
      tpu.wait_indirect_dma semaphore(%arg14 : memref<!tpu.dma_semaphore, #tpu.memory_space<semaphore_mem>>) src(%arg10 : memref<128x128xf32, #tpu.memory_space<vmem>>) dst(%dma_wait3A_51 : memref<10112x128xf32, #tpu.memory_space<vmem_shared>>)
      %dma_start3A_52 = arith.constant 1 : i32
      %dma_start3A_53 = arith.constant 0 : i32
      %dma_start3A_54 = tpu.memref_slice %arg9[%dma_start3A_52, %dma_start3A_53] : memref<8x128xi32, #tpu.memory_space<vmem>> -> memref<1x128xi32, #tpu.memory_space<vmem>>
      %dma_start3A_55 = tpu.memref_squeeze %dma_start3A_54 : memref<1x128xi32, #tpu.memory_space<vmem>> -> memref<128xi32, #tpu.memory_space<vmem>>
      %dma_start3A_56 = arith.constant 0 : i32
      %dma_start3A_57 = arith.constant 0 : i32
      %dma_start3A_58 = tpu.memref_slice %arg7[%dma_start3A_56, %dma_start3A_57] : memref<10112x128xf32, #tpu.memory_space<vmem_shared>> -> memref<10112x128xf32, #tpu.memory_space<vmem_shared>>
      tpu.enqueue_indirect_dma source(%arg11 : memref<128x128xf32, #tpu.memory_space<vmem>>) target(%dma_start3A_58 : memref<10112x128xf32, #tpu.memory_space<vmem_shared>>) offsets(%dma_start3A_55 : memref<128xi32, #tpu.memory_space<vmem>>) semaphore(%arg14 : memref<!tpu.dma_semaphore, #tpu.memory_space<semaphore_mem>>) {add = true}
      %dma_wait3A_59 = arith.constant 1 : i32
      %dma_wait3A_60 = arith.constant 0 : i32
      %dma_wait3A_61 = tpu.memref_slice %arg9[%dma_wait3A_59, %dma_wait3A_60] : memref<8x128xi32, #tpu.memory_space<vmem>> -> memref<1x128xi32, #tpu.memory_space<vmem>>
      %dma_wait3A_62 = tpu.memref_squeeze %dma_wait3A_61 : memref<1x128xi32, #tpu.memory_space<vmem>> -> memref<128xi32, #tpu.memory_space<vmem>>
      %dma_wait3A_63 = arith.constant 0 : i32
      %dma_wait3A_64 = arith.constant 0 : i32
      %dma_wait3A_65 = tpu.memref_slice %arg7[%dma_wait3A_63, %dma_wait3A_64] : memref<10112x128xf32, #tpu.memory_space<vmem_shared>> -> memref<10112x128xf32, #tpu.memory_space<vmem_shared>>
      tpu.wait_indirect_dma semaphore(%arg14 : memref<!tpu.dma_semaphore, #tpu.memory_space<semaphore_mem>>) src(%arg11 : memref<128x128xf32, #tpu.memory_space<vmem>>) dst(%dma_wait3A_65 : memref<10112x128xf32, #tpu.memory_space<vmem_shared>>)
      %dma_start3A_66 = arith.constant 2 : i32
      %dma_start3A_67 = arith.constant 0 : i32
      %dma_start3A_68 = tpu.memref_slice %arg8[%dma_start3A_66, %dma_start3A_67] : memref<8x128xi32, #tpu.memory_space<vmem>> -> memref<1x128xi32, #tpu.memory_space<vmem>>
      %dma_start3A_69 = tpu.memref_squeeze %dma_start3A_68 : memref<1x128xi32, #tpu.memory_space<vmem>> -> memref<128xi32, #tpu.memory_space<vmem>>
      %dma_start3A_70 = arith.constant 0 : i32
      %dma_start3A_71 = arith.constant 0 : i32
      %dma_start3A_72 = tpu.memref_slice %arg2[%dma_start3A_70, %dma_start3A_71] : memref<20000x128xf32, #tpu.memory_space<hbm>> -> memref<20000x128xf32, #tpu.memory_space<hbm>>
      tpu.enqueue_indirect_dma source(%dma_start3A_72 : memref<20000x128xf32, #tpu.memory_space<hbm>>) target(%arg10 : memref<128x128xf32, #tpu.memory_space<vmem>>) offsets(%dma_start3A_69 : memref<128xi32, #tpu.memory_space<vmem>>) semaphore(%arg12 : memref<!tpu.dma_semaphore, #tpu.memory_space<semaphore_mem>>)
      %dma_start3A_73 = arith.constant 3 : i32
      %dma_start3A_74 = arith.constant 0 : i32
      %dma_start3A_75 = tpu.memref_slice %arg8[%dma_start3A_73, %dma_start3A_74] : memref<8x128xi32, #tpu.memory_space<vmem>> -> memref<1x128xi32, #tpu.memory_space<vmem>>
      %dma_start3A_76 = tpu.memref_squeeze %dma_start3A_75 : memref<1x128xi32, #tpu.memory_space<vmem>> -> memref<128xi32, #tpu.memory_space<vmem>>
      %dma_start3A_77 = arith.constant 0 : i32
      %dma_start3A_78 = arith.constant 0 : i32
      %dma_start3A_79 = tpu.memref_slice %arg2[%dma_start3A_77, %dma_start3A_78] : memref<20000x128xf32, #tpu.memory_space<hbm>> -> memref<20000x128xf32, #tpu.memory_space<hbm>>
      tpu.enqueue_indirect_dma source(%dma_start3A_79 : memref<20000x128xf32, #tpu.memory_space<hbm>>) target(%arg11 : memref<128x128xf32, #tpu.memory_space<vmem>>) offsets(%dma_start3A_76 : memref<128xi32, #tpu.memory_space<vmem>>) semaphore(%arg13 : memref<!tpu.dma_semaphore, #tpu.memory_space<semaphore_mem>>)
      %dma_wait3A_80 = arith.constant 2 : i32
      %dma_wait3A_81 = arith.constant 0 : i32
      %dma_wait3A_82 = tpu.memref_slice %arg8[%dma_wait3A_80, %dma_wait3A_81] : memref<8x128xi32, #tpu.memory_space<vmem>> -> memref<1x128xi32, #tpu.memory_space<vmem>>
      %dma_wait3A_83 = tpu.memref_squeeze %dma_wait3A_82 : memref<1x128xi32, #tpu.memory_space<vmem>> -> memref<128xi32, #tpu.memory_space<vmem>>
      %dma_wait3A_84 = arith.constant 0 : i32
      %dma_wait3A_85 = arith.constant 0 : i32
      %dma_wait3A_86 = tpu.memref_slice %arg2[%dma_wait3A_84, %dma_wait3A_85] : memref<20000x128xf32, #tpu.memory_space<hbm>> -> memref<20000x128xf32, #tpu.memory_space<hbm>>
      tpu.wait_indirect_dma semaphore(%arg12 : memref<!tpu.dma_semaphore, #tpu.memory_space<semaphore_mem>>) src(%dma_wait3A_86 : memref<20000x128xf32, #tpu.memory_space<hbm>>) dst(%arg10 : memref<128x128xf32, #tpu.memory_space<vmem>>)
      %dma_wait3A_87 = arith.constant 3 : i32
      %dma_wait3A_88 = arith.constant 0 : i32
      %dma_wait3A_89 = tpu.memref_slice %arg8[%dma_wait3A_87, %dma_wait3A_88] : memref<8x128xi32, #tpu.memory_space<vmem>> -> memref<1x128xi32, #tpu.memory_space<vmem>>
      %dma_wait3A_90 = tpu.memref_squeeze %dma_wait3A_89 : memref<1x128xi32, #tpu.memory_space<vmem>> -> memref<128xi32, #tpu.memory_space<vmem>>
      %dma_wait3A_91 = arith.constant 0 : i32
      %dma_wait3A_92 = arith.constant 0 : i32
      %dma_wait3A_93 = tpu.memref_slice %arg2[%dma_wait3A_91, %dma_wait3A_92] : memref<20000x128xf32, #tpu.memory_space<hbm>> -> memref<20000x128xf32, #tpu.memory_space<hbm>>
      tpu.wait_indirect_dma semaphore(%arg13 : memref<!tpu.dma_semaphore, #tpu.memory_space<semaphore_mem>>) src(%dma_wait3A_93 : memref<20000x128xf32, #tpu.memory_space<hbm>>) dst(%arg11 : memref<128x128xf32, #tpu.memory_space<vmem>>)
      %dma_start3A_94 = arith.constant 2 : i32
      %dma_start3A_95 = arith.constant 0 : i32
      %dma_start3A_96 = tpu.memref_slice %arg9[%dma_start3A_94, %dma_start3A_95] : memref<8x128xi32, #tpu.memory_space<vmem>> -> memref<1x128xi32, #tpu.memory_space<vmem>>
      %dma_start3A_97 = tpu.memref_squeeze %dma_start3A_96 : memref<1x128xi32, #tpu.memory_space<vmem>> -> memref<128xi32, #tpu.memory_space<vmem>>
      %dma_start3A_98 = arith.constant 0 : i32
      %dma_start3A_99 = arith.constant 0 : i32
      %dma_start3A_100 = tpu.memref_slice %arg7[%dma_start3A_98, %dma_start3A_99] : memref<10112x128xf32, #tpu.memory_space<vmem_shared>> -> memref<10112x128xf32, #tpu.memory_space<vmem_shared>>
      tpu.enqueue_indirect_dma source(%arg10 : memref<128x128xf32, #tpu.memory_space<vmem>>) target(%dma_start3A_100 : memref<10112x128xf32, #tpu.memory_space<vmem_shared>>) offsets(%dma_start3A_97 : memref<128xi32, #tpu.memory_space<vmem>>) semaphore(%arg14 : memref<!tpu.dma_semaphore, #tpu.memory_space<semaphore_mem>>) {add = true}
      %dma_wait3A_101 = arith.constant 2 : i32
      %dma_wait3A_102 = arith.constant 0 : i32
      %dma_wait3A_103 = tpu.memref_slice %arg9[%dma_wait3A_101, %dma_wait3A_102] : memref<8x128xi32, #tpu.memory_space<vmem>> -> memref<1x128xi32, #tpu.memory_space<vmem>>
      %dma_wait3A_104 = tpu.memref_squeeze %dma_wait3A_103 : memref<1x128xi32, #tpu.memory_space<vmem>> -> memref<128xi32, #tpu.memory_space<vmem>>
      %dma_wait3A_105 = arith.constant 0 : i32
      %dma_wait3A_106 = arith.constant 0 : i32
      %dma_wait3A_107 = tpu.memref_slice %arg7[%dma_wait3A_105, %dma_wait3A_106] : memref<10112x128xf32, #tpu.memory_space<vmem_shared>> -> memref<10112x128xf32, #tpu.memory_space<vmem_shared>>
      tpu.wait_indirect_dma semaphore(%arg14 : memref<!tpu.dma_semaphore, #tpu.memory_space<semaphore_mem>>) src(%arg10 : memref<128x128xf32, #tpu.memory_space<vmem>>) dst(%dma_wait3A_107 : memref<10112x128xf32, #tpu.memory_space<vmem_shared>>)
      %dma_start3A_108 = arith.constant 3 : i32
      %dma_start3A_109 = arith.constant 0 : i32
      %dma_start3A_110 = tpu.memref_slice %arg9[%dma_start3A_108, %dma_start3A_109] : memref<8x128xi32, #tpu.memory_space<vmem>> -> memref<1x128xi32, #tpu.memory_space<vmem>>
      %dma_start3A_111 = tpu.memref_squeeze %dma_start3A_110 : memref<1x128xi32, #tpu.memory_space<vmem>> -> memref<128xi32, #tpu.memory_space<vmem>>
      %dma_start3A_112 = arith.constant 0 : i32
      %dma_start3A_113 = arith.constant 0 : i32
      %dma_start3A_114 = tpu.memref_slice %arg7[%dma_start3A_112, %dma_start3A_113] : memref<10112x128xf32, #tpu.memory_space<vmem_shared>> -> memref<10112x128xf32, #tpu.memory_space<vmem_shared>>
      tpu.enqueue_indirect_dma source(%arg11 : memref<128x128xf32, #tpu.memory_space<vmem>>) target(%dma_start3A_114 : memref<10112x128xf32, #tpu.memory_space<vmem_shared>>) offsets(%dma_start3A_111 : memref<128xi32, #tpu.memory_space<vmem>>) semaphore(%arg14 : memref<!tpu.dma_semaphore, #tpu.memory_space<semaphore_mem>>) {add = true}
      %dma_wait3A_115 = arith.constant 3 : i32
      %dma_wait3A_116 = arith.constant 0 : i32
      %dma_wait3A_117 = tpu.memref_slice %arg9[%dma_wait3A_115, %dma_wait3A_116] : memref<8x128xi32, #tpu.memory_space<vmem>> -> memref<1x128xi32, #tpu.memory_space<vmem>>
      %dma_wait3A_118 = tpu.memref_squeeze %dma_wait3A_117 : memref<1x128xi32, #tpu.memory_space<vmem>> -> memref<128xi32, #tpu.memory_space<vmem>>
      %dma_wait3A_119 = arith.constant 0 : i32
      %dma_wait3A_120 = arith.constant 0 : i32
      %dma_wait3A_121 = tpu.memref_slice %arg7[%dma_wait3A_119, %dma_wait3A_120] : memref<10112x128xf32, #tpu.memory_space<vmem_shared>> -> memref<10112x128xf32, #tpu.memory_space<vmem_shared>>
      tpu.wait_indirect_dma semaphore(%arg14 : memref<!tpu.dma_semaphore, #tpu.memory_space<semaphore_mem>>) src(%arg11 : memref<128x128xf32, #tpu.memory_space<vmem>>) dst(%dma_wait3A_121 : memref<10112x128xf32, #tpu.memory_space<vmem_shared>>)
      %dma_start3A_122 = arith.constant 4 : i32
      %dma_start3A_123 = arith.constant 0 : i32
      %dma_start3A_124 = tpu.memref_slice %arg8[%dma_start3A_122, %dma_start3A_123] : memref<8x128xi32, #tpu.memory_space<vmem>> -> memref<1x128xi32, #tpu.memory_space<vmem>>
      %dma_start3A_125 = tpu.memref_squeeze %dma_start3A_124 : memref<1x128xi32, #tpu.memory_space<vmem>> -> memref<128xi32, #tpu.memory_space<vmem>>
      %dma_start3A_126 = arith.constant 0 : i32
      %dma_start3A_127 = arith.constant 0 : i32
      %dma_start3A_128 = tpu.memref_slice %arg2[%dma_start3A_126, %dma_start3A_127] : memref<20000x128xf32, #tpu.memory_space<hbm>> -> memref<20000x128xf32, #tpu.memory_space<hbm>>
      tpu.enqueue_indirect_dma source(%dma_start3A_128 : memref<20000x128xf32, #tpu.memory_space<hbm>>) target(%arg10 : memref<128x128xf32, #tpu.memory_space<vmem>>) offsets(%dma_start3A_125 : memref<128xi32, #tpu.memory_space<vmem>>) semaphore(%arg12 : memref<!tpu.dma_semaphore, #tpu.memory_space<semaphore_mem>>)
      %dma_start3A_129 = arith.constant 5 : i32
      %dma_start3A_130 = arith.constant 0 : i32
      %dma_start3A_131 = tpu.memref_slice %arg8[%dma_start3A_129, %dma_start3A_130] : memref<8x128xi32, #tpu.memory_space<vmem>> -> memref<1x128xi32, #tpu.memory_space<vmem>>
      %dma_start3A_132 = tpu.memref_squeeze %dma_start3A_131 : memref<1x128xi32, #tpu.memory_space<vmem>> -> memref<128xi32, #tpu.memory_space<vmem>>
      %dma_start3A_133 = arith.constant 0 : i32
      %dma_start3A_134 = arith.constant 0 : i32
      %dma_start3A_135 = tpu.memref_slice %arg2[%dma_start3A_133, %dma_start3A_134] : memref<20000x128xf32, #tpu.memory_space<hbm>> -> memref<20000x128xf32, #tpu.memory_space<hbm>>
      tpu.enqueue_indirect_dma source(%dma_start3A_135 : memref<20000x128xf32, #tpu.memory_space<hbm>>) target(%arg11 : memref<128x128xf32, #tpu.memory_space<vmem>>) offsets(%dma_start3A_132 : memref<128xi32, #tpu.memory_space<vmem>>) semaphore(%arg13 : memref<!tpu.dma_semaphore, #tpu.memory_space<semaphore_mem>>)
      %dma_wait3A_136 = arith.constant 4 : i32
      %dma_wait3A_137 = arith.constant 0 : i32
      %dma_wait3A_138 = tpu.memref_slice %arg8[%dma_wait3A_136, %dma_wait3A_137] : memref<8x128xi32, #tpu.memory_space<vmem>> -> memref<1x128xi32, #tpu.memory_space<vmem>>
      %dma_wait3A_139 = tpu.memref_squeeze %dma_wait3A_138 : memref<1x128xi32, #tpu.memory_space<vmem>> -> memref<128xi32, #tpu.memory_space<vmem>>
      %dma_wait3A_140 = arith.constant 0 : i32
      %dma_wait3A_141 = arith.constant 0 : i32
      %dma_wait3A_142 = tpu.memref_slice %arg2[%dma_wait3A_140, %dma_wait3A_141] : memref<20000x128xf32, #tpu.memory_space<hbm>> -> memref<20000x128xf32, #tpu.memory_space<hbm>>
      tpu.wait_indirect_dma semaphore(%arg12 : memref<!tpu.dma_semaphore, #tpu.memory_space<semaphore_mem>>) src(%dma_wait3A_142 : memref<20000x128xf32, #tpu.memory_space<hbm>>) dst(%arg10 : memref<128x128xf32, #tpu.memory_space<vmem>>)
      %dma_wait3A_143 = arith.constant 5 : i32
      %dma_wait3A_144 = arith.constant 0 : i32
      %dma_wait3A_145 = tpu.memref_slice %arg8[%dma_wait3A_143, %dma_wait3A_144] : memref<8x128xi32, #tpu.memory_space<vmem>> -> memref<1x128xi32, #tpu.memory_space<vmem>>
      %dma_wait3A_146 = tpu.memref_squeeze %dma_wait3A_145 : memref<1x128xi32, #tpu.memory_space<vmem>> -> memref<128xi32, #tpu.memory_space<vmem>>
      %dma_wait3A_147 = arith.constant 0 : i32
      %dma_wait3A_148 = arith.constant 0 : i32
      %dma_wait3A_149 = tpu.memref_slice %arg2[%dma_wait3A_147, %dma_wait3A_148] : memref<20000x128xf32, #tpu.memory_space<hbm>> -> memref<20000x128xf32, #tpu.memory_space<hbm>>
      tpu.wait_indirect_dma semaphore(%arg13 : memref<!tpu.dma_semaphore, #tpu.memory_space<semaphore_mem>>) src(%dma_wait3A_149 : memref<20000x128xf32, #tpu.memory_space<hbm>>) dst(%arg11 : memref<128x128xf32, #tpu.memory_space<vmem>>)
      %dma_start3A_150 = arith.constant 4 : i32
      %dma_start3A_151 = arith.constant 0 : i32
      %dma_start3A_152 = tpu.memref_slice %arg9[%dma_start3A_150, %dma_start3A_151] : memref<8x128xi32, #tpu.memory_space<vmem>> -> memref<1x128xi32, #tpu.memory_space<vmem>>
      %dma_start3A_153 = tpu.memref_squeeze %dma_start3A_152 : memref<1x128xi32, #tpu.memory_space<vmem>> -> memref<128xi32, #tpu.memory_space<vmem>>
      %dma_start3A_154 = arith.constant 0 : i32
      %dma_start3A_155 = arith.constant 0 : i32
      %dma_start3A_156 = tpu.memref_slice %arg7[%dma_start3A_154, %dma_start3A_155] : memref<10112x128xf32, #tpu.memory_space<vmem_shared>> -> memref<10112x128xf32, #tpu.memory_space<vmem_shared>>
      tpu.enqueue_indirect_dma source(%arg10 : memref<128x128xf32, #tpu.memory_space<vmem>>) target(%dma_start3A_156 : memref<10112x128xf32, #tpu.memory_space<vmem_shared>>) offsets(%dma_start3A_153 : memref<128xi32, #tpu.memory_space<vmem>>) semaphore(%arg14 : memref<!tpu.dma_semaphore, #tpu.memory_space<semaphore_mem>>) {add = true}
      %dma_wait3A_157 = arith.constant 4 : i32
      %dma_wait3A_158 = arith.constant 0 : i32
      %dma_wait3A_159 = tpu.memref_slice %arg9[%dma_wait3A_157, %dma_wait3A_158] : memref<8x128xi32, #tpu.memory_space<vmem>> -> memref<1x128xi32, #tpu.memory_space<vmem>>
      %dma_wait3A_160 = tpu.memref_squeeze %dma_wait3A_159 : memref<1x128xi32, #tpu.memory_space<vmem>> -> memref<128xi32, #tpu.memory_space<vmem>>
      %dma_wait3A_161 = arith.constant 0 : i32
      %dma_wait3A_162 = arith.constant 0 : i32
      %dma_wait3A_163 = tpu.memref_slice %arg7[%dma_wait3A_161, %dma_wait3A_162] : memref<10112x128xf32, #tpu.memory_space<vmem_shared>> -> memref<10112x128xf32, #tpu.memory_space<vmem_shared>>
      tpu.wait_indirect_dma semaphore(%arg14 : memref<!tpu.dma_semaphore, #tpu.memory_space<semaphore_mem>>) src(%arg10 : memref<128x128xf32, #tpu.memory_space<vmem>>) dst(%dma_wait3A_163 : memref<10112x128xf32, #tpu.memory_space<vmem_shared>>)
      %dma_start3A_164 = arith.constant 5 : i32
      %dma_start3A_165 = arith.constant 0 : i32
      %dma_start3A_166 = tpu.memref_slice %arg9[%dma_start3A_164, %dma_start3A_165] : memref<8x128xi32, #tpu.memory_space<vmem>> -> memref<1x128xi32, #tpu.memory_space<vmem>>
      %dma_start3A_167 = tpu.memref_squeeze %dma_start3A_166 : memref<1x128xi32, #tpu.memory_space<vmem>> -> memref<128xi32, #tpu.memory_space<vmem>>
      %dma_start3A_168 = arith.constant 0 : i32
      %dma_start3A_169 = arith.constant 0 : i32
      %dma_start3A_170 = tpu.memref_slice %arg7[%dma_start3A_168, %dma_start3A_169] : memref<10112x128xf32, #tpu.memory_space<vmem_shared>> -> memref<10112x128xf32, #tpu.memory_space<vmem_shared>>
      tpu.enqueue_indirect_dma source(%arg11 : memref<128x128xf32, #tpu.memory_space<vmem>>) target(%dma_start3A_170 : memref<10112x128xf32, #tpu.memory_space<vmem_shared>>) offsets(%dma_start3A_167 : memref<128xi32, #tpu.memory_space<vmem>>) semaphore(%arg14 : memref<!tpu.dma_semaphore, #tpu.memory_space<semaphore_mem>>) {add = true}
      %dma_wait3A_171 = arith.constant 5 : i32
      %dma_wait3A_172 = arith.constant 0 : i32
      %dma_wait3A_173 = tpu.memref_slice %arg9[%dma_wait3A_171, %dma_wait3A_172] : memref<8x128xi32, #tpu.memory_space<vmem>> -> memref<1x128xi32, #tpu.memory_space<vmem>>
      %dma_wait3A_174 = tpu.memref_squeeze %dma_wait3A_173 : memref<1x128xi32, #tpu.memory_space<vmem>> -> memref<128xi32, #tpu.memory_space<vmem>>
      %dma_wait3A_175 = arith.constant 0 : i32
      %dma_wait3A_176 = arith.constant 0 : i32
      %dma_wait3A_177 = tpu.memref_slice %arg7[%dma_wait3A_175, %dma_wait3A_176] : memref<10112x128xf32, #tpu.memory_space<vmem_shared>> -> memref<10112x128xf32, #tpu.memory_space<vmem_shared>>
      tpu.wait_indirect_dma semaphore(%arg14 : memref<!tpu.dma_semaphore, #tpu.memory_space<semaphore_mem>>) src(%arg11 : memref<128x128xf32, #tpu.memory_space<vmem>>) dst(%dma_wait3A_177 : memref<10112x128xf32, #tpu.memory_space<vmem_shared>>)
      %dma_start3A_178 = arith.constant 6 : i32
      %dma_start3A_179 = arith.constant 0 : i32
      %dma_start3A_180 = tpu.memref_slice %arg8[%dma_start3A_178, %dma_start3A_179] : memref<8x128xi32, #tpu.memory_space<vmem>> -> memref<1x128xi32, #tpu.memory_space<vmem>>
      %dma_start3A_181 = tpu.memref_squeeze %dma_start3A_180 : memref<1x128xi32, #tpu.memory_space<vmem>> -> memref<128xi32, #tpu.memory_space<vmem>>
      %dma_start3A_182 = arith.constant 0 : i32
      %dma_start3A_183 = arith.constant 0 : i32
      %dma_start3A_184 = tpu.memref_slice %arg2[%dma_start3A_182, %dma_start3A_183] : memref<20000x128xf32, #tpu.memory_space<hbm>> -> memref<20000x128xf32, #tpu.memory_space<hbm>>
      tpu.enqueue_indirect_dma source(%dma_start3A_184 : memref<20000x128xf32, #tpu.memory_space<hbm>>) target(%arg10 : memref<128x128xf32, #tpu.memory_space<vmem>>) offsets(%dma_start3A_181 : memref<128xi32, #tpu.memory_space<vmem>>) semaphore(%arg12 : memref<!tpu.dma_semaphore, #tpu.memory_space<semaphore_mem>>)
      %dma_start3A_185 = arith.constant 7 : i32
      %dma_start3A_186 = arith.constant 0 : i32
      %dma_start3A_187 = tpu.memref_slice %arg8[%dma_start3A_185, %dma_start3A_186] : memref<8x128xi32, #tpu.memory_space<vmem>> -> memref<1x128xi32, #tpu.memory_space<vmem>>
      %dma_start3A_188 = tpu.memref_squeeze %dma_start3A_187 : memref<1x128xi32, #tpu.memory_space<vmem>> -> memref<128xi32, #tpu.memory_space<vmem>>
      %dma_start3A_189 = arith.constant 0 : i32
      %dma_start3A_190 = arith.constant 0 : i32
      %dma_start3A_191 = tpu.memref_slice %arg2[%dma_start3A_189, %dma_start3A_190] : memref<20000x128xf32, #tpu.memory_space<hbm>> -> memref<20000x128xf32, #tpu.memory_space<hbm>>
      tpu.enqueue_indirect_dma source(%dma_start3A_191 : memref<20000x128xf32, #tpu.memory_space<hbm>>) target(%arg11 : memref<128x128xf32, #tpu.memory_space<vmem>>) offsets(%dma_start3A_188 : memref<128xi32, #tpu.memory_space<vmem>>) semaphore(%arg13 : memref<!tpu.dma_semaphore, #tpu.memory_space<semaphore_mem>>)
      %dma_wait3A_192 = arith.constant 6 : i32
      %dma_wait3A_193 = arith.constant 0 : i32
      %dma_wait3A_194 = tpu.memref_slice %arg8[%dma_wait3A_192, %dma_wait3A_193] : memref<8x128xi32, #tpu.memory_space<vmem>> -> memref<1x128xi32, #tpu.memory_space<vmem>>
      %dma_wait3A_195 = tpu.memref_squeeze %dma_wait3A_194 : memref<1x128xi32, #tpu.memory_space<vmem>> -> memref<128xi32, #tpu.memory_space<vmem>>
      %dma_wait3A_196 = arith.constant 0 : i32
      %dma_wait3A_197 = arith.constant 0 : i32
      %dma_wait3A_198 = tpu.memref_slice %arg2[%dma_wait3A_196, %dma_wait3A_197] : memref<20000x128xf32, #tpu.memory_space<hbm>> -> memref<20000x128xf32, #tpu.memory_space<hbm>>
      tpu.wait_indirect_dma semaphore(%arg12 : memref<!tpu.dma_semaphore, #tpu.memory_space<semaphore_mem>>) src(%dma_wait3A_198 : memref<20000x128xf32, #tpu.memory_space<hbm>>) dst(%arg10 : memref<128x128xf32, #tpu.memory_space<vmem>>)
      %dma_wait3A_199 = arith.constant 7 : i32
      %dma_wait3A_200 = arith.constant 0 : i32
      %dma_wait3A_201 = tpu.memref_slice %arg8[%dma_wait3A_199, %dma_wait3A_200] : memref<8x128xi32, #tpu.memory_space<vmem>> -> memref<1x128xi32, #tpu.memory_space<vmem>>
      %dma_wait3A_202 = tpu.memref_squeeze %dma_wait3A_201 : memref<1x128xi32, #tpu.memory_space<vmem>> -> memref<128xi32, #tpu.memory_space<vmem>>
      %dma_wait3A_203 = arith.constant 0 : i32
      %dma_wait3A_204 = arith.constant 0 : i32
      %dma_wait3A_205 = tpu.memref_slice %arg2[%dma_wait3A_203, %dma_wait3A_204] : memref<20000x128xf32, #tpu.memory_space<hbm>> -> memref<20000x128xf32, #tpu.memory_space<hbm>>
      tpu.wait_indirect_dma semaphore(%arg13 : memref<!tpu.dma_semaphore, #tpu.memory_space<semaphore_mem>>) src(%dma_wait3A_205 : memref<20000x128xf32, #tpu.memory_space<hbm>>) dst(%arg11 : memref<128x128xf32, #tpu.memory_space<vmem>>)
      %dma_start3A_206 = arith.constant 6 : i32
      %dma_start3A_207 = arith.constant 0 : i32
      %dma_start3A_208 = tpu.memref_slice %arg9[%dma_start3A_206, %dma_start3A_207] : memref<8x128xi32, #tpu.memory_space<vmem>> -> memref<1x128xi32, #tpu.memory_space<vmem>>
      %dma_start3A_209 = tpu.memref_squeeze %dma_start3A_208 : memref<1x128xi32, #tpu.memory_space<vmem>> -> memref<128xi32, #tpu.memory_space<vmem>>
      %dma_start3A_210 = arith.constant 0 : i32
      %dma_start3A_211 = arith.constant 0 : i32
      %dma_start3A_212 = tpu.memref_slice %arg7[%dma_start3A_210, %dma_start3A_211] : memref<10112x128xf32, #tpu.memory_space<vmem_shared>> -> memref<10112x128xf32, #tpu.memory_space<vmem_shared>>
      tpu.enqueue_indirect_dma source(%arg10 : memref<128x128xf32, #tpu.memory_space<vmem>>) target(%dma_start3A_212 : memref<10112x128xf32, #tpu.memory_space<vmem_shared>>) offsets(%dma_start3A_209 : memref<128xi32, #tpu.memory_space<vmem>>) semaphore(%arg14 : memref<!tpu.dma_semaphore, #tpu.memory_space<semaphore_mem>>) {add = true}
      %dma_wait3A_213 = arith.constant 6 : i32
      %dma_wait3A_214 = arith.constant 0 : i32
      %dma_wait3A_215 = tpu.memref_slice %arg9[%dma_wait3A_213, %dma_wait3A_214] : memref<8x128xi32, #tpu.memory_space<vmem>> -> memref<1x128xi32, #tpu.memory_space<vmem>>
      %dma_wait3A_216 = tpu.memref_squeeze %dma_wait3A_215 : memref<1x128xi32, #tpu.memory_space<vmem>> -> memref<128xi32, #tpu.memory_space<vmem>>
      %dma_wait3A_217 = arith.constant 0 : i32
      %dma_wait3A_218 = arith.constant 0 : i32
      %dma_wait3A_219 = tpu.memref_slice %arg7[%dma_wait3A_217, %dma_wait3A_218] : memref<10112x128xf32, #tpu.memory_space<vmem_shared>> -> memref<10112x128xf32, #tpu.memory_space<vmem_shared>>
      tpu.wait_indirect_dma semaphore(%arg14 : memref<!tpu.dma_semaphore, #tpu.memory_space<semaphore_mem>>) src(%arg10 : memref<128x128xf32, #tpu.memory_space<vmem>>) dst(%dma_wait3A_219 : memref<10112x128xf32, #tpu.memory_space<vmem_shared>>)
      %dma_start3A_220 = arith.constant 7 : i32
      %dma_start3A_221 = arith.constant 0 : i32
      %dma_start3A_222 = tpu.memref_slice %arg9[%dma_start3A_220, %dma_start3A_221] : memref<8x128xi32, #tpu.memory_space<vmem>> -> memref<1x128xi32, #tpu.memory_space<vmem>>
      %dma_start3A_223 = tpu.memref_squeeze %dma_start3A_222 : memref<1x128xi32, #tpu.memory_space<vmem>> -> memref<128xi32, #tpu.memory_space<vmem>>
      %dma_start3A_224 = arith.constant 0 : i32
      %dma_start3A_225 = arith.constant 0 : i32
      %dma_start3A_226 = tpu.memref_slice %arg7[%dma_start3A_224, %dma_start3A_225] : memref<10112x128xf32, #tpu.memory_space<vmem_shared>> -> memref<10112x128xf32, #tpu.memory_space<vmem_shared>>
      tpu.enqueue_indirect_dma source(%arg11 : memref<128x128xf32, #tpu.memory_space<vmem>>) target(%dma_start3A_226 : memref<10112x128xf32, #tpu.memory_space<vmem_shared>>) offsets(%dma_start3A_223 : memref<128xi32, #tpu.memory_space<vmem>>) semaphore(%arg14 : memref<!tpu.dma_semaphore, #tpu.memory_space<semaphore_mem>>) {add = true}
      %dma_wait3A_227 = arith.constant 7 : i32
      %dma_wait3A_228 = arith.constant 0 : i32
      %dma_wait3A_229 = tpu.memref_slice %arg9[%dma_wait3A_227, %dma_wait3A_228] : memref<8x128xi32, #tpu.memory_space<vmem>> -> memref<1x128xi32, #tpu.memory_space<vmem>>
      %dma_wait3A_230 = tpu.memref_squeeze %dma_wait3A_229 : memref<1x128xi32, #tpu.memory_space<vmem>> -> memref<128xi32, #tpu.memory_space<vmem>>
      %dma_wait3A_231 = arith.constant 0 : i32
      %dma_wait3A_232 = arith.constant 0 : i32
      %dma_wait3A_233 = tpu.memref_slice %arg7[%dma_wait3A_231, %dma_wait3A_232] : memref<10112x128xf32, #tpu.memory_space<vmem_shared>> -> memref<10112x128xf32, #tpu.memory_space<vmem_shared>>
      tpu.wait_indirect_dma semaphore(%arg14 : memref<!tpu.dma_semaphore, #tpu.memory_space<semaphore_mem>>) src(%arg11 : memref<128x128xf32, #tpu.memory_space<vmem>>) dst(%dma_wait3A_233 : memref<10112x128xf32, #tpu.memory_space<vmem_shared>>)
    }
    %scan3A_5 = arith.constant 20 : i32
    %barrier3A_6 = arith.constant 0 : index
    tpu.barrier barrier_id(%barrier3A_6)
    %mul3A_7 = arith.constant 632 : i32
    %mul3A_8 = arith.muli %arg1, %mul3A_7 : i32
    %mul3A_9 = arith.constant 640 : i32
    %mul3A_10 = arith.muli %arg1, %mul3A_9 : i32
    "tpu.region"() ({
      %run_scoped3A = tpu.sem_alloc : memref<!tpu.dma_semaphore, #tpu.memory_space<semaphore_mem>>
      %dma_start3A = arith.constant 0 : i32
      %dma_start3A_11 = tpu.memref_slice %arg6[%arg0, %mul3A_10, %dma_start3A] : memref<2x10240x128xf32, #tpu.memory_space<hbm>> -> memref<1x632x128xf32, #tpu.memory_space<hbm>>
      %dma_start3A_12 = tpu.memref_squeeze %dma_start3A_11 : memref<1x632x128xf32, #tpu.memory_space<hbm>> -> memref<632x128xf32, #tpu.memory_space<hbm>>
      %dma_start3A_13 = arith.constant 0 : i32
      %dma_start3A_14 = tpu.memref_slice %arg7[%mul3A_8, %dma_start3A_13] : memref<10112x128xf32, #tpu.memory_space<vmem_shared>> -> memref<632x128xf32, #tpu.memory_space<vmem_shared>>
      tpu.enqueue_dma source(%dma_start3A_14 : memref<632x128xf32, #tpu.memory_space<vmem_shared>>) target(%dma_start3A_12 : memref<632x128xf32, #tpu.memory_space<hbm>>) target_semaphore(%run_scoped3A : memref<!tpu.dma_semaphore, #tpu.memory_space<semaphore_mem>>)
      %dma_wait3A = arith.constant 0 : i32
      %dma_wait3A_15 = tpu.memref_slice %arg6[%arg0, %mul3A_10, %dma_wait3A] : memref<2x10240x128xf32, #tpu.memory_space<hbm>> -> memref<1x632x128xf32, #tpu.memory_space<hbm>>
      %dma_wait3A_16 = tpu.memref_squeeze %dma_wait3A_15 : memref<1x632x128xf32, #tpu.memory_space<hbm>> -> memref<632x128xf32, #tpu.memory_space<hbm>>
      %dma_wait3A_17 = arith.constant 0 : i32
      %dma_wait3A_18 = tpu.memref_slice %arg7[%mul3A_8, %dma_wait3A_17] : memref<10112x128xf32, #tpu.memory_space<vmem_shared>> -> memref<632x128xf32, #tpu.memory_space<vmem_shared>>
      tpu.wait_dma2 semaphore(%run_scoped3A : memref<!tpu.dma_semaphore, #tpu.memory_space<semaphore_mem>>) src(%dma_wait3A_18 : memref<632x128xf32, #tpu.memory_space<vmem_shared>>) dst(%dma_wait3A_16 : memref<632x128xf32, #tpu.memory_space<hbm>>)
      tpu.yield
    }) : () -> ()
    return
  }
}

#map = affine_map<(d0, d1) -> (0, 0, 0, 0, 0)>
#map1 = affine_map<(d0, d1) -> (0, 0)>
#map2 = affine_map<(d0, d1) -> (0, 0, 0)>
module attributes {stable_mosaic.version = 14 : i64} {
  func.func @degrees(%arg0: i32, %arg1: i32, %arg2: memref<2x16x20x8x128xi32, #tpu.memory_space<hbm>>, %arg3: memref<128x128xf32, #tpu.memory_space<hbm>>, %arg4: memref<632x128xf32, #tpu.memory_space<hbm>>, %arg5: memref<2x10240x128xf32, #tpu.memory_space<hbm>>, %arg6: memref<10112x128xf32, #tpu.memory_space<vmem_shared>>, %arg7: memref<8x128xi32, #tpu.memory_space<vmem>>, %arg8: memref<128x128xf32, #tpu.memory_space<vmem>>, %arg9: memref<!tpu.dma_semaphore, #tpu.memory_space<semaphore_mem>>) attributes {dimension_semantics = [#tpu.dimension_semantics<core_parallel>, #tpu.dimension_semantics<subcore_parallel>], iteration_bounds = array<i64: 2, 16>, scalar_prefetch = 0 : i64, scratch_operands = 4 : i64, tpu.core_type = #tpu.core_type<sc_vector_subcore>, window_params = [{transform_indices = #map}, {transform_indices = #map1}, {transform_indices = #map1}, {transform_indices = #map2}]} {
    %mul3A = arith.constant 632 : i32
    %mul3A_0 = arith.muli %arg1, %mul3A : i32
    "tpu.region"() ({
      %run_scoped3A = tpu.sem_alloc : memref<!tpu.dma_semaphore, #tpu.memory_space<semaphore_mem>>
      %dma_start3A = arith.constant 0 : i32
      %dma_start3A_11 = tpu.memref_slice %arg6[%mul3A_0, %dma_start3A] : memref<10112x128xf32, #tpu.memory_space<vmem_shared>> -> memref<632x128xf32, #tpu.memory_space<vmem_shared>>
      tpu.enqueue_dma source(%arg4 : memref<632x128xf32, #tpu.memory_space<hbm>>) target(%dma_start3A_11 : memref<632x128xf32, #tpu.memory_space<vmem_shared>>) target_semaphore(%run_scoped3A : memref<!tpu.dma_semaphore, #tpu.memory_space<semaphore_mem>>)
      %dma_wait3A = arith.constant 0 : i32
      %dma_wait3A_12 = tpu.memref_slice %arg6[%mul3A_0, %dma_wait3A] : memref<10112x128xf32, #tpu.memory_space<vmem_shared>> -> memref<632x128xf32, #tpu.memory_space<vmem_shared>>
      tpu.wait_dma2 semaphore(%run_scoped3A : memref<!tpu.dma_semaphore, #tpu.memory_space<semaphore_mem>>) src(%arg4 : memref<632x128xf32, #tpu.memory_space<hbm>>) dst(%dma_wait3A_12 : memref<632x128xf32, #tpu.memory_space<vmem_shared>>)
      tpu.yield
    }) : () -> ()
    "tpu.region"() ({
      %run_scoped3A = tpu.sem_alloc : memref<!tpu.dma_semaphore, #tpu.memory_space<semaphore_mem>>
      tpu.enqueue_dma source(%arg3 : memref<128x128xf32, #tpu.memory_space<hbm>>) target(%arg8 : memref<128x128xf32, #tpu.memory_space<vmem>>) target_semaphore(%run_scoped3A : memref<!tpu.dma_semaphore, #tpu.memory_space<semaphore_mem>>)
      tpu.wait_dma2 semaphore(%run_scoped3A : memref<!tpu.dma_semaphore, #tpu.memory_space<semaphore_mem>>) src(%arg3 : memref<128x128xf32, #tpu.memory_space<hbm>>) dst(%arg8 : memref<128x128xf32, #tpu.memory_space<vmem>>)
      tpu.yield
    }) : () -> ()
    %barrier3A = arith.constant 0 : index
    tpu.barrier barrier_id(%barrier3A)
    %scan3A = arith.constant 0 : i32
    %scan3A_1 = arith.constant 0 : i32
    %scan3A_2 = arith.constant 20 : i32
    %scan3A_3 = arith.addi %scan3A_1, %scan3A_2 : i32
    %scan3A_4 = arith.constant 1 : i32
    scf.for %scan3A_11 = %scan3A_1 to %scan3A_3 step %scan3A_4  : i32 {
      "tpu.region"() ({
        %run_scoped3A = tpu.sem_alloc : memref<!tpu.dma_semaphore, #tpu.memory_space<semaphore_mem>>
        %dma_start3A_122 = arith.constant 0 : i32
        %dma_start3A_123 = arith.constant 0 : i32
        %dma_start3A_124 = tpu.memref_slice %arg2[%arg0, %arg1, %scan3A_11, %dma_start3A_122, %dma_start3A_123] : memref<2x16x20x8x128xi32, #tpu.memory_space<hbm>> -> memref<1x1x1x8x128xi32, #tpu.memory_space<hbm>>
        %dma_start3A_125 = tpu.memref_squeeze %dma_start3A_124 : memref<1x1x1x8x128xi32, #tpu.memory_space<hbm>> -> memref<8x128xi32, #tpu.memory_space<hbm>>
        %dma_start3A_126 = arith.constant 0 : i32
        %dma_start3A_127 = arith.constant 0 : i32
        %dma_start3A_128 = tpu.memref_slice %arg2[%arg0, %arg1, %scan3A_11, %dma_start3A_126, %dma_start3A_127] : memref<2x16x20x8x128xi32, #tpu.memory_space<hbm>> -> memref<1x1x1x8x128xi32, #tpu.memory_space<hbm>>
        %dma_start3A_129 = tpu.memref_squeeze %dma_start3A_128 : memref<1x1x1x8x128xi32, #tpu.memory_space<hbm>> -> memref<8x128xi32, #tpu.memory_space<hbm>>
        tpu.enqueue_dma source(%dma_start3A_129 : memref<8x128xi32, #tpu.memory_space<hbm>>) target(%arg7 : memref<8x128xi32, #tpu.memory_space<vmem>>) target_semaphore(%run_scoped3A : memref<!tpu.dma_semaphore, #tpu.memory_space<semaphore_mem>>)
        %dma_wait3A_130 = arith.constant 0 : i32
        %dma_wait3A_131 = arith.constant 0 : i32
        %dma_wait3A_132 = tpu.memref_slice %arg2[%arg0, %arg1, %scan3A_11, %dma_wait3A_130, %dma_wait3A_131] : memref<2x16x20x8x128xi32, #tpu.memory_space<hbm>> -> memref<1x1x1x8x128xi32, #tpu.memory_space<hbm>>
        %dma_wait3A_133 = tpu.memref_squeeze %dma_wait3A_132 : memref<1x1x1x8x128xi32, #tpu.memory_space<hbm>> -> memref<8x128xi32, #tpu.memory_space<hbm>>
        %dma_wait3A_134 = arith.constant 0 : i32
        %dma_wait3A_135 = arith.constant 0 : i32
        %dma_wait3A_136 = tpu.memref_slice %arg2[%arg0, %arg1, %scan3A_11, %dma_wait3A_134, %dma_wait3A_135] : memref<2x16x20x8x128xi32, #tpu.memory_space<hbm>> -> memref<1x1x1x8x128xi32, #tpu.memory_space<hbm>>
        %dma_wait3A_137 = tpu.memref_squeeze %dma_wait3A_136 : memref<1x1x1x8x128xi32, #tpu.memory_space<hbm>> -> memref<8x128xi32, #tpu.memory_space<hbm>>
        tpu.wait_dma2 semaphore(%run_scoped3A : memref<!tpu.dma_semaphore, #tpu.memory_space<semaphore_mem>>) src(%dma_wait3A_137 : memref<8x128xi32, #tpu.memory_space<hbm>>) dst(%arg7 : memref<8x128xi32, #tpu.memory_space<vmem>>)
        tpu.yield
      }) : () -> ()
      %dma_start3A = arith.constant 0 : i32
      %dma_start3A_12 = arith.constant 0 : i32
      %dma_start3A_13 = tpu.memref_slice %arg7[%dma_start3A, %dma_start3A_12] : memref<8x128xi32, #tpu.memory_space<vmem>> -> memref<1x128xi32, #tpu.memory_space<vmem>>
      %dma_start3A_14 = tpu.memref_squeeze %dma_start3A_13 : memref<1x128xi32, #tpu.memory_space<vmem>> -> memref<128xi32, #tpu.memory_space<vmem>>
      %dma_start3A_15 = arith.constant 0 : i32
      %dma_start3A_16 = arith.constant 0 : i32
      %dma_start3A_17 = tpu.memref_slice %arg6[%dma_start3A_15, %dma_start3A_16] : memref<10112x128xf32, #tpu.memory_space<vmem_shared>> -> memref<10112x128xf32, #tpu.memory_space<vmem_shared>>
      tpu.enqueue_indirect_dma source(%arg8 : memref<128x128xf32, #tpu.memory_space<vmem>>) target(%dma_start3A_17 : memref<10112x128xf32, #tpu.memory_space<vmem_shared>>) offsets(%dma_start3A_14 : memref<128xi32, #tpu.memory_space<vmem>>) semaphore(%arg9 : memref<!tpu.dma_semaphore, #tpu.memory_space<semaphore_mem>>) {add = true}
      %dma_wait3A = arith.constant 0 : i32
      %dma_wait3A_18 = arith.constant 0 : i32
      %dma_wait3A_19 = tpu.memref_slice %arg7[%dma_wait3A, %dma_wait3A_18] : memref<8x128xi32, #tpu.memory_space<vmem>> -> memref<1x128xi32, #tpu.memory_space<vmem>>
      %dma_wait3A_20 = tpu.memref_squeeze %dma_wait3A_19 : memref<1x128xi32, #tpu.memory_space<vmem>> -> memref<128xi32, #tpu.memory_space<vmem>>
      %dma_wait3A_21 = arith.constant 0 : i32
      %dma_wait3A_22 = arith.constant 0 : i32
      %dma_wait3A_23 = tpu.memref_slice %arg6[%dma_wait3A_21, %dma_wait3A_22] : memref<10112x128xf32, #tpu.memory_space<vmem_shared>> -> memref<10112x128xf32, #tpu.memory_space<vmem_shared>>
      tpu.wait_indirect_dma semaphore(%arg9 : memref<!tpu.dma_semaphore, #tpu.memory_space<semaphore_mem>>) src(%arg8 : memref<128x128xf32, #tpu.memory_space<vmem>>) dst(%dma_wait3A_23 : memref<10112x128xf32, #tpu.memory_space<vmem_shared>>)
      %dma_start3A_24 = arith.constant 1 : i32
      %dma_start3A_25 = arith.constant 0 : i32
      %dma_start3A_26 = tpu.memref_slice %arg7[%dma_start3A_24, %dma_start3A_25] : memref<8x128xi32, #tpu.memory_space<vmem>> -> memref<1x128xi32, #tpu.memory_space<vmem>>
      %dma_start3A_27 = tpu.memref_squeeze %dma_start3A_26 : memref<1x128xi32, #tpu.memory_space<vmem>> -> memref<128xi32, #tpu.memory_space<vmem>>
      %dma_start3A_28 = arith.constant 0 : i32
      %dma_start3A_29 = arith.constant 0 : i32
      %dma_start3A_30 = tpu.memref_slice %arg6[%dma_start3A_28, %dma_start3A_29] : memref<10112x128xf32, #tpu.memory_space<vmem_shared>> -> memref<10112x128xf32, #tpu.memory_space<vmem_shared>>
      tpu.enqueue_indirect_dma source(%arg8 : memref<128x128xf32, #tpu.memory_space<vmem>>) target(%dma_start3A_30 : memref<10112x128xf32, #tpu.memory_space<vmem_shared>>) offsets(%dma_start3A_27 : memref<128xi32, #tpu.memory_space<vmem>>) semaphore(%arg9 : memref<!tpu.dma_semaphore, #tpu.memory_space<semaphore_mem>>) {add = true}
      %dma_wait3A_31 = arith.constant 1 : i32
      %dma_wait3A_32 = arith.constant 0 : i32
      %dma_wait3A_33 = tpu.memref_slice %arg7[%dma_wait3A_31, %dma_wait3A_32] : memref<8x128xi32, #tpu.memory_space<vmem>> -> memref<1x128xi32, #tpu.memory_space<vmem>>
      %dma_wait3A_34 = tpu.memref_squeeze %dma_wait3A_33 : memref<1x128xi32, #tpu.memory_space<vmem>> -> memref<128xi32, #tpu.memory_space<vmem>>
      %dma_wait3A_35 = arith.constant 0 : i32
      %dma_wait3A_36 = arith.constant 0 : i32
      %dma_wait3A_37 = tpu.memref_slice %arg6[%dma_wait3A_35, %dma_wait3A_36] : memref<10112x128xf32, #tpu.memory_space<vmem_shared>> -> memref<10112x128xf32, #tpu.memory_space<vmem_shared>>
      tpu.wait_indirect_dma semaphore(%arg9 : memref<!tpu.dma_semaphore, #tpu.memory_space<semaphore_mem>>) src(%arg8 : memref<128x128xf32, #tpu.memory_space<vmem>>) dst(%dma_wait3A_37 : memref<10112x128xf32, #tpu.memory_space<vmem_shared>>)
      %dma_start3A_38 = arith.constant 2 : i32
      %dma_start3A_39 = arith.constant 0 : i32
      %dma_start3A_40 = tpu.memref_slice %arg7[%dma_start3A_38, %dma_start3A_39] : memref<8x128xi32, #tpu.memory_space<vmem>> -> memref<1x128xi32, #tpu.memory_space<vmem>>
      %dma_start3A_41 = tpu.memref_squeeze %dma_start3A_40 : memref<1x128xi32, #tpu.memory_space<vmem>> -> memref<128xi32, #tpu.memory_space<vmem>>
      %dma_start3A_42 = arith.constant 0 : i32
      %dma_start3A_43 = arith.constant 0 : i32
      %dma_start3A_44 = tpu.memref_slice %arg6[%dma_start3A_42, %dma_start3A_43] : memref<10112x128xf32, #tpu.memory_space<vmem_shared>> -> memref<10112x128xf32, #tpu.memory_space<vmem_shared>>
      tpu.enqueue_indirect_dma source(%arg8 : memref<128x128xf32, #tpu.memory_space<vmem>>) target(%dma_start3A_44 : memref<10112x128xf32, #tpu.memory_space<vmem_shared>>) offsets(%dma_start3A_41 : memref<128xi32, #tpu.memory_space<vmem>>) semaphore(%arg9 : memref<!tpu.dma_semaphore, #tpu.memory_space<semaphore_mem>>) {add = true}
      %dma_wait3A_45 = arith.constant 2 : i32
      %dma_wait3A_46 = arith.constant 0 : i32
      %dma_wait3A_47 = tpu.memref_slice %arg7[%dma_wait3A_45, %dma_wait3A_46] : memref<8x128xi32, #tpu.memory_space<vmem>> -> memref<1x128xi32, #tpu.memory_space<vmem>>
      %dma_wait3A_48 = tpu.memref_squeeze %dma_wait3A_47 : memref<1x128xi32, #tpu.memory_space<vmem>> -> memref<128xi32, #tpu.memory_space<vmem>>
      %dma_wait3A_49 = arith.constant 0 : i32
      %dma_wait3A_50 = arith.constant 0 : i32
      %dma_wait3A_51 = tpu.memref_slice %arg6[%dma_wait3A_49, %dma_wait3A_50] : memref<10112x128xf32, #tpu.memory_space<vmem_shared>> -> memref<10112x128xf32, #tpu.memory_space<vmem_shared>>
      tpu.wait_indirect_dma semaphore(%arg9 : memref<!tpu.dma_semaphore, #tpu.memory_space<semaphore_mem>>) src(%arg8 : memref<128x128xf32, #tpu.memory_space<vmem>>) dst(%dma_wait3A_51 : memref<10112x128xf32, #tpu.memory_space<vmem_shared>>)
      %dma_start3A_52 = arith.constant 3 : i32
      %dma_start3A_53 = arith.constant 0 : i32
      %dma_start3A_54 = tpu.memref_slice %arg7[%dma_start3A_52, %dma_start3A_53] : memref<8x128xi32, #tpu.memory_space<vmem>> -> memref<1x128xi32, #tpu.memory_space<vmem>>
      %dma_start3A_55 = tpu.memref_squeeze %dma_start3A_54 : memref<1x128xi32, #tpu.memory_space<vmem>> -> memref<128xi32, #tpu.memory_space<vmem>>
      %dma_start3A_56 = arith.constant 0 : i32
      %dma_start3A_57 = arith.constant 0 : i32
      %dma_start3A_58 = tpu.memref_slice %arg6[%dma_start3A_56, %dma_start3A_57] : memref<10112x128xf32, #tpu.memory_space<vmem_shared>> -> memref<10112x128xf32, #tpu.memory_space<vmem_shared>>
      tpu.enqueue_indirect_dma source(%arg8 : memref<128x128xf32, #tpu.memory_space<vmem>>) target(%dma_start3A_58 : memref<10112x128xf32, #tpu.memory_space<vmem_shared>>) offsets(%dma_start3A_55 : memref<128xi32, #tpu.memory_space<vmem>>) semaphore(%arg9 : memref<!tpu.dma_semaphore, #tpu.memory_space<semaphore_mem>>) {add = true}
      %dma_wait3A_59 = arith.constant 3 : i32
      %dma_wait3A_60 = arith.constant 0 : i32
      %dma_wait3A_61 = tpu.memref_slice %arg7[%dma_wait3A_59, %dma_wait3A_60] : memref<8x128xi32, #tpu.memory_space<vmem>> -> memref<1x128xi32, #tpu.memory_space<vmem>>
      %dma_wait3A_62 = tpu.memref_squeeze %dma_wait3A_61 : memref<1x128xi32, #tpu.memory_space<vmem>> -> memref<128xi32, #tpu.memory_space<vmem>>
      %dma_wait3A_63 = arith.constant 0 : i32
      %dma_wait3A_64 = arith.constant 0 : i32
      %dma_wait3A_65 = tpu.memref_slice %arg6[%dma_wait3A_63, %dma_wait3A_64] : memref<10112x128xf32, #tpu.memory_space<vmem_shared>> -> memref<10112x128xf32, #tpu.memory_space<vmem_shared>>
      tpu.wait_indirect_dma semaphore(%arg9 : memref<!tpu.dma_semaphore, #tpu.memory_space<semaphore_mem>>) src(%arg8 : memref<128x128xf32, #tpu.memory_space<vmem>>) dst(%dma_wait3A_65 : memref<10112x128xf32, #tpu.memory_space<vmem_shared>>)
      %dma_start3A_66 = arith.constant 4 : i32
      %dma_start3A_67 = arith.constant 0 : i32
      %dma_start3A_68 = tpu.memref_slice %arg7[%dma_start3A_66, %dma_start3A_67] : memref<8x128xi32, #tpu.memory_space<vmem>> -> memref<1x128xi32, #tpu.memory_space<vmem>>
      %dma_start3A_69 = tpu.memref_squeeze %dma_start3A_68 : memref<1x128xi32, #tpu.memory_space<vmem>> -> memref<128xi32, #tpu.memory_space<vmem>>
      %dma_start3A_70 = arith.constant 0 : i32
      %dma_start3A_71 = arith.constant 0 : i32
      %dma_start3A_72 = tpu.memref_slice %arg6[%dma_start3A_70, %dma_start3A_71] : memref<10112x128xf32, #tpu.memory_space<vmem_shared>> -> memref<10112x128xf32, #tpu.memory_space<vmem_shared>>
      tpu.enqueue_indirect_dma source(%arg8 : memref<128x128xf32, #tpu.memory_space<vmem>>) target(%dma_start3A_72 : memref<10112x128xf32, #tpu.memory_space<vmem_shared>>) offsets(%dma_start3A_69 : memref<128xi32, #tpu.memory_space<vmem>>) semaphore(%arg9 : memref<!tpu.dma_semaphore, #tpu.memory_space<semaphore_mem>>) {add = true}
      %dma_wait3A_73 = arith.constant 4 : i32
      %dma_wait3A_74 = arith.constant 0 : i32
      %dma_wait3A_75 = tpu.memref_slice %arg7[%dma_wait3A_73, %dma_wait3A_74] : memref<8x128xi32, #tpu.memory_space<vmem>> -> memref<1x128xi32, #tpu.memory_space<vmem>>
      %dma_wait3A_76 = tpu.memref_squeeze %dma_wait3A_75 : memref<1x128xi32, #tpu.memory_space<vmem>> -> memref<128xi32, #tpu.memory_space<vmem>>
      %dma_wait3A_77 = arith.constant 0 : i32
      %dma_wait3A_78 = arith.constant 0 : i32
      %dma_wait3A_79 = tpu.memref_slice %arg6[%dma_wait3A_77, %dma_wait3A_78] : memref<10112x128xf32, #tpu.memory_space<vmem_shared>> -> memref<10112x128xf32, #tpu.memory_space<vmem_shared>>
      tpu.wait_indirect_dma semaphore(%arg9 : memref<!tpu.dma_semaphore, #tpu.memory_space<semaphore_mem>>) src(%arg8 : memref<128x128xf32, #tpu.memory_space<vmem>>) dst(%dma_wait3A_79 : memref<10112x128xf32, #tpu.memory_space<vmem_shared>>)
      %dma_start3A_80 = arith.constant 5 : i32
      %dma_start3A_81 = arith.constant 0 : i32
      %dma_start3A_82 = tpu.memref_slice %arg7[%dma_start3A_80, %dma_start3A_81] : memref<8x128xi32, #tpu.memory_space<vmem>> -> memref<1x128xi32, #tpu.memory_space<vmem>>
      %dma_start3A_83 = tpu.memref_squeeze %dma_start3A_82 : memref<1x128xi32, #tpu.memory_space<vmem>> -> memref<128xi32, #tpu.memory_space<vmem>>
      %dma_start3A_84 = arith.constant 0 : i32
      %dma_start3A_85 = arith.constant 0 : i32
      %dma_start3A_86 = tpu.memref_slice %arg6[%dma_start3A_84, %dma_start3A_85] : memref<10112x128xf32, #tpu.memory_space<vmem_shared>> -> memref<10112x128xf32, #tpu.memory_space<vmem_shared>>
      tpu.enqueue_indirect_dma source(%arg8 : memref<128x128xf32, #tpu.memory_space<vmem>>) target(%dma_start3A_86 : memref<10112x128xf32, #tpu.memory_space<vmem_shared>>) offsets(%dma_start3A_83 : memref<128xi32, #tpu.memory_space<vmem>>) semaphore(%arg9 : memref<!tpu.dma_semaphore, #tpu.memory_space<semaphore_mem>>) {add = true}
      %dma_wait3A_87 = arith.constant 5 : i32
      %dma_wait3A_88 = arith.constant 0 : i32
      %dma_wait3A_89 = tpu.memref_slice %arg7[%dma_wait3A_87, %dma_wait3A_88] : memref<8x128xi32, #tpu.memory_space<vmem>> -> memref<1x128xi32, #tpu.memory_space<vmem>>
      %dma_wait3A_90 = tpu.memref_squeeze %dma_wait3A_89 : memref<1x128xi32, #tpu.memory_space<vmem>> -> memref<128xi32, #tpu.memory_space<vmem>>
      %dma_wait3A_91 = arith.constant 0 : i32
      %dma_wait3A_92 = arith.constant 0 : i32
      %dma_wait3A_93 = tpu.memref_slice %arg6[%dma_wait3A_91, %dma_wait3A_92] : memref<10112x128xf32, #tpu.memory_space<vmem_shared>> -> memref<10112x128xf32, #tpu.memory_space<vmem_shared>>
      tpu.wait_indirect_dma semaphore(%arg9 : memref<!tpu.dma_semaphore, #tpu.memory_space<semaphore_mem>>) src(%arg8 : memref<128x128xf32, #tpu.memory_space<vmem>>) dst(%dma_wait3A_93 : memref<10112x128xf32, #tpu.memory_space<vmem_shared>>)
      %dma_start3A_94 = arith.constant 6 : i32
      %dma_start3A_95 = arith.constant 0 : i32
      %dma_start3A_96 = tpu.memref_slice %arg7[%dma_start3A_94, %dma_start3A_95] : memref<8x128xi32, #tpu.memory_space<vmem>> -> memref<1x128xi32, #tpu.memory_space<vmem>>
      %dma_start3A_97 = tpu.memref_squeeze %dma_start3A_96 : memref<1x128xi32, #tpu.memory_space<vmem>> -> memref<128xi32, #tpu.memory_space<vmem>>
      %dma_start3A_98 = arith.constant 0 : i32
      %dma_start3A_99 = arith.constant 0 : i32
      %dma_start3A_100 = tpu.memref_slice %arg6[%dma_start3A_98, %dma_start3A_99] : memref<10112x128xf32, #tpu.memory_space<vmem_shared>> -> memref<10112x128xf32, #tpu.memory_space<vmem_shared>>
      tpu.enqueue_indirect_dma source(%arg8 : memref<128x128xf32, #tpu.memory_space<vmem>>) target(%dma_start3A_100 : memref<10112x128xf32, #tpu.memory_space<vmem_shared>>) offsets(%dma_start3A_97 : memref<128xi32, #tpu.memory_space<vmem>>) semaphore(%arg9 : memref<!tpu.dma_semaphore, #tpu.memory_space<semaphore_mem>>) {add = true}
      %dma_wait3A_101 = arith.constant 6 : i32
      %dma_wait3A_102 = arith.constant 0 : i32
      %dma_wait3A_103 = tpu.memref_slice %arg7[%dma_wait3A_101, %dma_wait3A_102] : memref<8x128xi32, #tpu.memory_space<vmem>> -> memref<1x128xi32, #tpu.memory_space<vmem>>
      %dma_wait3A_104 = tpu.memref_squeeze %dma_wait3A_103 : memref<1x128xi32, #tpu.memory_space<vmem>> -> memref<128xi32, #tpu.memory_space<vmem>>
      %dma_wait3A_105 = arith.constant 0 : i32
      %dma_wait3A_106 = arith.constant 0 : i32
      %dma_wait3A_107 = tpu.memref_slice %arg6[%dma_wait3A_105, %dma_wait3A_106] : memref<10112x128xf32, #tpu.memory_space<vmem_shared>> -> memref<10112x128xf32, #tpu.memory_space<vmem_shared>>
      tpu.wait_indirect_dma semaphore(%arg9 : memref<!tpu.dma_semaphore, #tpu.memory_space<semaphore_mem>>) src(%arg8 : memref<128x128xf32, #tpu.memory_space<vmem>>) dst(%dma_wait3A_107 : memref<10112x128xf32, #tpu.memory_space<vmem_shared>>)
      %dma_start3A_108 = arith.constant 7 : i32
      %dma_start3A_109 = arith.constant 0 : i32
      %dma_start3A_110 = tpu.memref_slice %arg7[%dma_start3A_108, %dma_start3A_109] : memref<8x128xi32, #tpu.memory_space<vmem>> -> memref<1x128xi32, #tpu.memory_space<vmem>>
      %dma_start3A_111 = tpu.memref_squeeze %dma_start3A_110 : memref<1x128xi32, #tpu.memory_space<vmem>> -> memref<128xi32, #tpu.memory_space<vmem>>
      %dma_start3A_112 = arith.constant 0 : i32
      %dma_start3A_113 = arith.constant 0 : i32
      %dma_start3A_114 = tpu.memref_slice %arg6[%dma_start3A_112, %dma_start3A_113] : memref<10112x128xf32, #tpu.memory_space<vmem_shared>> -> memref<10112x128xf32, #tpu.memory_space<vmem_shared>>
      tpu.enqueue_indirect_dma source(%arg8 : memref<128x128xf32, #tpu.memory_space<vmem>>) target(%dma_start3A_114 : memref<10112x128xf32, #tpu.memory_space<vmem_shared>>) offsets(%dma_start3A_111 : memref<128xi32, #tpu.memory_space<vmem>>) semaphore(%arg9 : memref<!tpu.dma_semaphore, #tpu.memory_space<semaphore_mem>>) {add = true}
      %dma_wait3A_115 = arith.constant 7 : i32
      %dma_wait3A_116 = arith.constant 0 : i32
      %dma_wait3A_117 = tpu.memref_slice %arg7[%dma_wait3A_115, %dma_wait3A_116] : memref<8x128xi32, #tpu.memory_space<vmem>> -> memref<1x128xi32, #tpu.memory_space<vmem>>
      %dma_wait3A_118 = tpu.memref_squeeze %dma_wait3A_117 : memref<1x128xi32, #tpu.memory_space<vmem>> -> memref<128xi32, #tpu.memory_space<vmem>>
      %dma_wait3A_119 = arith.constant 0 : i32
      %dma_wait3A_120 = arith.constant 0 : i32
      %dma_wait3A_121 = tpu.memref_slice %arg6[%dma_wait3A_119, %dma_wait3A_120] : memref<10112x128xf32, #tpu.memory_space<vmem_shared>> -> memref<10112x128xf32, #tpu.memory_space<vmem_shared>>
      tpu.wait_indirect_dma semaphore(%arg9 : memref<!tpu.dma_semaphore, #tpu.memory_space<semaphore_mem>>) src(%arg8 : memref<128x128xf32, #tpu.memory_space<vmem>>) dst(%dma_wait3A_121 : memref<10112x128xf32, #tpu.memory_space<vmem_shared>>)
    }
    %scan3A_5 = arith.constant 20 : i32
    %barrier3A_6 = arith.constant 0 : index
    tpu.barrier barrier_id(%barrier3A_6)
    %mul3A_7 = arith.constant 632 : i32
    %mul3A_8 = arith.muli %arg1, %mul3A_7 : i32
    %mul3A_9 = arith.constant 640 : i32
    %mul3A_10 = arith.muli %arg1, %mul3A_9 : i32
    "tpu.region"() ({
      %run_scoped3A = tpu.sem_alloc : memref<!tpu.dma_semaphore, #tpu.memory_space<semaphore_mem>>
      %dma_start3A = arith.constant 0 : i32
      %dma_start3A_11 = tpu.memref_slice %arg5[%arg0, %mul3A_10, %dma_start3A] : memref<2x10240x128xf32, #tpu.memory_space<hbm>> -> memref<1x632x128xf32, #tpu.memory_space<hbm>>
      %dma_start3A_12 = tpu.memref_squeeze %dma_start3A_11 : memref<1x632x128xf32, #tpu.memory_space<hbm>> -> memref<632x128xf32, #tpu.memory_space<hbm>>
      %dma_start3A_13 = arith.constant 0 : i32
      %dma_start3A_14 = tpu.memref_slice %arg6[%mul3A_8, %dma_start3A_13] : memref<10112x128xf32, #tpu.memory_space<vmem_shared>> -> memref<632x128xf32, #tpu.memory_space<vmem_shared>>
      tpu.enqueue_dma source(%dma_start3A_14 : memref<632x128xf32, #tpu.memory_space<vmem_shared>>) target(%dma_start3A_12 : memref<632x128xf32, #tpu.memory_space<hbm>>) target_semaphore(%run_scoped3A : memref<!tpu.dma_semaphore, #tpu.memory_space<semaphore_mem>>)
      %dma_wait3A = arith.constant 0 : i32
      %dma_wait3A_15 = tpu.memref_slice %arg5[%arg0, %mul3A_10, %dma_wait3A] : memref<2x10240x128xf32, #tpu.memory_space<hbm>> -> memref<1x632x128xf32, #tpu.memory_space<hbm>>
      %dma_wait3A_16 = tpu.memref_squeeze %dma_wait3A_15 : memref<1x632x128xf32, #tpu.memory_space<hbm>> -> memref<632x128xf32, #tpu.memory_space<hbm>>
      %dma_wait3A_17 = arith.constant 0 : i32
      %dma_wait3A_18 = tpu.memref_slice %arg6[%mul3A_8, %dma_wait3A_17] : memref<10112x128xf32, #tpu.memory_space<vmem_shared>> -> memref<632x128xf32, #tpu.memory_space<vmem_shared>>
      tpu.wait_dma2 semaphore(%run_scoped3A : memref<!tpu.dma_semaphore, #tpu.memory_space<semaphore_mem>>) src(%dma_wait3A_18 : memref<632x128xf32, #tpu.memory_space<vmem_shared>>) dst(%dma_wait3A_16 : memref<632x128xf32, #tpu.memory_space<hbm>>)
      tpu.yield
    }) : () -> ()
    return
  }
}

#map = affine_map<(d0, d1) -> (0, 0)>
#map1 = affine_map<(d0, d1) -> (0, 0, 0, 0, 0)>
#map2 = affine_map<(d0, d1) -> (0, 0, 0)>
module attributes {stable_mosaic.version = 14 : i64} {
  func.func @spmm(%arg0: i32, %arg1: i32, %arg2: memref<20000x128xf32, #tpu.memory_space<hbm>>, %arg3: memref<2x16x20x8x128xi32, #tpu.memory_space<hbm>>, %arg4: memref<2x16x20x8x128xi32, #tpu.memory_space<hbm>>, %arg5: memref<632x128xf32, #tpu.memory_space<hbm>>, %arg6: memref<2x10240x128xf32, #tpu.memory_space<hbm>>, %arg7: memref<10112x128xf32, #tpu.memory_space<vmem_shared>>, %arg8: memref<8x128xi32, #tpu.memory_space<vmem>>, %arg9: memref<8x128xi32, #tpu.memory_space<vmem>>, %arg10: memref<128x128xf32, #tpu.memory_space<vmem>>, %arg11: memref<128x128xf32, #tpu.memory_space<vmem>>, %arg12: memref<!tpu.dma_semaphore, #tpu.memory_space<semaphore_mem>>, %arg13: memref<!tpu.dma_semaphore, #tpu.memory_space<semaphore_mem>>, %arg14: memref<!tpu.dma_semaphore, #tpu.memory_space<semaphore_mem>>, %arg15: memref<!tpu.dma_semaphore, #tpu.memory_space<semaphore_mem>>) attributes {dimension_semantics = [#tpu.dimension_semantics<core_parallel>, #tpu.dimension_semantics<subcore_parallel>], iteration_bounds = array<i64: 2, 16>, scalar_prefetch = 0 : i64, scratch_operands = 9 : i64, tpu.core_type = #tpu.core_type<sc_vector_subcore>, window_params = [{transform_indices = #map}, {transform_indices = #map1}, {transform_indices = #map1}, {transform_indices = #map}, {transform_indices = #map2}]} {
    %mul3A = arith.constant 632 : i32
    %mul3A_0 = arith.muli %arg1, %mul3A : i32
    "tpu.region"() ({
      %run_scoped3A = tpu.sem_alloc : memref<!tpu.dma_semaphore, #tpu.memory_space<semaphore_mem>>
      %dma_start3A = arith.constant 0 : i32
      %dma_start3A_11 = tpu.memref_slice %arg7[%mul3A_0, %dma_start3A] : memref<10112x128xf32, #tpu.memory_space<vmem_shared>> -> memref<632x128xf32, #tpu.memory_space<vmem_shared>>
      tpu.enqueue_dma source(%arg5 : memref<632x128xf32, #tpu.memory_space<hbm>>) target(%dma_start3A_11 : memref<632x128xf32, #tpu.memory_space<vmem_shared>>) target_semaphore(%run_scoped3A : memref<!tpu.dma_semaphore, #tpu.memory_space<semaphore_mem>>)
      %dma_wait3A = arith.constant 0 : i32
      %dma_wait3A_12 = tpu.memref_slice %arg7[%mul3A_0, %dma_wait3A] : memref<10112x128xf32, #tpu.memory_space<vmem_shared>> -> memref<632x128xf32, #tpu.memory_space<vmem_shared>>
      tpu.wait_dma2 semaphore(%run_scoped3A : memref<!tpu.dma_semaphore, #tpu.memory_space<semaphore_mem>>) src(%arg5 : memref<632x128xf32, #tpu.memory_space<hbm>>) dst(%dma_wait3A_12 : memref<632x128xf32, #tpu.memory_space<vmem_shared>>)
      tpu.yield
    }) : () -> ()
    %barrier3A = arith.constant 0 : index
    tpu.barrier barrier_id(%barrier3A)
    %scan3A = arith.constant 0 : i32
    %scan3A_1 = arith.constant 0 : i32
    %scan3A_2 = arith.constant 20 : i32
    %scan3A_3 = arith.addi %scan3A_1, %scan3A_2 : i32
    %scan3A_4 = arith.constant 1 : i32
    scf.for %scan3A_11 = %scan3A_1 to %scan3A_3 step %scan3A_4  : i32 {
      "tpu.region"() ({
        %run_scoped3A = tpu.sem_alloc : memref<!tpu.dma_semaphore, #tpu.memory_space<semaphore_mem>>
        %dma_start3A_234 = arith.constant 0 : i32
        %dma_start3A_235 = arith.constant 0 : i32
        %dma_start3A_236 = tpu.memref_slice %arg3[%arg0, %arg1, %scan3A_11, %dma_start3A_234, %dma_start3A_235] : memref<2x16x20x8x128xi32, #tpu.memory_space<hbm>> -> memref<1x1x1x8x128xi32, #tpu.memory_space<hbm>>
        %dma_start3A_237 = tpu.memref_squeeze %dma_start3A_236 : memref<1x1x1x8x128xi32, #tpu.memory_space<hbm>> -> memref<8x128xi32, #tpu.memory_space<hbm>>
        %dma_start3A_238 = arith.constant 0 : i32
        %dma_start3A_239 = arith.constant 0 : i32
        %dma_start3A_240 = tpu.memref_slice %arg3[%arg0, %arg1, %scan3A_11, %dma_start3A_238, %dma_start3A_239] : memref<2x16x20x8x128xi32, #tpu.memory_space<hbm>> -> memref<1x1x1x8x128xi32, #tpu.memory_space<hbm>>
        %dma_start3A_241 = tpu.memref_squeeze %dma_start3A_240 : memref<1x1x1x8x128xi32, #tpu.memory_space<hbm>> -> memref<8x128xi32, #tpu.memory_space<hbm>>
        tpu.enqueue_dma source(%dma_start3A_241 : memref<8x128xi32, #tpu.memory_space<hbm>>) target(%arg8 : memref<8x128xi32, #tpu.memory_space<vmem>>) target_semaphore(%run_scoped3A : memref<!tpu.dma_semaphore, #tpu.memory_space<semaphore_mem>>)
        %dma_wait3A_242 = arith.constant 0 : i32
        %dma_wait3A_243 = arith.constant 0 : i32
        %dma_wait3A_244 = tpu.memref_slice %arg3[%arg0, %arg1, %scan3A_11, %dma_wait3A_242, %dma_wait3A_243] : memref<2x16x20x8x128xi32, #tpu.memory_space<hbm>> -> memref<1x1x1x8x128xi32, #tpu.memory_space<hbm>>
        %dma_wait3A_245 = tpu.memref_squeeze %dma_wait3A_244 : memref<1x1x1x8x128xi32, #tpu.memory_space<hbm>> -> memref<8x128xi32, #tpu.memory_space<hbm>>
        %dma_wait3A_246 = arith.constant 0 : i32
        %dma_wait3A_247 = arith.constant 0 : i32
        %dma_wait3A_248 = tpu.memref_slice %arg3[%arg0, %arg1, %scan3A_11, %dma_wait3A_246, %dma_wait3A_247] : memref<2x16x20x8x128xi32, #tpu.memory_space<hbm>> -> memref<1x1x1x8x128xi32, #tpu.memory_space<hbm>>
        %dma_wait3A_249 = tpu.memref_squeeze %dma_wait3A_248 : memref<1x1x1x8x128xi32, #tpu.memory_space<hbm>> -> memref<8x128xi32, #tpu.memory_space<hbm>>
        tpu.wait_dma2 semaphore(%run_scoped3A : memref<!tpu.dma_semaphore, #tpu.memory_space<semaphore_mem>>) src(%dma_wait3A_249 : memref<8x128xi32, #tpu.memory_space<hbm>>) dst(%arg8 : memref<8x128xi32, #tpu.memory_space<vmem>>)
        tpu.yield
      }) : () -> ()
      "tpu.region"() ({
        %run_scoped3A = tpu.sem_alloc : memref<!tpu.dma_semaphore, #tpu.memory_space<semaphore_mem>>
        %dma_start3A_234 = arith.constant 0 : i32
        %dma_start3A_235 = arith.constant 0 : i32
        %dma_start3A_236 = tpu.memref_slice %arg4[%arg0, %arg1, %scan3A_11, %dma_start3A_234, %dma_start3A_235] : memref<2x16x20x8x128xi32, #tpu.memory_space<hbm>> -> memref<1x1x1x8x128xi32, #tpu.memory_space<hbm>>
        %dma_start3A_237 = tpu.memref_squeeze %dma_start3A_236 : memref<1x1x1x8x128xi32, #tpu.memory_space<hbm>> -> memref<8x128xi32, #tpu.memory_space<hbm>>
        %dma_start3A_238 = arith.constant 0 : i32
        %dma_start3A_239 = arith.constant 0 : i32
        %dma_start3A_240 = tpu.memref_slice %arg4[%arg0, %arg1, %scan3A_11, %dma_start3A_238, %dma_start3A_239] : memref<2x16x20x8x128xi32, #tpu.memory_space<hbm>> -> memref<1x1x1x8x128xi32, #tpu.memory_space<hbm>>
        %dma_start3A_241 = tpu.memref_squeeze %dma_start3A_240 : memref<1x1x1x8x128xi32, #tpu.memory_space<hbm>> -> memref<8x128xi32, #tpu.memory_space<hbm>>
        tpu.enqueue_dma source(%dma_start3A_241 : memref<8x128xi32, #tpu.memory_space<hbm>>) target(%arg9 : memref<8x128xi32, #tpu.memory_space<vmem>>) target_semaphore(%run_scoped3A : memref<!tpu.dma_semaphore, #tpu.memory_space<semaphore_mem>>)
        %dma_wait3A_242 = arith.constant 0 : i32
        %dma_wait3A_243 = arith.constant 0 : i32
        %dma_wait3A_244 = tpu.memref_slice %arg4[%arg0, %arg1, %scan3A_11, %dma_wait3A_242, %dma_wait3A_243] : memref<2x16x20x8x128xi32, #tpu.memory_space<hbm>> -> memref<1x1x1x8x128xi32, #tpu.memory_space<hbm>>
        %dma_wait3A_245 = tpu.memref_squeeze %dma_wait3A_244 : memref<1x1x1x8x128xi32, #tpu.memory_space<hbm>> -> memref<8x128xi32, #tpu.memory_space<hbm>>
        %dma_wait3A_246 = arith.constant 0 : i32
        %dma_wait3A_247 = arith.constant 0 : i32
        %dma_wait3A_248 = tpu.memref_slice %arg4[%arg0, %arg1, %scan3A_11, %dma_wait3A_246, %dma_wait3A_247] : memref<2x16x20x8x128xi32, #tpu.memory_space<hbm>> -> memref<1x1x1x8x128xi32, #tpu.memory_space<hbm>>
        %dma_wait3A_249 = tpu.memref_squeeze %dma_wait3A_248 : memref<1x1x1x8x128xi32, #tpu.memory_space<hbm>> -> memref<8x128xi32, #tpu.memory_space<hbm>>
        tpu.wait_dma2 semaphore(%run_scoped3A : memref<!tpu.dma_semaphore, #tpu.memory_space<semaphore_mem>>) src(%dma_wait3A_249 : memref<8x128xi32, #tpu.memory_space<hbm>>) dst(%arg9 : memref<8x128xi32, #tpu.memory_space<vmem>>)
        tpu.yield
      }) : () -> ()
      %dma_start3A = arith.constant 0 : i32
      %dma_start3A_12 = arith.constant 0 : i32
      %dma_start3A_13 = tpu.memref_slice %arg8[%dma_start3A, %dma_start3A_12] : memref<8x128xi32, #tpu.memory_space<vmem>> -> memref<1x128xi32, #tpu.memory_space<vmem>>
      %dma_start3A_14 = tpu.memref_squeeze %dma_start3A_13 : memref<1x128xi32, #tpu.memory_space<vmem>> -> memref<128xi32, #tpu.memory_space<vmem>>
      %dma_start3A_15 = arith.constant 0 : i32
      %dma_start3A_16 = arith.constant 0 : i32
      %dma_start3A_17 = tpu.memref_slice %arg2[%dma_start3A_15, %dma_start3A_16] : memref<20000x128xf32, #tpu.memory_space<hbm>> -> memref<20000x128xf32, #tpu.memory_space<hbm>>
      tpu.enqueue_indirect_dma source(%dma_start3A_17 : memref<20000x128xf32, #tpu.memory_space<hbm>>) target(%arg10 : memref<128x128xf32, #tpu.memory_space<vmem>>) offsets(%dma_start3A_14 : memref<128xi32, #tpu.memory_space<vmem>>) semaphore(%arg12 : memref<!tpu.dma_semaphore, #tpu.memory_space<semaphore_mem>>)
      %dma_start3A_18 = arith.constant 1 : i32
      %dma_start3A_19 = arith.constant 0 : i32
      %dma_start3A_20 = tpu.memref_slice %arg8[%dma_start3A_18, %dma_start3A_19] : memref<8x128xi32, #tpu.memory_space<vmem>> -> memref<1x128xi32, #tpu.memory_space<vmem>>
      %dma_start3A_21 = tpu.memref_squeeze %dma_start3A_20 : memref<1x128xi32, #tpu.memory_space<vmem>> -> memref<128xi32, #tpu.memory_space<vmem>>
      %dma_start3A_22 = arith.constant 0 : i32
      %dma_start3A_23 = arith.constant 0 : i32
      %dma_start3A_24 = tpu.memref_slice %arg2[%dma_start3A_22, %dma_start3A_23] : memref<20000x128xf32, #tpu.memory_space<hbm>> -> memref<20000x128xf32, #tpu.memory_space<hbm>>
      tpu.enqueue_indirect_dma source(%dma_start3A_24 : memref<20000x128xf32, #tpu.memory_space<hbm>>) target(%arg11 : memref<128x128xf32, #tpu.memory_space<vmem>>) offsets(%dma_start3A_21 : memref<128xi32, #tpu.memory_space<vmem>>) semaphore(%arg13 : memref<!tpu.dma_semaphore, #tpu.memory_space<semaphore_mem>>)
      %dma_wait3A = arith.constant 0 : i32
      %dma_wait3A_25 = arith.constant 0 : i32
      %dma_wait3A_26 = tpu.memref_slice %arg8[%dma_wait3A, %dma_wait3A_25] : memref<8x128xi32, #tpu.memory_space<vmem>> -> memref<1x128xi32, #tpu.memory_space<vmem>>
      %dma_wait3A_27 = tpu.memref_squeeze %dma_wait3A_26 : memref<1x128xi32, #tpu.memory_space<vmem>> -> memref<128xi32, #tpu.memory_space<vmem>>
      %dma_wait3A_28 = arith.constant 0 : i32
      %dma_wait3A_29 = arith.constant 0 : i32
      %dma_wait3A_30 = tpu.memref_slice %arg2[%dma_wait3A_28, %dma_wait3A_29] : memref<20000x128xf32, #tpu.memory_space<hbm>> -> memref<20000x128xf32, #tpu.memory_space<hbm>>
      tpu.wait_indirect_dma semaphore(%arg12 : memref<!tpu.dma_semaphore, #tpu.memory_space<semaphore_mem>>) src(%dma_wait3A_30 : memref<20000x128xf32, #tpu.memory_space<hbm>>) dst(%arg10 : memref<128x128xf32, #tpu.memory_space<vmem>>)
      %dma_wait3A_31 = arith.constant 1 : i32
      %dma_wait3A_32 = arith.constant 0 : i32
      %dma_wait3A_33 = tpu.memref_slice %arg8[%dma_wait3A_31, %dma_wait3A_32] : memref<8x128xi32, #tpu.memory_space<vmem>> -> memref<1x128xi32, #tpu.memory_space<vmem>>
      %dma_wait3A_34 = tpu.memref_squeeze %dma_wait3A_33 : memref<1x128xi32, #tpu.memory_space<vmem>> -> memref<128xi32, #tpu.memory_space<vmem>>
      %dma_wait3A_35 = arith.constant 0 : i32
      %dma_wait3A_36 = arith.constant 0 : i32
      %dma_wait3A_37 = tpu.memref_slice %arg2[%dma_wait3A_35, %dma_wait3A_36] : memref<20000x128xf32, #tpu.memory_space<hbm>> -> memref<20000x128xf32, #tpu.memory_space<hbm>>
      tpu.wait_indirect_dma semaphore(%arg13 : memref<!tpu.dma_semaphore, #tpu.memory_space<semaphore_mem>>) src(%dma_wait3A_37 : memref<20000x128xf32, #tpu.memory_space<hbm>>) dst(%arg11 : memref<128x128xf32, #tpu.memory_space<vmem>>)
      %dma_start3A_38 = arith.constant 0 : i32
      %dma_start3A_39 = arith.constant 0 : i32
      %dma_start3A_40 = tpu.memref_slice %arg9[%dma_start3A_38, %dma_start3A_39] : memref<8x128xi32, #tpu.memory_space<vmem>> -> memref<1x128xi32, #tpu.memory_space<vmem>>
      %dma_start3A_41 = tpu.memref_squeeze %dma_start3A_40 : memref<1x128xi32, #tpu.memory_space<vmem>> -> memref<128xi32, #tpu.memory_space<vmem>>
      %dma_start3A_42 = arith.constant 0 : i32
      %dma_start3A_43 = arith.constant 0 : i32
      %dma_start3A_44 = tpu.memref_slice %arg7[%dma_start3A_42, %dma_start3A_43] : memref<10112x128xf32, #tpu.memory_space<vmem_shared>> -> memref<10112x128xf32, #tpu.memory_space<vmem_shared>>
      tpu.enqueue_indirect_dma source(%arg10 : memref<128x128xf32, #tpu.memory_space<vmem>>) target(%dma_start3A_44 : memref<10112x128xf32, #tpu.memory_space<vmem_shared>>) offsets(%dma_start3A_41 : memref<128xi32, #tpu.memory_space<vmem>>) semaphore(%arg14 : memref<!tpu.dma_semaphore, #tpu.memory_space<semaphore_mem>>) {add = true}
      %dma_wait3A_45 = arith.constant 0 : i32
      %dma_wait3A_46 = arith.constant 0 : i32
      %dma_wait3A_47 = tpu.memref_slice %arg9[%dma_wait3A_45, %dma_wait3A_46] : memref<8x128xi32, #tpu.memory_space<vmem>> -> memref<1x128xi32, #tpu.memory_space<vmem>>
      %dma_wait3A_48 = tpu.memref_squeeze %dma_wait3A_47 : memref<1x128xi32, #tpu.memory_space<vmem>> -> memref<128xi32, #tpu.memory_space<vmem>>
      %dma_wait3A_49 = arith.constant 0 : i32
      %dma_wait3A_50 = arith.constant 0 : i32
      %dma_wait3A_51 = tpu.memref_slice %arg7[%dma_wait3A_49, %dma_wait3A_50] : memref<10112x128xf32, #tpu.memory_space<vmem_shared>> -> memref<10112x128xf32, #tpu.memory_space<vmem_shared>>
      tpu.wait_indirect_dma semaphore(%arg14 : memref<!tpu.dma_semaphore, #tpu.memory_space<semaphore_mem>>) src(%arg10 : memref<128x128xf32, #tpu.memory_space<vmem>>) dst(%dma_wait3A_51 : memref<10112x128xf32, #tpu.memory_space<vmem_shared>>)
      %dma_start3A_52 = arith.constant 1 : i32
      %dma_start3A_53 = arith.constant 0 : i32
      %dma_start3A_54 = tpu.memref_slice %arg9[%dma_start3A_52, %dma_start3A_53] : memref<8x128xi32, #tpu.memory_space<vmem>> -> memref<1x128xi32, #tpu.memory_space<vmem>>
      %dma_start3A_55 = tpu.memref_squeeze %dma_start3A_54 : memref<1x128xi32, #tpu.memory_space<vmem>> -> memref<128xi32, #tpu.memory_space<vmem>>
      %dma_start3A_56 = arith.constant 0 : i32
      %dma_start3A_57 = arith.constant 0 : i32
      %dma_start3A_58 = tpu.memref_slice %arg7[%dma_start3A_56, %dma_start3A_57] : memref<10112x128xf32, #tpu.memory_space<vmem_shared>> -> memref<10112x128xf32, #tpu.memory_space<vmem_shared>>
      tpu.enqueue_indirect_dma source(%arg11 : memref<128x128xf32, #tpu.memory_space<vmem>>) target(%dma_start3A_58 : memref<10112x128xf32, #tpu.memory_space<vmem_shared>>) offsets(%dma_start3A_55 : memref<128xi32, #tpu.memory_space<vmem>>) semaphore(%arg14 : memref<!tpu.dma_semaphore, #tpu.memory_space<semaphore_mem>>) {add = true}
      %dma_wait3A_59 = arith.constant 1 : i32
      %dma_wait3A_60 = arith.constant 0 : i32
      %dma_wait3A_61 = tpu.memref_slice %arg9[%dma_wait3A_59, %dma_wait3A_60] : memref<8x128xi32, #tpu.memory_space<vmem>> -> memref<1x128xi32, #tpu.memory_space<vmem>>
      %dma_wait3A_62 = tpu.memref_squeeze %dma_wait3A_61 : memref<1x128xi32, #tpu.memory_space<vmem>> -> memref<128xi32, #tpu.memory_space<vmem>>
      %dma_wait3A_63 = arith.constant 0 : i32
      %dma_wait3A_64 = arith.constant 0 : i32
      %dma_wait3A_65 = tpu.memref_slice %arg7[%dma_wait3A_63, %dma_wait3A_64] : memref<10112x128xf32, #tpu.memory_space<vmem_shared>> -> memref<10112x128xf32, #tpu.memory_space<vmem_shared>>
      tpu.wait_indirect_dma semaphore(%arg14 : memref<!tpu.dma_semaphore, #tpu.memory_space<semaphore_mem>>) src(%arg11 : memref<128x128xf32, #tpu.memory_space<vmem>>) dst(%dma_wait3A_65 : memref<10112x128xf32, #tpu.memory_space<vmem_shared>>)
      %dma_start3A_66 = arith.constant 2 : i32
      %dma_start3A_67 = arith.constant 0 : i32
      %dma_start3A_68 = tpu.memref_slice %arg8[%dma_start3A_66, %dma_start3A_67] : memref<8x128xi32, #tpu.memory_space<vmem>> -> memref<1x128xi32, #tpu.memory_space<vmem>>
      %dma_start3A_69 = tpu.memref_squeeze %dma_start3A_68 : memref<1x128xi32, #tpu.memory_space<vmem>> -> memref<128xi32, #tpu.memory_space<vmem>>
      %dma_start3A_70 = arith.constant 0 : i32
      %dma_start3A_71 = arith.constant 0 : i32
      %dma_start3A_72 = tpu.memref_slice %arg2[%dma_start3A_70, %dma_start3A_71] : memref<20000x128xf32, #tpu.memory_space<hbm>> -> memref<20000x128xf32, #tpu.memory_space<hbm>>
      tpu.enqueue_indirect_dma source(%dma_start3A_72 : memref<20000x128xf32, #tpu.memory_space<hbm>>) target(%arg10 : memref<128x128xf32, #tpu.memory_space<vmem>>) offsets(%dma_start3A_69 : memref<128xi32, #tpu.memory_space<vmem>>) semaphore(%arg12 : memref<!tpu.dma_semaphore, #tpu.memory_space<semaphore_mem>>)
      %dma_start3A_73 = arith.constant 3 : i32
      %dma_start3A_74 = arith.constant 0 : i32
      %dma_start3A_75 = tpu.memref_slice %arg8[%dma_start3A_73, %dma_start3A_74] : memref<8x128xi32, #tpu.memory_space<vmem>> -> memref<1x128xi32, #tpu.memory_space<vmem>>
      %dma_start3A_76 = tpu.memref_squeeze %dma_start3A_75 : memref<1x128xi32, #tpu.memory_space<vmem>> -> memref<128xi32, #tpu.memory_space<vmem>>
      %dma_start3A_77 = arith.constant 0 : i32
      %dma_start3A_78 = arith.constant 0 : i32
      %dma_start3A_79 = tpu.memref_slice %arg2[%dma_start3A_77, %dma_start3A_78] : memref<20000x128xf32, #tpu.memory_space<hbm>> -> memref<20000x128xf32, #tpu.memory_space<hbm>>
      tpu.enqueue_indirect_dma source(%dma_start3A_79 : memref<20000x128xf32, #tpu.memory_space<hbm>>) target(%arg11 : memref<128x128xf32, #tpu.memory_space<vmem>>) offsets(%dma_start3A_76 : memref<128xi32, #tpu.memory_space<vmem>>) semaphore(%arg13 : memref<!tpu.dma_semaphore, #tpu.memory_space<semaphore_mem>>)
      %dma_wait3A_80 = arith.constant 2 : i32
      %dma_wait3A_81 = arith.constant 0 : i32
      %dma_wait3A_82 = tpu.memref_slice %arg8[%dma_wait3A_80, %dma_wait3A_81] : memref<8x128xi32, #tpu.memory_space<vmem>> -> memref<1x128xi32, #tpu.memory_space<vmem>>
      %dma_wait3A_83 = tpu.memref_squeeze %dma_wait3A_82 : memref<1x128xi32, #tpu.memory_space<vmem>> -> memref<128xi32, #tpu.memory_space<vmem>>
      %dma_wait3A_84 = arith.constant 0 : i32
      %dma_wait3A_85 = arith.constant 0 : i32
      %dma_wait3A_86 = tpu.memref_slice %arg2[%dma_wait3A_84, %dma_wait3A_85] : memref<20000x128xf32, #tpu.memory_space<hbm>> -> memref<20000x128xf32, #tpu.memory_space<hbm>>
      tpu.wait_indirect_dma semaphore(%arg12 : memref<!tpu.dma_semaphore, #tpu.memory_space<semaphore_mem>>) src(%dma_wait3A_86 : memref<20000x128xf32, #tpu.memory_space<hbm>>) dst(%arg10 : memref<128x128xf32, #tpu.memory_space<vmem>>)
      %dma_wait3A_87 = arith.constant 3 : i32
      %dma_wait3A_88 = arith.constant 0 : i32
      %dma_wait3A_89 = tpu.memref_slice %arg8[%dma_wait3A_87, %dma_wait3A_88] : memref<8x128xi32, #tpu.memory_space<vmem>> -> memref<1x128xi32, #tpu.memory_space<vmem>>
      %dma_wait3A_90 = tpu.memref_squeeze %dma_wait3A_89 : memref<1x128xi32, #tpu.memory_space<vmem>> -> memref<128xi32, #tpu.memory_space<vmem>>
      %dma_wait3A_91 = arith.constant 0 : i32
      %dma_wait3A_92 = arith.constant 0 : i32
      %dma_wait3A_93 = tpu.memref_slice %arg2[%dma_wait3A_91, %dma_wait3A_92] : memref<20000x128xf32, #tpu.memory_space<hbm>> -> memref<20000x128xf32, #tpu.memory_space<hbm>>
      tpu.wait_indirect_dma semaphore(%arg13 : memref<!tpu.dma_semaphore, #tpu.memory_space<semaphore_mem>>) src(%dma_wait3A_93 : memref<20000x128xf32, #tpu.memory_space<hbm>>) dst(%arg11 : memref<128x128xf32, #tpu.memory_space<vmem>>)
      %dma_start3A_94 = arith.constant 2 : i32
      %dma_start3A_95 = arith.constant 0 : i32
      %dma_start3A_96 = tpu.memref_slice %arg9[%dma_start3A_94, %dma_start3A_95] : memref<8x128xi32, #tpu.memory_space<vmem>> -> memref<1x128xi32, #tpu.memory_space<vmem>>
      %dma_start3A_97 = tpu.memref_squeeze %dma_start3A_96 : memref<1x128xi32, #tpu.memory_space<vmem>> -> memref<128xi32, #tpu.memory_space<vmem>>
      %dma_start3A_98 = arith.constant 0 : i32
      %dma_start3A_99 = arith.constant 0 : i32
      %dma_start3A_100 = tpu.memref_slice %arg7[%dma_start3A_98, %dma_start3A_99] : memref<10112x128xf32, #tpu.memory_space<vmem_shared>> -> memref<10112x128xf32, #tpu.memory_space<vmem_shared>>
      tpu.enqueue_indirect_dma source(%arg10 : memref<128x128xf32, #tpu.memory_space<vmem>>) target(%dma_start3A_100 : memref<10112x128xf32, #tpu.memory_space<vmem_shared>>) offsets(%dma_start3A_97 : memref<128xi32, #tpu.memory_space<vmem>>) semaphore(%arg14 : memref<!tpu.dma_semaphore, #tpu.memory_space<semaphore_mem>>) {add = true}
      %dma_wait3A_101 = arith.constant 2 : i32
      %dma_wait3A_102 = arith.constant 0 : i32
      %dma_wait3A_103 = tpu.memref_slice %arg9[%dma_wait3A_101, %dma_wait3A_102] : memref<8x128xi32, #tpu.memory_space<vmem>> -> memref<1x128xi32, #tpu.memory_space<vmem>>
      %dma_wait3A_104 = tpu.memref_squeeze %dma_wait3A_103 : memref<1x128xi32, #tpu.memory_space<vmem>> -> memref<128xi32, #tpu.memory_space<vmem>>
      %dma_wait3A_105 = arith.constant 0 : i32
      %dma_wait3A_106 = arith.constant 0 : i32
      %dma_wait3A_107 = tpu.memref_slice %arg7[%dma_wait3A_105, %dma_wait3A_106] : memref<10112x128xf32, #tpu.memory_space<vmem_shared>> -> memref<10112x128xf32, #tpu.memory_space<vmem_shared>>
      tpu.wait_indirect_dma semaphore(%arg14 : memref<!tpu.dma_semaphore, #tpu.memory_space<semaphore_mem>>) src(%arg10 : memref<128x128xf32, #tpu.memory_space<vmem>>) dst(%dma_wait3A_107 : memref<10112x128xf32, #tpu.memory_space<vmem_shared>>)
      %dma_start3A_108 = arith.constant 3 : i32
      %dma_start3A_109 = arith.constant 0 : i32
      %dma_start3A_110 = tpu.memref_slice %arg9[%dma_start3A_108, %dma_start3A_109] : memref<8x128xi32, #tpu.memory_space<vmem>> -> memref<1x128xi32, #tpu.memory_space<vmem>>
      %dma_start3A_111 = tpu.memref_squeeze %dma_start3A_110 : memref<1x128xi32, #tpu.memory_space<vmem>> -> memref<128xi32, #tpu.memory_space<vmem>>
      %dma_start3A_112 = arith.constant 0 : i32
      %dma_start3A_113 = arith.constant 0 : i32
      %dma_start3A_114 = tpu.memref_slice %arg7[%dma_start3A_112, %dma_start3A_113] : memref<10112x128xf32, #tpu.memory_space<vmem_shared>> -> memref<10112x128xf32, #tpu.memory_space<vmem_shared>>
      tpu.enqueue_indirect_dma source(%arg11 : memref<128x128xf32, #tpu.memory_space<vmem>>) target(%dma_start3A_114 : memref<10112x128xf32, #tpu.memory_space<vmem_shared>>) offsets(%dma_start3A_111 : memref<128xi32, #tpu.memory_space<vmem>>) semaphore(%arg14 : memref<!tpu.dma_semaphore, #tpu.memory_space<semaphore_mem>>) {add = true}
      %dma_wait3A_115 = arith.constant 3 : i32
      %dma_wait3A_116 = arith.constant 0 : i32
      %dma_wait3A_117 = tpu.memref_slice %arg9[%dma_wait3A_115, %dma_wait3A_116] : memref<8x128xi32, #tpu.memory_space<vmem>> -> memref<1x128xi32, #tpu.memory_space<vmem>>
      %dma_wait3A_118 = tpu.memref_squeeze %dma_wait3A_117 : memref<1x128xi32, #tpu.memory_space<vmem>> -> memref<128xi32, #tpu.memory_space<vmem>>
      %dma_wait3A_119 = arith.constant 0 : i32
      %dma_wait3A_120 = arith.constant 0 : i32
      %dma_wait3A_121 = tpu.memref_slice %arg7[%dma_wait3A_119, %dma_wait3A_120] : memref<10112x128xf32, #tpu.memory_space<vmem_shared>> -> memref<10112x128xf32, #tpu.memory_space<vmem_shared>>
      tpu.wait_indirect_dma semaphore(%arg14 : memref<!tpu.dma_semaphore, #tpu.memory_space<semaphore_mem>>) src(%arg11 : memref<128x128xf32, #tpu.memory_space<vmem>>) dst(%dma_wait3A_121 : memref<10112x128xf32, #tpu.memory_space<vmem_shared>>)
      %dma_start3A_122 = arith.constant 4 : i32
      %dma_start3A_123 = arith.constant 0 : i32
      %dma_start3A_124 = tpu.memref_slice %arg8[%dma_start3A_122, %dma_start3A_123] : memref<8x128xi32, #tpu.memory_space<vmem>> -> memref<1x128xi32, #tpu.memory_space<vmem>>
      %dma_start3A_125 = tpu.memref_squeeze %dma_start3A_124 : memref<1x128xi32, #tpu.memory_space<vmem>> -> memref<128xi32, #tpu.memory_space<vmem>>
      %dma_start3A_126 = arith.constant 0 : i32
      %dma_start3A_127 = arith.constant 0 : i32
      %dma_start3A_128 = tpu.memref_slice %arg2[%dma_start3A_126, %dma_start3A_127] : memref<20000x128xf32, #tpu.memory_space<hbm>> -> memref<20000x128xf32, #tpu.memory_space<hbm>>
      tpu.enqueue_indirect_dma source(%dma_start3A_128 : memref<20000x128xf32, #tpu.memory_space<hbm>>) target(%arg10 : memref<128x128xf32, #tpu.memory_space<vmem>>) offsets(%dma_start3A_125 : memref<128xi32, #tpu.memory_space<vmem>>) semaphore(%arg12 : memref<!tpu.dma_semaphore, #tpu.memory_space<semaphore_mem>>)
      %dma_start3A_129 = arith.constant 5 : i32
      %dma_start3A_130 = arith.constant 0 : i32
      %dma_start3A_131 = tpu.memref_slice %arg8[%dma_start3A_129, %dma_start3A_130] : memref<8x128xi32, #tpu.memory_space<vmem>> -> memref<1x128xi32, #tpu.memory_space<vmem>>
      %dma_start3A_132 = tpu.memref_squeeze %dma_start3A_131 : memref<1x128xi32, #tpu.memory_space<vmem>> -> memref<128xi32, #tpu.memory_space<vmem>>
      %dma_start3A_133 = arith.constant 0 : i32
      %dma_start3A_134 = arith.constant 0 : i32
      %dma_start3A_135 = tpu.memref_slice %arg2[%dma_start3A_133, %dma_start3A_134] : memref<20000x128xf32, #tpu.memory_space<hbm>> -> memref<20000x128xf32, #tpu.memory_space<hbm>>
      tpu.enqueue_indirect_dma source(%dma_start3A_135 : memref<20000x128xf32, #tpu.memory_space<hbm>>) target(%arg11 : memref<128x128xf32, #tpu.memory_space<vmem>>) offsets(%dma_start3A_132 : memref<128xi32, #tpu.memory_space<vmem>>) semaphore(%arg13 : memref<!tpu.dma_semaphore, #tpu.memory_space<semaphore_mem>>)
      %dma_wait3A_136 = arith.constant 4 : i32
      %dma_wait3A_137 = arith.constant 0 : i32
      %dma_wait3A_138 = tpu.memref_slice %arg8[%dma_wait3A_136, %dma_wait3A_137] : memref<8x128xi32, #tpu.memory_space<vmem>> -> memref<1x128xi32, #tpu.memory_space<vmem>>
      %dma_wait3A_139 = tpu.memref_squeeze %dma_wait3A_138 : memref<1x128xi32, #tpu.memory_space<vmem>> -> memref<128xi32, #tpu.memory_space<vmem>>
      %dma_wait3A_140 = arith.constant 0 : i32
      %dma_wait3A_141 = arith.constant 0 : i32
      %dma_wait3A_142 = tpu.memref_slice %arg2[%dma_wait3A_140, %dma_wait3A_141] : memref<20000x128xf32, #tpu.memory_space<hbm>> -> memref<20000x128xf32, #tpu.memory_space<hbm>>
      tpu.wait_indirect_dma semaphore(%arg12 : memref<!tpu.dma_semaphore, #tpu.memory_space<semaphore_mem>>) src(%dma_wait3A_142 : memref<20000x128xf32, #tpu.memory_space<hbm>>) dst(%arg10 : memref<128x128xf32, #tpu.memory_space<vmem>>)
      %dma_wait3A_143 = arith.constant 5 : i32
      %dma_wait3A_144 = arith.constant 0 : i32
      %dma_wait3A_145 = tpu.memref_slice %arg8[%dma_wait3A_143, %dma_wait3A_144] : memref<8x128xi32, #tpu.memory_space<vmem>> -> memref<1x128xi32, #tpu.memory_space<vmem>>
      %dma_wait3A_146 = tpu.memref_squeeze %dma_wait3A_145 : memref<1x128xi32, #tpu.memory_space<vmem>> -> memref<128xi32, #tpu.memory_space<vmem>>
      %dma_wait3A_147 = arith.constant 0 : i32
      %dma_wait3A_148 = arith.constant 0 : i32
      %dma_wait3A_149 = tpu.memref_slice %arg2[%dma_wait3A_147, %dma_wait3A_148] : memref<20000x128xf32, #tpu.memory_space<hbm>> -> memref<20000x128xf32, #tpu.memory_space<hbm>>
      tpu.wait_indirect_dma semaphore(%arg13 : memref<!tpu.dma_semaphore, #tpu.memory_space<semaphore_mem>>) src(%dma_wait3A_149 : memref<20000x128xf32, #tpu.memory_space<hbm>>) dst(%arg11 : memref<128x128xf32, #tpu.memory_space<vmem>>)
      %dma_start3A_150 = arith.constant 4 : i32
      %dma_start3A_151 = arith.constant 0 : i32
      %dma_start3A_152 = tpu.memref_slice %arg9[%dma_start3A_150, %dma_start3A_151] : memref<8x128xi32, #tpu.memory_space<vmem>> -> memref<1x128xi32, #tpu.memory_space<vmem>>
      %dma_start3A_153 = tpu.memref_squeeze %dma_start3A_152 : memref<1x128xi32, #tpu.memory_space<vmem>> -> memref<128xi32, #tpu.memory_space<vmem>>
      %dma_start3A_154 = arith.constant 0 : i32
      %dma_start3A_155 = arith.constant 0 : i32
      %dma_start3A_156 = tpu.memref_slice %arg7[%dma_start3A_154, %dma_start3A_155] : memref<10112x128xf32, #tpu.memory_space<vmem_shared>> -> memref<10112x128xf32, #tpu.memory_space<vmem_shared>>
      tpu.enqueue_indirect_dma source(%arg10 : memref<128x128xf32, #tpu.memory_space<vmem>>) target(%dma_start3A_156 : memref<10112x128xf32, #tpu.memory_space<vmem_shared>>) offsets(%dma_start3A_153 : memref<128xi32, #tpu.memory_space<vmem>>) semaphore(%arg14 : memref<!tpu.dma_semaphore, #tpu.memory_space<semaphore_mem>>) {add = true}
      %dma_wait3A_157 = arith.constant 4 : i32
      %dma_wait3A_158 = arith.constant 0 : i32
      %dma_wait3A_159 = tpu.memref_slice %arg9[%dma_wait3A_157, %dma_wait3A_158] : memref<8x128xi32, #tpu.memory_space<vmem>> -> memref<1x128xi32, #tpu.memory_space<vmem>>
      %dma_wait3A_160 = tpu.memref_squeeze %dma_wait3A_159 : memref<1x128xi32, #tpu.memory_space<vmem>> -> memref<128xi32, #tpu.memory_space<vmem>>
      %dma_wait3A_161 = arith.constant 0 : i32
      %dma_wait3A_162 = arith.constant 0 : i32
      %dma_wait3A_163 = tpu.memref_slice %arg7[%dma_wait3A_161, %dma_wait3A_162] : memref<10112x128xf32, #tpu.memory_space<vmem_shared>> -> memref<10112x128xf32, #tpu.memory_space<vmem_shared>>
      tpu.wait_indirect_dma semaphore(%arg14 : memref<!tpu.dma_semaphore, #tpu.memory_space<semaphore_mem>>) src(%arg10 : memref<128x128xf32, #tpu.memory_space<vmem>>) dst(%dma_wait3A_163 : memref<10112x128xf32, #tpu.memory_space<vmem_shared>>)
      %dma_start3A_164 = arith.constant 5 : i32
      %dma_start3A_165 = arith.constant 0 : i32
      %dma_start3A_166 = tpu.memref_slice %arg9[%dma_start3A_164, %dma_start3A_165] : memref<8x128xi32, #tpu.memory_space<vmem>> -> memref<1x128xi32, #tpu.memory_space<vmem>>
      %dma_start3A_167 = tpu.memref_squeeze %dma_start3A_166 : memref<1x128xi32, #tpu.memory_space<vmem>> -> memref<128xi32, #tpu.memory_space<vmem>>
      %dma_start3A_168 = arith.constant 0 : i32
      %dma_start3A_169 = arith.constant 0 : i32
      %dma_start3A_170 = tpu.memref_slice %arg7[%dma_start3A_168, %dma_start3A_169] : memref<10112x128xf32, #tpu.memory_space<vmem_shared>> -> memref<10112x128xf32, #tpu.memory_space<vmem_shared>>
      tpu.enqueue_indirect_dma source(%arg11 : memref<128x128xf32, #tpu.memory_space<vmem>>) target(%dma_start3A_170 : memref<10112x128xf32, #tpu.memory_space<vmem_shared>>) offsets(%dma_start3A_167 : memref<128xi32, #tpu.memory_space<vmem>>) semaphore(%arg14 : memref<!tpu.dma_semaphore, #tpu.memory_space<semaphore_mem>>) {add = true}
      %dma_wait3A_171 = arith.constant 5 : i32
      %dma_wait3A_172 = arith.constant 0 : i32
      %dma_wait3A_173 = tpu.memref_slice %arg9[%dma_wait3A_171, %dma_wait3A_172] : memref<8x128xi32, #tpu.memory_space<vmem>> -> memref<1x128xi32, #tpu.memory_space<vmem>>
      %dma_wait3A_174 = tpu.memref_squeeze %dma_wait3A_173 : memref<1x128xi32, #tpu.memory_space<vmem>> -> memref<128xi32, #tpu.memory_space<vmem>>
      %dma_wait3A_175 = arith.constant 0 : i32
      %dma_wait3A_176 = arith.constant 0 : i32
      %dma_wait3A_177 = tpu.memref_slice %arg7[%dma_wait3A_175, %dma_wait3A_176] : memref<10112x128xf32, #tpu.memory_space<vmem_shared>> -> memref<10112x128xf32, #tpu.memory_space<vmem_shared>>
      tpu.wait_indirect_dma semaphore(%arg14 : memref<!tpu.dma_semaphore, #tpu.memory_space<semaphore_mem>>) src(%arg11 : memref<128x128xf32, #tpu.memory_space<vmem>>) dst(%dma_wait3A_177 : memref<10112x128xf32, #tpu.memory_space<vmem_shared>>)
      %dma_start3A_178 = arith.constant 6 : i32
      %dma_start3A_179 = arith.constant 0 : i32
      %dma_start3A_180 = tpu.memref_slice %arg8[%dma_start3A_178, %dma_start3A_179] : memref<8x128xi32, #tpu.memory_space<vmem>> -> memref<1x128xi32, #tpu.memory_space<vmem>>
      %dma_start3A_181 = tpu.memref_squeeze %dma_start3A_180 : memref<1x128xi32, #tpu.memory_space<vmem>> -> memref<128xi32, #tpu.memory_space<vmem>>
      %dma_start3A_182 = arith.constant 0 : i32
      %dma_start3A_183 = arith.constant 0 : i32
      %dma_start3A_184 = tpu.memref_slice %arg2[%dma_start3A_182, %dma_start3A_183] : memref<20000x128xf32, #tpu.memory_space<hbm>> -> memref<20000x128xf32, #tpu.memory_space<hbm>>
      tpu.enqueue_indirect_dma source(%dma_start3A_184 : memref<20000x128xf32, #tpu.memory_space<hbm>>) target(%arg10 : memref<128x128xf32, #tpu.memory_space<vmem>>) offsets(%dma_start3A_181 : memref<128xi32, #tpu.memory_space<vmem>>) semaphore(%arg12 : memref<!tpu.dma_semaphore, #tpu.memory_space<semaphore_mem>>)
      %dma_start3A_185 = arith.constant 7 : i32
      %dma_start3A_186 = arith.constant 0 : i32
      %dma_start3A_187 = tpu.memref_slice %arg8[%dma_start3A_185, %dma_start3A_186] : memref<8x128xi32, #tpu.memory_space<vmem>> -> memref<1x128xi32, #tpu.memory_space<vmem>>
      %dma_start3A_188 = tpu.memref_squeeze %dma_start3A_187 : memref<1x128xi32, #tpu.memory_space<vmem>> -> memref<128xi32, #tpu.memory_space<vmem>>
      %dma_start3A_189 = arith.constant 0 : i32
      %dma_start3A_190 = arith.constant 0 : i32
      %dma_start3A_191 = tpu.memref_slice %arg2[%dma_start3A_189, %dma_start3A_190] : memref<20000x128xf32, #tpu.memory_space<hbm>> -> memref<20000x128xf32, #tpu.memory_space<hbm>>
      tpu.enqueue_indirect_dma source(%dma_start3A_191 : memref<20000x128xf32, #tpu.memory_space<hbm>>) target(%arg11 : memref<128x128xf32, #tpu.memory_space<vmem>>) offsets(%dma_start3A_188 : memref<128xi32, #tpu.memory_space<vmem>>) semaphore(%arg13 : memref<!tpu.dma_semaphore, #tpu.memory_space<semaphore_mem>>)
      %dma_wait3A_192 = arith.constant 6 : i32
      %dma_wait3A_193 = arith.constant 0 : i32
      %dma_wait3A_194 = tpu.memref_slice %arg8[%dma_wait3A_192, %dma_wait3A_193] : memref<8x128xi32, #tpu.memory_space<vmem>> -> memref<1x128xi32, #tpu.memory_space<vmem>>
      %dma_wait3A_195 = tpu.memref_squeeze %dma_wait3A_194 : memref<1x128xi32, #tpu.memory_space<vmem>> -> memref<128xi32, #tpu.memory_space<vmem>>
      %dma_wait3A_196 = arith.constant 0 : i32
      %dma_wait3A_197 = arith.constant 0 : i32
      %dma_wait3A_198 = tpu.memref_slice %arg2[%dma_wait3A_196, %dma_wait3A_197] : memref<20000x128xf32, #tpu.memory_space<hbm>> -> memref<20000x128xf32, #tpu.memory_space<hbm>>
      tpu.wait_indirect_dma semaphore(%arg12 : memref<!tpu.dma_semaphore, #tpu.memory_space<semaphore_mem>>) src(%dma_wait3A_198 : memref<20000x128xf32, #tpu.memory_space<hbm>>) dst(%arg10 : memref<128x128xf32, #tpu.memory_space<vmem>>)
      %dma_wait3A_199 = arith.constant 7 : i32
      %dma_wait3A_200 = arith.constant 0 : i32
      %dma_wait3A_201 = tpu.memref_slice %arg8[%dma_wait3A_199, %dma_wait3A_200] : memref<8x128xi32, #tpu.memory_space<vmem>> -> memref<1x128xi32, #tpu.memory_space<vmem>>
      %dma_wait3A_202 = tpu.memref_squeeze %dma_wait3A_201 : memref<1x128xi32, #tpu.memory_space<vmem>> -> memref<128xi32, #tpu.memory_space<vmem>>
      %dma_wait3A_203 = arith.constant 0 : i32
      %dma_wait3A_204 = arith.constant 0 : i32
      %dma_wait3A_205 = tpu.memref_slice %arg2[%dma_wait3A_203, %dma_wait3A_204] : memref<20000x128xf32, #tpu.memory_space<hbm>> -> memref<20000x128xf32, #tpu.memory_space<hbm>>
      tpu.wait_indirect_dma semaphore(%arg13 : memref<!tpu.dma_semaphore, #tpu.memory_space<semaphore_mem>>) src(%dma_wait3A_205 : memref<20000x128xf32, #tpu.memory_space<hbm>>) dst(%arg11 : memref<128x128xf32, #tpu.memory_space<vmem>>)
      %dma_start3A_206 = arith.constant 6 : i32
      %dma_start3A_207 = arith.constant 0 : i32
      %dma_start3A_208 = tpu.memref_slice %arg9[%dma_start3A_206, %dma_start3A_207] : memref<8x128xi32, #tpu.memory_space<vmem>> -> memref<1x128xi32, #tpu.memory_space<vmem>>
      %dma_start3A_209 = tpu.memref_squeeze %dma_start3A_208 : memref<1x128xi32, #tpu.memory_space<vmem>> -> memref<128xi32, #tpu.memory_space<vmem>>
      %dma_start3A_210 = arith.constant 0 : i32
      %dma_start3A_211 = arith.constant 0 : i32
      %dma_start3A_212 = tpu.memref_slice %arg7[%dma_start3A_210, %dma_start3A_211] : memref<10112x128xf32, #tpu.memory_space<vmem_shared>> -> memref<10112x128xf32, #tpu.memory_space<vmem_shared>>
      tpu.enqueue_indirect_dma source(%arg10 : memref<128x128xf32, #tpu.memory_space<vmem>>) target(%dma_start3A_212 : memref<10112x128xf32, #tpu.memory_space<vmem_shared>>) offsets(%dma_start3A_209 : memref<128xi32, #tpu.memory_space<vmem>>) semaphore(%arg14 : memref<!tpu.dma_semaphore, #tpu.memory_space<semaphore_mem>>) {add = true}
      %dma_wait3A_213 = arith.constant 6 : i32
      %dma_wait3A_214 = arith.constant 0 : i32
      %dma_wait3A_215 = tpu.memref_slice %arg9[%dma_wait3A_213, %dma_wait3A_214] : memref<8x128xi32, #tpu.memory_space<vmem>> -> memref<1x128xi32, #tpu.memory_space<vmem>>
      %dma_wait3A_216 = tpu.memref_squeeze %dma_wait3A_215 : memref<1x128xi32, #tpu.memory_space<vmem>> -> memref<128xi32, #tpu.memory_space<vmem>>
      %dma_wait3A_217 = arith.constant 0 : i32
      %dma_wait3A_218 = arith.constant 0 : i32
      %dma_wait3A_219 = tpu.memref_slice %arg7[%dma_wait3A_217, %dma_wait3A_218] : memref<10112x128xf32, #tpu.memory_space<vmem_shared>> -> memref<10112x128xf32, #tpu.memory_space<vmem_shared>>
      tpu.wait_indirect_dma semaphore(%arg14 : memref<!tpu.dma_semaphore, #tpu.memory_space<semaphore_mem>>) src(%arg10 : memref<128x128xf32, #tpu.memory_space<vmem>>) dst(%dma_wait3A_219 : memref<10112x128xf32, #tpu.memory_space<vmem_shared>>)
      %dma_start3A_220 = arith.constant 7 : i32
      %dma_start3A_221 = arith.constant 0 : i32
      %dma_start3A_222 = tpu.memref_slice %arg9[%dma_start3A_220, %dma_start3A_221] : memref<8x128xi32, #tpu.memory_space<vmem>> -> memref<1x128xi32, #tpu.memory_space<vmem>>
      %dma_start3A_223 = tpu.memref_squeeze %dma_start3A_222 : memref<1x128xi32, #tpu.memory_space<vmem>> -> memref<128xi32, #tpu.memory_space<vmem>>
      %dma_start3A_224 = arith.constant 0 : i32
      %dma_start3A_225 = arith.constant 0 : i32
      %dma_start3A_226 = tpu.memref_slice %arg7[%dma_start3A_224, %dma_start3A_225] : memref<10112x128xf32, #tpu.memory_space<vmem_shared>> -> memref<10112x128xf32, #tpu.memory_space<vmem_shared>>
      tpu.enqueue_indirect_dma source(%arg11 : memref<128x128xf32, #tpu.memory_space<vmem>>) target(%dma_start3A_226 : memref<10112x128xf32, #tpu.memory_space<vmem_shared>>) offsets(%dma_start3A_223 : memref<128xi32, #tpu.memory_space<vmem>>) semaphore(%arg14 : memref<!tpu.dma_semaphore, #tpu.memory_space<semaphore_mem>>) {add = true}
      %dma_wait3A_227 = arith.constant 7 : i32
      %dma_wait3A_228 = arith.constant 0 : i32
      %dma_wait3A_229 = tpu.memref_slice %arg9[%dma_wait3A_227, %dma_wait3A_228] : memref<8x128xi32, #tpu.memory_space<vmem>> -> memref<1x128xi32, #tpu.memory_space<vmem>>
      %dma_wait3A_230 = tpu.memref_squeeze %dma_wait3A_229 : memref<1x128xi32, #tpu.memory_space<vmem>> -> memref<128xi32, #tpu.memory_space<vmem>>
      %dma_wait3A_231 = arith.constant 0 : i32
      %dma_wait3A_232 = arith.constant 0 : i32
      %dma_wait3A_233 = tpu.memref_slice %arg7[%dma_wait3A_231, %dma_wait3A_232] : memref<10112x128xf32, #tpu.memory_space<vmem_shared>> -> memref<10112x128xf32, #tpu.memory_space<vmem_shared>>
      tpu.wait_indirect_dma semaphore(%arg14 : memref<!tpu.dma_semaphore, #tpu.memory_space<semaphore_mem>>) src(%arg11 : memref<128x128xf32, #tpu.memory_space<vmem>>) dst(%dma_wait3A_233 : memref<10112x128xf32, #tpu.memory_space<vmem_shared>>)
    }
    %scan3A_5 = arith.constant 20 : i32
    %barrier3A_6 = arith.constant 0 : index
    tpu.barrier barrier_id(%barrier3A_6)
    %mul3A_7 = arith.constant 632 : i32
    %mul3A_8 = arith.muli %arg1, %mul3A_7 : i32
    %mul3A_9 = arith.constant 640 : i32
    %mul3A_10 = arith.muli %arg1, %mul3A_9 : i32
    "tpu.region"() ({
      %run_scoped3A = tpu.sem_alloc : memref<!tpu.dma_semaphore, #tpu.memory_space<semaphore_mem>>
      %dma_start3A = arith.constant 0 : i32
      %dma_start3A_11 = tpu.memref_slice %arg6[%arg0, %mul3A_10, %dma_start3A] : memref<2x10240x128xf32, #tpu.memory_space<hbm>> -> memref<1x632x128xf32, #tpu.memory_space<hbm>>
      %dma_start3A_12 = tpu.memref_squeeze %dma_start3A_11 : memref<1x632x128xf32, #tpu.memory_space<hbm>> -> memref<632x128xf32, #tpu.memory_space<hbm>>
      %dma_start3A_13 = arith.constant 0 : i32
      %dma_start3A_14 = tpu.memref_slice %arg7[%mul3A_8, %dma_start3A_13] : memref<10112x128xf32, #tpu.memory_space<vmem_shared>> -> memref<632x128xf32, #tpu.memory_space<vmem_shared>>
      tpu.enqueue_dma source(%dma_start3A_14 : memref<632x128xf32, #tpu.memory_space<vmem_shared>>) target(%dma_start3A_12 : memref<632x128xf32, #tpu.memory_space<hbm>>) target_semaphore(%run_scoped3A : memref<!tpu.dma_semaphore, #tpu.memory_space<semaphore_mem>>)
      %dma_wait3A = arith.constant 0 : i32
      %dma_wait3A_15 = tpu.memref_slice %arg6[%arg0, %mul3A_10, %dma_wait3A] : memref<2x10240x128xf32, #tpu.memory_space<hbm>> -> memref<1x632x128xf32, #tpu.memory_space<hbm>>
      %dma_wait3A_16 = tpu.memref_squeeze %dma_wait3A_15 : memref<1x632x128xf32, #tpu.memory_space<hbm>> -> memref<632x128xf32, #tpu.memory_space<hbm>>
      %dma_wait3A_17 = arith.constant 0 : i32
      %dma_wait3A_18 = tpu.memref_slice %arg7[%mul3A_8, %dma_wait3A_17] : memref<10112x128xf32, #tpu.memory_space<vmem_shared>> -> memref<632x128xf32, #tpu.memory_space<vmem_shared>>
      tpu.wait_dma2 semaphore(%run_scoped3A : memref<!tpu.dma_semaphore, #tpu.memory_space<semaphore_mem>>) src(%dma_wait3A_18 : memref<632x128xf32, #tpu.memory_space<vmem_shared>>) dst(%dma_wait3A_16 : memref<632x128xf32, #tpu.memory_space<hbm>>)
      tpu.yield
    }) : () -> ()
    return
  }
}

module attributes {stable_mosaic.version = 14 : i64} {
  func.func @_enc_y_body(%arg0: i32, %arg1: memref<1000x128xf32, #tpu.memory_space<vmem>>, %arg2: memref<1000x128xf32, #tpu.memory_space<vmem>>, %arg3: memref<128x256xf32, #tpu.memory_space<vmem>>, %arg4: memref<1x256xf32, #tpu.memory_space<vmem>>, %arg5: memref<1x256xf32, #tpu.memory_space<vmem>>, %arg6: memref<1x256xf32, #tpu.memory_space<vmem>>, %arg7: memref<1000x128xf32, #tpu.memory_space<vmem>>, %arg8: memref<1000x128xf32, #tpu.memory_space<vmem>>) attributes {dimension_semantics = [#tpu.dimension_semantics<arbitrary>], iteration_bounds = array<i64: 10>, scalar_prefetch = 0 : i64, scratch_operands = 0 : i64, tpu.core_type = #tpu.core_type<tc>, window_params = [{transform_indices = @transform_0, window_bounds = array<i64: 1000, 128>}, {transform_indices = @transform_1, window_bounds = array<i64: 1000, 128>}, {pipeline_mode = #tpu.pipeline_mode<synchronous>, transform_indices = @transform_2, window_bounds = array<i64: 128, 256>}, {pipeline_mode = #tpu.pipeline_mode<synchronous>, transform_indices = @transform_3, window_bounds = array<i64: 1, 256>}, {pipeline_mode = #tpu.pipeline_mode<synchronous>, transform_indices = @transform_4, window_bounds = array<i64: 1, 256>}, {pipeline_mode = #tpu.pipeline_mode<synchronous>, transform_indices = @transform_5, window_bounds = array<i64: 1, 256>}, {transform_indices = @transform_6, window_bounds = array<i64: 1000, 128>}, {transform_indices = @transform_7, window_bounds = array<i64: 1000, 128>}]} {
    %get3A = arith.constant 0 : index
    %get3A_0 = arith.constant 0 : index
    %get3A_1 = vector.load %arg1[%get3A, %get3A_0] : memref<1000x128xf32, #tpu.memory_space<vmem>>, vector<1000x128xf32>
    %get3A_2 = arith.constant 0 : index
    %get3A_3 = arith.constant 0 : index
    %get3A_4 = vector.load %arg3[%get3A_2, %get3A_3] : memref<128x256xf32, #tpu.memory_space<vmem>>, vector<128x256xf32>
    %dot_general3A = arith.constant dense<0.000000e+00> : vector<1000x256xf32>
    %dot_general3A_5 = tpu.matmul %get3A_1, %get3A_4, %dot_general3A {dimension_numbers = #tpu.dot_dimension_numbers<[1], [0], [0], [1], [0, 0, 1, 1], [], []>, transpose_lhs_hint = false} : vector<1000x128xf32>, vector<128x256xf32>, vector<1000x256xf32> -> vector<1000x256xf32>
    %get3A_6 = arith.constant 0 : index
    %get3A_7 = arith.constant 0 : index
    %get3A_8 = vector.load %arg4[%get3A_6, %get3A_7] : memref<1x256xf32, #tpu.memory_space<vmem>>, vector<1x256xf32>
    %add3A = vector.broadcast %get3A_8 : vector<1x256xf32> to vector<1000x256xf32>
    %add3A_9 = arith.addf %dot_general3A_5, %add3A : vector<1000x256xf32>
    %get3A_10 = arith.constant 0 : index
    %get3A_11 = arith.constant 0 : index
    %get3A_12 = vector.load %arg5[%get3A_10, %get3A_11] : memref<1x256xf32, #tpu.memory_space<vmem>>, vector<1x256xf32>
    %get3A_13 = arith.constant 0 : index
    %get3A_14 = arith.constant 0 : index
    %get3A_15 = vector.load %arg6[%get3A_13, %get3A_14] : memref<1x256xf32, #tpu.memory_space<vmem>>, vector<1x256xf32>
    %reduce_sum3A = arith.constant dense<0.000000e+00> : vector<1000xf32>
    %reduce_sum3A_16 = vector.multi_reduction <add>, %add3A_9, %reduce_sum3A [1] : vector<1000x256xf32> to vector<1000xf32>
    %broadcast_in_dim3A = vector.shape_cast %reduce_sum3A_16 : vector<1000xf32> to vector<1000x1xf32>
    %div3A = arith.constant 2.560000e+02 : f32
    %div3A_17 = vector.broadcast %div3A : f32 to vector<1000x1xf32>
    %div3A_18 = arith.divf %broadcast_in_dim3A, %div3A_17 : vector<1000x1xf32>
    %sub3A = vector.broadcast %div3A_18 : vector<1000x1xf32> to vector<1000x256xf32>
    %sub3A_19 = arith.subf %add3A_9, %sub3A : vector<1000x256xf32>
    %integer_pow3A = arith.mulf %sub3A_19, %sub3A_19 : vector<1000x256xf32>
    %reduce_sum3A_20 = arith.constant dense<0.000000e+00> : vector<1000xf32>
    %reduce_sum3A_21 = vector.multi_reduction <add>, %integer_pow3A, %reduce_sum3A_20 [1] : vector<1000x256xf32> to vector<1000xf32>
    %broadcast_in_dim3A_22 = vector.shape_cast %reduce_sum3A_21 : vector<1000xf32> to vector<1000x1xf32>
    %div3A_23 = arith.constant 2.560000e+02 : f32
    %div3A_24 = vector.broadcast %div3A_23 : f32 to vector<1000x1xf32>
    %div3A_25 = arith.divf %broadcast_in_dim3A_22, %div3A_24 : vector<1000x1xf32>
    %sub3A_26 = vector.broadcast %div3A_18 : vector<1000x1xf32> to vector<1000x256xf32>
    %sub3A_27 = arith.subf %add3A_9, %sub3A_26 : vector<1000x256xf32>
    %add3A_28 = arith.constant 9.99999974E-6 : f32
    %add3A_29 = vector.broadcast %add3A_28 : f32 to vector<1000x1xf32>
    %add3A_30 = arith.addf %div3A_25, %add3A_29 : vector<1000x1xf32>
    %rsqrt3A = math.rsqrt %add3A_30 : vector<1000x1xf32>
    %mul3A = vector.broadcast %rsqrt3A : vector<1000x1xf32> to vector<1000x256xf32>
    %mul3A_31 = arith.mulf %sub3A_27, %mul3A : vector<1000x256xf32>
    %mul3A_32 = vector.broadcast %get3A_12 : vector<1x256xf32> to vector<1000x256xf32>
    %mul3A_33 = arith.mulf %mul3A_31, %mul3A_32 : vector<1000x256xf32>
    %add3A_34 = vector.broadcast %get3A_15 : vector<1x256xf32> to vector<1000x256xf32>
    %add3A_35 = arith.addf %mul3A_33, %add3A_34 : vector<1000x256xf32>
    %max3A = arith.constant 0.000000e+00 : f32
    %max3A_36 = vector.broadcast %max3A : f32 to vector<1000x256xf32>
    %max3A_37 = arith.maximumf %add3A_35, %max3A_36 : vector<1000x256xf32>
    %get3A_38 = arith.constant 0 : index
    %get3A_39 = arith.constant 0 : index
    %get3A_40 = vector.load %arg2[%get3A_38, %get3A_39] : memref<1000x128xf32, #tpu.memory_space<vmem>>, vector<1000x128xf32>
    %slice3A = vector.extract_strided_slice %get3A_40 {offsets = [0, 0], sizes = [1000, 1], strides = [1, 1]} : vector<1000x128xf32> to vector<1000x1xf32>
    %gt3A = arith.constant 0.000000e+00 : f32
    %gt3A_41 = vector.broadcast %gt3A : f32 to vector<1000x1xf32>
    %gt3A_42 = arith.cmpf ogt, %slice3A, %gt3A_41 : vector<1000x1xf32>
    %rsqrt3A_43 = math.rsqrt %slice3A : vector<1000x1xf32>
    %jit3A = arith.constant 0.000000e+00 : f32
    %broadcast_in_dim3A_44 = vector.broadcast %jit3A : f32 to vector<1000x1xf32>
    %select_n3A = arith.select %gt3A_42, %rsqrt3A_43, %broadcast_in_dim3A_44 : vector<1000x1xi1>, vector<1000x1xf32>
    %mul3A_45 = vector.broadcast %select_n3A : vector<1000x1xf32> to vector<1000x256xf32>
    %mul3A_46 = arith.mulf %max3A_37, %mul3A_45 : vector<1000x256xf32>
    %slice3A_47 = vector.extract_strided_slice %mul3A_46 {offsets = [0, 0], sizes = [1000, 128], strides = [1, 1]} : vector<1000x256xf32> to vector<1000x128xf32>
    %swap3A = arith.constant 0 : index
    %swap3A_48 = arith.constant 0 : index
    %swap3A_49 = vector.load %arg7[%swap3A, %swap3A_48] : memref<1000x128xf32, #tpu.memory_space<vmem>>, vector<1000x128xf32>
    tpu.vector_store %arg7[%swap3A, %swap3A_48], %slice3A_47 {strides = array<i32>} : memref<1000x128xf32, #tpu.memory_space<vmem>>, vector<1000x128xf32>,
    %slice3A_50 = vector.extract_strided_slice %mul3A_46 {offsets = [0, 128], sizes = [1000, 128], strides = [1, 1]} : vector<1000x256xf32> to vector<1000x128xf32>
    %swap3A_51 = arith.constant 0 : index
    %swap3A_52 = arith.constant 0 : index
    %swap3A_53 = vector.load %arg8[%swap3A_51, %swap3A_52] : memref<1000x128xf32, #tpu.memory_space<vmem>>, vector<1000x128xf32>
    tpu.vector_store %arg8[%swap3A_51, %swap3A_52], %slice3A_50 {strides = array<i32>} : memref<1000x128xf32, #tpu.memory_space<vmem>>, vector<1000x128xf32>,
    return
  }
  func.func @transform_0(%arg0: i32) -> (i32, i32) {
    %c0_i32 = arith.constant 0 : i32
    %c0_i32_0 = arith.constant 0 : i32
    return %arg0, %c0_i32 : i32, i32
  }
  func.func @transform_1(%arg0: i32) -> (i32, i32) {
    %c0_i32 = arith.constant 0 : i32
    %c0_i32_0 = arith.constant 0 : i32
    return %arg0, %c0_i32 : i32, i32
  }
  func.func @transform_2(%arg0: i32) -> (i32, i32) {
    %c0_i32 = arith.constant 0 : i32
    %c0_i32_0 = arith.constant 0 : i32
    %c0_i32_1 = arith.constant 0 : i32
    return %c0_i32, %c0_i32_0 : i32, i32
  }
  func.func @transform_3(%arg0: i32) -> (i32, i32) {
    %c0_i32 = arith.constant 0 : i32
    %c0_i32_0 = arith.constant 0 : i32
    %c0_i32_1 = arith.constant 0 : i32
    return %c0_i32, %c0_i32_0 : i32, i32
  }
  func.func @transform_4(%arg0: i32) -> (i32, i32) {
    %c0_i32 = arith.constant 0 : i32
    %c0_i32_0 = arith.constant 0 : i32
    %c0_i32_1 = arith.constant 0 : i32
    return %c0_i32, %c0_i32_0 : i32, i32
  }
  func.func @transform_5(%arg0: i32) -> (i32, i32) {
    %c0_i32 = arith.constant 0 : i32
    %c0_i32_0 = arith.constant 0 : i32
    %c0_i32_1 = arith.constant 0 : i32
    return %c0_i32, %c0_i32_0 : i32, i32
  }
  func.func @transform_6(%arg0: i32) -> (i32, i32) {
    %c0_i32 = arith.constant 0 : i32
    %c0_i32_0 = arith.constant 0 : i32
    return %arg0, %c0_i32 : i32, i32
  }
  func.func @transform_7(%arg0: i32) -> (i32, i32) {
    %c0_i32 = arith.constant 0 : i32
    %c0_i32_0 = arith.constant 0 : i32
    return %arg0, %c0_i32 : i32, i32
  }
}

module attributes {stable_mosaic.version = 14 : i64} {
  func.func @_enc_x_body(%arg0: i32, %arg1: memref<1000x128xf32, #tpu.memory_space<vmem>>, %arg2: memref<1000x128xf32, #tpu.memory_space<vmem>>, %arg3: memref<1000x128xf32, #tpu.memory_space<vmem>>, %arg4: memref<128x256xf32, #tpu.memory_space<vmem>>, %arg5: memref<128x256xf32, #tpu.memory_space<vmem>>, %arg6: memref<1x256xf32, #tpu.memory_space<vmem>>, %arg7: memref<1x256xf32, #tpu.memory_space<vmem>>, %arg8: memref<1x256xf32, #tpu.memory_space<vmem>>, %arg9: memref<1x128xf32, #tpu.memory_space<vmem>>, %arg10: memref<1000x128xf32, #tpu.memory_space<vmem>>, %arg11: memref<1000x128xf32, #tpu.memory_space<vmem>>, %arg12: memref<1000x128xf32, #tpu.memory_space<vmem>>, %arg13: memref<1000x128xf32, #tpu.memory_space<vmem>>) attributes {dimension_semantics = [#tpu.dimension_semantics<arbitrary>], iteration_bounds = array<i64: 10>, scalar_prefetch = 0 : i64, scratch_operands = 0 : i64, tpu.core_type = #tpu.core_type<tc>, window_params = [{transform_indices = @transform_0, window_bounds = array<i64: 1000, 128>}, {transform_indices = @transform_1, window_bounds = array<i64: 1000, 128>}, {transform_indices = @transform_2, window_bounds = array<i64: 1000, 128>}, {pipeline_mode = #tpu.pipeline_mode<synchronous>, transform_indices = @transform_3, window_bounds = array<i64: 128, 256>}, {pipeline_mode = #tpu.pipeline_mode<synchronous>, transform_indices = @transform_4, window_bounds = array<i64: 128, 256>}, {pipeline_mode = #tpu.pipeline_mode<synchronous>, transform_indices = @transform_5, window_bounds = array<i64: 1, 256>}, {pipeline_mode = #tpu.pipeline_mode<synchronous>, transform_indices = @transform_6, window_bounds = array<i64: 1, 256>}, {pipeline_mode = #tpu.pipeline_mode<synchronous>, transform_indices = @transform_7, window_bounds = array<i64: 1, 256>}, {pipeline_mode = #tpu.pipeline_mode<synchronous>, transform_indices = @transform_8, window_bounds = array<i64: 1, 128>}, {transform_indices = @transform_9, window_bounds = array<i64: 1000, 128>}, {transform_indices = @transform_10, window_bounds = array<i64: 1000, 128>}, {transform_indices = @transform_11, window_bounds = array<i64: 1000, 128>}, {transform_indices = @transform_12, window_bounds = array<i64: 1000, 128>}]} {
    %get3A = arith.constant 0 : index
    %get3A_0 = arith.constant 0 : index
    %get3A_1 = vector.load %arg2[%get3A, %get3A_0] : memref<1000x128xf32, #tpu.memory_space<vmem>>, vector<1000x128xf32>
    %get3A_2 = arith.constant 0 : index
    %get3A_3 = arith.constant 0 : index
    %get3A_4 = vector.load %arg9[%get3A_2, %get3A_3] : memref<1x128xf32, #tpu.memory_space<vmem>>, vector<1x128xf32>
    %mul3A = vector.broadcast %get3A_4 : vector<1x128xf32> to vector<1000x128xf32>
    %mul3A_5 = arith.mulf %get3A_1, %mul3A : vector<1000x128xf32>
    %iota3A = tpu.iota {dimensions = array<i32: 1>} : vector<1000x128xi32>
    %lt3A = arith.constant 64 : i32
    %lt3A_6 = vector.broadcast %lt3A : i32 to vector<1000x128xi32>
    %lt3A_7 = arith.cmpi slt, %iota3A, %lt3A_6 : vector<1000x128xi32>
    %cos3A = math.cos %mul3A_5 : vector<1000x128xf32>
    %sin3A = math.sin %mul3A_5 : vector<1000x128xf32>
    %select_n3A = arith.select %lt3A_7, %cos3A, %sin3A : vector<1000x128xi1>, vector<1000x128xf32>
    %get3A_8 = arith.constant 0 : index
    %get3A_9 = arith.constant 0 : index
    %get3A_10 = vector.load %arg1[%get3A_8, %get3A_9] : memref<1000x128xf32, #tpu.memory_space<vmem>>, vector<1000x128xf32>
    %get3A_11 = arith.constant 0 : index
    %get3A_12 = arith.constant 0 : index
    %get3A_13 = vector.load %arg4[%get3A_11, %get3A_12] : memref<128x256xf32, #tpu.memory_space<vmem>>, vector<128x256xf32>
    %dot_general3A = arith.constant dense<0.000000e+00> : vector<1000x256xf32>
    %dot_general3A_14 = tpu.matmul %get3A_10, %get3A_13, %dot_general3A {dimension_numbers = #tpu.dot_dimension_numbers<[1], [0], [0], [1], [0, 0, 1, 1], [], []>, transpose_lhs_hint = false} : vector<1000x128xf32>, vector<128x256xf32>, vector<1000x256xf32> -> vector<1000x256xf32>
    %get3A_15 = arith.constant 0 : index
    %get3A_16 = arith.constant 0 : index
    %get3A_17 = vector.load %arg5[%get3A_15, %get3A_16] : memref<128x256xf32, #tpu.memory_space<vmem>>, vector<128x256xf32>
    %dot_general3A_18 = arith.constant dense<0.000000e+00> : vector<1000x256xf32>
    %dot_general3A_19 = tpu.matmul %select_n3A, %get3A_17, %dot_general3A_18 {dimension_numbers = #tpu.dot_dimension_numbers<[1], [0], [0], [1], [0, 0, 1, 1], [], []>, transpose_lhs_hint = false} : vector<1000x128xf32>, vector<128x256xf32>, vector<1000x256xf32> -> vector<1000x256xf32>
    %add3A = arith.addf %dot_general3A_14, %dot_general3A_19 : vector<1000x256xf32>
    %get3A_20 = arith.constant 0 : index
    %get3A_21 = arith.constant 0 : index
    %get3A_22 = vector.load %arg6[%get3A_20, %get3A_21] : memref<1x256xf32, #tpu.memory_space<vmem>>, vector<1x256xf32>
    %add3A_23 = vector.broadcast %get3A_22 : vector<1x256xf32> to vector<1000x256xf32>
    %add3A_24 = arith.addf %add3A, %add3A_23 : vector<1000x256xf32>
    %get3A_25 = arith.constant 0 : index
    %get3A_26 = arith.constant 0 : index
    %get3A_27 = vector.load %arg7[%get3A_25, %get3A_26] : memref<1x256xf32, #tpu.memory_space<vmem>>, vector<1x256xf32>
    %get3A_28 = arith.constant 0 : index
    %get3A_29 = arith.constant 0 : index
    %get3A_30 = vector.load %arg8[%get3A_28, %get3A_29] : memref<1x256xf32, #tpu.memory_space<vmem>>, vector<1x256xf32>
    %reduce_sum3A = arith.constant dense<0.000000e+00> : vector<1000xf32>
    %reduce_sum3A_31 = vector.multi_reduction <add>, %add3A_24, %reduce_sum3A [1] : vector<1000x256xf32> to vector<1000xf32>
    %broadcast_in_dim3A = vector.shape_cast %reduce_sum3A_31 : vector<1000xf32> to vector<1000x1xf32>
    %div3A = arith.constant 2.560000e+02 : f32
    %div3A_32 = vector.broadcast %div3A : f32 to vector<1000x1xf32>
    %div3A_33 = arith.divf %broadcast_in_dim3A, %div3A_32 : vector<1000x1xf32>
    %sub3A = vector.broadcast %div3A_33 : vector<1000x1xf32> to vector<1000x256xf32>
    %sub3A_34 = arith.subf %add3A_24, %sub3A : vector<1000x256xf32>
    %integer_pow3A = arith.mulf %sub3A_34, %sub3A_34 : vector<1000x256xf32>
    %reduce_sum3A_35 = arith.constant dense<0.000000e+00> : vector<1000xf32>
    %reduce_sum3A_36 = vector.multi_reduction <add>, %integer_pow3A, %reduce_sum3A_35 [1] : vector<1000x256xf32> to vector<1000xf32>
    %broadcast_in_dim3A_37 = vector.shape_cast %reduce_sum3A_36 : vector<1000xf32> to vector<1000x1xf32>
    %div3A_38 = arith.constant 2.560000e+02 : f32
    %div3A_39 = vector.broadcast %div3A_38 : f32 to vector<1000x1xf32>
    %div3A_40 = arith.divf %broadcast_in_dim3A_37, %div3A_39 : vector<1000x1xf32>
    %sub3A_41 = vector.broadcast %div3A_33 : vector<1000x1xf32> to vector<1000x256xf32>
    %sub3A_42 = arith.subf %add3A_24, %sub3A_41 : vector<1000x256xf32>
    %add3A_43 = arith.constant 9.99999974E-6 : f32
    %add3A_44 = vector.broadcast %add3A_43 : f32 to vector<1000x1xf32>
    %add3A_45 = arith.addf %div3A_40, %add3A_44 : vector<1000x1xf32>
    %rsqrt3A = math.rsqrt %add3A_45 : vector<1000x1xf32>
    %mul3A_46 = vector.broadcast %rsqrt3A : vector<1000x1xf32> to vector<1000x256xf32>
    %mul3A_47 = arith.mulf %sub3A_42, %mul3A_46 : vector<1000x256xf32>
    %mul3A_48 = vector.broadcast %get3A_27 : vector<1x256xf32> to vector<1000x256xf32>
    %mul3A_49 = arith.mulf %mul3A_47, %mul3A_48 : vector<1000x256xf32>
    %add3A_50 = vector.broadcast %get3A_30 : vector<1x256xf32> to vector<1000x256xf32>
    %add3A_51 = arith.addf %mul3A_49, %add3A_50 : vector<1000x256xf32>
    %max3A = arith.constant 0.000000e+00 : f32
    %max3A_52 = vector.broadcast %max3A : f32 to vector<1000x256xf32>
    %max3A_53 = arith.maximumf %add3A_51, %max3A_52 : vector<1000x256xf32>
    %get3A_54 = arith.constant 0 : index
    %get3A_55 = arith.constant 0 : index
    %get3A_56 = vector.load %arg3[%get3A_54, %get3A_55] : memref<1000x128xf32, #tpu.memory_space<vmem>>, vector<1000x128xf32>
    %slice3A = vector.extract_strided_slice %get3A_56 {offsets = [0, 0], sizes = [1000, 1], strides = [1, 1]} : vector<1000x128xf32> to vector<1000x1xf32>
    %gt3A = arith.constant 0.000000e+00 : f32
    %gt3A_57 = vector.broadcast %gt3A : f32 to vector<1000x1xf32>
    %gt3A_58 = arith.cmpf ogt, %slice3A, %gt3A_57 : vector<1000x1xf32>
    %rsqrt3A_59 = math.rsqrt %slice3A : vector<1000x1xf32>
    %jit3A = arith.constant 0.000000e+00 : f32
    %broadcast_in_dim3A_60 = vector.broadcast %jit3A : f32 to vector<1000x1xf32>
    %select_n3A_61 = arith.select %gt3A_58, %rsqrt3A_59, %broadcast_in_dim3A_60 : vector<1000x1xi1>, vector<1000x1xf32>
    %mul3A_62 = vector.broadcast %select_n3A_61 : vector<1000x1xf32> to vector<1000x256xf32>
    %mul3A_63 = arith.mulf %max3A_53, %mul3A_62 : vector<1000x256xf32>
    %slice3A_64 = vector.extract_strided_slice %max3A_53 {offsets = [0, 0], sizes = [1000, 128], strides = [1, 1]} : vector<1000x256xf32> to vector<1000x128xf32>
    %swap3A = arith.constant 0 : index
    %swap3A_65 = arith.constant 0 : index
    %swap3A_66 = vector.load %arg10[%swap3A, %swap3A_65] : memref<1000x128xf32, #tpu.memory_space<vmem>>, vector<1000x128xf32>
    tpu.vector_store %arg10[%swap3A, %swap3A_65], %slice3A_64 {strides = array<i32>} : memref<1000x128xf32, #tpu.memory_space<vmem>>, vector<1000x128xf32>,
    %slice3A_67 = vector.extract_strided_slice %max3A_53 {offsets = [0, 128], sizes = [1000, 128], strides = [1, 1]} : vector<1000x256xf32> to vector<1000x128xf32>
    %swap3A_68 = arith.constant 0 : index
    %swap3A_69 = arith.constant 0 : index
    %swap3A_70 = vector.load %arg11[%swap3A_68, %swap3A_69] : memref<1000x128xf32, #tpu.memory_space<vmem>>, vector<1000x128xf32>
    tpu.vector_store %arg11[%swap3A_68, %swap3A_69], %slice3A_67 {strides = array<i32>} : memref<1000x128xf32, #tpu.memory_space<vmem>>, vector<1000x128xf32>,
    %slice3A_71 = vector.extract_strided_slice %mul3A_63 {offsets = [0, 0], sizes = [1000, 128], strides = [1, 1]} : vector<1000x256xf32> to vector<1000x128xf32>
    %swap3A_72 = arith.constant 0 : index
    %swap3A_73 = arith.constant 0 : index
    %swap3A_74 = vector.load %arg12[%swap3A_72, %swap3A_73] : memref<1000x128xf32, #tpu.memory_space<vmem>>, vector<1000x128xf32>
    tpu.vector_store %arg12[%swap3A_72, %swap3A_73], %slice3A_71 {strides = array<i32>} : memref<1000x128xf32, #tpu.memory_space<vmem>>, vector<1000x128xf32>,
    %slice3A_75 = vector.extract_strided_slice %mul3A_63 {offsets = [0, 128], sizes = [1000, 128], strides = [1, 1]} : vector<1000x256xf32> to vector<1000x128xf32>
    %swap3A_76 = arith.constant 0 : index
    %swap3A_77 = arith.constant 0 : index
    %swap3A_78 = vector.load %arg13[%swap3A_76, %swap3A_77] : memref<1000x128xf32, #tpu.memory_space<vmem>>, vector<1000x128xf32>
    tpu.vector_store %arg13[%swap3A_76, %swap3A_77], %slice3A_75 {strides = array<i32>} : memref<1000x128xf32, #tpu.memory_space<vmem>>, vector<1000x128xf32>,
    return
  }
  func.func @transform_0(%arg0: i32) -> (i32, i32) {
    %c0_i32 = arith.constant 0 : i32
    %c0_i32_0 = arith.constant 0 : i32
    return %arg0, %c0_i32 : i32, i32
  }
  func.func @transform_1(%arg0: i32) -> (i32, i32) {
    %c0_i32 = arith.constant 0 : i32
    %c0_i32_0 = arith.constant 0 : i32
    return %arg0, %c0_i32 : i32, i32
  }
  func.func @transform_2(%arg0: i32) -> (i32, i32) {
    %c0_i32 = arith.constant 0 : i32
    %c0_i32_0 = arith.constant 0 : i32
    return %arg0, %c0_i32 : i32, i32
  }
  func.func @transform_3(%arg0: i32) -> (i32, i32) {
    %c0_i32 = arith.constant 0 : i32
    %c0_i32_0 = arith.constant 0 : i32
    %c0_i32_1 = arith.constant 0 : i32
    return %c0_i32, %c0_i32_0 : i32, i32
  }
  func.func @transform_4(%arg0: i32) -> (i32, i32) {
    %c0_i32 = arith.constant 0 : i32
    %c0_i32_0 = arith.constant 0 : i32
    %c0_i32_1 = arith.constant 0 : i32
    return %c0_i32, %c0_i32_0 : i32, i32
  }
  func.func @transform_5(%arg0: i32) -> (i32, i32) {
    %c0_i32 = arith.constant 0 : i32
    %c0_i32_0 = arith.constant 0 : i32
    %c0_i32_1 = arith.constant 0 : i32
    return %c0_i32, %c0_i32_0 : i32, i32
  }
  func.func @transform_6(%arg0: i32) -> (i32, i32) {
    %c0_i32 = arith.constant 0 : i32
    %c0_i32_0 = arith.constant 0 : i32
    %c0_i32_1 = arith.constant 0 : i32
    return %c0_i32, %c0_i32_0 : i32, i32
  }
  func.func @transform_7(%arg0: i32) -> (i32, i32) {
    %c0_i32 = arith.constant 0 : i32
    %c0_i32_0 = arith.constant 0 : i32
    %c0_i32_1 = arith.constant 0 : i32
    return %c0_i32, %c0_i32_0 : i32, i32
  }
  func.func @transform_8(%arg0: i32) -> (i32, i32) {
    %c0_i32 = arith.constant 0 : i32
    %c0_i32_0 = arith.constant 0 : i32
    %c0_i32_1 = arith.constant 0 : i32
    return %c0_i32, %c0_i32_0 : i32, i32
  }
  func.func @transform_9(%arg0: i32) -> (i32, i32) {
    %c0_i32 = arith.constant 0 : i32
    %c0_i32_0 = arith.constant 0 : i32
    return %arg0, %c0_i32 : i32, i32
  }
  func.func @transform_10(%arg0: i32) -> (i32, i32) {
    %c0_i32 = arith.constant 0 : i32
    %c0_i32_0 = arith.constant 0 : i32
    return %arg0, %c0_i32 : i32, i32
  }
  func.func @transform_11(%arg0: i32) -> (i32, i32) {
    %c0_i32 = arith.constant 0 : i32
    %c0_i32_0 = arith.constant 0 : i32
    return %arg0, %c0_i32 : i32, i32
  }
  func.func @transform_12(%arg0: i32) -> (i32, i32) {
    %c0_i32 = arith.constant 0 : i32
    %c0_i32_0 = arith.constant 0 : i32
    return %arg0, %c0_i32 : i32, i32
  }
}

module attributes {stable_mosaic.version = 14 : i64} {
  func.func @_scale_body(%arg0: i32, %arg1: memref<1000x128xf32, #tpu.memory_space<vmem>>, %arg2: memref<1000x128xf32, #tpu.memory_space<vmem>>, %arg3: memref<1000x128xf32, #tpu.memory_space<vmem>>, %arg4: memref<1000x128xf32, #tpu.memory_space<vmem>>, %arg5: memref<1000x128xf32, #tpu.memory_space<vmem>>, %arg6: memref<1000x128xf32, #tpu.memory_space<vmem>>, %arg7: memref<1000x128xf32, #tpu.memory_space<vmem>>) attributes {dimension_semantics = [#tpu.dimension_semantics<arbitrary>], iteration_bounds = array<i64: 10>, scalar_prefetch = 0 : i64, scratch_operands = 0 : i64, tpu.core_type = #tpu.core_type<tc>, window_params = [{transform_indices = @transform_0, window_bounds = array<i64: 1000, 128>}, {transform_indices = @transform_1, window_bounds = array<i64: 1000, 128>}, {transform_indices = @transform_2, window_bounds = array<i64: 1000, 128>}, {transform_indices = @transform_3, window_bounds = array<i64: 1000, 128>}, {transform_indices = @transform_4, window_bounds = array<i64: 1000, 128>}, {transform_indices = @transform_5, window_bounds = array<i64: 1000, 128>}, {transform_indices = @transform_6, window_bounds = array<i64: 1000, 128>}]} {
    %get3A = arith.constant 0 : index
    %get3A_0 = arith.constant 0 : index
    %get3A_1 = vector.load %arg5[%get3A, %get3A_0] : memref<1000x128xf32, #tpu.memory_space<vmem>>, vector<1000x128xf32>
    %slice3A = vector.extract_strided_slice %get3A_1 {offsets = [0, 0], sizes = [1000, 1], strides = [1, 1]} : vector<1000x128xf32> to vector<1000x1xf32>
    %gt3A = arith.constant 0.000000e+00 : f32
    %gt3A_2 = vector.broadcast %gt3A : f32 to vector<1000x1xf32>
    %gt3A_3 = arith.cmpf ogt, %slice3A, %gt3A_2 : vector<1000x1xf32>
    %div3A = arith.constant 1.000000e+00 : f32
    %div3A_4 = vector.broadcast %div3A : f32 to vector<1000x1xf32>
    %div3A_5 = arith.divf %div3A_4, %slice3A : vector<1000x1xf32>
    %jit3A = arith.constant 0.000000e+00 : f32
    %broadcast_in_dim3A = vector.broadcast %jit3A : f32 to vector<1000x1xf32>
    %select_n3A = arith.select %gt3A_3, %div3A_5, %broadcast_in_dim3A : vector<1000x1xi1>, vector<1000x1xf32>
    %get3A_6 = arith.constant 0 : index
    %get3A_7 = arith.constant 0 : index
    %get3A_8 = vector.load %arg1[%get3A_6, %get3A_7] : memref<1000x128xf32, #tpu.memory_space<vmem>>, vector<1000x128xf32>
    %get3A_9 = arith.constant 0 : index
    %get3A_10 = arith.constant 0 : index
    %get3A_11 = vector.load %arg3[%get3A_9, %get3A_10] : memref<1000x128xf32, #tpu.memory_space<vmem>>, vector<1000x128xf32>
    %mul3A = vector.broadcast %select_n3A : vector<1000x1xf32> to vector<1000x128xf32>
    %mul3A_12 = arith.mulf %mul3A, %get3A_11 : vector<1000x128xf32>
    %add3A = arith.addf %get3A_8, %mul3A_12 : vector<1000x128xf32>
    %swap3A = arith.constant 0 : index
    %swap3A_13 = arith.constant 0 : index
    %swap3A_14 = vector.load %arg6[%swap3A, %swap3A_13] : memref<1000x128xf32, #tpu.memory_space<vmem>>, vector<1000x128xf32>
    tpu.vector_store %arg6[%swap3A, %swap3A_13], %add3A {strides = array<i32>} : memref<1000x128xf32, #tpu.memory_space<vmem>>, vector<1000x128xf32>,
    %get3A_15 = arith.constant 0 : index
    %get3A_16 = arith.constant 0 : index
    %get3A_17 = vector.load %arg2[%get3A_15, %get3A_16] : memref<1000x128xf32, #tpu.memory_space<vmem>>, vector<1000x128xf32>
    %get3A_18 = arith.constant 0 : index
    %get3A_19 = arith.constant 0 : index
    %get3A_20 = vector.load %arg4[%get3A_18, %get3A_19] : memref<1000x128xf32, #tpu.memory_space<vmem>>, vector<1000x128xf32>
    %mul3A_21 = vector.broadcast %select_n3A : vector<1000x1xf32> to vector<1000x128xf32>
    %mul3A_22 = arith.mulf %mul3A_21, %get3A_20 : vector<1000x128xf32>
    %add3A_23 = arith.addf %get3A_17, %mul3A_22 : vector<1000x128xf32>
    %swap3A_24 = arith.constant 0 : index
    %swap3A_25 = arith.constant 0 : index
    %swap3A_26 = vector.load %arg7[%swap3A_24, %swap3A_25] : memref<1000x128xf32, #tpu.memory_space<vmem>>, vector<1000x128xf32>
    tpu.vector_store %arg7[%swap3A_24, %swap3A_25], %add3A_23 {strides = array<i32>} : memref<1000x128xf32, #tpu.memory_space<vmem>>, vector<1000x128xf32>,
    return
  }
  func.func @transform_0(%arg0: i32) -> (i32, i32) {
    %c0_i32 = arith.constant 0 : i32
    %c0_i32_0 = arith.constant 0 : i32
    return %arg0, %c0_i32 : i32, i32
  }
  func.func @transform_1(%arg0: i32) -> (i32, i32) {
    %c0_i32 = arith.constant 0 : i32
    %c0_i32_0 = arith.constant 0 : i32
    return %arg0, %c0_i32 : i32, i32
  }
  func.func @transform_2(%arg0: i32) -> (i32, i32) {
    %c0_i32 = arith.constant 0 : i32
    %c0_i32_0 = arith.constant 0 : i32
    return %arg0, %c0_i32 : i32, i32
  }
  func.func @transform_3(%arg0: i32) -> (i32, i32) {
    %c0_i32 = arith.constant 0 : i32
    %c0_i32_0 = arith.constant 0 : i32
    return %arg0, %c0_i32 : i32, i32
  }
  func.func @transform_4(%arg0: i32) -> (i32, i32) {
    %c0_i32 = arith.constant 0 : i32
    %c0_i32_0 = arith.constant 0 : i32
    return %arg0, %c0_i32 : i32, i32
  }
  func.func @transform_5(%arg0: i32) -> (i32, i32) {
    %c0_i32 = arith.constant 0 : i32
    %c0_i32_0 = arith.constant 0 : i32
    return %arg0, %c0_i32 : i32, i32
  }
  func.func @transform_6(%arg0: i32) -> (i32, i32) {
    %c0_i32 = arith.constant 0 : i32
    %c0_i32_0 = arith.constant 0 : i32
    return %arg0, %c0_i32 : i32, i32
  }
}

module attributes {stable_mosaic.version = 14 : i64} {
  func.func @_dec_body(%arg0: i32, %arg1: memref<1000x128xf32, #tpu.memory_space<vmem>>, %arg2: memref<1000x128xf32, #tpu.memory_space<vmem>>, %arg3: memref<1000x128xf32, #tpu.memory_space<vmem>>, %arg4: memref<1000x128xf32, #tpu.memory_space<vmem>>, %arg5: memref<1000x128xf32, #tpu.memory_space<vmem>>, %arg6: memref<128x128xf32, #tpu.memory_space<vmem>>, %arg7: memref<128x128xf32, #tpu.memory_space<vmem>>, %arg8: memref<1x128xf32, #tpu.memory_space<vmem>>, %arg9: memref<1x128xf32, #tpu.memory_space<vmem>>, %arg10: memref<1x128xf32, #tpu.memory_space<vmem>>, %arg11: memref<1000x128xf32, #tpu.memory_space<vmem>>) attributes {dimension_semantics = [#tpu.dimension_semantics<arbitrary>], iteration_bounds = array<i64: 10>, scalar_prefetch = 0 : i64, scratch_operands = 0 : i64, tpu.core_type = #tpu.core_type<tc>, window_params = [{transform_indices = @transform_0, window_bounds = array<i64: 1000, 128>}, {transform_indices = @transform_1, window_bounds = array<i64: 1000, 128>}, {transform_indices = @transform_2, window_bounds = array<i64: 1000, 128>}, {transform_indices = @transform_3, window_bounds = array<i64: 1000, 128>}, {transform_indices = @transform_4, window_bounds = array<i64: 1000, 128>}, {pipeline_mode = #tpu.pipeline_mode<synchronous>, transform_indices = @transform_5, window_bounds = array<i64: 128, 128>}, {pipeline_mode = #tpu.pipeline_mode<synchronous>, transform_indices = @transform_6, window_bounds = array<i64: 128, 128>}, {pipeline_mode = #tpu.pipeline_mode<synchronous>, transform_indices = @transform_7, window_bounds = array<i64: 1, 128>}, {pipeline_mode = #tpu.pipeline_mode<synchronous>, transform_indices = @transform_8, window_bounds = array<i64: 1, 128>}, {pipeline_mode = #tpu.pipeline_mode<synchronous>, transform_indices = @transform_9, window_bounds = array<i64: 1, 128>}, {transform_indices = @transform_10, window_bounds = array<i64: 1000, 128>}]} {
    %get3A = arith.constant 0 : index
    %get3A_0 = arith.constant 0 : index
    %get3A_1 = vector.load %arg5[%get3A, %get3A_0] : memref<1000x128xf32, #tpu.memory_space<vmem>>, vector<1000x128xf32>
    %slice3A = vector.extract_strided_slice %get3A_1 {offsets = [0, 0], sizes = [1000, 1], strides = [1, 1]} : vector<1000x128xf32> to vector<1000x1xf32>
    %gt3A = arith.constant 0.000000e+00 : f32
    %gt3A_2 = vector.broadcast %gt3A : f32 to vector<1000x1xf32>
    %gt3A_3 = arith.cmpf ogt, %slice3A, %gt3A_2 : vector<1000x1xf32>
    %rsqrt3A = math.rsqrt %slice3A : vector<1000x1xf32>
    %jit3A = arith.constant 0.000000e+00 : f32
    %broadcast_in_dim3A = vector.broadcast %jit3A : f32 to vector<1000x1xf32>
    %select_n3A = arith.select %gt3A_3, %rsqrt3A, %broadcast_in_dim3A : vector<1000x1xi1>, vector<1000x1xf32>
    %get3A_4 = arith.constant 0 : index
    %get3A_5 = arith.constant 0 : index
    %get3A_6 = vector.load %arg1[%get3A_4, %get3A_5] : memref<1000x128xf32, #tpu.memory_space<vmem>>, vector<1000x128xf32>
    %get3A_7 = arith.constant 0 : index
    %get3A_8 = arith.constant 0 : index
    %get3A_9 = vector.load %arg3[%get3A_7, %get3A_8] : memref<1000x128xf32, #tpu.memory_space<vmem>>, vector<1000x128xf32>
    %mul3A = vector.broadcast %select_n3A : vector<1000x1xf32> to vector<1000x128xf32>
    %mul3A_10 = arith.mulf %mul3A, %get3A_9 : vector<1000x128xf32>
    %add3A = arith.addf %get3A_6, %mul3A_10 : vector<1000x128xf32>
    %mul3A_11 = arith.constant 2.500000e-01 : f32
    %mul3A_12 = vector.broadcast %mul3A_11 : f32 to vector<1000x128xf32>
    %mul3A_13 = arith.mulf %add3A, %mul3A_12 : vector<1000x128xf32>
    %get3A_14 = arith.constant 0 : index
    %get3A_15 = arith.constant 0 : index
    %get3A_16 = vector.load %arg2[%get3A_14, %get3A_15] : memref<1000x128xf32, #tpu.memory_space<vmem>>, vector<1000x128xf32>
    %get3A_17 = arith.constant 0 : index
    %get3A_18 = arith.constant 0 : index
    %get3A_19 = vector.load %arg4[%get3A_17, %get3A_18] : memref<1000x128xf32, #tpu.memory_space<vmem>>, vector<1000x128xf32>
    %mul3A_20 = vector.broadcast %select_n3A : vector<1000x1xf32> to vector<1000x128xf32>
    %mul3A_21 = arith.mulf %mul3A_20, %get3A_19 : vector<1000x128xf32>
    %add3A_22 = arith.addf %get3A_16, %mul3A_21 : vector<1000x128xf32>
    %mul3A_23 = arith.constant 2.500000e-01 : f32
    %mul3A_24 = vector.broadcast %mul3A_23 : f32 to vector<1000x128xf32>
    %mul3A_25 = arith.mulf %add3A_22, %mul3A_24 : vector<1000x128xf32>
    %get3A_26 = arith.constant 0 : index
    %get3A_27 = arith.constant 0 : index
    %get3A_28 = vector.load %arg6[%get3A_26, %get3A_27] : memref<128x128xf32, #tpu.memory_space<vmem>>, vector<128x128xf32>
    %dot_general3A = arith.constant dense<0.000000e+00> : vector<1000x128xf32>
    %dot_general3A_29 = tpu.matmul %mul3A_13, %get3A_28, %dot_general3A {dimension_numbers = #tpu.dot_dimension_numbers<[1], [0], [0], [1], [0, 0, 1, 1], [], []>, transpose_lhs_hint = false} : vector<1000x128xf32>, vector<128x128xf32>, vector<1000x128xf32> -> vector<1000x128xf32>
    %get3A_30 = arith.constant 0 : index
    %get3A_31 = arith.constant 0 : index
    %get3A_32 = vector.load %arg7[%get3A_30, %get3A_31] : memref<128x128xf32, #tpu.memory_space<vmem>>, vector<128x128xf32>
    %dot_general3A_33 = arith.constant dense<0.000000e+00> : vector<1000x128xf32>
    %dot_general3A_34 = tpu.matmul %mul3A_25, %get3A_32, %dot_general3A_33 {dimension_numbers = #tpu.dot_dimension_numbers<[1], [0], [0], [1], [0, 0, 1, 1], [], []>, transpose_lhs_hint = false} : vector<1000x128xf32>, vector<128x128xf32>, vector<1000x128xf32> -> vector<1000x128xf32>
    %add3A_35 = arith.addf %dot_general3A_29, %dot_general3A_34 : vector<1000x128xf32>
    %get3A_36 = arith.constant 0 : index
    %get3A_37 = arith.constant 0 : index
    %get3A_38 = vector.load %arg8[%get3A_36, %get3A_37] : memref<1x128xf32, #tpu.memory_space<vmem>>, vector<1x128xf32>
    %add3A_39 = vector.broadcast %get3A_38 : vector<1x128xf32> to vector<1000x128xf32>
    %add3A_40 = arith.addf %add3A_35, %add3A_39 : vector<1000x128xf32>
    %get3A_41 = arith.constant 0 : index
    %get3A_42 = arith.constant 0 : index
    %get3A_43 = vector.load %arg9[%get3A_41, %get3A_42] : memref<1x128xf32, #tpu.memory_space<vmem>>, vector<1x128xf32>
    %get3A_44 = arith.constant 0 : index
    %get3A_45 = arith.constant 0 : index
    %get3A_46 = vector.load %arg10[%get3A_44, %get3A_45] : memref<1x128xf32, #tpu.memory_space<vmem>>, vector<1x128xf32>
    %reduce_sum3A = arith.constant dense<0.000000e+00> : vector<1000xf32>
    %reduce_sum3A_47 = vector.multi_reduction <add>, %add3A_40, %reduce_sum3A [1] : vector<1000x128xf32> to vector<1000xf32>
    %broadcast_in_dim3A_48 = vector.shape_cast %reduce_sum3A_47 : vector<1000xf32> to vector<1000x1xf32>
    %div3A = arith.constant 1.280000e+02 : f32
    %div3A_49 = vector.broadcast %div3A : f32 to vector<1000x1xf32>
    %div3A_50 = arith.divf %broadcast_in_dim3A_48, %div3A_49 : vector<1000x1xf32>
    %sub3A = vector.broadcast %div3A_50 : vector<1000x1xf32> to vector<1000x128xf32>
    %sub3A_51 = arith.subf %add3A_40, %sub3A : vector<1000x128xf32>
    %integer_pow3A = arith.mulf %sub3A_51, %sub3A_51 : vector<1000x128xf32>
    %reduce_sum3A_52 = arith.constant dense<0.000000e+00> : vector<1000xf32>
    %reduce_sum3A_53 = vector.multi_reduction <add>, %integer_pow3A, %reduce_sum3A_52 [1] : vector<1000x128xf32> to vector<1000xf32>
    %broadcast_in_dim3A_54 = vector.shape_cast %reduce_sum3A_53 : vector<1000xf32> to vector<1000x1xf32>
    %div3A_55 = arith.constant 1.280000e+02 : f32
    %div3A_56 = vector.broadcast %div3A_55 : f32 to vector<1000x1xf32>
    %div3A_57 = arith.divf %broadcast_in_dim3A_54, %div3A_56 : vector<1000x1xf32>
    %sub3A_58 = vector.broadcast %div3A_50 : vector<1000x1xf32> to vector<1000x128xf32>
    %sub3A_59 = arith.subf %add3A_40, %sub3A_58 : vector<1000x128xf32>
    %add3A_60 = arith.constant 9.99999974E-6 : f32
    %add3A_61 = vector.broadcast %add3A_60 : f32 to vector<1000x1xf32>
    %add3A_62 = arith.addf %div3A_57, %add3A_61 : vector<1000x1xf32>
    %rsqrt3A_63 = math.rsqrt %add3A_62 : vector<1000x1xf32>
    %mul3A_64 = vector.broadcast %rsqrt3A_63 : vector<1000x1xf32> to vector<1000x128xf32>
    %mul3A_65 = arith.mulf %sub3A_59, %mul3A_64 : vector<1000x128xf32>
    %mul3A_66 = vector.broadcast %get3A_43 : vector<1x128xf32> to vector<1000x128xf32>
    %mul3A_67 = arith.mulf %mul3A_65, %mul3A_66 : vector<1000x128xf32>
    %add3A_68 = vector.broadcast %get3A_46 : vector<1x128xf32> to vector<1000x128xf32>
    %add3A_69 = arith.addf %mul3A_67, %add3A_68 : vector<1000x128xf32>
    %tanh3A = math.tanh %add3A_69 : vector<1000x128xf32>
    %swap3A = arith.constant 0 : index
    %swap3A_70 = arith.constant 0 : index
    %swap3A_71 = vector.load %arg11[%swap3A, %swap3A_70] : memref<1000x128xf32, #tpu.memory_space<vmem>>, vector<1000x128xf32>
    tpu.vector_store %arg11[%swap3A, %swap3A_70], %tanh3A {strides = array<i32>} : memref<1000x128xf32, #tpu.memory_space<vmem>>, vector<1000x128xf32>,
    return
  }
  func.func @transform_0(%arg0: i32) -> (i32, i32) {
    %c0_i32 = arith.constant 0 : i32
    %c0_i32_0 = arith.constant 0 : i32
    return %arg0, %c0_i32 : i32, i32
  }
  func.func @transform_1(%arg0: i32) -> (i32, i32) {
    %c0_i32 = arith.constant 0 : i32
    %c0_i32_0 = arith.constant 0 : i32
    return %arg0, %c0_i32 : i32, i32
  }
  func.func @transform_2(%arg0: i32) -> (i32, i32) {
    %c0_i32 = arith.constant 0 : i32
    %c0_i32_0 = arith.constant 0 : i32
    return %arg0, %c0_i32 : i32, i32
  }
  func.func @transform_3(%arg0: i32) -> (i32, i32) {
    %c0_i32 = arith.constant 0 : i32
    %c0_i32_0 = arith.constant 0 : i32
    return %arg0, %c0_i32 : i32, i32
  }
  func.func @transform_4(%arg0: i32) -> (i32, i32) {
    %c0_i32 = arith.constant 0 : i32
    %c0_i32_0 = arith.constant 0 : i32
    return %arg0, %c0_i32 : i32, i32
  }
  func.func @transform_5(%arg0: i32) -> (i32, i32) {
    %c0_i32 = arith.constant 0 : i32
    %c0_i32_0 = arith.constant 0 : i32
    %c0_i32_1 = arith.constant 0 : i32
    return %c0_i32, %c0_i32_0 : i32, i32
  }
  func.func @transform_6(%arg0: i32) -> (i32, i32) {
    %c0_i32 = arith.constant 0 : i32
    %c0_i32_0 = arith.constant 0 : i32
    %c0_i32_1 = arith.constant 0 : i32
    return %c0_i32, %c0_i32_0 : i32, i32
  }
  func.func @transform_7(%arg0: i32) -> (i32, i32) {
    %c0_i32 = arith.constant 0 : i32
    %c0_i32_0 = arith.constant 0 : i32
    %c0_i32_1 = arith.constant 0 : i32
    return %c0_i32, %c0_i32_0 : i32, i32
  }
  func.func @transform_8(%arg0: i32) -> (i32, i32) {
    %c0_i32 = arith.constant 0 : i32
    %c0_i32_0 = arith.constant 0 : i32
    %c0_i32_1 = arith.constant 0 : i32
    return %c0_i32, %c0_i32_0 : i32, i32
  }
  func.func @transform_9(%arg0: i32) -> (i32, i32) {
    %c0_i32 = arith.constant 0 : i32
    %c0_i32_0 = arith.constant 0 : i32
    %c0_i32_1 = arith.constant 0 : i32
    return %c0_i32, %c0_i32_0 : i32, i32
  }
  func.func @transform_10(%arg0: i32) -> (i32, i32) {
    %c0_i32 = arith.constant 0 : i32
    %c0_i32_0 = arith.constant 0 : i32
    return %arg0, %c0_i32 : i32, i32
  }
}

</mosaic_0001>

<sc_bundles>
// kernel: kernel.11.cloned.1.call-start
scs
__scs_entry_jumppad:
0x0: {  	(pc) =	sbr.rel $0x88, $3  }
0x1: {  	(tag) =	ssettag $0x0;
	lr =	simm.s32 $0x1  }
0x2: {  	[smem:$0x3F91] =	sst lr;
	_ =	strace $0xD0000000  }
0x3: {  	_ = 	snop  }
0x4: {  	_ = 	snop  }
0x5: {  	_ = 	snop  }
0x6: {  	_ = 	snop  }
0x7: {  	_ = 	snop  }
__scs_overlays_trampoline_lowered:
0x8: {  	[smem:$0x3FA0] =	sst s0  }
0x9: {  	[smem:$0x3FA1] =	sst s1  }
0xa: {  	[smem:$0x3FA2] =	sst s2  }
0xb: {  	[smem:$0x3FA3] =	sst s3  }
0xc: {  	[smem:$0x3FA4] =	sst s4  }
0xd: {  	[smem:$0x3FA5] =	sst s5  }
0xe: {  	[smem:$0x3FA6] =	sst s6  }
0xf: {  	[smem:$0x3FA7] =	sst s7  }
0x10: {  	[smem:$0x3FA8] =	sst s8  }
0x11: {  	[smem:$0x3FA9] =	sst s9;
	s0 =	simm.s32 @!p0 $0x0  }
0x12: {  	s1 =	sld [smem:$0x3F8F];
	s0 =	simm.s32 @p0 $0x1  }
0x13: {  	[smem:$0x3FAA] =	sst s0;
	s0 =	simm.s32 @!p1 $0x0  }
0x14: {  	s2 =	sld [smem:$0x3F8E];
	s0 =	simm.s32 @p1 $0x1  }
0x15: {  	[smem:$0x3FAB] =	sst s0;
	s0 =	simm.s32 @!p2 $0x0  }
0x16: {  	s3 =	sld [smem:$0x3FDB];
	s0 =	simm.s32 @p2 $0x1  }
0x17: {  	s4 =	simm.s32 $0x1BF5;
	[smem:$0x3FAD] =	sst s0  }
0x18: {  	s0 =	sld [smem:$0x3F90];
	_ =	swait.ge [sflag:s4], $0x0  }
0x19: {  	s7 =	sld [smem:$0x3F91]  }
0x1a: {  	s8 =	sadd.s32 $0xFFFFE003, lr  }
0x1b: {  	s9 =	sadd.s32 $0xFFFFFEF7, lr;
	s5 =	simm.s32 $0xFFFFFFFF;
	p2 =	slt.u32 s8, $0xFFFFF086  }
0x1c: {  	p1 =	slt.u32 s9, $0xF7A;
	s5 =	simm.s32 @!p2 $0x0  }
0x1d: {  	s5 =	simm.s32 @p1 $0x1;
	p0 =	seq.s32 s7, s2  }
0x1e: {  	s7 =	smul.u32 @!p0 $0xF7A, s2;
	p2 =	seq.s32 @!p0 s5, $0x0  }
0x1f: {  	s9 =	smul.u32 $0xF7A, s1;
	s8 =	simm.s32 @!p0 $0x1BF5;
	p2 =	por !p2, p0  }
0x20: {  	[sflag:s8] =	ssyncset.s32 @!p0 $0xFFFFF086;
	s6 =	sadd.s32 @!p0 s3, s7;
	s7 =	simm.s32 @!p0 $0x108  }
0x21: {  	s3 =	sadd.s32 s3, s9;
	s6 =	sadd.s32 @!p0 $0x88, s6;
	s7 =	simm.s32 @p2 $0x1082  }
0x22: {  	[simem:s7], [sflag:s8] =	dma.local @!p0 [hbm:s6], $0xF7A  }
0x23: {  	s9 =	sor.u32 $0xD0000000, s2;
	s6 =	simm.s32 $0x108;
	_ =	swait.ge @!p0 [sflag:s8], $0x0  }
0x24: {  	s3 =	sadd.s32 $0x88, s3;
	s6 =	simm.s32 @!p1 $0x1082;
	[sflag:s4] =	ssyncset.s32 $0xFFFFF086  }
0x25: {  	[simem:s6], [sflag:s4] =	dma.local [hbm:s3], $0xF7A  }
0x26: {  	[smem:$0x3F91] =	sst s1;
	(tag) =	ssettag s2;
	_ =	strace s9  }
0x27: {  	s1 =	sld [smem:$0x3FA1]  }
0x28: {  	s2 =	sld [smem:$0x3FA2]  }
0x29: {  	s4 =	sld [smem:$0x3FA4]  }
0x2a: {  	p0 =	seq.s32 s5, $0x0;
	s5 =	sld [smem:$0x3FA5]  }
0x2b: {  	s6 =	sld [smem:$0x3FA6]  }
0x2c: {  	s7 =	sld [smem:$0x3FA7]  }
0x2d: {  	s3 =	simm.s32 $0x108;
	s8 =	sld [smem:$0x3FA8]  }
0x2e: {  	s3 =	simm.s32 @!p0 $0x1082;
	s9 =	sld [smem:$0x3FA9]  }
0x2f: {  	lr =	sadd.s32 s0, s3;
	s0 =	sld [smem:$0x3FA0]  }
0x30: {  	s3 =	sld [smem:$0x3FA3]  }
0x31: {  	[smem:$0x3FAC] =	sst s10  }
0x32: {  	s10 =	sld [smem:$0x3FAA];
	_ =	sdelay $0x3  }
0x33: {  	p0 =	seq.s32 s10, $0x1;
	s10 =	sld [smem:$0x3FAC];
	_ =	sdelay $0x3  }
0x34: {  	[smem:$0x3FAC] =	sst s10  }
0x35: {  	s10 =	sld [smem:$0x3FAB];
	_ =	sdelay $0x3  }
0x36: {  	p1 =	seq.s32 s10, $0x1;
	s10 =	sld [smem:$0x3FAC];
	_ =	sdelay $0x3  }
0x37: {  	[smem:$0x3FAC] =	sst s10  }
0x38: {  	s10 =	sld [smem:$0x3FAD]  }
0x39: {  	_ = 	snop;
	(pc) =	sbr.ind lr, $3  }
0x3a: {  	_ = 	snop  }
0x3b: {  	_ = 	snop  }
0x3c: {  	p2 =	seq.s32 s10, $0x1;
	s10 =	sld [smem:$0x3FAC]  }
0x3d: {  	_ =	shalt  }
0x3e: {  	_ =	shalt  }
0x3f: {  	_ =	shalt  }
0x40: {  	_ =	shalt  }
0x41: {  	_ =	shalt  }
0x42: {  	_ =	shalt  }
0x43: {  	_ =	shalt  }
0x44: {  	_ =	shalt  }
0x45: {  	_ =	shalt  }
0x46: {  	_ =	shalt  }
0x47: {  	_ =	shalt  }
0x48: {  	_ =	shalt  }
0x49: {  	_ =	shalt  }
0x4a: {  	_ =	shalt  }
0x4b: {  	_ =	shalt  }
0x4c: {  	_ =	shalt  }
0x4d: {  	_ =	shalt  }
0x4e: {  	_ =	shalt  }
0x4f: {  	_ =	shalt  }
0x50: {  	_ =	shalt  }
0x51: {  	_ =	shalt  }
0x52: {  	_ =	shalt  }
0x53: {  	_ =	shalt  }
0x54: {  	_ =	shalt  }
0x55: {  	_ =	shalt  }
0x56: {  	_ =	shalt  }
0x57: {  	_ =	shalt  }
0x58: {  	_ =	shalt  }
0x59: {  	_ =	shalt  }
0x5a: {  	_ =	shalt  }
0x5b: {  	_ =	shalt  }
0x5c: {  	_ =	shalt  }
0x5d: {  	_ =	shalt  }
0x5e: {  	_ =	shalt  }
0x5f: {  	_ =	shalt  }
0x60: {  	_ =	shalt  }
0x61: {  	_ =	shalt  }
0x62: {  	_ =	shalt  }
0x63: {  	_ =	shalt  }
0x64: {  	_ =	shalt  }
0x65: {  	_ =	shalt  }
0x66: {  	_ =	shalt  }
0x67: {  	_ =	shalt  }
0x68: {  	_ =	shalt  }
0x69: {  	_ =	shalt  }
0x6a: {  	_ =	shalt  }
0x6b: {  	_ =	shalt  }
0x6c: {  	_ =	shalt  }
0x6d: {  	_ =	shalt  }
0x6e: {  	_ =	shalt  }
0x6f: {  	_ =	shalt  }
0x70: {  	_ =	shalt  }
0x71: {  	_ =	shalt  }
0x72: {  	_ =	shalt  }
0x73: {  	_ =	shalt  }
0x74: {  	_ =	shalt  }
0x75: {  	_ =	shalt  }
0x76: {  	_ =	shalt  }
0x77: {  	_ =	shalt  }
0x78: {  	_ =	shalt  }
0x79: {  	_ =	shalt  }
0x7a: {  	_ =	shalt  }
0x7b: {  	_ =	shalt  }
0x7c: {  	_ =	shalt  }
0x7d: {  	_ =	shalt  }
0x7e: {  	_ =	shalt  }
0x7f: {  	_ =	shalt  }
0x80: {  	_ =	shalt  }
0x81: {  	_ =	shalt  }
0x82: {  	_ =	shalt  }
0x83: {  	_ =	shalt  }
0x84: {  	_ =	shalt  }
0x85: {  	_ =	shalt  }
0x86: {  	_ =	shalt  }
0x87: {  	_ =	shalt  }
.Lfunc_end0:
.L_simem_size_0:
called_computation_lowered:
.L_overlay_start_0:
0x88: {  	s2 =	sld [smem:$0x3FD9]  }
0x89: {  	s3 =	sld [smem:$0x3FFE];
	_ =	sdelay $0x1  }
0x8a: {  	s1 =	srdreg.scid  }
0x8b: {  	s0 =	sand.u32 $0x1, s1  }
0x8c: {  	s17 =	sshll.u32 s0, $0xA;
	s2 =	sadd.s32 s3, s2  }
0x8d: {  	s2 =	sadd.s32 s2, s17  }
0x8e: {  	[smem:$0x3FB8] =	sst s2  }
0x8f: {  	_ = 	snop  }
0x90: {  	s2 =	sld [smem:$0x3FD0];
	(tm) =	ssettm $0x1  }
0x91: {  	s18 =	sld [smem:$0x3FFB];
	_ =	sdelay $0x3  }
0x92: {  	_ =	strace s18  }
0x93: {  	s3 =	sld [smem:$0x3FFC];
	_ =	sdelay $0x3  }
0x94: {  	_ =	strace s3  }
0x95: {  	s3 =	sld [smem:$0x3FFD];
	_ =	sdelay $0x3  }
0x96: {  	_ =	strace s3  }
0x97: {  	_ =	strace $0x8FFFFFFF  }
0x98: {  	s19 =	sld [smem:$0x3FDB];
	_ =	sdelay $0x1  }
0x99: {  	s4 =	simm.s32 $_scs_section_size  }
0x9a: {  	s5 =	simm.s32 $_size__tile_overlayer_lowered;
	s6 =	simm.s32 $_tile_overlayer_lowered  }
0x9b: {  	s22 =	simm.s32 $0x1BFF;
	s21 =	sshll.u32 s6, $0x1;
	s3 =	sadd.s32 s4, s19  }
0x9c: {  	s7 =	simm.s32 $0x0;
	s20 =	sshll.u32 s5, $0x1;
	s5 =	sadd.s32 s21, s3  }
0x9d: {  	[timem:s7], [sflag:s22] =	dma.local [hbm:s5], s20  }
0x9e: {  	_ =	swait.ge [sflag:s22], s20  }
0x9f: {  	s4 =	ssub.s32 $0x0, s20;
	[sflag:s22] =	ssyncset.done $0x0  }
0xa0: {  	[sflag:s22] =	ssyncadd.s32 s4;
	_ =	sdelay $0x1  }
0xa1: {  	s23 =	simm.s32 $0x1B8B  }
0xa2: {  	_ =	swait.ge [sflag:s23], $0x1  }
0xa3: {  	[sflag:s23] =	ssyncset.done $0x0  }
0xa4: {  	s25 =	simm.s32 $0x1B8E;
	s24 =	sld [smem:$0x3FFE];
	[sflag:s23] =	ssyncadd.s32 $0xFFFFFFFF  }
0xa5: {  	s26 =	simm.s32 $execute0_lowered;
	[smem:$0x3FD2] =	sst s25  }
0xa6: {  	s5 =	sshll.u32 s26, $0x1;
	_ =	strace $0x80000046;
	[dreg:$0x1] =	wrdreg $0xFFFFFFFF  }
0xa7: {  	s28 =	simm.s32 $_size_execute0_lowered;
	s3 =	sadd.s32 s3, s5;
	[dreg:$0x0] =	wrdreg $0x0  }
0xa8: {  	s5 =	sshll.u32 s28, $0x1;
	[dreg:$0x2] =	wrdreg s3  }
0xa9: {  	[dreg:$0x3] =	wrdreg s5  }
0xaa: {  	[dreg:$0x4] =	wrdreg $0xC0  }
0xab: {  	_ =	task [dreg:s7], $0x5FFFF  }
0xac: {  	[dreg:$0x1] =	wrdreg $0xFFFFFFFF  }
0xad: {  	[dreg:$0x0] =	wrdreg $0x60  }
0xae: {  	[dreg:$0x2] =	wrdreg s2  }
0xaf: {  	[dreg:$0x3] =	wrdreg s24  }
0xb0: {  	[dreg:$0x4] =	wrdreg $0x0  }
0xb1: {  	[dreg:$0x5] =	wrdreg $0x9  }
0xb2: {  	_ =	task.clear_ibuf [dreg:s7], $0x6FFFF;
	_ =	strace $0x90000046  }
0xb3: {  	s29 =	simm.s32 $0x9;
	_ =	strace $0x80000048  }
0xb4: {  	_ =	swait.ge [sflag:s29], $0x1  }
0xb5: {  	[sflag:s29] =	ssyncadd.s32 $0xFFFFFFFF  }
0xb6: {  	_ =	strace $0x90000048  }
0xb7: {  	_ =	sfence  }
0xb8: {  	s30 =	sld [smem:$0x0];
	_ =	sdelay $0x2  }
0xb9: {  	s31 =	sshll.u32 s1, $0xD;
	s1 =	sshrl.u32 s1, $0x2  }
0xba: {  	s3 =	sand.u32 $0x4000, s31;
	s1 =	sadd.s32 s1, s30  }
0xbb: {  	s0 =	sor.u32 s3, s0;
	s1 =	sshll.u32 s1, $0x11  }
0xbc: {  	s0 =	sor.u32 s1, s0  }
0xbd: {  	s0 =	sadd.s32 $0x8F2B, s0  }
0xbe: {  	[sflag:s0] =	ssyncadd.remote.s32 $0x1  }
0xbf: {  	_ =	sfence.sel $0xFFFF  }
0xc0: {  	[dreg:$0x0] =	wrdreg $0xFFFFFFFF;
	(pc) =	sbr.abs _section_cstart, $3  }
0xc1: {  	[dreg:$0x1] =	wrdreg $0xFFFFFFFF  }
0xc2: {  	_ =	task.clear_ibuf [dreg:s7], $0x2FFFF;
	_ =	strace $0x9FFFFFFF  }
0xc3: {  	(tm) =	ssettm $0x7FFFFFFF  }
tec
execute0_lowered:
.L_overlay_start_1:
0x0: {  	(tag) =	ssettag $0x1  }
0x1: {  	s9 =	rddreg [dreg:$0x0]  }
0x2: {  	s6 =	rddreg [dreg:$0x1]  }
0x3: {  	s1 =	rddreg [dreg:$0x2];
	s2 =	srdreg.scid  }
0x4: {  	s0 =	rddreg [dreg:$0x3];
	s3 =	simm.s32 $0x0;
	s14 =	simm.s32 $0x80  }
0x5: {  	s15 =	simm.s32 $0x1;
	s16 =	simm.s32 $0x13C80;
	s17 =	simm.s32 $0x13D00  }
0x6: {  	s18 =	simm.s32 $0x13D80;
	s19 =	simm.s32 $0x13E00;
	s7 =	sand.u32 $0x1, s2  }
0x7: {  	s20 =	simm.s32 $0x13E80;
	s2 =	stileid.u32;
	s8 =	smul.u32 $0x140000, s7  }
0x8: {  	s21 =	simm.s32 $0x13F00;
	s22 =	simm.s32 $0x13F80;
	s10 =	smul.u32 $0x14000, s2  }
0x9: {  	s23 =	simm.s32 $0x0;
	[smem:$0x7FF] =	sst s3;
	s26 =	smul.u32 $0x4F000, s2  }
0xa: {  	s4 =	sadd.s32 $0x1D800, s6;
	s11 =	ssub.s32 $0x2, s7;
	s7 =	smul.u32 $0x50000, s7  }
0xb: {  	s5 =	sadd.s32 $0x1B000, s6;
	_ =	strace $0x80000047;
	s12 =	smul.u32 $0x5000, s2  }
0xc: {  	s30 =	sshll.u32 s2, $0x6;
	s28 =	sshrl.u32 s11, $0x1;
	s8 =	sadd.s32 s10, s8  }
0xd: {  	s11 =	ssub.s32 s11, s28;
	s29 =	sshrl.u32 s26, $0x2;
	s31 =	sadd.s32 s12, s7  }
0xe: {  	s12 =	simm.s32 $0x14000;
	s8 =	sshrl.u32 s8, $0x3;
	s13 =	sadd.s32 s29, s1  }
0xf: {  	s10 =	sshrl.u32 s31, $0x3;
	s8 =	sadd.s32 s8, s6;
	s6 =	sor.u32 $0x1C02, s30  }
0x10: {  	s9 =	sadd.s32 s10, s9;
	s10 =	sshrl.u32 s13, $0x3;
	s13 =	simm.s32 $0x13C00  }
0x11: {  	s7 =	sadd.s32 $0x1E000, s8;
	s8 =	smax.u32 s11, $0x1;
	s11 =	simm.s32 $0x2  }
.LBB2_1:
0x12: {  	[spmem:s10], [sflag:s6] =	dma.local [hbm:s5], $0x2780  }
0x13: {  	_ =	swait.ge [sflag:s11], $0x2780  }
0x14: {  	[sflag:s11] =	ssyncset.done $0x0  }
0x15: {  	[sflag:s11] =	ssyncadd.s32 $0xFFFFD880  }
0x16: {  	[tilespmem:s12], [sflag:$0x2] =	stream.linear.gather [hbm4b:s4+s3], $0x4000, $0x38;
	[tilespmem:$0x18000] =	vst v63  }
0x17: {  	_ =	swait.ge [sflag:s11], $0x4000  }
0x18: {  	[sflag:s11] =	ssyncset.done $0x0  }
0x19: {  	[sflag:s11] =	ssyncadd.s32 $0xFFFFC000  }
0x1a: {  	s24 =	sadd.s32 $0x0, s9;
	[bflag:$0x0] =	sbarrier.arrive $0xFFFF  }
0x1b: {  	[tilespmem:s13], [sflag:$0x2] =	stream.linear.gather [hbm4b:s24+s3], $0x400, $0x38;
	[tilespmem:$0x18000] =	vst v63  }
0x1c: {  	_ =	swait.ge [sflag:s11], $0x400  }
0x1d: {  	[sflag:s11] =	ssyncset.done $0x0  }
0x1e: {  	[sflag:s11] =	ssyncadd.s32 $0xFFFFFC00  }
0x1f: {  	[spmem:s1] =	stream.indirect.scatter.add.f32 [tilespmem:s12], [sflag:$0x1], $0x80, s13, s14, $0xb8;
	[tilespmem:$0x18000] =	vst v63  }
0x20: {  	_ =	swait.ge [sflag:s15], $0x4000  }
0x21: {  	[sflag:s15] =	ssyncset.done $0x0  }
0x22: {  	[sflag:s15] =	ssyncadd.s32 $0xFFFFC000  }
0x23: {  	[spmem:s1] =	stream.indirect.scatter.add.f32 [tilespmem:s12], [sflag:$0x1], $0x80, s16, s14, $0xb8;
	[tilespmem:$0x18000] =	vst v63  }
0x24: {  	_ =	swait.ge [sflag:s15], $0x4000  }
0x25: {  	[sflag:s15] =	ssyncset.done $0x0  }
0x26: {  	[sflag:s15] =	ssyncadd.s32 $0xFFFFC000  }
0x27: {  	[spmem:s1] =	stream.indirect.scatter.add.f32 [tilespmem:s12], [sflag:$0x1], $0x80, s17, s14, $0xb8;
	[tilespmem:$0x18000] =	vst v63  }
0x28: {  	_ =	swait.ge [sflag:s15], $0x4000  }
0x29: {  	[sflag:s15] =	ssyncset.done $0x0  }
0x2a: {  	[sflag:s15] =	ssyncadd.s32 $0xFFFFC000  }
0x2b: {  	[spmem:s1] =	stream.indirect.scatter.add.f32 [tilespmem:s12], [sflag:$0x1], $0x80, s18, s14, $0xb8;
	[tilespmem:$0x18000] =	vst v63  }
0x2c: {  	_ =	swait.ge [sflag:s15], $0x4000  }
0x2d: {  	[sflag:s15] =	ssyncset.done $0x0  }
0x2e: {  	[sflag:s15] =	ssyncadd.s32 $0xFFFFC000  }
0x2f: {  	[spmem:s1] =	stream.indirect.scatter.add.f32 [tilespmem:s12], [sflag:$0x1], $0x80, s19, s14, $0xb8;
	[tilespmem:$0x18000] =	vst v63  }
0x30: {  	_ =	swait.ge [sflag:s15], $0x4000  }
0x31: {  	[sflag:s15] =	ssyncset.done $0x0  }
0x32: {  	[sflag:s15] =	ssyncadd.s32 $0xFFFFC000  }
0x33: {  	[spmem:s1] =	stream.indirect.scatter.add.f32 [tilespmem:s12], [sflag:$0x1], $0x80, s20, s14, $0xb8;
	[tilespmem:$0x18000] =	vst v63  }
0x34: {  	_ =	swait.ge [sflag:s15], $0x4000  }
0x35: {  	[sflag:s15] =	ssyncset.done $0x0  }
0x36: {  	[sflag:s15] =	ssyncadd.s32 $0xFFFFC000  }
0x37: {  	[spmem:s1] =	stream.indirect.scatter.add.f32 [tilespmem:s12], [sflag:$0x1], $0x80, s21, s14, $0xb8;
	[tilespmem:$0x18000] =	vst v63  }
0x38: {  	_ =	swait.ge [sflag:s15], $0x4000  }
0x39: {  	[sflag:s15] =	ssyncset.done $0x0  }
0x3a: {  	[sflag:s15] =	ssyncadd.s32 $0xFFFFC000  }
0x3b: {  	[spmem:s1] =	stream.indirect.scatter.add.f32 [tilespmem:s12], [sflag:$0x1], $0x80, s22, s14, $0xb8;
	[tilespmem:$0x18000] =	vst v63  }
0x3c: {  	_ =	swait.ge [sflag:s15], $0x4000  }
0x3d: {  	s26 =	simm.s32 $0x100;
	s24 =	simm.s32 $0x80;
	[sflag:s15] =	ssyncset.done $0x0  }
.LBB2_2:
0x3e: {  	s28 =	sadd.s32 s24, s9  }
0x3f: {  	[sflag:s15] =	ssyncadd.s32 $0xFFFFC000;
	s24 =	smov.u32 s26;
	s25 =	sadd.s32 $0x80, s26  }
0x40: {  	[tilespmem:s13], [sflag:$0x2] =	stream.linear.gather [hbm4b:s28+s3], $0x400, $0x38;
	[tilespmem:$0x18000] =	vst v63  }
0x41: {  	p0 =	sne.s32 s26, $0x980;
	_ =	swait.ge [sflag:s11], $0x400  }
0x42: {  	[sflag:s11] =	ssyncset.done $0x0  }
0x43: {  	[sflag:s11] =	ssyncadd.s32 $0xFFFFFC00  }
0x44: {  	[spmem:s1] =	stream.indirect.scatter.add.f32 [tilespmem:s12], [sflag:$0x1], $0x80, s13, s14, $0xb8;
	[tilespmem:$0x18000] =	vst v63  }
0x45: {  	_ =	swait.ge [sflag:s15], $0x4000  }
0x46: {  	[sflag:s15] =	ssyncset.done $0x0  }
0x47: {  	[sflag:s15] =	ssyncadd.s32 $0xFFFFC000  }
0x48: {  	[spmem:s1] =	stream.indirect.scatter.add.f32 [tilespmem:s12], [sflag:$0x1], $0x80, s16, s14, $0xb8;
	[tilespmem:$0x18000] =	vst v63  }
0x49: {  	_ =	swait.ge [sflag:s15], $0x4000  }
0x4a: {  	[sflag:s15] =	ssyncset.done $0x0  }
0x4b: {  	[sflag:s15] =	ssyncadd.s32 $0xFFFFC000  }
0x4c: {  	[spmem:s1] =	stream.indirect.scatter.add.f32 [tilespmem:s12], [sflag:$0x1], $0x80, s17, s14, $0xb8;
	[tilespmem:$0x18000] =	vst v63  }
0x4d: {  	_ =	swait.ge [sflag:s15], $0x4000  }
0x4e: {  	[sflag:s15] =	ssyncset.done $0x0  }
0x4f: {  	[sflag:s15] =	ssyncadd.s32 $0xFFFFC000  }
0x50: {  	[spmem:s1] =	stream.indirect.scatter.add.f32 [tilespmem:s12], [sflag:$0x1], $0x80, s18, s14, $0xb8;
	[tilespmem:$0x18000] =	vst v63  }
0x51: {  	_ =	swait.ge [sflag:s15], $0x4000  }
0x52: {  	[sflag:s15] =	ssyncset.done $0x0  }
0x53: {  	[sflag:s15] =	ssyncadd.s32 $0xFFFFC000  }
0x54: {  	[spmem:s1] =	stream.indirect.scatter.add.f32 [tilespmem:s12], [sflag:$0x1], $0x80, s19, s14, $0xb8;
	[tilespmem:$0x18000] =	vst v63  }
0x55: {  	_ =	swait.ge [sflag:s15], $0x4000  }
0x56: {  	[sflag:s15] =	ssyncset.done $0x0  }
0x57: {  	[sflag:s15] =	ssyncadd.s32 $0xFFFFC000  }
0x58: {  	[spmem:s1] =	stream.indirect.scatter.add.f32 [tilespmem:s12], [sflag:$0x1], $0x80, s20, s14, $0xb8;
	[tilespmem:$0x18000] =	vst v63  }
0x59: {  	_ =	swait.ge [sflag:s15], $0x4000  }
0x5a: {  	[sflag:s15] =	ssyncset.done $0x0  }
0x5b: {  	[sflag:s15] =	ssyncadd.s32 $0xFFFFC000  }
0x5c: {  	[spmem:s1] =	stream.indirect.scatter.add.f32 [tilespmem:s12], [sflag:$0x1], $0x80, s21, s14, $0xb8;
	[tilespmem:$0x18000] =	vst v63  }
0x5d: {  	_ =	swait.ge [sflag:s15], $0x4000  }
.Ltmp0:
0x5e: {  	[sflag:s15] =	ssyncset.done $0x0;
	(pc) =	sbr.rel @p0 .LBB2_2-.Ltmp0, $4  }
0x5f: {  	[sflag:s15] =	ssyncadd.s32 $0xFFFFC000  }
0x60: {  	[spmem:s1] =	stream.indirect.scatter.add.f32 [tilespmem:s12], [sflag:$0x1], $0x80, s22, s14, $0xb8;
	[tilespmem:$0x18000] =	vst v63  }
0x61: {  	_ =	swait.ge [sflag:s15], $0x4000  }
0x62: {  	s26 =	smov.u32 s25;
	[sflag:s15] =	ssyncset.done $0x0  }
0x63: {  	s24 =	sadd.s32 s24, s9;
	[sflag:s15] =	ssyncadd.s32 $0xFFFFC000  }
0x64: {  	[tilespmem:s13], [sflag:$0x2] =	stream.linear.gather [hbm4b:s24+s3], $0x400, $0x38;
	[tilespmem:$0x18000] =	vst v63  }
0x65: {  	_ =	swait.ge [sflag:s11], $0x400  }
0x66: {  	[sflag:s11] =	ssyncset.done $0x0  }
0x67: {  	[sflag:s11] =	ssyncadd.s32 $0xFFFFFC00  }
0x68: {  	[spmem:s1] =	stream.indirect.scatter.add.f32 [tilespmem:s12], [sflag:$0x1], $0x80, s13, s14, $0xb8;
	[tilespmem:$0x18000] =	vst v63  }
0x69: {  	_ =	swait.ge [sflag:s15], $0x4000  }
0x6a: {  	[sflag:s15] =	ssyncset.done $0x0  }
0x6b: {  	[sflag:s15] =	ssyncadd.s32 $0xFFFFC000  }
0x6c: {  	[spmem:s1] =	stream.indirect.scatter.add.f32 [tilespmem:s12], [sflag:$0x1], $0x80, s16, s14, $0xb8;
	[tilespmem:$0x18000] =	vst v63  }
0x6d: {  	_ =	swait.ge [sflag:s15], $0x4000  }
0x6e: {  	[sflag:s15] =	ssyncset.done $0x0  }
0x6f: {  	[sflag:s15] =	ssyncadd.s32 $0xFFFFC000  }
0x70: {  	[spmem:s1] =	stream.indirect.scatter.add.f32 [tilespmem:s12], [sflag:$0x1], $0x80, s17, s14, $0xb8;
	[tilespmem:$0x18000] =	vst v63  }
0x71: {  	_ =	swait.ge [sflag:s15], $0x4000  }
0x72: {  	[sflag:s15] =	ssyncset.done $0x0  }
0x73: {  	[sflag:s15] =	ssyncadd.s32 $0xFFFFC000  }
0x74: {  	[spmem:s1] =	stream.indirect.scatter.add.f32 [tilespmem:s12], [sflag:$0x1], $0x80, s18, s14, $0xb8;
	[tilespmem:$0x18000] =	vst v63  }
0x75: {  	_ =	swait.ge [sflag:s15], $0x4000  }
0x76: {  	[sflag:s15] =	ssyncset.done $0x0  }
0x77: {  	[sflag:s15] =	ssyncadd.s32 $0xFFFFC000  }
0x78: {  	[spmem:s1] =	stream.indirect.scatter.add.f32 [tilespmem:s12], [sflag:$0x1], $0x80, s19, s14, $0xb8;
	[tilespmem:$0x18000] =	vst v63  }
0x79: {  	_ =	swait.ge [sflag:s15], $0x4000  }
0x7a: {  	[sflag:s15] =	ssyncset.done $0x0  }
0x7b: {  	[sflag:s15] =	ssyncadd.s32 $0xFFFFC000  }
0x7c: {  	[spmem:s1] =	stream.indirect.scatter.add.f32 [tilespmem:s12], [sflag:$0x1], $0x80, s20, s14, $0xb8;
	[tilespmem:$0x18000] =	vst v63  }
0x7d: {  	_ =	swait.ge [sflag:s15], $0x4000  }
0x7e: {  	[sflag:s15] =	ssyncset.done $0x0  }
0x7f: {  	[sflag:s15] =	ssyncadd.s32 $0xFFFFC000  }
0x80: {  	[spmem:s1] =	stream.indirect.scatter.add.f32 [tilespmem:s12], [sflag:$0x1], $0x80, s21, s14, $0xb8;
	[tilespmem:$0x18000] =	vst v63  }
0x81: {  	_ =	swait.ge [sflag:s15], $0x4000  }
0x82: {  	[sflag:s15] =	ssyncset.done $0x0  }
0x83: {  	[sflag:s15] =	ssyncadd.s32 $0xFFFFC000  }
0x84: {  	[spmem:s1] =	stream.indirect.scatter.add.f32 [tilespmem:s12], [sflag:$0x1], $0x80, s22, s14, $0xb8;
	[tilespmem:$0x18000] =	vst v63  }
0x85: {  	_ =	swait.ge [sflag:s15], $0x4000  }
0x86: {  	s23 =	sadd.s32 $0x1, s23;
	[sflag:s15] =	ssyncset.done $0x0  }
0x87: {  	p0 =	sne.s32 s23, s8;
	[sflag:s15] =	ssyncadd.s32 $0xFFFFC000  }
.Ltmp1:
0x88: {  	[bflag:$0x0] =	sbarrier.arrive $0xFFFF;
	(pc) =	sbr.rel @p0 .LBB2_1-.Ltmp1, $4  }
0x89: {  	[hbm:s7], [sflag:s6] =	dma.local [spmem:s10], $0x2780  }
0x8a: {  	_ =	swait.ge [sflag:s11], $0x2780  }
0x8b: {  	[sflag:s11] =	ssyncset.done $0x0  }
0x8c: {  	[sflag:s11] =	ssyncadd.s32 $0xFFFFD880  }
0x8d: {  	_ =	sfence.sel $0x180000  }
0x8e: {  	[bflag:$0x0] =	sbarrier.arrive $0xFFFF  }
0x8f: {  	p0 =	sne.s32 s2, $0x0;
	_ =	strace $0x90000047  }
0x90: {  	s0 =	sadd.s32 @!p0 $0x100000, s0;
	[bflag:$0x2] =	sbarrier.arrive $0xFFFF  }
0x91: {  	[sflag:s0] =	ssyncadd.tile.s32 @!p0 $0x1;
	_ =	shalt  }
.Lfunc_end2:
_tile_overlayer_lowered:
.L_overlay_start_2:
0x92: {  	(tag) =	ssettag $0x2  }
0x93: {  	s0 =	rddreg [dreg:$0x0];
	s2 =	stileid.u32  }
0x94: {  	s1 =	rddreg [dreg:$0x1];
	p0 =	sne.s32 s2, $0x0  }
0x95: {  	s3 =	rddreg [dreg:$0x2];
	[bflag:$0x3] =	sbarrier.arrive $0xFFFF;
	s2 =	simm.s32 @!p0 $0x1C02  }
0x96: {  	[timem:s3], [sflag:s2] =	dma.local @!p0 [hbm:s0], s1  }
0x97: {  	s0 =	simm.s32 @!p0 $0x2  }
0x98: {  	_ =	swait.ge @!p0 [sflag:s0], s1  }
0x99: {  	s1 =	ssub.s32 @!p0 $0x0, s1;
	[sflag:s0] =	ssyncset.done @!p0 $0x0  }
0x9a: {  	[sflag:s0] =	ssyncadd.s32 @!p0 s1  }
0x9b: {  	[bflag:$0x3] =	sbarrier.arrive $0xFFFF  }
0x9c: {  	_ =	shalt  }

// kernel: kernel.14.cloned.1.call-start
scs
__scs_entry_jumppad:
0x0: {  	(pc) =	sbr.rel $0x88, $3  }
0x1: {  	(tag) =	ssettag $0x0;
	lr =	simm.s32 $0x1  }
0x2: {  	[smem:$0x3F91] =	sst lr;
	_ =	strace $0xD0000000  }
0x3: {  	_ = 	snop  }
0x4: {  	_ = 	snop  }
0x5: {  	_ = 	snop  }
0x6: {  	_ = 	snop  }
0x7: {  	_ = 	snop  }
__scs_overlays_trampoline_lowered:
0x8: {  	[smem:$0x3FA0] =	sst s0  }
0x9: {  	[smem:$0x3FA1] =	sst s1  }
0xa: {  	[smem:$0x3FA2] =	sst s2  }
0xb: {  	[smem:$0x3FA3] =	sst s3  }
0xc: {  	[smem:$0x3FA4] =	sst s4  }
0xd: {  	[smem:$0x3FA5] =	sst s5  }
0xe: {  	[smem:$0x3FA6] =	sst s6  }
0xf: {  	[smem:$0x3FA7] =	sst s7  }
0x10: {  	[smem:$0x3FA8] =	sst s8  }
0x11: {  	[smem:$0x3FA9] =	sst s9;
	s0 =	simm.s32 @!p0 $0x0  }
0x12: {  	s1 =	sld [smem:$0x3F8F];
	s0 =	simm.s32 @p0 $0x1  }
0x13: {  	[smem:$0x3FAA] =	sst s0;
	s0 =	simm.s32 @!p1 $0x0  }
0x14: {  	s2 =	sld [smem:$0x3F8E];
	s0 =	simm.s32 @p1 $0x1  }
0x15: {  	[smem:$0x3FAB] =	sst s0;
	s0 =	simm.s32 @!p2 $0x0  }
0x16: {  	s3 =	sld [smem:$0x3FDB];
	s0 =	simm.s32 @p2 $0x1  }
0x17: {  	s4 =	simm.s32 $0x1BF5;
	[smem:$0x3FAD] =	sst s0  }
0x18: {  	s0 =	sld [smem:$0x3F90];
	_ =	swait.ge [sflag:s4], $0x0  }
0x19: {  	s7 =	sld [smem:$0x3F91]  }
0x1a: {  	s8 =	sadd.s32 $0xFFFFE003, lr  }
0x1b: {  	s9 =	sadd.s32 $0xFFFFFEF7, lr;
	s5 =	simm.s32 $0xFFFFFFFF;
	p2 =	slt.u32 s8, $0xFFFFF086  }
0x1c: {  	p1 =	slt.u32 s9, $0xF7A;
	s5 =	simm.s32 @!p2 $0x0  }
0x1d: {  	s5 =	simm.s32 @p1 $0x1;
	p0 =	seq.s32 s7, s2  }
0x1e: {  	s7 =	smul.u32 @!p0 $0xF7A, s2;
	p2 =	seq.s32 @!p0 s5, $0x0  }
0x1f: {  	s9 =	smul.u32 $0xF7A, s1;
	s8 =	simm.s32 @!p0 $0x1BF5;
	p2 =	por !p2, p0  }
0x20: {  	[sflag:s8] =	ssyncset.s32 @!p0 $0xFFFFF086;
	s6 =	sadd.s32 @!p0 s3, s7;
	s7 =	simm.s32 @!p0 $0x108  }
0x21: {  	s3 =	sadd.s32 s3, s9;
	s6 =	sadd.s32 @!p0 $0x88, s6;
	s7 =	simm.s32 @p2 $0x1082  }
0x22: {  	[simem:s7], [sflag:s8] =	dma.local @!p0 [hbm:s6], $0xF7A  }
0x23: {  	s9 =	sor.u32 $0xD0000000, s2;
	s6 =	simm.s32 $0x108;
	_ =	swait.ge @!p0 [sflag:s8], $0x0  }
0x24: {  	s3 =	sadd.s32 $0x88, s3;
	s6 =	simm.s32 @!p1 $0x1082;
	[sflag:s4] =	ssyncset.s32 $0xFFFFF086  }
0x25: {  	[simem:s6], [sflag:s4] =	dma.local [hbm:s3], $0xF7A  }
0x26: {  	[smem:$0x3F91] =	sst s1;
	(tag) =	ssettag s2;
	_ =	strace s9  }
0x27: {  	s1 =	sld [smem:$0x3FA1]  }
0x28: {  	s2 =	sld [smem:$0x3FA2]  }
0x29: {  	s4 =	sld [smem:$0x3FA4]  }
0x2a: {  	p0 =	seq.s32 s5, $0x0;
	s5 =	sld [smem:$0x3FA5]  }
0x2b: {  	s6 =	sld [smem:$0x3FA6]  }
0x2c: {  	s7 =	sld [smem:$0x3FA7]  }
0x2d: {  	s3 =	simm.s32 $0x108;
	s8 =	sld [smem:$0x3FA8]  }
0x2e: {  	s3 =	simm.s32 @!p0 $0x1082;
	s9 =	sld [smem:$0x3FA9]  }
0x2f: {  	lr =	sadd.s32 s0, s3;
	s0 =	sld [smem:$0x3FA0]  }
0x30: {  	s3 =	sld [smem:$0x3FA3]  }
0x31: {  	[smem:$0x3FAC] =	sst s10  }
0x32: {  	s10 =	sld [smem:$0x3FAA];
	_ =	sdelay $0x3  }
0x33: {  	p0 =	seq.s32 s10, $0x1;
	s10 =	sld [smem:$0x3FAC];
	_ =	sdelay $0x3  }
0x34: {  	[smem:$0x3FAC] =	sst s10  }
0x35: {  	s10 =	sld [smem:$0x3FAB];
	_ =	sdelay $0x3  }
0x36: {  	p1 =	seq.s32 s10, $0x1;
	s10 =	sld [smem:$0x3FAC];
	_ =	sdelay $0x3  }
0x37: {  	[smem:$0x3FAC] =	sst s10  }
0x38: {  	s10 =	sld [smem:$0x3FAD]  }
0x39: {  	_ = 	snop;
	(pc) =	sbr.ind lr, $3  }
0x3a: {  	_ = 	snop  }
0x3b: {  	_ = 	snop  }
0x3c: {  	p2 =	seq.s32 s10, $0x1;
	s10 =	sld [smem:$0x3FAC]  }
0x3d: {  	_ =	shalt  }
0x3e: {  	_ =	shalt  }
0x3f: {  	_ =	shalt  }
0x40: {  	_ =	shalt  }
0x41: {  	_ =	shalt  }
0x42: {  	_ =	shalt  }
0x43: {  	_ =	shalt  }
0x44: {  	_ =	shalt  }
0x45: {  	_ =	shalt  }
0x46: {  	_ =	shalt  }
0x47: {  	_ =	shalt  }
0x48: {  	_ =	shalt  }
0x49: {  	_ =	shalt  }
0x4a: {  	_ =	shalt  }
0x4b: {  	_ =	shalt  }
0x4c: {  	_ =	shalt  }
0x4d: {  	_ =	shalt  }
0x4e: {  	_ =	shalt  }
0x4f: {  	_ =	shalt  }
0x50: {  	_ =	shalt  }
0x51: {  	_ =	shalt  }
0x52: {  	_ =	shalt  }
0x53: {  	_ =	shalt  }
0x54: {  	_ =	shalt  }
0x55: {  	_ =	shalt  }
0x56: {  	_ =	shalt  }
0x57: {  	_ =	shalt  }
0x58: {  	_ =	shalt  }
0x59: {  	_ =	shalt  }
0x5a: {  	_ =	shalt  }
0x5b: {  	_ =	shalt  }
0x5c: {  	_ =	shalt  }
0x5d: {  	_ =	shalt  }
0x5e: {  	_ =	shalt  }
0x5f: {  	_ =	shalt  }
0x60: {  	_ =	shalt  }
0x61: {  	_ =	shalt  }
0x62: {  	_ =	shalt  }
0x63: {  	_ =	shalt  }
0x64: {  	_ =	shalt  }
0x65: {  	_ =	shalt  }
0x66: {  	_ =	shalt  }
0x67: {  	_ =	shalt  }
0x68: {  	_ =	shalt  }
0x69: {  	_ =	shalt  }
0x6a: {  	_ =	shalt  }
0x6b: {  	_ =	shalt  }
0x6c: {  	_ =	shalt  }
0x6d: {  	_ =	shalt  }
0x6e: {  	_ =	shalt  }
0x6f: {  	_ =	shalt  }
0x70: {  	_ =	shalt  }
0x71: {  	_ =	shalt  }
0x72: {  	_ =	shalt  }
0x73: {  	_ =	shalt  }
0x74: {  	_ =	shalt  }
0x75: {  	_ =	shalt  }
0x76: {  	_ =	shalt  }
0x77: {  	_ =	shalt  }
0x78: {  	_ =	shalt  }
0x79: {  	_ =	shalt  }
0x7a: {  	_ =	shalt  }
0x7b: {  	_ =	shalt  }
0x7c: {  	_ =	shalt  }
0x7d: {  	_ =	shalt  }
0x7e: {  	_ =	shalt  }
0x7f: {  	_ =	shalt  }
0x80: {  	_ =	shalt  }
0x81: {  	_ =	shalt  }
0x82: {  	_ =	shalt  }
0x83: {  	_ =	shalt  }
0x84: {  	_ =	shalt  }
0x85: {  	_ =	shalt  }
0x86: {  	_ =	shalt  }
0x87: {  	_ =	shalt  }
.Lfunc_end0:
.L_simem_size_0:
called_computation.1_lowered:
.L_overlay_start_0:
0x88: {  	s2 =	sld [smem:$0x3FD9]  }
0x89: {  	s3 =	sld [smem:$0x3FFE];
	_ =	sdelay $0x1  }
0x8a: {  	s1 =	srdreg.scid  }
0x8b: {  	s0 =	sand.u32 $0x1, s1  }
0x8c: {  	s16 =	sshll.u32 s0, $0xA;
	s2 =	sadd.s32 s3, s2  }
0x8d: {  	s2 =	sadd.s32 s2, s16  }
0x8e: {  	[smem:$0x3FB8] =	sst s2  }
0x8f: {  	_ = 	snop  }
0x90: {  	(tm) =	ssettm $0x1  }
0x91: {  	s17 =	sld [smem:$0x3FFB];
	_ =	sdelay $0x3  }
0x92: {  	_ =	strace s17  }
0x93: {  	s2 =	sld [smem:$0x3FFC];
	_ =	sdelay $0x3  }
0x94: {  	_ =	strace s2  }
0x95: {  	s2 =	sld [smem:$0x3FFD];
	_ =	sdelay $0x3  }
0x96: {  	_ =	strace s2  }
0x97: {  	_ =	strace $0x8FFFFFFF  }
0x98: {  	s18 =	sld [smem:$0x3FDB];
	_ =	sdelay $0x1  }
0x99: {  	s19 =	simm.s32 $_scs_section_size  }
0x9a: {  	s4 =	simm.s32 $_size__tile_overlayer_lowered;
	s5 =	simm.s32 $_tile_overlayer_lowered  }
0x9b: {  	s22 =	simm.s32 $0x1BFF;
	s21 =	sshll.u32 s5, $0x1;
	s2 =	sadd.s32 s19, s18  }
0x9c: {  	s6 =	simm.s32 $0x0;
	s20 =	sshll.u32 s4, $0x1;
	s4 =	sadd.s32 s21, s2  }
0x9d: {  	[timem:s6], [sflag:s22] =	dma.local [hbm:s4], s20  }
0x9e: {  	_ =	swait.ge [sflag:s22], s20  }
0x9f: {  	s3 =	ssub.s32 $0x0, s20;
	[sflag:s22] =	ssyncset.done $0x0  }
0xa0: {  	[sflag:s22] =	ssyncadd.s32 s3;
	_ =	sdelay $0x1  }
0xa1: {  	s23 =	simm.s32 $0x1B8B  }
0xa2: {  	_ =	swait.ge [sflag:s23], $0x1  }
0xa3: {  	[sflag:s23] =	ssyncset.done $0x0  }
0xa4: {  	s25 =	simm.s32 $0x1B8E;
	s24 =	sld [smem:$0x3FFE];
	[sflag:s23] =	ssyncadd.s32 $0xFFFFFFFF  }
0xa5: {  	s26 =	simm.s32 $execute0_lowered;
	[smem:$0x3FD2] =	sst s25  }
0xa6: {  	s4 =	sshll.u32 s26, $0x1;
	_ =	strace $0x80000049;
	[dreg:$0x1] =	wrdreg $0xFFFFFFFF  }
0xa7: {  	s28 =	simm.s32 $_size_execute0_lowered;
	s2 =	sadd.s32 s2, s4;
	[dreg:$0x0] =	wrdreg $0x0  }
0xa8: {  	s4 =	sshll.u32 s28, $0x1;
	[dreg:$0x2] =	wrdreg s2  }
0xa9: {  	[dreg:$0x3] =	wrdreg s4  }
0xaa: {  	[dreg:$0x4] =	wrdreg $0xC0  }
0xab: {  	_ =	task [dreg:s6], $0x5FFFF  }
0xac: {  	[dreg:$0x1] =	wrdreg $0xFFFFFFFF  }
0xad: {  	[dreg:$0x0] =	wrdreg $0x60  }
0xae: {  	[dreg:$0x2] =	wrdreg s24  }
0xaf: {  	[dreg:$0x3] =	wrdreg $0x0  }
0xb0: {  	[dreg:$0x4] =	wrdreg $0x9  }
0xb1: {  	_ =	task.clear_ibuf [dreg:s6], $0x5FFFF;
	_ =	strace $0x90000049  }
0xb2: {  	s29 =	simm.s32 $0x9;
	_ =	strace $0x8000004B  }
0xb3: {  	_ =	swait.ge [sflag:s29], $0x1  }
0xb4: {  	[sflag:s29] =	ssyncadd.s32 $0xFFFFFFFF  }
0xb5: {  	_ =	strace $0x9000004B  }
0xb6: {  	_ =	sfence  }
0xb7: {  	s30 =	sld [smem:$0x0];
	_ =	sdelay $0x2  }
0xb8: {  	s31 =	sshll.u32 s1, $0xD;
	s1 =	sshrl.u32 s1, $0x2  }
0xb9: {  	s3 =	sand.u32 $0x4000, s31;
	s1 =	sadd.s32 s1, s30  }
0xba: {  	s0 =	sor.u32 s3, s0;
	s1 =	sshll.u32 s1, $0x11  }
0xbb: {  	s0 =	sor.u32 s1, s0  }
0xbc: {  	s0 =	sadd.s32 $0x8F2B, s0  }
0xbd: {  	[sflag:s0] =	ssyncadd.remote.s32 $0x1  }
0xbe: {  	_ =	sfence.sel $0xFFFF  }
0xbf: {  	[dreg:$0x0] =	wrdreg $0xFFFFFFFF;
	(pc) =	sbr.abs _section_cstart, $3  }
0xc0: {  	[dreg:$0x1] =	wrdreg $0xFFFFFFFF  }
0xc1: {  	_ =	task.clear_ibuf [dreg:s6], $0x2FFFF;
	_ =	strace $0x9FFFFFFF  }
0xc2: {  	(tm) =	ssettm $0x7FFFFFFF  }
0xc3: {  	_ =	shalt  }
tec
execute0_lowered:
.L_overlay_start_1:
0x0: {  	(tag) =	ssettag $0x1  }
0x1: {  	s0 =	srdreg.scid;
	s1 =	rddreg [dreg:$0x0]  }
0x2: {  	s8 =	stileid.u32;
	s2 =	rddreg [dreg:$0x1];
	s3 =	simm.s32 $0x0  }
0x3: {  	s11 =	simm.s32 $0x4;
	s12 =	simm.s32 $0x13C00;
	s13 =	simm.s32 $0x14000  }
0x4: {  	s14 =	simm.s32 $0x80;
	s15 =	simm.s32 $0x14400;
	s17 =	simm.s32 $0x18400  }
0x5: {  	s18 =	simm.s32 $0x1;
	s19 =	simm.s32 $0x2;
	s20 =	simm.s32 $0x3  }
0x6: {  	s21 =	simm.s32 $0x14080;
	s22 =	simm.s32 $0x13D00;
	s28 =	simm.s32 $0x13E80  }
0x7: {  	s29 =	simm.s32 $0x14200;
	s30 =	simm.s32 $0x14280;
	s5 =	smul.u32 $0x5000, s8  }
0x8: {  	s31 =	simm.s32 $0x13F00;
	s10 =	simm.s32 $0x0;
	s7 =	smul.u32 $0x14000, s8  }
0x9: {  	s0 =	sand.u32 $0x1, s0;
	[smem:$0x7FF] =	sst s3;
	s23 =	smul.u32 $0x4F000, s8  }
0xa: {  	s9 =	sadd.s32 $0x1B000, s1;
	s8 =	sshll.u32 s8, $0x6;
	s4 =	smul.u32 $0x50000, s0  }
0xb: {  	s6 =	smul.u32 $0x140000, s0;
	_ =	strace $0x8000004A;
	s0 =	ssub.s32 $0x2, s0  }
0xc: {  	[dreg:$0x4] =	wrdreg s9;
	s24 =	sshrl.u32 s0, $0x1;
	s5 =	sadd.s32 s5, s4  }
0xd: {  	s4 =	sadd.s32 $0x96000, s1;
	s6 =	sadd.s32 s7, s6;
	s7 =	sshrl.u32 s23, $0x2  }
0xe: {  	s0 =	ssub.s32 s0, s24;
	s23 =	simm.s32 $0x13D80;
	s24 =	simm.s32 $0x14100  }
0xf: {  	s5 =	sshrl.u32 s5, $0x3;
	s6 =	sshrl.u32 s6, $0x3;
	s25 =	sadd.s32 s7, s2  }
0x10: {  	s7 =	sor.u32 $0x1C04, s8;
	s0 =	smax.u32 s0, $0x1;
	s5 =	sadd.s32 s5, s1  }
0x11: {  	s1 =	sadd.s32 s6, s1;
	[dreg:$0x7] =	wrdreg s0;
	s8 =	sshrl.u32 s25, $0x3  }
0x12: {  	s25 =	simm.s32 $0x14180;
	s0 =	simm.s32 $0x14300;
	[dreg:$0x5] =	wrdreg s7  }
0x13: {  	s1 =	sadd.s32 $0xE4200, s1;
	s26 =	sadd.s32 $0x6E000, s5;
	[dreg:$0x8] =	wrdreg s8  }
0x14: {  	s9 =	sadd.s32 $0x82000, s5;
	s5 =	simm.s32 $0x14380;
	[dreg:$0x6] =	wrdreg s1  }
0x15: {  	[dreg:$0x3] =	wrdreg s26;
	s26 =	simm.s32 $0x13E00;
	s1 =	simm.s32 $0x13F80  }
.LBB2_1:
0x16: {  	[dreg:$0x9] =	wrdreg s10  }
0x17: {  	s6 =	rddreg [dreg:$0x4]  }
0x18: {  	[spmem:s8], [sflag:s7] =	dma.local [hbm:s6], $0x2780  }
0x19: {  	_ =	swait.ge [sflag:s11], $0x2780  }
0x1a: {  	[sflag:s11] =	ssyncset.done $0x0  }
0x1b: {  	[sflag:s11] =	ssyncadd.s32 $0xFFFFD880  }
0x1c: {  	s8 =	sadd.s32 $0x0, s9;
	[bflag:$0x0] =	sbarrier.arrive $0xFFFF  }
0x1d: {  	[tilespmem:s12], [sflag:$0x4] =	stream.linear.gather [hbm4b:s8+s3], $0x400, $0x38;
	[tilespmem:$0x1C400] =	vst v63  }
0x1e: {  	_ =	swait.ge [sflag:s11], $0x400  }
0x1f: {  	s10 =	rddreg [dreg:$0x3];
	[sflag:s11] =	ssyncset.done $0x0  }
0x20: {  	[sflag:s11] =	ssyncadd.s32 $0xFFFFFC00;
	s6 =	sadd.s32 $0x0, s10  }
0x21: {  	[tilespmem:s13], [sflag:$0x4] =	stream.linear.gather [hbm4b:s6+s3], $0x400, $0x38;
	[tilespmem:$0x1C400] =	vst v63  }
0x22: {  	_ =	swait.ge [sflag:s11], $0x400  }
0x23: {  	[sflag:s11] =	ssyncset.done $0x0  }
0x24: {  	[sflag:s11] =	ssyncadd.s32 $0xFFFFFC00  }
0x25: {  	[tilespmem:s15], [sflag:$0x1] =	stream.indirect.gather [hbm4b:s4+s14], $0x80, s12, s14, $0xb8;
	[tilespmem:$0x1C400] =	vst v63  }
0x26: {  	s16 =	simm.s32 $0x13C80  }
0x27: {  	[tilespmem:s17], [sflag:$0x2] =	stream.indirect.gather [hbm4b:s4+s14], $0x80, s16, s14, $0xb8;
	[tilespmem:$0x1C400] =	vst v63  }
0x28: {  	_ =	swait.ge [sflag:s18], $0x4000  }
0x29: {  	[sflag:s18] =	ssyncset.done $0x0  }
0x2a: {  	[sflag:s18] =	ssyncadd.s32 $0xFFFFC000  }
0x2b: {  	_ =	swait.ge [sflag:s19], $0x4000  }
0x2c: {  	[sflag:s19] =	ssyncset.done $0x0  }
0x2d: {  	[sflag:s19] =	ssyncadd.s32 $0xFFFFC000  }
0x2e: {  	[spmem:s2] =	stream.indirect.scatter.add.f32 [tilespmem:s15], [sflag:$0x3], $0x80, s13, s14, $0xb8;
	[tilespmem:$0x1C400] =	vst v63  }
0x2f: {  	_ =	swait.ge [sflag:s20], $0x4000  }
0x30: {  	[sflag:s20] =	ssyncset.done $0x0  }
0x31: {  	[sflag:s20] =	ssyncadd.s32 $0xFFFFC000  }
0x32: {  	[spmem:s2] =	stream.indirect.scatter.add.f32 [tilespmem:s17], [sflag:$0x3], $0x80, s21, s14, $0xb8;
	[tilespmem:$0x1C400] =	vst v63  }
0x33: {  	_ =	swait.ge [sflag:s20], $0x4000  }
0x34: {  	[sflag:s20] =	ssyncset.done $0x0  }
0x35: {  	[sflag:s20] =	ssyncadd.s32 $0xFFFFC000  }
0x36: {  	[tilespmem:s15], [sflag:$0x1] =	stream.indirect.gather [hbm4b:s4+s14], $0x80, s22, s14, $0xb8;
	[tilespmem:$0x1C400] =	vst v63  }
0x37: {  	_ = 	snop  }
0x38: {  	[tilespmem:s17], [sflag:$0x2] =	stream.indirect.gather [hbm4b:s4+s14], $0x80, s23, s14, $0xb8;
	[tilespmem:$0x1C400] =	vst v63  }
0x39: {  	_ =	swait.ge [sflag:s18], $0x4000  }
0x3a: {  	[sflag:s18] =	ssyncset.done $0x0  }
0x3b: {  	[sflag:s18] =	ssyncadd.s32 $0xFFFFC000  }
0x3c: {  	_ =	swait.ge [sflag:s19], $0x4000  }
0x3d: {  	[sflag:s19] =	ssyncset.done $0x0  }
0x3e: {  	[sflag:s19] =	ssyncadd.s32 $0xFFFFC000  }
0x3f: {  	[spmem:s2] =	stream.indirect.scatter.add.f32 [tilespmem:s15], [sflag:$0x3], $0x80, s24, s14, $0xb8;
	[tilespmem:$0x1C400] =	vst v63  }
0x40: {  	_ =	swait.ge [sflag:s20], $0x4000  }
0x41: {  	[sflag:s20] =	ssyncset.done $0x0  }
0x42: {  	[sflag:s20] =	ssyncadd.s32 $0xFFFFC000  }
0x43: {  	[spmem:s2] =	stream.indirect.scatter.add.f32 [tilespmem:s17], [sflag:$0x3], $0x80, s25, s14, $0xb8;
	[tilespmem:$0x1C400] =	vst v63  }
0x44: {  	_ =	swait.ge [sflag:s20], $0x4000  }
0x45: {  	[sflag:s20] =	ssyncset.done $0x0  }
0x46: {  	[sflag:s20] =	ssyncadd.s32 $0xFFFFC000  }
0x47: {  	[tilespmem:s15], [sflag:$0x1] =	stream.indirect.gather [hbm4b:s4+s14], $0x80, s26, s14, $0xb8;
	[tilespmem:$0x1C400] =	vst v63  }
0x48: {  	_ = 	snop  }
0x49: {  	[tilespmem:s17], [sflag:$0x2] =	stream.indirect.gather [hbm4b:s4+s14], $0x80, s28, s14, $0xb8;
	[tilespmem:$0x1C400] =	vst v63  }
0x4a: {  	_ =	swait.ge [sflag:s18], $0x4000  }
0x4b: {  	[sflag:s18] =	ssyncset.done $0x0  }
0x4c: {  	[sflag:s18] =	ssyncadd.s32 $0xFFFFC000  }
0x4d: {  	_ =	swait.ge [sflag:s19], $0x4000  }
0x4e: {  	[sflag:s19] =	ssyncset.done $0x0  }
0x4f: {  	[sflag:s19] =	ssyncadd.s32 $0xFFFFC000  }
0x50: {  	[spmem:s2] =	stream.indirect.scatter.add.f32 [tilespmem:s15], [sflag:$0x3], $0x80, s29, s14, $0xb8;
	[tilespmem:$0x1C400] =	vst v63  }
0x51: {  	_ =	swait.ge [sflag:s20], $0x4000  }
0x52: {  	[sflag:s20] =	ssyncset.done $0x0  }
0x53: {  	[sflag:s20] =	ssyncadd.s32 $0xFFFFC000  }
0x54: {  	[spmem:s2] =	stream.indirect.scatter.add.f32 [tilespmem:s17], [sflag:$0x3], $0x80, s30, s14, $0xb8;
	[tilespmem:$0x1C400] =	vst v63  }
0x55: {  	_ =	swait.ge [sflag:s20], $0x4000  }
0x56: {  	[sflag:s20] =	ssyncset.done $0x0  }
0x57: {  	[sflag:s20] =	ssyncadd.s32 $0xFFFFC000  }
0x58: {  	[tilespmem:s15], [sflag:$0x1] =	stream.indirect.gather [hbm4b:s4+s14], $0x80, s31, s14, $0xb8;
	[tilespmem:$0x1C400] =	vst v63  }
0x59: {  	_ = 	snop  }
0x5a: {  	[tilespmem:s17], [sflag:$0x2] =	stream.indirect.gather [hbm4b:s4+s14], $0x80, s1, s14, $0xb8;
	[tilespmem:$0x1C400] =	vst v63  }
0x5b: {  	_ =	swait.ge [sflag:s18], $0x4000  }
0x5c: {  	[sflag:s18] =	ssyncset.done $0x0  }
0x5d: {  	[sflag:s18] =	ssyncadd.s32 $0xFFFFC000  }
0x5e: {  	_ =	swait.ge [sflag:s19], $0x4000  }
0x5f: {  	[sflag:s19] =	ssyncset.done $0x0  }
0x60: {  	[sflag:s19] =	ssyncadd.s32 $0xFFFFC000  }
0x61: {  	[spmem:s2] =	stream.indirect.scatter.add.f32 [tilespmem:s15], [sflag:$0x3], $0x80, s0, s14, $0xb8;
	[tilespmem:$0x1C400] =	vst v63  }
0x62: {  	_ =	swait.ge [sflag:s20], $0x4000  }
0x63: {  	[sflag:s20] =	ssyncset.done $0x0  }
0x64: {  	[sflag:s20] =	ssyncadd.s32 $0xFFFFC000  }
0x65: {  	[spmem:s2] =	stream.indirect.scatter.add.f32 [tilespmem:s17], [sflag:$0x3], $0x80, s5, s14, $0xb8;
	[tilespmem:$0x1C400] =	vst v63  }
0x66: {  	_ =	swait.ge [sflag:s20], $0x4000  }
0x67: {  	s8 =	simm.s32 $0x80;
	s6 =	simm.s32 $0x100;
	[sflag:s20] =	ssyncset.done $0x0  }
.LBB2_2:
0x68: {  	s7 =	sadd.s32 s8, s9;
	[sflag:s20] =	ssyncadd.s32 $0xFFFFC000  }
0x69: {  	[tilespmem:s12], [sflag:$0x4] =	stream.linear.gather [hbm4b:s7+s3], $0x400, $0x38;
	[tilespmem:$0x1C400] =	vst v63  }
0x6a: {  	s16 =	smov.u32 s6;
	_ =	swait.ge [sflag:s11], $0x400  }
0x6b: {  	s10 =	sadd.s32 $0x80, s6;
	s7 =	rddreg [dreg:$0x3];
	[sflag:s11] =	ssyncset.done $0x0  }
0x6c: {  	p0 =	sne.s32 s6, $0x980;
	[sflag:s11] =	ssyncadd.s32 $0xFFFFFC00;
	s6 =	sadd.s32 s8, s7  }
0x6d: {  	[tilespmem:s13], [sflag:$0x4] =	stream.linear.gather [hbm4b:s6+s3], $0x400, $0x38;
	[tilespmem:$0x1C400] =	vst v63  }
0x6e: {  	_ =	swait.ge [sflag:s11], $0x400  }
0x6f: {  	[sflag:s11] =	ssyncset.done $0x0  }
0x70: {  	[sflag:s11] =	ssyncadd.s32 $0xFFFFFC00  }
0x71: {  	[tilespmem:s15], [sflag:$0x1] =	stream.indirect.gather [hbm4b:s4+s14], $0x80, s12, s14, $0xb8;
	[tilespmem:$0x1C400] =	vst v63  }
0x72: {  	s8 =	smov.u32 s16;
	s16 =	simm.s32 $0x13C80  }
0x73: {  	[tilespmem:s17], [sflag:$0x2] =	stream.indirect.gather [hbm4b:s4+s14], $0x80, s16, s14, $0xb8;
	[tilespmem:$0x1C400] =	vst v63  }
0x74: {  	_ =	swait.ge [sflag:s18], $0x4000  }
0x75: {  	[sflag:s18] =	ssyncset.done $0x0  }
0x76: {  	[sflag:s18] =	ssyncadd.s32 $0xFFFFC000  }
0x77: {  	_ =	swait.ge [sflag:s19], $0x4000  }
0x78: {  	[sflag:s19] =	ssyncset.done $0x0  }
0x79: {  	[sflag:s19] =	ssyncadd.s32 $0xFFFFC000  }
0x7a: {  	[spmem:s2] =	stream.indirect.scatter.add.f32 [tilespmem:s15], [sflag:$0x3], $0x80, s13, s14, $0xb8;
	[tilespmem:$0x1C400] =	vst v63  }
0x7b: {  	_ =	swait.ge [sflag:s20], $0x4000  }
0x7c: {  	[sflag:s20] =	ssyncset.done $0x0  }
0x7d: {  	[sflag:s20] =	ssyncadd.s32 $0xFFFFC000  }
0x7e: {  	[spmem:s2] =	stream.indirect.scatter.add.f32 [tilespmem:s17], [sflag:$0x3], $0x80, s21, s14, $0xb8;
	[tilespmem:$0x1C400] =	vst v63  }
0x7f: {  	_ =	swait.ge [sflag:s20], $0x4000  }
0x80: {  	[sflag:s20] =	ssyncset.done $0x0  }
0x81: {  	[sflag:s20] =	ssyncadd.s32 $0xFFFFC000  }
0x82: {  	[tilespmem:s15], [sflag:$0x1] =	stream.indirect.gather [hbm4b:s4+s14], $0x80, s22, s14, $0xb8;
	[tilespmem:$0x1C400] =	vst v63  }
0x83: {  	_ = 	snop  }
0x84: {  	[tilespmem:s17], [sflag:$0x2] =	stream.indirect.gather [hbm4b:s4+s14], $0x80, s23, s14, $0xb8;
	[tilespmem:$0x1C400] =	vst v63  }
0x85: {  	_ =	swait.ge [sflag:s18], $0x4000  }
0x86: {  	[sflag:s18] =	ssyncset.done $0x0  }
0x87: {  	[sflag:s18] =	ssyncadd.s32 $0xFFFFC000  }
0x88: {  	_ =	swait.ge [sflag:s19], $0x4000  }
0x89: {  	[sflag:s19] =	ssyncset.done $0x0  }
0x8a: {  	[sflag:s19] =	ssyncadd.s32 $0xFFFFC000  }
0x8b: {  	[spmem:s2] =	stream.indirect.scatter.add.f32 [tilespmem:s15], [sflag:$0x3], $0x80, s24, s14, $0xb8;
	[tilespmem:$0x1C400] =	vst v63  }
0x8c: {  	_ =	swait.ge [sflag:s20], $0x4000  }
0x8d: {  	[sflag:s20] =	ssyncset.done $0x0  }
0x8e: {  	[sflag:s20] =	ssyncadd.s32 $0xFFFFC000  }
0x8f: {  	[spmem:s2] =	stream.indirect.scatter.add.f32 [tilespmem:s17], [sflag:$0x3], $0x80, s25, s14, $0xb8;
	[tilespmem:$0x1C400] =	vst v63  }
0x90: {  	_ =	swait.ge [sflag:s20], $0x4000  }
0x91: {  	[sflag:s20] =	ssyncset.done $0x0  }
0x92: {  	[sflag:s20] =	ssyncadd.s32 $0xFFFFC000  }
0x93: {  	[tilespmem:s15], [sflag:$0x1] =	stream.indirect.gather [hbm4b:s4+s14], $0x80, s26, s14, $0xb8;
	[tilespmem:$0x1C400] =	vst v63  }
0x94: {  	_ = 	snop  }
0x95: {  	[tilespmem:s17], [sflag:$0x2] =	stream.indirect.gather [hbm4b:s4+s14], $0x80, s28, s14, $0xb8;
	[tilespmem:$0x1C400] =	vst v63  }
0x96: {  	_ =	swait.ge [sflag:s18], $0x4000  }
0x97: {  	[sflag:s18] =	ssyncset.done $0x0  }
0x98: {  	[sflag:s18] =	ssyncadd.s32 $0xFFFFC000  }
0x99: {  	_ =	swait.ge [sflag:s19], $0x4000  }
0x9a: {  	[sflag:s19] =	ssyncset.done $0x0  }
0x9b: {  	[sflag:s19] =	ssyncadd.s32 $0xFFFFC000  }
0x9c: {  	[spmem:s2] =	stream.indirect.scatter.add.f32 [tilespmem:s15], [sflag:$0x3], $0x80, s29, s14, $0xb8;
	[tilespmem:$0x1C400] =	vst v63  }
0x9d: {  	_ =	swait.ge [sflag:s20], $0x4000  }
0x9e: {  	[sflag:s20] =	ssyncset.done $0x0  }
0x9f: {  	[sflag:s20] =	ssyncadd.s32 $0xFFFFC000  }
0xa0: {  	[spmem:s2] =	stream.indirect.scatter.add.f32 [tilespmem:s17], [sflag:$0x3], $0x80, s30, s14, $0xb8;
	[tilespmem:$0x1C400] =	vst v63  }
0xa1: {  	_ =	swait.ge [sflag:s20], $0x4000  }
0xa2: {  	[sflag:s20] =	ssyncset.done $0x0  }
0xa3: {  	[sflag:s20] =	ssyncadd.s32 $0xFFFFC000  }
0xa4: {  	[tilespmem:s15], [sflag:$0x1] =	stream.indirect.gather [hbm4b:s4+s14], $0x80, s31, s14, $0xb8;
	[tilespmem:$0x1C400] =	vst v63  }
0xa5: {  	_ = 	snop  }
0xa6: {  	[tilespmem:s17], [sflag:$0x2] =	stream.indirect.gather [hbm4b:s4+s14], $0x80, s1, s14, $0xb8;
	[tilespmem:$0x1C400] =	vst v63  }
0xa7: {  	_ =	swait.ge [sflag:s18], $0x4000  }
0xa8: {  	[sflag:s18] =	ssyncset.done $0x0  }
0xa9: {  	[sflag:s18] =	ssyncadd.s32 $0xFFFFC000  }
0xaa: {  	_ =	swait.ge [sflag:s19], $0x4000  }
0xab: {  	[sflag:s19] =	ssyncset.done $0x0  }
0xac: {  	[sflag:s19] =	ssyncadd.s32 $0xFFFFC000  }
0xad: {  	[spmem:s2] =	stream.indirect.scatter.add.f32 [tilespmem:s15], [sflag:$0x3], $0x80, s0, s14, $0xb8;
	[tilespmem:$0x1C400] =	vst v63  }
0xae: {  	_ =	swait.ge [sflag:s20], $0x4000  }
.Ltmp0:
0xaf: {  	[sflag:s20] =	ssyncset.done $0x0;
	(pc) =	sbr.rel @p0 .LBB2_2-.Ltmp0, $4  }
0xb0: {  	[sflag:s20] =	ssyncadd.s32 $0xFFFFC000  }
0xb1: {  	[spmem:s2] =	stream.indirect.scatter.add.f32 [tilespmem:s17], [sflag:$0x3], $0x80, s5, s14, $0xb8;
	[tilespmem:$0x1C400] =	vst v63  }
0xb2: {  	_ =	swait.ge [sflag:s20], $0x4000  }
0xb3: {  	s6 =	smov.u32 s10;
	[sflag:s20] =	ssyncset.done $0x0  }
0xb4: {  	s6 =	sadd.s32 s8, s9;
	[sflag:s20] =	ssyncadd.s32 $0xFFFFC000  }
0xb5: {  	[tilespmem:s12], [sflag:$0x4] =	stream.linear.gather [hbm4b:s6+s3], $0x400, $0x38;
	[tilespmem:$0x1C400] =	vst v63  }
0xb6: {  	_ =	swait.ge [sflag:s11], $0x400  }
0xb7: {  	s7 =	rddreg [dreg:$0x3];
	[sflag:s11] =	ssyncset.done $0x0  }
0xb8: {  	s6 =	sadd.s32 s8, s7;
	[sflag:s11] =	ssyncadd.s32 $0xFFFFFC00  }
0xb9: {  	[tilespmem:s13], [sflag:$0x4] =	stream.linear.gather [hbm4b:s6+s3], $0x400, $0x38;
	[tilespmem:$0x1C400] =	vst v63  }
0xba: {  	_ =	swait.ge [sflag:s11], $0x400  }
0xbb: {  	[sflag:s11] =	ssyncset.done $0x0  }
0xbc: {  	[sflag:s11] =	ssyncadd.s32 $0xFFFFFC00  }
0xbd: {  	[tilespmem:s15], [sflag:$0x1] =	stream.indirect.gather [hbm4b:s4+s14], $0x80, s12, s14, $0xb8;
	[tilespmem:$0x1C400] =	vst v63  }
0xbe: {  	s8 =	simm.s32 $0x13C80  }
0xbf: {  	[tilespmem:s17], [sflag:$0x2] =	stream.indirect.gather [hbm4b:s4+s14], $0x80, s8, s14, $0xb8;
	[tilespmem:$0x1C400] =	vst v63  }
0xc0: {  	_ =	swait.ge [sflag:s18], $0x4000  }
0xc1: {  	[sflag:s18] =	ssyncset.done $0x0  }
0xc2: {  	[sflag:s18] =	ssyncadd.s32 $0xFFFFC000  }
0xc3: {  	_ =	swait.ge [sflag:s19], $0x4000  }
0xc4: {  	[sflag:s19] =	ssyncset.done $0x0  }
0xc5: {  	[sflag:s19] =	ssyncadd.s32 $0xFFFFC000  }
0xc6: {  	[spmem:s2] =	stream.indirect.scatter.add.f32 [tilespmem:s15], [sflag:$0x3], $0x80, s13, s14, $0xb8;
	[tilespmem:$0x1C400] =	vst v63  }
0xc7: {  	_ =	swait.ge [sflag:s20], $0x4000  }
0xc8: {  	[sflag:s20] =	ssyncset.done $0x0  }
0xc9: {  	[sflag:s20] =	ssyncadd.s32 $0xFFFFC000  }
0xca: {  	[spmem:s2] =	stream.indirect.scatter.add.f32 [tilespmem:s17], [sflag:$0x3], $0x80, s21, s14, $0xb8;
	[tilespmem:$0x1C400] =	vst v63  }
0xcb: {  	_ =	swait.ge [sflag:s20], $0x4000  }
0xcc: {  	[sflag:s20] =	ssyncset.done $0x0  }
0xcd: {  	[sflag:s20] =	ssyncadd.s32 $0xFFFFC000  }
0xce: {  	[tilespmem:s15], [sflag:$0x1] =	stream.indirect.gather [hbm4b:s4+s14], $0x80, s22, s14, $0xb8;
	[tilespmem:$0x1C400] =	vst v63  }
0xcf: {  	_ = 	snop  }
0xd0: {  	[tilespmem:s17], [sflag:$0x2] =	stream.indirect.gather [hbm4b:s4+s14], $0x80, s23, s14, $0xb8;
	[tilespmem:$0x1C400] =	vst v63  }
0xd1: {  	_ =	swait.ge [sflag:s18], $0x4000  }
0xd2: {  	[sflag:s18] =	ssyncset.done $0x0  }
0xd3: {  	[sflag:s18] =	ssyncadd.s32 $0xFFFFC000  }
0xd4: {  	_ =	swait.ge [sflag:s19], $0x4000  }
0xd5: {  	[sflag:s19] =	ssyncset.done $0x0  }
0xd6: {  	[sflag:s19] =	ssyncadd.s32 $0xFFFFC000  }
0xd7: {  	[spmem:s2] =	stream.indirect.scatter.add.f32 [tilespmem:s15], [sflag:$0x3], $0x80, s24, s14, $0xb8;
	[tilespmem:$0x1C400] =	vst v63  }
0xd8: {  	_ =	swait.ge [sflag:s20], $0x4000  }
0xd9: {  	[sflag:s20] =	ssyncset.done $0x0  }
0xda: {  	[sflag:s20] =	ssyncadd.s32 $0xFFFFC000  }
0xdb: {  	[spmem:s2] =	stream.indirect.scatter.add.f32 [tilespmem:s17], [sflag:$0x3], $0x80, s25, s14, $0xb8;
	[tilespmem:$0x1C400] =	vst v63  }
0xdc: {  	_ =	swait.ge [sflag:s20], $0x4000  }
0xdd: {  	[sflag:s20] =	ssyncset.done $0x0  }
0xde: {  	[sflag:s20] =	ssyncadd.s32 $0xFFFFC000  }
0xdf: {  	[tilespmem:s15], [sflag:$0x1] =	stream.indirect.gather [hbm4b:s4+s14], $0x80, s26, s14, $0xb8;
	[tilespmem:$0x1C400] =	vst v63  }
0xe0: {  	_ = 	snop  }
0xe1: {  	[tilespmem:s17], [sflag:$0x2] =	stream.indirect.gather [hbm4b:s4+s14], $0x80, s28, s14, $0xb8;
	[tilespmem:$0x1C400] =	vst v63  }
0xe2: {  	_ =	swait.ge [sflag:s18], $0x4000  }
0xe3: {  	[sflag:s18] =	ssyncset.done $0x0  }
0xe4: {  	[sflag:s18] =	ssyncadd.s32 $0xFFFFC000  }
0xe5: {  	_ =	swait.ge [sflag:s19], $0x4000  }
0xe6: {  	[sflag:s19] =	ssyncset.done $0x0  }
0xe7: {  	[sflag:s19] =	ssyncadd.s32 $0xFFFFC000  }
0xe8: {  	[spmem:s2] =	stream.indirect.scatter.add.f32 [tilespmem:s15], [sflag:$0x3], $0x80, s29, s14, $0xb8;
	[tilespmem:$0x1C400] =	vst v63  }
0xe9: {  	_ =	swait.ge [sflag:s20], $0x4000  }
0xea: {  	[sflag:s20] =	ssyncset.done $0x0  }
0xeb: {  	[sflag:s20] =	ssyncadd.s32 $0xFFFFC000  }
0xec: {  	[spmem:s2] =	stream.indirect.scatter.add.f32 [tilespmem:s17], [sflag:$0x3], $0x80, s30, s14, $0xb8;
	[tilespmem:$0x1C400] =	vst v63  }
0xed: {  	_ =	swait.ge [sflag:s20], $0x4000  }
0xee: {  	[sflag:s20] =	ssyncset.done $0x0  }
0xef: {  	[sflag:s20] =	ssyncadd.s32 $0xFFFFC000  }
0xf0: {  	[tilespmem:s15], [sflag:$0x1] =	stream.indirect.gather [hbm4b:s4+s14], $0x80, s31, s14, $0xb8;
	[tilespmem:$0x1C400] =	vst v63  }
0xf1: {  	_ = 	snop  }
0xf2: {  	[tilespmem:s17], [sflag:$0x2] =	stream.indirect.gather [hbm4b:s4+s14], $0x80, s1, s14, $0xb8;
	[tilespmem:$0x1C400] =	vst v63  }
0xf3: {  	_ =	swait.ge [sflag:s18], $0x4000  }
0xf4: {  	[sflag:s18] =	ssyncset.done $0x0  }
0xf5: {  	[sflag:s18] =	ssyncadd.s32 $0xFFFFC000  }
0xf6: {  	_ =	swait.ge [sflag:s19], $0x4000  }
0xf7: {  	[sflag:s19] =	ssyncset.done $0x0  }
0xf8: {  	[sflag:s19] =	ssyncadd.s32 $0xFFFFC000  }
0xf9: {  	[spmem:s2] =	stream.indirect.scatter.add.f32 [tilespmem:s15], [sflag:$0x3], $0x80, s0, s14, $0xb8;
	[tilespmem:$0x1C400] =	vst v63  }
0xfa: {  	_ =	swait.ge [sflag:s20], $0x4000  }
0xfb: {  	[sflag:s20] =	ssyncset.done $0x0  }
0xfc: {  	[sflag:s20] =	ssyncadd.s32 $0xFFFFC000  }
0xfd: {  	[spmem:s2] =	stream.indirect.scatter.add.f32 [tilespmem:s17], [sflag:$0x3], $0x80, s5, s14, $0xb8;
	[tilespmem:$0x1C400] =	vst v63  }
0xfe: {  	_ =	swait.ge [sflag:s20], $0x4000  }
0xff: {  	[sflag:s20] =	ssyncset.done $0x0  }
0x100: {  	[sflag:s20] =	ssyncadd.s32 $0xFFFFC000  }
0x101: {  	[bflag:$0x0] =	sbarrier.arrive $0xFFFF  }
0x102: {  	s7 =	rddreg [dreg:$0x5]  }
0x103: {  	s10 =	rddreg [dreg:$0x6]  }
0x104: {  	s8 =	rddreg [dreg:$0x8]  }
0x105: {  	[hbm:s10], [sflag:s7] =	dma.local [spmem:s8], $0x2780  }
0x106: {  	_ =	swait.ge [sflag:s11], $0x2780  }
0x107: {  	s10 =	rddreg [dreg:$0x9]  }
0x108: {  	s16 =	rddreg [dreg:$0x7];
	s10 =	sadd.s32 $0x1, s10  }
0x109: {  	p0 =	sne.s32 s10, s16  }
.Ltmp1:
0x10a: {  	_ = 	snop;
	(pc) =	sbr.rel @p0 .LBB2_1-.Ltmp1, $3  }
0x10b: {  	_ =	sdelay $0x1  }
0x10c: {  	[sflag:s11] =	ssyncset.done $0x0  }
0x10d: {  	[sflag:s11] =	ssyncadd.s32 $0xFFFFD880  }
0x10e: {  	_ =	sfence.sel $0x180000  }
0x10f: {  	[bflag:$0x0] =	sbarrier.arrive $0xFFFF  }
0x110: {  	_ =	strace $0x9000004A  }
0x111: {  	s0 =	stileid.u32;
	[bflag:$0x2] =	sbarrier.arrive $0xFFFF  }
0x112: {  	p0 =	sne.s32 s0, $0x0;
	s0 =	rddreg [dreg:$0x2]  }
0x113: {  	s0 =	sadd.s32 @!p0 $0x100000, s0  }
0x114: {  	[sflag:s0] =	ssyncadd.tile.s32 @!p0 $0x1;
	_ =	shalt  }
.Lfunc_end2:
_tile_overlayer_lowered:
.L_overlay_start_2:
0x115: {  	(tag) =	ssettag $0x2  }
0x116: {  	s0 =	rddreg [dreg:$0x0];
	s2 =	stileid.u32  }
0x117: {  	s1 =	rddreg [dreg:$0x1];
	p0 =	sne.s32 s2, $0x0  }
0x118: {  	s3 =	rddreg [dreg:$0x2];
	[bflag:$0x3] =	sbarrier.arrive $0xFFFF;
	s2 =	simm.s32 @!p0 $0x1C04  }
0x119: {  	[timem:s3], [sflag:s2] =	dma.local @!p0 [hbm:s0], s1  }
0x11a: {  	s0 =	simm.s32 @!p0 $0x4  }
0x11b: {  	_ =	swait.ge @!p0 [sflag:s0], s1  }
0x11c: {  	s1 =	ssub.s32 @!p0 $0x0, s1;
	[sflag:s0] =	ssyncset.done @!p0 $0x0  }
0x11d: {  	[sflag:s0] =	ssyncadd.s32 @!p0 s1  }
0x11e: {  	[bflag:$0x3] =	sbarrier.arrive $0xFFFF  }
0x11f: {  	_ =	shalt  }

// kernel: kernel.17.cloned.1.call-start
scs
__scs_entry_jumppad:
0x0: {  	(pc) =	sbr.rel $0x88, $3  }
0x1: {  	(tag) =	ssettag $0x0;
	lr =	simm.s32 $0x1  }
0x2: {  	[smem:$0x3F91] =	sst lr;
	_ =	strace $0xD0000000  }
0x3: {  	_ = 	snop  }
0x4: {  	_ = 	snop  }
0x5: {  	_ = 	snop  }
0x6: {  	_ = 	snop  }
0x7: {  	_ = 	snop  }
__scs_overlays_trampoline_lowered:
0x8: {  	[smem:$0x3FA0] =	sst s0  }
0x9: {  	[smem:$0x3FA1] =	sst s1  }
0xa: {  	[smem:$0x3FA2] =	sst s2  }
0xb: {  	[smem:$0x3FA3] =	sst s3  }
0xc: {  	[smem:$0x3FA4] =	sst s4  }
0xd: {  	[smem:$0x3FA5] =	sst s5  }
0xe: {  	[smem:$0x3FA6] =	sst s6  }
0xf: {  	[smem:$0x3FA7] =	sst s7  }
0x10: {  	[smem:$0x3FA8] =	sst s8  }
0x11: {  	[smem:$0x3FA9] =	sst s9;
	s0 =	simm.s32 @!p0 $0x0  }
0x12: {  	s1 =	sld [smem:$0x3F8F];
	s0 =	simm.s32 @p0 $0x1  }
0x13: {  	[smem:$0x3FAA] =	sst s0;
	s0 =	simm.s32 @!p1 $0x0  }
0x14: {  	s2 =	sld [smem:$0x3F8E];
	s0 =	simm.s32 @p1 $0x1  }
0x15: {  	[smem:$0x3FAB] =	sst s0;
	s0 =	simm.s32 @!p2 $0x0  }
0x16: {  	s3 =	sld [smem:$0x3FDB];
	s0 =	simm.s32 @p2 $0x1  }
0x17: {  	s4 =	simm.s32 $0x1BF5;
	[smem:$0x3FAD] =	sst s0  }
0x18: {  	s0 =	sld [smem:$0x3F90];
	_ =	swait.ge [sflag:s4], $0x0  }
0x19: {  	s7 =	sld [smem:$0x3F91]  }
0x1a: {  	s8 =	sadd.s32 $0xFFFFE003, lr  }
0x1b: {  	s9 =	sadd.s32 $0xFFFFFEF7, lr;
	s5 =	simm.s32 $0xFFFFFFFF;
	p2 =	slt.u32 s8, $0xFFFFF086  }
0x1c: {  	p1 =	slt.u32 s9, $0xF7A;
	s5 =	simm.s32 @!p2 $0x0  }
0x1d: {  	s5 =	simm.s32 @p1 $0x1;
	p0 =	seq.s32 s7, s2  }
0x1e: {  	s7 =	smul.u32 @!p0 $0xF7A, s2;
	p2 =	seq.s32 @!p0 s5, $0x0  }
0x1f: {  	s9 =	smul.u32 $0xF7A, s1;
	s8 =	simm.s32 @!p0 $0x1BF5;
	p2 =	por !p2, p0  }
0x20: {  	[sflag:s8] =	ssyncset.s32 @!p0 $0xFFFFF086;
	s6 =	sadd.s32 @!p0 s3, s7;
	s7 =	simm.s32 @!p0 $0x108  }
0x21: {  	s3 =	sadd.s32 s3, s9;
	s6 =	sadd.s32 @!p0 $0x88, s6;
	s7 =	simm.s32 @p2 $0x1082  }
0x22: {  	[simem:s7], [sflag:s8] =	dma.local @!p0 [hbm:s6], $0xF7A  }
0x23: {  	s9 =	sor.u32 $0xD0000000, s2;
	s6 =	simm.s32 $0x108;
	_ =	swait.ge @!p0 [sflag:s8], $0x0  }
0x24: {  	s3 =	sadd.s32 $0x88, s3;
	s6 =	simm.s32 @!p1 $0x1082;
	[sflag:s4] =	ssyncset.s32 $0xFFFFF086  }
0x25: {  	[simem:s6], [sflag:s4] =	dma.local [hbm:s3], $0xF7A  }
0x26: {  	[smem:$0x3F91] =	sst s1;
	(tag) =	ssettag s2;
	_ =	strace s9  }
0x27: {  	s1 =	sld [smem:$0x3FA1]  }
0x28: {  	s2 =	sld [smem:$0x3FA2]  }
0x29: {  	s4 =	sld [smem:$0x3FA4]  }
0x2a: {  	p0 =	seq.s32 s5, $0x0;
	s5 =	sld [smem:$0x3FA5]  }
0x2b: {  	s6 =	sld [smem:$0x3FA6]  }
0x2c: {  	s7 =	sld [smem:$0x3FA7]  }
0x2d: {  	s3 =	simm.s32 $0x108;
	s8 =	sld [smem:$0x3FA8]  }
0x2e: {  	s3 =	simm.s32 @!p0 $0x1082;
	s9 =	sld [smem:$0x3FA9]  }
0x2f: {  	lr =	sadd.s32 s0, s3;
	s0 =	sld [smem:$0x3FA0]  }
0x30: {  	s3 =	sld [smem:$0x3FA3]  }
0x31: {  	[smem:$0x3FAC] =	sst s10  }
0x32: {  	s10 =	sld [smem:$0x3FAA];
	_ =	sdelay $0x3  }
0x33: {  	p0 =	seq.s32 s10, $0x1;
	s10 =	sld [smem:$0x3FAC];
	_ =	sdelay $0x3  }
0x34: {  	[smem:$0x3FAC] =	sst s10  }
0x35: {  	s10 =	sld [smem:$0x3FAB];
	_ =	sdelay $0x3  }
0x36: {  	p1 =	seq.s32 s10, $0x1;
	s10 =	sld [smem:$0x3FAC];
	_ =	sdelay $0x3  }
0x37: {  	[smem:$0x3FAC] =	sst s10  }
0x38: {  	s10 =	sld [smem:$0x3FAD]  }
0x39: {  	_ = 	snop;
	(pc) =	sbr.ind lr, $3  }
0x3a: {  	_ = 	snop  }
0x3b: {  	_ = 	snop  }
0x3c: {  	p2 =	seq.s32 s10, $0x1;
	s10 =	sld [smem:$0x3FAC]  }
0x3d: {  	_ =	shalt  }
0x3e: {  	_ =	shalt  }
0x3f: {  	_ =	shalt  }
0x40: {  	_ =	shalt  }
0x41: {  	_ =	shalt  }
0x42: {  	_ =	shalt  }
0x43: {  	_ =	shalt  }
0x44: {  	_ =	shalt  }
0x45: {  	_ =	shalt  }
0x46: {  	_ =	shalt  }
0x47: {  	_ =	shalt  }
0x48: {  	_ =	shalt  }
0x49: {  	_ =	shalt  }
0x4a: {  	_ =	shalt  }
0x4b: {  	_ =	shalt  }
0x4c: {  	_ =	shalt  }
0x4d: {  	_ =	shalt  }
0x4e: {  	_ =	shalt  }
0x4f: {  	_ =	shalt  }
0x50: {  	_ =	shalt  }
0x51: {  	_ =	shalt  }
0x52: {  	_ =	shalt  }
0x53: {  	_ =	shalt  }
0x54: {  	_ =	shalt  }
0x55: {  	_ =	shalt  }
0x56: {  	_ =	shalt  }
0x57: {  	_ =	shalt  }
0x58: {  	_ =	shalt  }
0x59: {  	_ =	shalt  }
0x5a: {  	_ =	shalt  }
0x5b: {  	_ =	shalt  }
0x5c: {  	_ =	shalt  }
0x5d: {  	_ =	shalt  }
0x5e: {  	_ =	shalt  }
0x5f: {  	_ =	shalt  }
0x60: {  	_ =	shalt  }
0x61: {  	_ =	shalt  }
0x62: {  	_ =	shalt  }
0x63: {  	_ =	shalt  }
0x64: {  	_ =	shalt  }
0x65: {  	_ =	shalt  }
0x66: {  	_ =	shalt  }
0x67: {  	_ =	shalt  }
0x68: {  	_ =	shalt  }
0x69: {  	_ =	shalt  }
0x6a: {  	_ =	shalt  }
0x6b: {  	_ =	shalt  }
0x6c: {  	_ =	shalt  }
0x6d: {  	_ =	shalt  }
0x6e: {  	_ =	shalt  }
0x6f: {  	_ =	shalt  }
0x70: {  	_ =	shalt  }
0x71: {  	_ =	shalt  }
0x72: {  	_ =	shalt  }
0x73: {  	_ =	shalt  }
0x74: {  	_ =	shalt  }
0x75: {  	_ =	shalt  }
0x76: {  	_ =	shalt  }
0x77: {  	_ =	shalt  }
0x78: {  	_ =	shalt  }
0x79: {  	_ =	shalt  }
0x7a: {  	_ =	shalt  }
0x7b: {  	_ =	shalt  }
0x7c: {  	_ =	shalt  }
0x7d: {  	_ =	shalt  }
0x7e: {  	_ =	shalt  }
0x7f: {  	_ =	shalt  }
0x80: {  	_ =	shalt  }
0x81: {  	_ =	shalt  }
0x82: {  	_ =	shalt  }
0x83: {  	_ =	shalt  }
0x84: {  	_ =	shalt  }
0x85: {  	_ =	shalt  }
0x86: {  	_ =	shalt  }
0x87: {  	_ =	shalt  }
.Lfunc_end0:
.L_simem_size_0:
called_computation.2_lowered:
.L_overlay_start_0:
0x88: {  	s2 =	sld [smem:$0x3FD9]  }
0x89: {  	s3 =	sld [smem:$0x3FFE];
	_ =	sdelay $0x1  }
0x8a: {  	s1 =	srdreg.scid  }
0x8b: {  	s0 =	sand.u32 $0x1, s1  }
0x8c: {  	s16 =	sshll.u32 s0, $0xA;
	s2 =	sadd.s32 s3, s2  }
0x8d: {  	s2 =	sadd.s32 s2, s16  }
0x8e: {  	[smem:$0x3FB8] =	sst s2  }
0x8f: {  	_ = 	snop  }
0x90: {  	(tm) =	ssettm $0x1  }
0x91: {  	s17 =	sld [smem:$0x3FFB];
	_ =	sdelay $0x3  }
0x92: {  	_ =	strace s17  }
0x93: {  	s2 =	sld [smem:$0x3FFC];
	_ =	sdelay $0x3  }
0x94: {  	_ =	strace s2  }
0x95: {  	s2 =	sld [smem:$0x3FFD];
	_ =	sdelay $0x3  }
0x96: {  	_ =	strace s2  }
0x97: {  	_ =	strace $0x8FFFFFFF  }
0x98: {  	s18 =	sld [smem:$0x3FDB];
	_ =	sdelay $0x1  }
0x99: {  	s19 =	simm.s32 $_scs_section_size  }
0x9a: {  	s4 =	simm.s32 $_size__tile_overlayer_lowered;
	s5 =	simm.s32 $_tile_overlayer_lowered  }
0x9b: {  	s22 =	simm.s32 $0x1BFF;
	s21 =	sshll.u32 s5, $0x1;
	s2 =	sadd.s32 s19, s18  }
0x9c: {  	s6 =	simm.s32 $0x0;
	s20 =	sshll.u32 s4, $0x1;
	s4 =	sadd.s32 s21, s2  }
0x9d: {  	[timem:s6], [sflag:s22] =	dma.local [hbm:s4], s20  }
0x9e: {  	_ =	swait.ge [sflag:s22], s20  }
0x9f: {  	s3 =	ssub.s32 $0x0, s20;
	[sflag:s22] =	ssyncset.done $0x0  }
0xa0: {  	[sflag:s22] =	ssyncadd.s32 s3;
	_ =	sdelay $0x1  }
0xa1: {  	s23 =	simm.s32 $0x1B8B  }
0xa2: {  	_ =	swait.ge [sflag:s23], $0x1  }
0xa3: {  	[sflag:s23] =	ssyncset.done $0x0  }
0xa4: {  	s25 =	simm.s32 $0x1B8E;
	s24 =	sld [smem:$0x3FFE];
	[sflag:s23] =	ssyncadd.s32 $0xFFFFFFFF  }
0xa5: {  	s26 =	simm.s32 $execute0_lowered;
	[smem:$0x3FD2] =	sst s25  }
0xa6: {  	s4 =	sshll.u32 s26, $0x1;
	_ =	strace $0x8000004C;
	[dreg:$0x1] =	wrdreg $0xFFFFFFFF  }
0xa7: {  	s28 =	simm.s32 $_size_execute0_lowered;
	s2 =	sadd.s32 s2, s4;
	[dreg:$0x0] =	wrdreg $0x0  }
0xa8: {  	s4 =	sshll.u32 s28, $0x1;
	[dreg:$0x2] =	wrdreg s2  }
0xa9: {  	[dreg:$0x3] =	wrdreg s4  }
0xaa: {  	[dreg:$0x4] =	wrdreg $0xC0  }
0xab: {  	_ =	task [dreg:s6], $0x5FFFF  }
0xac: {  	[dreg:$0x1] =	wrdreg $0xFFFFFFFF  }
0xad: {  	[dreg:$0x0] =	wrdreg $0x60  }
0xae: {  	[dreg:$0x2] =	wrdreg s24  }
0xaf: {  	[dreg:$0x3] =	wrdreg $0x0  }
0xb0: {  	[dreg:$0x4] =	wrdreg $0x9  }
0xb1: {  	_ =	task.clear_ibuf [dreg:s6], $0x5FFFF;
	_ =	strace $0x9000004C  }
0xb2: {  	s29 =	simm.s32 $0x9;
	_ =	strace $0x8000004E  }
0xb3: {  	_ =	swait.ge [sflag:s29], $0x1  }
0xb4: {  	[sflag:s29] =	ssyncadd.s32 $0xFFFFFFFF  }
0xb5: {  	_ =	strace $0x9000004E  }
0xb6: {  	_ =	sfence  }
0xb7: {  	s30 =	sld [smem:$0x0];
	_ =	sdelay $0x2  }
0xb8: {  	s31 =	sshll.u32 s1, $0xD;
	s1 =	sshrl.u32 s1, $0x2  }
0xb9: {  	s3 =	sand.u32 $0x4000, s31;
	s1 =	sadd.s32 s1, s30  }
0xba: {  	s0 =	sor.u32 s3, s0;
	s1 =	sshll.u32 s1, $0x11  }
0xbb: {  	s0 =	sor.u32 s1, s0  }
0xbc: {  	s0 =	sadd.s32 $0x8F2B, s0  }
0xbd: {  	[sflag:s0] =	ssyncadd.remote.s32 $0x1  }
0xbe: {  	_ =	sfence.sel $0xFFFF  }
0xbf: {  	[dreg:$0x0] =	wrdreg $0xFFFFFFFF;
	(pc) =	sbr.abs _section_cstart, $3  }
0xc0: {  	[dreg:$0x1] =	wrdreg $0xFFFFFFFF  }
0xc1: {  	_ =	task.clear_ibuf [dreg:s6], $0x2FFFF;
	_ =	strace $0x9FFFFFFF  }
0xc2: {  	(tm) =	ssettm $0x7FFFFFFF  }
0xc3: {  	_ =	shalt  }
tec
execute0_lowered:
.L_overlay_start_1:
0x0: {  	(tag) =	ssettag $0x1  }
0x1: {  	s0 =	srdreg.scid;
	s1 =	rddreg [dreg:$0x0]  }
0x2: {  	s8 =	stileid.u32;
	s2 =	rddreg [dreg:$0x1];
	s3 =	simm.s32 $0x0  }
0x3: {  	s11 =	simm.s32 $0x4;
	s12 =	simm.s32 $0x13C00;
	s13 =	simm.s32 $0x14000  }
0x4: {  	s14 =	simm.s32 $0x80;
	s15 =	simm.s32 $0x14400;
	s17 =	simm.s32 $0x18400  }
0x5: {  	s18 =	simm.s32 $0x1;
	s19 =	simm.s32 $0x2;
	s20 =	simm.s32 $0x3  }
0x6: {  	s21 =	simm.s32 $0x14080;
	s22 =	simm.s32 $0x13D00;
	s28 =	simm.s32 $0x13E80  }
0x7: {  	s29 =	simm.s32 $0x14200;
	s30 =	simm.s32 $0x14280;
	s5 =	smul.u32 $0x5000, s8  }
0x8: {  	s31 =	simm.s32 $0x13F00;
	s10 =	simm.s32 $0x0;
	s7 =	smul.u32 $0x14000, s8  }
0x9: {  	s0 =	sand.u32 $0x1, s0;
	[smem:$0x7FF] =	sst s3;
	s23 =	smul.u32 $0x4F000, s8  }
0xa: {  	s9 =	sadd.s32 $0x1B000, s1;
	s8 =	sshll.u32 s8, $0x6;
	s4 =	smul.u32 $0x50000, s0  }
0xb: {  	s6 =	smul.u32 $0x140000, s0;
	_ =	strace $0x8000004D;
	s0 =	ssub.s32 $0x2, s0  }
0xc: {  	[dreg:$0x4] =	wrdreg s9;
	s24 =	sshrl.u32 s0, $0x1;
	s5 =	sadd.s32 s5, s4  }
0xd: {  	s4 =	sadd.s32 $0x96000, s1;
	s6 =	sadd.s32 s7, s6;
	s7 =	sshrl.u32 s23, $0x2  }
0xe: {  	s0 =	ssub.s32 s0, s24;
	s23 =	simm.s32 $0x13D80;
	s24 =	simm.s32 $0x14100  }
0xf: {  	s5 =	sshrl.u32 s5, $0x3;
	s6 =	sshrl.u32 s6, $0x3;
	s25 =	sadd.s32 s7, s2  }
0x10: {  	s7 =	sor.u32 $0x1C04, s8;
	s0 =	smax.u32 s0, $0x1;
	s5 =	sadd.s32 s5, s1  }
0x11: {  	s1 =	sadd.s32 s6, s1;
	[dreg:$0x7] =	wrdreg s0;
	s8 =	sshrl.u32 s25, $0x3  }
0x12: {  	s25 =	simm.s32 $0x14180;
	s0 =	simm.s32 $0x14300;
	[dreg:$0x5] =	wrdreg s7  }
0x13: {  	s1 =	sadd.s32 $0xE4200, s1;
	s26 =	sadd.s32 $0x7000, s5;
	[dreg:$0x8] =	wrdreg s8  }
0x14: {  	s9 =	sadd.s32 $0x134200, s5;
	s5 =	simm.s32 $0x14380;
	[dreg:$0x6] =	wrdreg s1  }
0x15: {  	[dreg:$0x3] =	wrdreg s26;
	s26 =	simm.s32 $0x13E00;
	s1 =	simm.s32 $0x13F80  }
.LBB2_1:
0x16: {  	[dreg:$0x9] =	wrdreg s10  }
0x17: {  	s6 =	rddreg [dreg:$0x4]  }
0x18: {  	[spmem:s8], [sflag:s7] =	dma.local [hbm:s6], $0x2780  }
0x19: {  	_ =	swait.ge [sflag:s11], $0x2780  }
0x1a: {  	[sflag:s11] =	ssyncset.done $0x0  }
0x1b: {  	[sflag:s11] =	ssyncadd.s32 $0xFFFFD880  }
0x1c: {  	s8 =	sadd.s32 $0x0, s9;
	[bflag:$0x0] =	sbarrier.arrive $0xFFFF  }
0x1d: {  	[tilespmem:s12], [sflag:$0x4] =	stream.linear.gather [hbm4b:s8+s3], $0x400, $0x38;
	[tilespmem:$0x1C400] =	vst v63  }
0x1e: {  	_ =	swait.ge [sflag:s11], $0x400  }
0x1f: {  	s10 =	rddreg [dreg:$0x3];
	[sflag:s11] =	ssyncset.done $0x0  }
0x20: {  	[sflag:s11] =	ssyncadd.s32 $0xFFFFFC00;
	s6 =	sadd.s32 $0x0, s10  }
0x21: {  	[tilespmem:s13], [sflag:$0x4] =	stream.linear.gather [hbm4b:s6+s3], $0x400, $0x38;
	[tilespmem:$0x1C400] =	vst v63  }
0x22: {  	_ =	swait.ge [sflag:s11], $0x400  }
0x23: {  	[sflag:s11] =	ssyncset.done $0x0  }
0x24: {  	[sflag:s11] =	ssyncadd.s32 $0xFFFFFC00  }
0x25: {  	[tilespmem:s15], [sflag:$0x1] =	stream.indirect.gather [hbm4b:s4+s14], $0x80, s12, s14, $0xb8;
	[tilespmem:$0x1C400] =	vst v63  }
0x26: {  	s16 =	simm.s32 $0x13C80  }
0x27: {  	[tilespmem:s17], [sflag:$0x2] =	stream.indirect.gather [hbm4b:s4+s14], $0x80, s16, s14, $0xb8;
	[tilespmem:$0x1C400] =	vst v63  }
0x28: {  	_ =	swait.ge [sflag:s18], $0x4000  }
0x29: {  	[sflag:s18] =	ssyncset.done $0x0  }
0x2a: {  	[sflag:s18] =	ssyncadd.s32 $0xFFFFC000  }
0x2b: {  	_ =	swait.ge [sflag:s19], $0x4000  }
0x2c: {  	[sflag:s19] =	ssyncset.done $0x0  }
0x2d: {  	[sflag:s19] =	ssyncadd.s32 $0xFFFFC000  }
0x2e: {  	[spmem:s2] =	stream.indirect.scatter.add.f32 [tilespmem:s15], [sflag:$0x3], $0x80, s13, s14, $0xb8;
	[tilespmem:$0x1C400] =	vst v63  }
0x2f: {  	_ =	swait.ge [sflag:s20], $0x4000  }
0x30: {  	[sflag:s20] =	ssyncset.done $0x0  }
0x31: {  	[sflag:s20] =	ssyncadd.s32 $0xFFFFC000  }
0x32: {  	[spmem:s2] =	stream.indirect.scatter.add.f32 [tilespmem:s17], [sflag:$0x3], $0x80, s21, s14, $0xb8;
	[tilespmem:$0x1C400] =	vst v63  }
0x33: {  	_ =	swait.ge [sflag:s20], $0x4000  }
0x34: {  	[sflag:s20] =	ssyncset.done $0x0  }
0x35: {  	[sflag:s20] =	ssyncadd.s32 $0xFFFFC000  }
0x36: {  	[tilespmem:s15], [sflag:$0x1] =	stream.indirect.gather [hbm4b:s4+s14], $0x80, s22, s14, $0xb8;
	[tilespmem:$0x1C400] =	vst v63  }
0x37: {  	_ = 	snop  }
0x38: {  	[tilespmem:s17], [sflag:$0x2] =	stream.indirect.gather [hbm4b:s4+s14], $0x80, s23, s14, $0xb8;
	[tilespmem:$0x1C400] =	vst v63  }
0x39: {  	_ =	swait.ge [sflag:s18], $0x4000  }
0x3a: {  	[sflag:s18] =	ssyncset.done $0x0  }
0x3b: {  	[sflag:s18] =	ssyncadd.s32 $0xFFFFC000  }
0x3c: {  	_ =	swait.ge [sflag:s19], $0x4000  }
0x3d: {  	[sflag:s19] =	ssyncset.done $0x0  }
0x3e: {  	[sflag:s19] =	ssyncadd.s32 $0xFFFFC000  }
0x3f: {  	[spmem:s2] =	stream.indirect.scatter.add.f32 [tilespmem:s15], [sflag:$0x3], $0x80, s24, s14, $0xb8;
	[tilespmem:$0x1C400] =	vst v63  }
0x40: {  	_ =	swait.ge [sflag:s20], $0x4000  }
0x41: {  	[sflag:s20] =	ssyncset.done $0x0  }
0x42: {  	[sflag:s20] =	ssyncadd.s32 $0xFFFFC000  }
0x43: {  	[spmem:s2] =	stream.indirect.scatter.add.f32 [tilespmem:s17], [sflag:$0x3], $0x80, s25, s14, $0xb8;
	[tilespmem:$0x1C400] =	vst v63  }
0x44: {  	_ =	swait.ge [sflag:s20], $0x4000  }
0x45: {  	[sflag:s20] =	ssyncset.done $0x0  }
0x46: {  	[sflag:s20] =	ssyncadd.s32 $0xFFFFC000  }
0x47: {  	[tilespmem:s15], [sflag:$0x1] =	stream.indirect.gather [hbm4b:s4+s14], $0x80, s26, s14, $0xb8;
	[tilespmem:$0x1C400] =	vst v63  }
0x48: {  	_ = 	snop  }
0x49: {  	[tilespmem:s17], [sflag:$0x2] =	stream.indirect.gather [hbm4b:s4+s14], $0x80, s28, s14, $0xb8;
	[tilespmem:$0x1C400] =	vst v63  }
0x4a: {  	_ =	swait.ge [sflag:s18], $0x4000  }
0x4b: {  	[sflag:s18] =	ssyncset.done $0x0  }
0x4c: {  	[sflag:s18] =	ssyncadd.s32 $0xFFFFC000  }
0x4d: {  	_ =	swait.ge [sflag:s19], $0x4000  }
0x4e: {  	[sflag:s19] =	ssyncset.done $0x0  }
0x4f: {  	[sflag:s19] =	ssyncadd.s32 $0xFFFFC000  }
0x50: {  	[spmem:s2] =	stream.indirect.scatter.add.f32 [tilespmem:s15], [sflag:$0x3], $0x80, s29, s14, $0xb8;
	[tilespmem:$0x1C400] =	vst v63  }
0x51: {  	_ =	swait.ge [sflag:s20], $0x4000  }
0x52: {  	[sflag:s20] =	ssyncset.done $0x0  }
0x53: {  	[sflag:s20] =	ssyncadd.s32 $0xFFFFC000  }
0x54: {  	[spmem:s2] =	stream.indirect.scatter.add.f32 [tilespmem:s17], [sflag:$0x3], $0x80, s30, s14, $0xb8;
	[tilespmem:$0x1C400] =	vst v63  }
0x55: {  	_ =	swait.ge [sflag:s20], $0x4000  }
0x56: {  	[sflag:s20] =	ssyncset.done $0x0  }
0x57: {  	[sflag:s20] =	ssyncadd.s32 $0xFFFFC000  }
0x58: {  	[tilespmem:s15], [sflag:$0x1] =	stream.indirect.gather [hbm4b:s4+s14], $0x80, s31, s14, $0xb8;
	[tilespmem:$0x1C400] =	vst v63  }
0x59: {  	_ = 	snop  }
0x5a: {  	[tilespmem:s17], [sflag:$0x2] =	stream.indirect.gather [hbm4b:s4+s14], $0x80, s1, s14, $0xb8;
	[tilespmem:$0x1C400] =	vst v63  }
0x5b: {  	_ =	swait.ge [sflag:s18], $0x4000  }
0x5c: {  	[sflag:s18] =	ssyncset.done $0x0  }
0x5d: {  	[sflag:s18] =	ssyncadd.s32 $0xFFFFC000  }
0x5e: {  	_ =	swait.ge [sflag:s19], $0x4000  }
0x5f: {  	[sflag:s19] =	ssyncset.done $0x0  }
0x60: {  	[sflag:s19] =	ssyncadd.s32 $0xFFFFC000  }
0x61: {  	[spmem:s2] =	stream.indirect.scatter.add.f32 [tilespmem:s15], [sflag:$0x3], $0x80, s0, s14, $0xb8;
	[tilespmem:$0x1C400] =	vst v63  }
0x62: {  	_ =	swait.ge [sflag:s20], $0x4000  }
0x63: {  	[sflag:s20] =	ssyncset.done $0x0  }
0x64: {  	[sflag:s20] =	ssyncadd.s32 $0xFFFFC000  }
0x65: {  	[spmem:s2] =	stream.indirect.scatter.add.f32 [tilespmem:s17], [sflag:$0x3], $0x80, s5, s14, $0xb8;
	[tilespmem:$0x1C400] =	vst v63  }
0x66: {  	_ =	swait.ge [sflag:s20], $0x4000  }
0x67: {  	s8 =	simm.s32 $0x80;
	s6 =	simm.s32 $0x100;
	[sflag:s20] =	ssyncset.done $0x0  }
.LBB2_2:
0x68: {  	s7 =	sadd.s32 s8, s9;
	[sflag:s20] =	ssyncadd.s32 $0xFFFFC000  }
0x69: {  	[tilespmem:s12], [sflag:$0x4] =	stream.linear.gather [hbm4b:s7+s3], $0x400, $0x38;
	[tilespmem:$0x1C400] =	vst v63  }
0x6a: {  	s16 =	smov.u32 s6;
	_ =	swait.ge [sflag:s11], $0x400  }
0x6b: {  	s10 =	sadd.s32 $0x80, s6;
	s7 =	rddreg [dreg:$0x3];
	[sflag:s11] =	ssyncset.done $0x0  }
0x6c: {  	p0 =	sne.s32 s6, $0x980;
	[sflag:s11] =	ssyncadd.s32 $0xFFFFFC00;
	s6 =	sadd.s32 s8, s7  }
0x6d: {  	[tilespmem:s13], [sflag:$0x4] =	stream.linear.gather [hbm4b:s6+s3], $0x400, $0x38;
	[tilespmem:$0x1C400] =	vst v63  }
0x6e: {  	_ =	swait.ge [sflag:s11], $0x400  }
0x6f: {  	[sflag:s11] =	ssyncset.done $0x0  }
0x70: {  	[sflag:s11] =	ssyncadd.s32 $0xFFFFFC00  }
0x71: {  	[tilespmem:s15], [sflag:$0x1] =	stream.indirect.gather [hbm4b:s4+s14], $0x80, s12, s14, $0xb8;
	[tilespmem:$0x1C400] =	vst v63  }
0x72: {  	s8 =	smov.u32 s16;
	s16 =	simm.s32 $0x13C80  }
0x73: {  	[tilespmem:s17], [sflag:$0x2] =	stream.indirect.gather [hbm4b:s4+s14], $0x80, s16, s14, $0xb8;
	[tilespmem:$0x1C400] =	vst v63  }
0x74: {  	_ =	swait.ge [sflag:s18], $0x4000  }
0x75: {  	[sflag:s18] =	ssyncset.done $0x0  }
0x76: {  	[sflag:s18] =	ssyncadd.s32 $0xFFFFC000  }
0x77: {  	_ =	swait.ge [sflag:s19], $0x4000  }
0x78: {  	[sflag:s19] =	ssyncset.done $0x0  }
0x79: {  	[sflag:s19] =	ssyncadd.s32 $0xFFFFC000  }
0x7a: {  	[spmem:s2] =	stream.indirect.scatter.add.f32 [tilespmem:s15], [sflag:$0x3], $0x80, s13, s14, $0xb8;
	[tilespmem:$0x1C400] =	vst v63  }
0x7b: {  	_ =	swait.ge [sflag:s20], $0x4000  }
0x7c: {  	[sflag:s20] =	ssyncset.done $0x0  }
0x7d: {  	[sflag:s20] =	ssyncadd.s32 $0xFFFFC000  }
0x7e: {  	[spmem:s2] =	stream.indirect.scatter.add.f32 [tilespmem:s17], [sflag:$0x3], $0x80, s21, s14, $0xb8;
	[tilespmem:$0x1C400] =	vst v63  }
0x7f: {  	_ =	swait.ge [sflag:s20], $0x4000  }
0x80: {  	[sflag:s20] =	ssyncset.done $0x0  }
0x81: {  	[sflag:s20] =	ssyncadd.s32 $0xFFFFC000  }
0x82: {  	[tilespmem:s15], [sflag:$0x1] =	stream.indirect.gather [hbm4b:s4+s14], $0x80, s22, s14, $0xb8;
	[tilespmem:$0x1C400] =	vst v63  }
0x83: {  	_ = 	snop  }
0x84: {  	[tilespmem:s17], [sflag:$0x2] =	stream.indirect.gather [hbm4b:s4+s14], $0x80, s23, s14, $0xb8;
	[tilespmem:$0x1C400] =	vst v63  }
0x85: {  	_ =	swait.ge [sflag:s18], $0x4000  }
0x86: {  	[sflag:s18] =	ssyncset.done $0x0  }
0x87: {  	[sflag:s18] =	ssyncadd.s32 $0xFFFFC000  }
0x88: {  	_ =	swait.ge [sflag:s19], $0x4000  }
0x89: {  	[sflag:s19] =	ssyncset.done $0x0  }
0x8a: {  	[sflag:s19] =	ssyncadd.s32 $0xFFFFC000  }
0x8b: {  	[spmem:s2] =	stream.indirect.scatter.add.f32 [tilespmem:s15], [sflag:$0x3], $0x80, s24, s14, $0xb8;
	[tilespmem:$0x1C400] =	vst v63  }
0x8c: {  	_ =	swait.ge [sflag:s20], $0x4000  }
0x8d: {  	[sflag:s20] =	ssyncset.done $0x0  }
0x8e: {  	[sflag:s20] =	ssyncadd.s32 $0xFFFFC000  }
0x8f: {  	[spmem:s2] =	stream.indirect.scatter.add.f32 [tilespmem:s17], [sflag:$0x3], $0x80, s25, s14, $0xb8;
	[tilespmem:$0x1C400] =	vst v63  }
0x90: {  	_ =	swait.ge [sflag:s20], $0x4000  }
0x91: {  	[sflag:s20] =	ssyncset.done $0x0  }
0x92: {  	[sflag:s20] =	ssyncadd.s32 $0xFFFFC000  }
0x93: {  	[tilespmem:s15], [sflag:$0x1] =	stream.indirect.gather [hbm4b:s4+s14], $0x80, s26, s14, $0xb8;
	[tilespmem:$0x1C400] =	vst v63  }
0x94: {  	_ = 	snop  }
0x95: {  	[tilespmem:s17], [sflag:$0x2] =	stream.indirect.gather [hbm4b:s4+s14], $0x80, s28, s14, $0xb8;
	[tilespmem:$0x1C400] =	vst v63  }
0x96: {  	_ =	swait.ge [sflag:s18], $0x4000  }
0x97: {  	[sflag:s18] =	ssyncset.done $0x0  }
0x98: {  	[sflag:s18] =	ssyncadd.s32 $0xFFFFC000  }
0x99: {  	_ =	swait.ge [sflag:s19], $0x4000  }
0x9a: {  	[sflag:s19] =	ssyncset.done $0x0  }
0x9b: {  	[sflag:s19] =	ssyncadd.s32 $0xFFFFC000  }
0x9c: {  	[spmem:s2] =	stream.indirect.scatter.add.f32 [tilespmem:s15], [sflag:$0x3], $0x80, s29, s14, $0xb8;
	[tilespmem:$0x1C400] =	vst v63  }
0x9d: {  	_ =	swait.ge [sflag:s20], $0x4000  }
0x9e: {  	[sflag:s20] =	ssyncset.done $0x0  }
0x9f: {  	[sflag:s20] =	ssyncadd.s32 $0xFFFFC000  }
0xa0: {  	[spmem:s2] =	stream.indirect.scatter.add.f32 [tilespmem:s17], [sflag:$0x3], $0x80, s30, s14, $0xb8;
	[tilespmem:$0x1C400] =	vst v63  }
0xa1: {  	_ =	swait.ge [sflag:s20], $0x4000  }
0xa2: {  	[sflag:s20] =	ssyncset.done $0x0  }
0xa3: {  	[sflag:s20] =	ssyncadd.s32 $0xFFFFC000  }
0xa4: {  	[tilespmem:s15], [sflag:$0x1] =	stream.indirect.gather [hbm4b:s4+s14], $0x80, s31, s14, $0xb8;
	[tilespmem:$0x1C400] =	vst v63  }
0xa5: {  	_ = 	snop  }
0xa6: {  	[tilespmem:s17], [sflag:$0x2] =	stream.indirect.gather [hbm4b:s4+s14], $0x80, s1, s14, $0xb8;
	[tilespmem:$0x1C400] =	vst v63  }
0xa7: {  	_ =	swait.ge [sflag:s18], $0x4000  }
0xa8: {  	[sflag:s18] =	ssyncset.done $0x0  }
0xa9: {  	[sflag:s18] =	ssyncadd.s32 $0xFFFFC000  }
0xaa: {  	_ =	swait.ge [sflag:s19], $0x4000  }
0xab: {  	[sflag:s19] =	ssyncset.done $0x0  }
0xac: {  	[sflag:s19] =	ssyncadd.s32 $0xFFFFC000  }
0xad: {  	[spmem:s2] =	stream.indirect.scatter.add.f32 [tilespmem:s15], [sflag:$0x3], $0x80, s0, s14, $0xb8;
	[tilespmem:$0x1C400] =	vst v63  }
0xae: {  	_ =	swait.ge [sflag:s20], $0x4000  }
.Ltmp0:
0xaf: {  	[sflag:s20] =	ssyncset.done $0x0;
	(pc) =	sbr.rel @p0 .LBB2_2-.Ltmp0, $4  }
0xb0: {  	[sflag:s20] =	ssyncadd.s32 $0xFFFFC000  }
0xb1: {  	[spmem:s2] =	stream.indirect.scatter.add.f32 [tilespmem:s17], [sflag:$0x3], $0x80, s5, s14, $0xb8;
	[tilespmem:$0x1C400] =	vst v63  }
0xb2: {  	_ =	swait.ge [sflag:s20], $0x4000  }
0xb3: {  	s6 =	smov.u32 s10;
	[sflag:s20] =	ssyncset.done $0x0  }
0xb4: {  	s6 =	sadd.s32 s8, s9;
	[sflag:s20] =	ssyncadd.s32 $0xFFFFC000  }
0xb5: {  	[tilespmem:s12], [sflag:$0x4] =	stream.linear.gather [hbm4b:s6+s3], $0x400, $0x38;
	[tilespmem:$0x1C400] =	vst v63  }
0xb6: {  	_ =	swait.ge [sflag:s11], $0x400  }
0xb7: {  	s7 =	rddreg [dreg:$0x3];
	[sflag:s11] =	ssyncset.done $0x0  }
0xb8: {  	s6 =	sadd.s32 s8, s7;
	[sflag:s11] =	ssyncadd.s32 $0xFFFFFC00  }
0xb9: {  	[tilespmem:s13], [sflag:$0x4] =	stream.linear.gather [hbm4b:s6+s3], $0x400, $0x38;
	[tilespmem:$0x1C400] =	vst v63  }
0xba: {  	_ =	swait.ge [sflag:s11], $0x400  }
0xbb: {  	[sflag:s11] =	ssyncset.done $0x0  }
0xbc: {  	[sflag:s11] =	ssyncadd.s32 $0xFFFFFC00  }
0xbd: {  	[tilespmem:s15], [sflag:$0x1] =	stream.indirect.gather [hbm4b:s4+s14], $0x80, s12, s14, $0xb8;
	[tilespmem:$0x1C400] =	vst v63  }
0xbe: {  	s8 =	simm.s32 $0x13C80  }
0xbf: {  	[tilespmem:s17], [sflag:$0x2] =	stream.indirect.gather [hbm4b:s4+s14], $0x80, s8, s14, $0xb8;
	[tilespmem:$0x1C400] =	vst v63  }
0xc0: {  	_ =	swait.ge [sflag:s18], $0x4000  }
0xc1: {  	[sflag:s18] =	ssyncset.done $0x0  }
0xc2: {  	[sflag:s18] =	ssyncadd.s32 $0xFFFFC000  }
0xc3: {  	_ =	swait.ge [sflag:s19], $0x4000  }
0xc4: {  	[sflag:s19] =	ssyncset.done $0x0  }
0xc5: {  	[sflag:s19] =	ssyncadd.s32 $0xFFFFC000  }
0xc6: {  	[spmem:s2] =	stream.indirect.scatter.add.f32 [tilespmem:s15], [sflag:$0x3], $0x80, s13, s14, $0xb8;
	[tilespmem:$0x1C400] =	vst v63  }
0xc7: {  	_ =	swait.ge [sflag:s20], $0x4000  }
0xc8: {  	[sflag:s20] =	ssyncset.done $0x0  }
0xc9: {  	[sflag:s20] =	ssyncadd.s32 $0xFFFFC000  }
0xca: {  	[spmem:s2] =	stream.indirect.scatter.add.f32 [tilespmem:s17], [sflag:$0x3], $0x80, s21, s14, $0xb8;
	[tilespmem:$0x1C400] =	vst v63  }
0xcb: {  	_ =	swait.ge [sflag:s20], $0x4000  }
0xcc: {  	[sflag:s20] =	ssyncset.done $0x0  }
0xcd: {  	[sflag:s20] =	ssyncadd.s32 $0xFFFFC000  }
0xce: {  	[tilespmem:s15], [sflag:$0x1] =	stream.indirect.gather [hbm4b:s4+s14], $0x80, s22, s14, $0xb8;
	[tilespmem:$0x1C400] =	vst v63  }
0xcf: {  	_ = 	snop  }
0xd0: {  	[tilespmem:s17], [sflag:$0x2] =	stream.indirect.gather [hbm4b:s4+s14], $0x80, s23, s14, $0xb8;
	[tilespmem:$0x1C400] =	vst v63  }
0xd1: {  	_ =	swait.ge [sflag:s18], $0x4000  }
0xd2: {  	[sflag:s18] =	ssyncset.done $0x0  }
0xd3: {  	[sflag:s18] =	ssyncadd.s32 $0xFFFFC000  }
0xd4: {  	_ =	swait.ge [sflag:s19], $0x4000  }
0xd5: {  	[sflag:s19] =	ssyncset.done $0x0  }
0xd6: {  	[sflag:s19] =	ssyncadd.s32 $0xFFFFC000  }
0xd7: {  	[spmem:s2] =	stream.indirect.scatter.add.f32 [tilespmem:s15], [sflag:$0x3], $0x80, s24, s14, $0xb8;
	[tilespmem:$0x1C400] =	vst v63  }
0xd8: {  	_ =	swait.ge [sflag:s20], $0x4000  }
0xd9: {  	[sflag:s20] =	ssyncset.done $0x0  }
0xda: {  	[sflag:s20] =	ssyncadd.s32 $0xFFFFC000  }
0xdb: {  	[spmem:s2] =	stream.indirect.scatter.add.f32 [tilespmem:s17], [sflag:$0x3], $0x80, s25, s14, $0xb8;
	[tilespmem:$0x1C400] =	vst v63  }
0xdc: {  	_ =	swait.ge [sflag:s20], $0x4000  }
0xdd: {  	[sflag:s20] =	ssyncset.done $0x0  }
0xde: {  	[sflag:s20] =	ssyncadd.s32 $0xFFFFC000  }
0xdf: {  	[tilespmem:s15], [sflag:$0x1] =	stream.indirect.gather [hbm4b:s4+s14], $0x80, s26, s14, $0xb8;
	[tilespmem:$0x1C400] =	vst v63  }
0xe0: {  	_ = 	snop  }
0xe1: {  	[tilespmem:s17], [sflag:$0x2] =	stream.indirect.gather [hbm4b:s4+s14], $0x80, s28, s14, $0xb8;
	[tilespmem:$0x1C400] =	vst v63  }
0xe2: {  	_ =	swait.ge [sflag:s18], $0x4000  }
0xe3: {  	[sflag:s18] =	ssyncset.done $0x0  }
0xe4: {  	[sflag:s18] =	ssyncadd.s32 $0xFFFFC000  }
0xe5: {  	_ =	swait.ge [sflag:s19], $0x4000  }
0xe6: {  	[sflag:s19] =	ssyncset.done $0x0  }
0xe7: {  	[sflag:s19] =	ssyncadd.s32 $0xFFFFC000  }
0xe8: {  	[spmem:s2] =	stream.indirect.scatter.add.f32 [tilespmem:s15], [sflag:$0x3], $0x80, s29, s14, $0xb8;
	[tilespmem:$0x1C400] =	vst v63  }
0xe9: {  	_ =	swait.ge [sflag:s20], $0x4000  }
0xea: {  	[sflag:s20] =	ssyncset.done $0x0  }
0xeb: {  	[sflag:s20] =	ssyncadd.s32 $0xFFFFC000  }
0xec: {  	[spmem:s2] =	stream.indirect.scatter.add.f32 [tilespmem:s17], [sflag:$0x3], $0x80, s30, s14, $0xb8;
	[tilespmem:$0x1C400] =	vst v63  }
0xed: {  	_ =	swait.ge [sflag:s20], $0x4000  }
0xee: {  	[sflag:s20] =	ssyncset.done $0x0  }
0xef: {  	[sflag:s20] =	ssyncadd.s32 $0xFFFFC000  }
0xf0: {  	[tilespmem:s15], [sflag:$0x1] =	stream.indirect.gather [hbm4b:s4+s14], $0x80, s31, s14, $0xb8;
	[tilespmem:$0x1C400] =	vst v63  }
0xf1: {  	_ = 	snop  }
0xf2: {  	[tilespmem:s17], [sflag:$0x2] =	stream.indirect.gather [hbm4b:s4+s14], $0x80, s1, s14, $0xb8;
	[tilespmem:$0x1C400] =	vst v63  }
0xf3: {  	_ =	swait.ge [sflag:s18], $0x4000  }
0xf4: {  	[sflag:s18] =	ssyncset.done $0x0  }
0xf5: {  	[sflag:s18] =	ssyncadd.s32 $0xFFFFC000  }
0xf6: {  	_ =	swait.ge [sflag:s19], $0x4000  }
0xf7: {  	[sflag:s19] =	ssyncset.done $0x0  }
0xf8: {  	[sflag:s19] =	ssyncadd.s32 $0xFFFFC000  }
0xf9: {  	[spmem:s2] =	stream.indirect.scatter.add.f32 [tilespmem:s15], [sflag:$0x3], $0x80, s0, s14, $0xb8;
	[tilespmem:$0x1C400] =	vst v63  }
0xfa: {  	_ =	swait.ge [sflag:s20], $0x4000  }
0xfb: {  	[sflag:s20] =	ssyncset.done $0x0  }
0xfc: {  	[sflag:s20] =	ssyncadd.s32 $0xFFFFC000  }
0xfd: {  	[spmem:s2] =	stream.indirect.scatter.add.f32 [tilespmem:s17], [sflag:$0x3], $0x80, s5, s14, $0xb8;
	[tilespmem:$0x1C400] =	vst v63  }
0xfe: {  	_ =	swait.ge [sflag:s20], $0x4000  }
0xff: {  	[sflag:s20] =	ssyncset.done $0x0  }
0x100: {  	[sflag:s20] =	ssyncadd.s32 $0xFFFFC000  }
0x101: {  	[bflag:$0x0] =	sbarrier.arrive $0xFFFF  }
0x102: {  	s7 =	rddreg [dreg:$0x5]  }
0x103: {  	s10 =	rddreg [dreg:$0x6]  }
0x104: {  	s8 =	rddreg [dreg:$0x8]  }
0x105: {  	[hbm:s10], [sflag:s7] =	dma.local [spmem:s8], $0x2780  }
0x106: {  	_ =	swait.ge [sflag:s11], $0x2780  }
0x107: {  	s10 =	rddreg [dreg:$0x9]  }
0x108: {  	s16 =	rddreg [dreg:$0x7];
	s10 =	sadd.s32 $0x1, s10  }
0x109: {  	p0 =	sne.s32 s10, s16  }
.Ltmp1:
0x10a: {  	_ = 	snop;
	(pc) =	sbr.rel @p0 .LBB2_1-.Ltmp1, $3  }
0x10b: {  	_ =	sdelay $0x1  }
0x10c: {  	[sflag:s11] =	ssyncset.done $0x0  }
0x10d: {  	[sflag:s11] =	ssyncadd.s32 $0xFFFFD880  }
0x10e: {  	_ =	sfence.sel $0x180000  }
0x10f: {  	[bflag:$0x0] =	sbarrier.arrive $0xFFFF  }
0x110: {  	_ =	strace $0x9000004D  }
0x111: {  	s0 =	stileid.u32;
	[bflag:$0x2] =	sbarrier.arrive $0xFFFF  }
0x112: {  	p0 =	sne.s32 s0, $0x0;
	s0 =	rddreg [dreg:$0x2]  }
0x113: {  	s0 =	sadd.s32 @!p0 $0x100000, s0  }
0x114: {  	[sflag:s0] =	ssyncadd.tile.s32 @!p0 $0x1;
	_ =	shalt  }
.Lfunc_end2:
_tile_overlayer_lowered:
.L_overlay_start_2:
0x115: {  	(tag) =	ssettag $0x2  }
0x116: {  	s0 =	rddreg [dreg:$0x0];
	s2 =	stileid.u32  }
0x117: {  	s1 =	rddreg [dreg:$0x1];
	p0 =	sne.s32 s2, $0x0  }
0x118: {  	s3 =	rddreg [dreg:$0x2];
	[bflag:$0x3] =	sbarrier.arrive $0xFFFF;
	s2 =	simm.s32 @!p0 $0x1C04  }
0x119: {  	[timem:s3], [sflag:s2] =	dma.local @!p0 [hbm:s0], s1  }
0x11a: {  	s0 =	simm.s32 @!p0 $0x4  }
0x11b: {  	_ =	swait.ge @!p0 [sflag:s0], s1  }
0x11c: {  	s1 =	ssub.s32 @!p0 $0x0, s1;
	[sflag:s0] =	ssyncset.done @!p0 $0x0  }
0x11d: {  	[sflag:s0] =	ssyncadd.s32 @!p0 s1  }
0x11e: {  	[bflag:$0x3] =	sbarrier.arrive $0xFFFF  }
0x11f: {  	_ =	shalt  }

// kernel: kernel.20.cloned.1.call-start
scs
__scs_entry_jumppad:
0x0: {  	(pc) =	sbr.rel $0x88, $3  }
0x1: {  	(tag) =	ssettag $0x0;
	lr =	simm.s32 $0x1  }
0x2: {  	[smem:$0x3F91] =	sst lr;
	_ =	strace $0xD0000000  }
0x3: {  	_ = 	snop  }
0x4: {  	_ = 	snop  }
0x5: {  	_ = 	snop  }
0x6: {  	_ = 	snop  }
0x7: {  	_ = 	snop  }
__scs_overlays_trampoline_lowered:
0x8: {  	[smem:$0x3FA0] =	sst s0  }
0x9: {  	[smem:$0x3FA1] =	sst s1  }
0xa: {  	[smem:$0x3FA2] =	sst s2  }
0xb: {  	[smem:$0x3FA3] =	sst s3  }
0xc: {  	[smem:$0x3FA4] =	sst s4  }
0xd: {  	[smem:$0x3FA5] =	sst s5  }
0xe: {  	[smem:$0x3FA6] =	sst s6  }
0xf: {  	[smem:$0x3FA7] =	sst s7  }
0x10: {  	[smem:$0x3FA8] =	sst s8  }
0x11: {  	[smem:$0x3FA9] =	sst s9;
	s0 =	simm.s32 @!p0 $0x0  }
0x12: {  	s1 =	sld [smem:$0x3F8F];
	s0 =	simm.s32 @p0 $0x1  }
0x13: {  	[smem:$0x3FAA] =	sst s0;
	s0 =	simm.s32 @!p1 $0x0  }
0x14: {  	s2 =	sld [smem:$0x3F8E];
	s0 =	simm.s32 @p1 $0x1  }
0x15: {  	[smem:$0x3FAB] =	sst s0;
	s0 =	simm.s32 @!p2 $0x0  }
0x16: {  	s3 =	sld [smem:$0x3FDB];
	s0 =	simm.s32 @p2 $0x1  }
0x17: {  	s4 =	simm.s32 $0x1BF5;
	[smem:$0x3FAD] =	sst s0  }
0x18: {  	s0 =	sld [smem:$0x3F90];
	_ =	swait.ge [sflag:s4], $0x0  }
0x19: {  	s7 =	sld [smem:$0x3F91]  }
0x1a: {  	s8 =	sadd.s32 $0xFFFFE003, lr  }
0x1b: {  	s9 =	sadd.s32 $0xFFFFFEF7, lr;
	s5 =	simm.s32 $0xFFFFFFFF;
	p2 =	slt.u32 s8, $0xFFFFF086  }
0x1c: {  	p1 =	slt.u32 s9, $0xF7A;
	s5 =	simm.s32 @!p2 $0x0  }
0x1d: {  	s5 =	simm.s32 @p1 $0x1;
	p0 =	seq.s32 s7, s2  }
0x1e: {  	s7 =	smul.u32 @!p0 $0xF7A, s2;
	p2 =	seq.s32 @!p0 s5, $0x0  }
0x1f: {  	s9 =	smul.u32 $0xF7A, s1;
	s8 =	simm.s32 @!p0 $0x1BF5;
	p2 =	por !p2, p0  }
0x20: {  	[sflag:s8] =	ssyncset.s32 @!p0 $0xFFFFF086;
	s6 =	sadd.s32 @!p0 s3, s7;
	s7 =	simm.s32 @!p0 $0x108  }
0x21: {  	s3 =	sadd.s32 s3, s9;
	s6 =	sadd.s32 @!p0 $0x88, s6;
	s7 =	simm.s32 @p2 $0x1082  }
0x22: {  	[simem:s7], [sflag:s8] =	dma.local @!p0 [hbm:s6], $0xF7A  }
0x23: {  	s9 =	sor.u32 $0xD0000000, s2;
	s6 =	simm.s32 $0x108;
	_ =	swait.ge @!p0 [sflag:s8], $0x0  }
0x24: {  	s3 =	sadd.s32 $0x88, s3;
	s6 =	simm.s32 @!p1 $0x1082;
	[sflag:s4] =	ssyncset.s32 $0xFFFFF086  }
0x25: {  	[simem:s6], [sflag:s4] =	dma.local [hbm:s3], $0xF7A  }
0x26: {  	[smem:$0x3F91] =	sst s1;
	(tag) =	ssettag s2;
	_ =	strace s9  }
0x27: {  	s1 =	sld [smem:$0x3FA1]  }
0x28: {  	s2 =	sld [smem:$0x3FA2]  }
0x29: {  	s4 =	sld [smem:$0x3FA4]  }
0x2a: {  	p0 =	seq.s32 s5, $0x0;
	s5 =	sld [smem:$0x3FA5]  }
0x2b: {  	s6 =	sld [smem:$0x3FA6]  }
0x2c: {  	s7 =	sld [smem:$0x3FA7]  }
0x2d: {  	s3 =	simm.s32 $0x108;
	s8 =	sld [smem:$0x3FA8]  }
0x2e: {  	s3 =	simm.s32 @!p0 $0x1082;
	s9 =	sld [smem:$0x3FA9]  }
0x2f: {  	lr =	sadd.s32 s0, s3;
	s0 =	sld [smem:$0x3FA0]  }
0x30: {  	s3 =	sld [smem:$0x3FA3]  }
0x31: {  	[smem:$0x3FAC] =	sst s10  }
0x32: {  	s10 =	sld [smem:$0x3FAA];
	_ =	sdelay $0x3  }
0x33: {  	p0 =	seq.s32 s10, $0x1;
	s10 =	sld [smem:$0x3FAC];
	_ =	sdelay $0x3  }
0x34: {  	[smem:$0x3FAC] =	sst s10  }
0x35: {  	s10 =	sld [smem:$0x3FAB];
	_ =	sdelay $0x3  }
0x36: {  	p1 =	seq.s32 s10, $0x1;
	s10 =	sld [smem:$0x3FAC];
	_ =	sdelay $0x3  }
0x37: {  	[smem:$0x3FAC] =	sst s10  }
0x38: {  	s10 =	sld [smem:$0x3FAD]  }
0x39: {  	_ = 	snop;
	(pc) =	sbr.ind lr, $3  }
0x3a: {  	_ = 	snop  }
0x3b: {  	_ = 	snop  }
0x3c: {  	p2 =	seq.s32 s10, $0x1;
	s10 =	sld [smem:$0x3FAC]  }
0x3d: {  	_ =	shalt  }
0x3e: {  	_ =	shalt  }
0x3f: {  	_ =	shalt  }
0x40: {  	_ =	shalt  }
0x41: {  	_ =	shalt  }
0x42: {  	_ =	shalt  }
0x43: {  	_ =	shalt  }
0x44: {  	_ =	shalt  }
0x45: {  	_ =	shalt  }
0x46: {  	_ =	shalt  }
0x47: {  	_ =	shalt  }
0x48: {  	_ =	shalt  }
0x49: {  	_ =	shalt  }
0x4a: {  	_ =	shalt  }
0x4b: {  	_ =	shalt  }
0x4c: {  	_ =	shalt  }
0x4d: {  	_ =	shalt  }
0x4e: {  	_ =	shalt  }
0x4f: {  	_ =	shalt  }
0x50: {  	_ =	shalt  }
0x51: {  	_ =	shalt  }
0x52: {  	_ =	shalt  }
0x53: {  	_ =	shalt  }
0x54: {  	_ =	shalt  }
0x55: {  	_ =	shalt  }
0x56: {  	_ =	shalt  }
0x57: {  	_ =	shalt  }
0x58: {  	_ =	shalt  }
0x59: {  	_ =	shalt  }
0x5a: {  	_ =	shalt  }
0x5b: {  	_ =	shalt  }
0x5c: {  	_ =	shalt  }
0x5d: {  	_ =	shalt  }
0x5e: {  	_ =	shalt  }
0x5f: {  	_ =	shalt  }
0x60: {  	_ =	shalt  }
0x61: {  	_ =	shalt  }
0x62: {  	_ =	shalt  }
0x63: {  	_ =	shalt  }
0x64: {  	_ =	shalt  }
0x65: {  	_ =	shalt  }
0x66: {  	_ =	shalt  }
0x67: {  	_ =	shalt  }
0x68: {  	_ =	shalt  }
0x69: {  	_ =	shalt  }
0x6a: {  	_ =	shalt  }
0x6b: {  	_ =	shalt  }
0x6c: {  	_ =	shalt  }
0x6d: {  	_ =	shalt  }
0x6e: {  	_ =	shalt  }
0x6f: {  	_ =	shalt  }
0x70: {  	_ =	shalt  }
0x71: {  	_ =	shalt  }
0x72: {  	_ =	shalt  }
0x73: {  	_ =	shalt  }
0x74: {  	_ =	shalt  }
0x75: {  	_ =	shalt  }
0x76: {  	_ =	shalt  }
0x77: {  	_ =	shalt  }
0x78: {  	_ =	shalt  }
0x79: {  	_ =	shalt  }
0x7a: {  	_ =	shalt  }
0x7b: {  	_ =	shalt  }
0x7c: {  	_ =	shalt  }
0x7d: {  	_ =	shalt  }
0x7e: {  	_ =	shalt  }
0x7f: {  	_ =	shalt  }
0x80: {  	_ =	shalt  }
0x81: {  	_ =	shalt  }
0x82: {  	_ =	shalt  }
0x83: {  	_ =	shalt  }
0x84: {  	_ =	shalt  }
0x85: {  	_ =	shalt  }
0x86: {  	_ =	shalt  }
0x87: {  	_ =	shalt  }
.Lfunc_end0:
.L_simem_size_0:
called_computation.3_lowered:
.L_overlay_start_0:
0x88: {  	s2 =	sld [smem:$0x3FD9]  }
0x89: {  	s3 =	sld [smem:$0x3FFE];
	_ =	sdelay $0x1  }
0x8a: {  	s1 =	srdreg.scid  }
0x8b: {  	s0 =	sand.u32 $0x1, s1  }
0x8c: {  	s16 =	sshll.u32 s0, $0xA;
	s2 =	sadd.s32 s3, s2  }
0x8d: {  	s2 =	sadd.s32 s2, s16  }
0x8e: {  	[smem:$0x3FB8] =	sst s2  }
0x8f: {  	_ = 	snop  }
0x90: {  	(tm) =	ssettm $0x1  }
0x91: {  	s17 =	sld [smem:$0x3FFB];
	_ =	sdelay $0x3  }
0x92: {  	_ =	strace s17  }
0x93: {  	s2 =	sld [smem:$0x3FFC];
	_ =	sdelay $0x3  }
0x94: {  	_ =	strace s2  }
0x95: {  	s2 =	sld [smem:$0x3FFD];
	_ =	sdelay $0x3  }
0x96: {  	_ =	strace s2  }
0x97: {  	_ =	strace $0x8FFFFFFF  }
0x98: {  	s18 =	sld [smem:$0x3FDB];
	_ =	sdelay $0x1  }
0x99: {  	s19 =	simm.s32 $_scs_section_size  }
0x9a: {  	s4 =	simm.s32 $_size__tile_overlayer_lowered;
	s5 =	simm.s32 $_tile_overlayer_lowered  }
0x9b: {  	s22 =	simm.s32 $0x1BFF;
	s21 =	sshll.u32 s5, $0x1;
	s2 =	sadd.s32 s19, s18  }
0x9c: {  	s6 =	simm.s32 $0x0;
	s20 =	sshll.u32 s4, $0x1;
	s4 =	sadd.s32 s21, s2  }
0x9d: {  	[timem:s6], [sflag:s22] =	dma.local [hbm:s4], s20  }
0x9e: {  	_ =	swait.ge [sflag:s22], s20  }
0x9f: {  	s3 =	ssub.s32 $0x0, s20;
	[sflag:s22] =	ssyncset.done $0x0  }
0xa0: {  	[sflag:s22] =	ssyncadd.s32 s3;
	_ =	sdelay $0x1  }
0xa1: {  	s23 =	simm.s32 $0x1B8B  }
0xa2: {  	_ =	swait.ge [sflag:s23], $0x1  }
0xa3: {  	[sflag:s23] =	ssyncset.done $0x0  }
0xa4: {  	s25 =	simm.s32 $0x1B8E;
	s24 =	sld [smem:$0x3FFE];
	[sflag:s23] =	ssyncadd.s32 $0xFFFFFFFF  }
0xa5: {  	s26 =	simm.s32 $execute0_lowered;
	[smem:$0x3FD2] =	sst s25  }
0xa6: {  	s4 =	sshll.u32 s26, $0x1;
	_ =	strace $0x8000004F;
	[dreg:$0x1] =	wrdreg $0xFFFFFFFF  }
0xa7: {  	s28 =	simm.s32 $_size_execute0_lowered;
	s2 =	sadd.s32 s2, s4;
	[dreg:$0x0] =	wrdreg $0x0  }
0xa8: {  	s4 =	sshll.u32 s28, $0x1;
	[dreg:$0x2] =	wrdreg s2  }
0xa9: {  	[dreg:$0x3] =	wrdreg s4  }
0xaa: {  	[dreg:$0x4] =	wrdreg $0xC0  }
0xab: {  	_ =	task [dreg:s6], $0x5FFFF  }
0xac: {  	[dreg:$0x1] =	wrdreg $0xFFFFFFFF  }
0xad: {  	[dreg:$0x0] =	wrdreg $0x60  }
0xae: {  	[dreg:$0x2] =	wrdreg s24  }
0xaf: {  	[dreg:$0x3] =	wrdreg $0x0  }
0xb0: {  	[dreg:$0x4] =	wrdreg $0x9  }
0xb1: {  	_ =	task.clear_ibuf [dreg:s6], $0x5FFFF;
	_ =	strace $0x9000004F  }
0xb2: {  	s29 =	simm.s32 $0x9;
	_ =	strace $0x80000051  }
0xb3: {  	_ =	swait.ge [sflag:s29], $0x1  }
0xb4: {  	[sflag:s29] =	ssyncadd.s32 $0xFFFFFFFF  }
0xb5: {  	_ =	strace $0x90000051  }
0xb6: {  	_ =	sfence  }
0xb7: {  	s30 =	sld [smem:$0x0];
	_ =	sdelay $0x2  }
0xb8: {  	s31 =	sshll.u32 s1, $0xD;
	s1 =	sshrl.u32 s1, $0x2  }
0xb9: {  	s3 =	sand.u32 $0x4000, s31;
	s1 =	sadd.s32 s1, s30  }
0xba: {  	s0 =	sor.u32 s3, s0;
	s1 =	sshll.u32 s1, $0x11  }
0xbb: {  	s0 =	sor.u32 s1, s0  }
0xbc: {  	s0 =	sadd.s32 $0x8F2B, s0  }
0xbd: {  	[sflag:s0] =	ssyncadd.remote.s32 $0x1  }
0xbe: {  	_ =	sfence.sel $0xFFFF  }
0xbf: {  	[dreg:$0x0] =	wrdreg $0xFFFFFFFF;
	(pc) =	sbr.abs _section_cstart, $3  }
0xc0: {  	[dreg:$0x1] =	wrdreg $0xFFFFFFFF  }
0xc1: {  	_ =	task.clear_ibuf [dreg:s6], $0x2FFFF;
	_ =	strace $0x9FFFFFFF  }
0xc2: {  	(tm) =	ssettm $0x7FFFFFFF  }
0xc3: {  	_ =	shalt  }
tec
execute0_lowered:
.L_overlay_start_1:
0x0: {  	(tag) =	ssettag $0x1  }
0x1: {  	s0 =	srdreg.scid;
	s1 =	rddreg [dreg:$0x0]  }
0x2: {  	s8 =	stileid.u32;
	s2 =	rddreg [dreg:$0x1];
	s3 =	simm.s32 $0x0  }
0x3: {  	s11 =	simm.s32 $0x4;
	s12 =	simm.s32 $0x13C00;
	s13 =	simm.s32 $0x14000  }
0x4: {  	s14 =	simm.s32 $0x80;
	s15 =	simm.s32 $0x14400;
	s17 =	simm.s32 $0x18400  }
0x5: {  	s18 =	simm.s32 $0x1;
	s19 =	simm.s32 $0x2;
	s20 =	simm.s32 $0x3  }
0x6: {  	s21 =	simm.s32 $0x14080;
	s22 =	simm.s32 $0x13D00;
	s28 =	simm.s32 $0x13E80  }
0x7: {  	s29 =	simm.s32 $0x14200;
	s30 =	simm.s32 $0x14280;
	s5 =	smul.u32 $0x5000, s8  }
0x8: {  	s31 =	simm.s32 $0x13F00;
	s10 =	simm.s32 $0x0;
	s7 =	smul.u32 $0x14000, s8  }
0x9: {  	s0 =	sand.u32 $0x1, s0;
	[smem:$0x7FF] =	sst s3;
	s23 =	smul.u32 $0x4F000, s8  }
0xa: {  	s9 =	sadd.s32 $0x1B000, s1;
	s8 =	sshll.u32 s8, $0x6;
	s4 =	smul.u32 $0x50000, s0  }
0xb: {  	s6 =	smul.u32 $0x140000, s0;
	_ =	strace $0x80000050;
	s0 =	ssub.s32 $0x2, s0  }
0xc: {  	[dreg:$0x4] =	wrdreg s9;
	s24 =	sshrl.u32 s0, $0x1;
	s5 =	sadd.s32 s5, s4  }
0xd: {  	s4 =	sadd.s32 $0x1D800, s1;
	s6 =	sadd.s32 s7, s6;
	s7 =	sshrl.u32 s23, $0x2  }
0xe: {  	s0 =	ssub.s32 s0, s24;
	s23 =	simm.s32 $0x13D80;
	s24 =	simm.s32 $0x14100  }
0xf: {  	s5 =	sshrl.u32 s5, $0x3;
	s6 =	sshrl.u32 s6, $0x3;
	s25 =	sadd.s32 s7, s2  }
0x10: {  	s7 =	sor.u32 $0x1C04, s8;
	s0 =	smax.u32 s0, $0x1;
	s5 =	sadd.s32 s5, s1  }
0x11: {  	s1 =	sadd.s32 s6, s1;
	[dreg:$0x7] =	wrdreg s0;
	s8 =	sshrl.u32 s25, $0x3  }
0x12: {  	s25 =	simm.s32 $0x14180;
	s0 =	simm.s32 $0x14300;
	[dreg:$0x5] =	wrdreg s7  }
0x13: {  	s1 =	sadd.s32 $0x96000, s1;
	s26 =	sadd.s32 $0x6E000, s5;
	[dreg:$0x8] =	wrdreg s8  }
0x14: {  	s9 =	sadd.s32 $0x82000, s5;
	s5 =	simm.s32 $0x14380;
	[dreg:$0x6] =	wrdreg s1  }
0x15: {  	[dreg:$0x3] =	wrdreg s26;
	s26 =	simm.s32 $0x13E00;
	s1 =	simm.s32 $0x13F80  }
.LBB2_1:
0x16: {  	[dreg:$0x9] =	wrdreg s10  }
0x17: {  	s6 =	rddreg [dreg:$0x4]  }
0x18: {  	[spmem:s8], [sflag:s7] =	dma.local [hbm:s6], $0x2780  }
0x19: {  	_ =	swait.ge [sflag:s11], $0x2780  }
0x1a: {  	[sflag:s11] =	ssyncset.done $0x0  }
0x1b: {  	[sflag:s11] =	ssyncadd.s32 $0xFFFFD880  }
0x1c: {  	s8 =	sadd.s32 $0x0, s9;
	[bflag:$0x0] =	sbarrier.arrive $0xFFFF  }
0x1d: {  	[tilespmem:s12], [sflag:$0x4] =	stream.linear.gather [hbm4b:s8+s3], $0x400, $0x38;
	[tilespmem:$0x1C400] =	vst v63  }
0x1e: {  	_ =	swait.ge [sflag:s11], $0x400  }
0x1f: {  	s10 =	rddreg [dreg:$0x3];
	[sflag:s11] =	ssyncset.done $0x0  }
0x20: {  	[sflag:s11] =	ssyncadd.s32 $0xFFFFFC00;
	s6 =	sadd.s32 $0x0, s10  }
0x21: {  	[tilespmem:s13], [sflag:$0x4] =	stream.linear.gather [hbm4b:s6+s3], $0x400, $0x38;
	[tilespmem:$0x1C400] =	vst v63  }
0x22: {  	_ =	swait.ge [sflag:s11], $0x400  }
0x23: {  	[sflag:s11] =	ssyncset.done $0x0  }
0x24: {  	[sflag:s11] =	ssyncadd.s32 $0xFFFFFC00  }
0x25: {  	[tilespmem:s15], [sflag:$0x1] =	stream.indirect.gather [hbm4b:s4+s14], $0x80, s12, s14, $0xb8;
	[tilespmem:$0x1C400] =	vst v63  }
0x26: {  	s16 =	simm.s32 $0x13C80  }
0x27: {  	[tilespmem:s17], [sflag:$0x2] =	stream.indirect.gather [hbm4b:s4+s14], $0x80, s16, s14, $0xb8;
	[tilespmem:$0x1C400] =	vst v63  }
0x28: {  	_ =	swait.ge [sflag:s18], $0x4000  }
0x29: {  	[sflag:s18] =	ssyncset.done $0x0  }
0x2a: {  	[sflag:s18] =	ssyncadd.s32 $0xFFFFC000  }
0x2b: {  	_ =	swait.ge [sflag:s19], $0x4000  }
0x2c: {  	[sflag:s19] =	ssyncset.done $0x0  }
0x2d: {  	[sflag:s19] =	ssyncadd.s32 $0xFFFFC000  }
0x2e: {  	[spmem:s2] =	stream.indirect.scatter.add.f32 [tilespmem:s15], [sflag:$0x3], $0x80, s13, s14, $0xb8;
	[tilespmem:$0x1C400] =	vst v63  }
0x2f: {  	_ =	swait.ge [sflag:s20], $0x4000  }
0x30: {  	[sflag:s20] =	ssyncset.done $0x0  }
0x31: {  	[sflag:s20] =	ssyncadd.s32 $0xFFFFC000  }
0x32: {  	[spmem:s2] =	stream.indirect.scatter.add.f32 [tilespmem:s17], [sflag:$0x3], $0x80, s21, s14, $0xb8;
	[tilespmem:$0x1C400] =	vst v63  }
0x33: {  	_ =	swait.ge [sflag:s20], $0x4000  }
0x34: {  	[sflag:s20] =	ssyncset.done $0x0  }
0x35: {  	[sflag:s20] =	ssyncadd.s32 $0xFFFFC000  }
0x36: {  	[tilespmem:s15], [sflag:$0x1] =	stream.indirect.gather [hbm4b:s4+s14], $0x80, s22, s14, $0xb8;
	[tilespmem:$0x1C400] =	vst v63  }
0x37: {  	_ = 	snop  }
0x38: {  	[tilespmem:s17], [sflag:$0x2] =	stream.indirect.gather [hbm4b:s4+s14], $0x80, s23, s14, $0xb8;
	[tilespmem:$0x1C400] =	vst v63  }
0x39: {  	_ =	swait.ge [sflag:s18], $0x4000  }
0x3a: {  	[sflag:s18] =	ssyncset.done $0x0  }
0x3b: {  	[sflag:s18] =	ssyncadd.s32 $0xFFFFC000  }
0x3c: {  	_ =	swait.ge [sflag:s19], $0x4000  }
0x3d: {  	[sflag:s19] =	ssyncset.done $0x0  }
0x3e: {  	[sflag:s19] =	ssyncadd.s32 $0xFFFFC000  }
0x3f: {  	[spmem:s2] =	stream.indirect.scatter.add.f32 [tilespmem:s15], [sflag:$0x3], $0x80, s24, s14, $0xb8;
	[tilespmem:$0x1C400] =	vst v63  }
0x40: {  	_ =	swait.ge [sflag:s20], $0x4000  }
0x41: {  	[sflag:s20] =	ssyncset.done $0x0  }
0x42: {  	[sflag:s20] =	ssyncadd.s32 $0xFFFFC000  }
0x43: {  	[spmem:s2] =	stream.indirect.scatter.add.f32 [tilespmem:s17], [sflag:$0x3], $0x80, s25, s14, $0xb8;
	[tilespmem:$0x1C400] =	vst v63  }
0x44: {  	_ =	swait.ge [sflag:s20], $0x4000  }
0x45: {  	[sflag:s20] =	ssyncset.done $0x0  }
0x46: {  	[sflag:s20] =	ssyncadd.s32 $0xFFFFC000  }
0x47: {  	[tilespmem:s15], [sflag:$0x1] =	stream.indirect.gather [hbm4b:s4+s14], $0x80, s26, s14, $0xb8;
	[tilespmem:$0x1C400] =	vst v63  }
0x48: {  	_ = 	snop  }
0x49: {  	[tilespmem:s17], [sflag:$0x2] =	stream.indirect.gather [hbm4b:s4+s14], $0x80, s28, s14, $0xb8;
	[tilespmem:$0x1C400] =	vst v63  }
0x4a: {  	_ =	swait.ge [sflag:s18], $0x4000  }
0x4b: {  	[sflag:s18] =	ssyncset.done $0x0  }
0x4c: {  	[sflag:s18] =	ssyncadd.s32 $0xFFFFC000  }
0x4d: {  	_ =	swait.ge [sflag:s19], $0x4000  }
0x4e: {  	[sflag:s19] =	ssyncset.done $0x0  }
0x4f: {  	[sflag:s19] =	ssyncadd.s32 $0xFFFFC000  }
0x50: {  	[spmem:s2] =	stream.indirect.scatter.add.f32 [tilespmem:s15], [sflag:$0x3], $0x80, s29, s14, $0xb8;
	[tilespmem:$0x1C400] =	vst v63  }
0x51: {  	_ =	swait.ge [sflag:s20], $0x4000  }
0x52: {  	[sflag:s20] =	ssyncset.done $0x0  }
0x53: {  	[sflag:s20] =	ssyncadd.s32 $0xFFFFC000  }
0x54: {  	[spmem:s2] =	stream.indirect.scatter.add.f32 [tilespmem:s17], [sflag:$0x3], $0x80, s30, s14, $0xb8;
	[tilespmem:$0x1C400] =	vst v63  }
0x55: {  	_ =	swait.ge [sflag:s20], $0x4000  }
0x56: {  	[sflag:s20] =	ssyncset.done $0x0  }
0x57: {  	[sflag:s20] =	ssyncadd.s32 $0xFFFFC000  }
0x58: {  	[tilespmem:s15], [sflag:$0x1] =	stream.indirect.gather [hbm4b:s4+s14], $0x80, s31, s14, $0xb8;
	[tilespmem:$0x1C400] =	vst v63  }
0x59: {  	_ = 	snop  }
0x5a: {  	[tilespmem:s17], [sflag:$0x2] =	stream.indirect.gather [hbm4b:s4+s14], $0x80, s1, s14, $0xb8;
	[tilespmem:$0x1C400] =	vst v63  }
0x5b: {  	_ =	swait.ge [sflag:s18], $0x4000  }
0x5c: {  	[sflag:s18] =	ssyncset.done $0x0  }
0x5d: {  	[sflag:s18] =	ssyncadd.s32 $0xFFFFC000  }
0x5e: {  	_ =	swait.ge [sflag:s19], $0x4000  }
0x5f: {  	[sflag:s19] =	ssyncset.done $0x0  }
0x60: {  	[sflag:s19] =	ssyncadd.s32 $0xFFFFC000  }
0x61: {  	[spmem:s2] =	stream.indirect.scatter.add.f32 [tilespmem:s15], [sflag:$0x3], $0x80, s0, s14, $0xb8;
	[tilespmem:$0x1C400] =	vst v63  }
0x62: {  	_ =	swait.ge [sflag:s20], $0x4000  }
0x63: {  	[sflag:s20] =	ssyncset.done $0x0  }
0x64: {  	[sflag:s20] =	ssyncadd.s32 $0xFFFFC000  }
0x65: {  	[spmem:s2] =	stream.indirect.scatter.add.f32 [tilespmem:s17], [sflag:$0x3], $0x80, s5, s14, $0xb8;
	[tilespmem:$0x1C400] =	vst v63  }
0x66: {  	_ =	swait.ge [sflag:s20], $0x4000  }
0x67: {  	s8 =	simm.s32 $0x80;
	s6 =	simm.s32 $0x100;
	[sflag:s20] =	ssyncset.done $0x0  }
.LBB2_2:
0x68: {  	s7 =	sadd.s32 s8, s9;
	[sflag:s20] =	ssyncadd.s32 $0xFFFFC000  }
0x69: {  	[tilespmem:s12], [sflag:$0x4] =	stream.linear.gather [hbm4b:s7+s3], $0x400, $0x38;
	[tilespmem:$0x1C400] =	vst v63  }
0x6a: {  	s16 =	smov.u32 s6;
	_ =	swait.ge [sflag:s11], $0x400  }
0x6b: {  	s10 =	sadd.s32 $0x80, s6;
	s7 =	rddreg [dreg:$0x3];
	[sflag:s11] =	ssyncset.done $0x0  }
0x6c: {  	p0 =	sne.s32 s6, $0x980;
	[sflag:s11] =	ssyncadd.s32 $0xFFFFFC00;
	s6 =	sadd.s32 s8, s7  }
0x6d: {  	[tilespmem:s13], [sflag:$0x4] =	stream.linear.gather [hbm4b:s6+s3], $0x400, $0x38;
	[tilespmem:$0x1C400] =	vst v63  }
0x6e: {  	_ =	swait.ge [sflag:s11], $0x400  }
0x6f: {  	[sflag:s11] =	ssyncset.done $0x0  }
0x70: {  	[sflag:s11] =	ssyncadd.s32 $0xFFFFFC00  }
0x71: {  	[tilespmem:s15], [sflag:$0x1] =	stream.indirect.gather [hbm4b:s4+s14], $0x80, s12, s14, $0xb8;
	[tilespmem:$0x1C400] =	vst v63  }
0x72: {  	s8 =	smov.u32 s16;
	s16 =	simm.s32 $0x13C80  }
0x73: {  	[tilespmem:s17], [sflag:$0x2] =	stream.indirect.gather [hbm4b:s4+s14], $0x80, s16, s14, $0xb8;
	[tilespmem:$0x1C400] =	vst v63  }
0x74: {  	_ =	swait.ge [sflag:s18], $0x4000  }
0x75: {  	[sflag:s18] =	ssyncset.done $0x0  }
0x76: {  	[sflag:s18] =	ssyncadd.s32 $0xFFFFC000  }
0x77: {  	_ =	swait.ge [sflag:s19], $0x4000  }
0x78: {  	[sflag:s19] =	ssyncset.done $0x0  }
0x79: {  	[sflag:s19] =	ssyncadd.s32 $0xFFFFC000  }
0x7a: {  	[spmem:s2] =	stream.indirect.scatter.add.f32 [tilespmem:s15], [sflag:$0x3], $0x80, s13, s14, $0xb8;
	[tilespmem:$0x1C400] =	vst v63  }
0x7b: {  	_ =	swait.ge [sflag:s20], $0x4000  }
0x7c: {  	[sflag:s20] =	ssyncset.done $0x0  }
0x7d: {  	[sflag:s20] =	ssyncadd.s32 $0xFFFFC000  }
0x7e: {  	[spmem:s2] =	stream.indirect.scatter.add.f32 [tilespmem:s17], [sflag:$0x3], $0x80, s21, s14, $0xb8;
	[tilespmem:$0x1C400] =	vst v63  }
0x7f: {  	_ =	swait.ge [sflag:s20], $0x4000  }
0x80: {  	[sflag:s20] =	ssyncset.done $0x0  }
0x81: {  	[sflag:s20] =	ssyncadd.s32 $0xFFFFC000  }
0x82: {  	[tilespmem:s15], [sflag:$0x1] =	stream.indirect.gather [hbm4b:s4+s14], $0x80, s22, s14, $0xb8;
	[tilespmem:$0x1C400] =	vst v63  }
0x83: {  	_ = 	snop  }
0x84: {  	[tilespmem:s17], [sflag:$0x2] =	stream.indirect.gather [hbm4b:s4+s14], $0x80, s23, s14, $0xb8;
	[tilespmem:$0x1C400] =	vst v63  }
0x85: {  	_ =	swait.ge [sflag:s18], $0x4000  }
0x86: {  	[sflag:s18] =	ssyncset.done $0x0  }
0x87: {  	[sflag:s18] =	ssyncadd.s32 $0xFFFFC000  }
0x88: {  	_ =	swait.ge [sflag:s19], $0x4000  }
0x89: {  	[sflag:s19] =	ssyncset.done $0x0  }
0x8a: {  	[sflag:s19] =	ssyncadd.s32 $0xFFFFC000  }
0x8b: {  	[spmem:s2] =	stream.indirect.scatter.add.f32 [tilespmem:s15], [sflag:$0x3], $0x80, s24, s14, $0xb8;
	[tilespmem:$0x1C400] =	vst v63  }
0x8c: {  	_ =	swait.ge [sflag:s20], $0x4000  }
0x8d: {  	[sflag:s20] =	ssyncset.done $0x0  }
0x8e: {  	[sflag:s20] =	ssyncadd.s32 $0xFFFFC000  }
0x8f: {  	[spmem:s2] =	stream.indirect.scatter.add.f32 [tilespmem:s17], [sflag:$0x3], $0x80, s25, s14, $0xb8;
	[tilespmem:$0x1C400] =	vst v63  }
0x90: {  	_ =	swait.ge [sflag:s20], $0x4000  }
0x91: {  	[sflag:s20] =	ssyncset.done $0x0  }
0x92: {  	[sflag:s20] =	ssyncadd.s32 $0xFFFFC000  }
0x93: {  	[tilespmem:s15], [sflag:$0x1] =	stream.indirect.gather [hbm4b:s4+s14], $0x80, s26, s14, $0xb8;
	[tilespmem:$0x1C400] =	vst v63  }
0x94: {  	_ = 	snop  }
0x95: {  	[tilespmem:s17], [sflag:$0x2] =	stream.indirect.gather [hbm4b:s4+s14], $0x80, s28, s14, $0xb8;
	[tilespmem:$0x1C400] =	vst v63  }
0x96: {  	_ =	swait.ge [sflag:s18], $0x4000  }
0x97: {  	[sflag:s18] =	ssyncset.done $0x0  }
0x98: {  	[sflag:s18] =	ssyncadd.s32 $0xFFFFC000  }
0x99: {  	_ =	swait.ge [sflag:s19], $0x4000  }
0x9a: {  	[sflag:s19] =	ssyncset.done $0x0  }
0x9b: {  	[sflag:s19] =	ssyncadd.s32 $0xFFFFC000  }
0x9c: {  	[spmem:s2] =	stream.indirect.scatter.add.f32 [tilespmem:s15], [sflag:$0x3], $0x80, s29, s14, $0xb8;
	[tilespmem:$0x1C400] =	vst v63  }
0x9d: {  	_ =	swait.ge [sflag:s20], $0x4000  }
0x9e: {  	[sflag:s20] =	ssyncset.done $0x0  }
0x9f: {  	[sflag:s20] =	ssyncadd.s32 $0xFFFFC000  }
0xa0: {  	[spmem:s2] =	stream.indirect.scatter.add.f32 [tilespmem:s17], [sflag:$0x3], $0x80, s30, s14, $0xb8;
	[tilespmem:$0x1C400] =	vst v63  }
0xa1: {  	_ =	swait.ge [sflag:s20], $0x4000  }
0xa2: {  	[sflag:s20] =	ssyncset.done $0x0  }
0xa3: {  	[sflag:s20] =	ssyncadd.s32 $0xFFFFC000  }
0xa4: {  	[tilespmem:s15], [sflag:$0x1] =	stream.indirect.gather [hbm4b:s4+s14], $0x80, s31, s14, $0xb8;
	[tilespmem:$0x1C400] =	vst v63  }
0xa5: {  	_ = 	snop  }
0xa6: {  	[tilespmem:s17], [sflag:$0x2] =	stream.indirect.gather [hbm4b:s4+s14], $0x80, s1, s14, $0xb8;
	[tilespmem:$0x1C400] =	vst v63  }
0xa7: {  	_ =	swait.ge [sflag:s18], $0x4000  }
0xa8: {  	[sflag:s18] =	ssyncset.done $0x0  }
0xa9: {  	[sflag:s18] =	ssyncadd.s32 $0xFFFFC000  }
0xaa: {  	_ =	swait.ge [sflag:s19], $0x4000  }
0xab: {  	[sflag:s19] =	ssyncset.done $0x0  }
0xac: {  	[sflag:s19] =	ssyncadd.s32 $0xFFFFC000  }
0xad: {  	[spmem:s2] =	stream.indirect.scatter.add.f32 [tilespmem:s15], [sflag:$0x3], $0x80, s0, s14, $0xb8;
	[tilespmem:$0x1C400] =	vst v63  }
0xae: {  	_ =	swait.ge [sflag:s20], $0x4000  }
.Ltmp0:
0xaf: {  	[sflag:s20] =	ssyncset.done $0x0;
	(pc) =	sbr.rel @p0 .LBB2_2-.Ltmp0, $4  }
0xb0: {  	[sflag:s20] =	ssyncadd.s32 $0xFFFFC000  }
0xb1: {  	[spmem:s2] =	stream.indirect.scatter.add.f32 [tilespmem:s17], [sflag:$0x3], $0x80, s5, s14, $0xb8;
	[tilespmem:$0x1C400] =	vst v63  }
0xb2: {  	_ =	swait.ge [sflag:s20], $0x4000  }
0xb3: {  	s6 =	smov.u32 s10;
	[sflag:s20] =	ssyncset.done $0x0  }
0xb4: {  	s6 =	sadd.s32 s8, s9;
	[sflag:s20] =	ssyncadd.s32 $0xFFFFC000  }
0xb5: {  	[tilespmem:s12], [sflag:$0x4] =	stream.linear.gather [hbm4b:s6+s3], $0x400, $0x38;
	[tilespmem:$0x1C400] =	vst v63  }
0xb6: {  	_ =	swait.ge [sflag:s11], $0x400  }
0xb7: {  	s7 =	rddreg [dreg:$0x3];
	[sflag:s11] =	ssyncset.done $0x0  }
0xb8: {  	s6 =	sadd.s32 s8, s7;
	[sflag:s11] =	ssyncadd.s32 $0xFFFFFC00  }
0xb9: {  	[tilespmem:s13], [sflag:$0x4] =	stream.linear.gather [hbm4b:s6+s3], $0x400, $0x38;
	[tilespmem:$0x1C400] =	vst v63  }
0xba: {  	_ =	swait.ge [sflag:s11], $0x400  }
0xbb: {  	[sflag:s11] =	ssyncset.done $0x0  }
0xbc: {  	[sflag:s11] =	ssyncadd.s32 $0xFFFFFC00  }
0xbd: {  	[tilespmem:s15], [sflag:$0x1] =	stream.indirect.gather [hbm4b:s4+s14], $0x80, s12, s14, $0xb8;
	[tilespmem:$0x1C400] =	vst v63  }
0xbe: {  	s8 =	simm.s32 $0x13C80  }
0xbf: {  	[tilespmem:s17], [sflag:$0x2] =	stream.indirect.gather [hbm4b:s4+s14], $0x80, s8, s14, $0xb8;
	[tilespmem:$0x1C400] =	vst v63  }
0xc0: {  	_ =	swait.ge [sflag:s18], $0x4000  }
0xc1: {  	[sflag:s18] =	ssyncset.done $0x0  }
0xc2: {  	[sflag:s18] =	ssyncadd.s32 $0xFFFFC000  }
0xc3: {  	_ =	swait.ge [sflag:s19], $0x4000  }
0xc4: {  	[sflag:s19] =	ssyncset.done $0x0  }
0xc5: {  	[sflag:s19] =	ssyncadd.s32 $0xFFFFC000  }
0xc6: {  	[spmem:s2] =	stream.indirect.scatter.add.f32 [tilespmem:s15], [sflag:$0x3], $0x80, s13, s14, $0xb8;
	[tilespmem:$0x1C400] =	vst v63  }
0xc7: {  	_ =	swait.ge [sflag:s20], $0x4000  }
0xc8: {  	[sflag:s20] =	ssyncset.done $0x0  }
0xc9: {  	[sflag:s20] =	ssyncadd.s32 $0xFFFFC000  }
0xca: {  	[spmem:s2] =	stream.indirect.scatter.add.f32 [tilespmem:s17], [sflag:$0x3], $0x80, s21, s14, $0xb8;
	[tilespmem:$0x1C400] =	vst v63  }
0xcb: {  	_ =	swait.ge [sflag:s20], $0x4000  }
0xcc: {  	[sflag:s20] =	ssyncset.done $0x0  }
0xcd: {  	[sflag:s20] =	ssyncadd.s32 $0xFFFFC000  }
0xce: {  	[tilespmem:s15], [sflag:$0x1] =	stream.indirect.gather [hbm4b:s4+s14], $0x80, s22, s14, $0xb8;
	[tilespmem:$0x1C400] =	vst v63  }
0xcf: {  	_ = 	snop  }
0xd0: {  	[tilespmem:s17], [sflag:$0x2] =	stream.indirect.gather [hbm4b:s4+s14], $0x80, s23, s14, $0xb8;
	[tilespmem:$0x1C400] =	vst v63  }
0xd1: {  	_ =	swait.ge [sflag:s18], $0x4000  }
0xd2: {  	[sflag:s18] =	ssyncset.done $0x0  }
0xd3: {  	[sflag:s18] =	ssyncadd.s32 $0xFFFFC000  }
0xd4: {  	_ =	swait.ge [sflag:s19], $0x4000  }
0xd5: {  	[sflag:s19] =	ssyncset.done $0x0  }
0xd6: {  	[sflag:s19] =	ssyncadd.s32 $0xFFFFC000  }
0xd7: {  	[spmem:s2] =	stream.indirect.scatter.add.f32 [tilespmem:s15], [sflag:$0x3], $0x80, s24, s14, $0xb8;
	[tilespmem:$0x1C400] =	vst v63  }
0xd8: {  	_ =	swait.ge [sflag:s20], $0x4000  }
0xd9: {  	[sflag:s20] =	ssyncset.done $0x0  }
0xda: {  	[sflag:s20] =	ssyncadd.s32 $0xFFFFC000  }
0xdb: {  	[spmem:s2] =	stream.indirect.scatter.add.f32 [tilespmem:s17], [sflag:$0x3], $0x80, s25, s14, $0xb8;
	[tilespmem:$0x1C400] =	vst v63  }
0xdc: {  	_ =	swait.ge [sflag:s20], $0x4000  }
0xdd: {  	[sflag:s20] =	ssyncset.done $0x0  }
0xde: {  	[sflag:s20] =	ssyncadd.s32 $0xFFFFC000  }
0xdf: {  	[tilespmem:s15], [sflag:$0x1] =	stream.indirect.gather [hbm4b:s4+s14], $0x80, s26, s14, $0xb8;
	[tilespmem:$0x1C400] =	vst v63  }
0xe0: {  	_ = 	snop  }
0xe1: {  	[tilespmem:s17], [sflag:$0x2] =	stream.indirect.gather [hbm4b:s4+s14], $0x80, s28, s14, $0xb8;
	[tilespmem:$0x1C400] =	vst v63  }
0xe2: {  	_ =	swait.ge [sflag:s18], $0x4000  }
0xe3: {  	[sflag:s18] =	ssyncset.done $0x0  }
0xe4: {  	[sflag:s18] =	ssyncadd.s32 $0xFFFFC000  }
0xe5: {  	_ =	swait.ge [sflag:s19], $0x4000  }
0xe6: {  	[sflag:s19] =	ssyncset.done $0x0  }
0xe7: {  	[sflag:s19] =	ssyncadd.s32 $0xFFFFC000  }
0xe8: {  	[spmem:s2] =	stream.indirect.scatter.add.f32 [tilespmem:s15], [sflag:$0x3], $0x80, s29, s14, $0xb8;
	[tilespmem:$0x1C400] =	vst v63  }
0xe9: {  	_ =	swait.ge [sflag:s20], $0x4000  }
0xea: {  	[sflag:s20] =	ssyncset.done $0x0  }
0xeb: {  	[sflag:s20] =	ssyncadd.s32 $0xFFFFC000  }
0xec: {  	[spmem:s2] =	stream.indirect.scatter.add.f32 [tilespmem:s17], [sflag:$0x3], $0x80, s30, s14, $0xb8;
	[tilespmem:$0x1C400] =	vst v63  }
0xed: {  	_ =	swait.ge [sflag:s20], $0x4000  }
0xee: {  	[sflag:s20] =	ssyncset.done $0x0  }
0xef: {  	[sflag:s20] =	ssyncadd.s32 $0xFFFFC000  }
0xf0: {  	[tilespmem:s15], [sflag:$0x1] =	stream.indirect.gather [hbm4b:s4+s14], $0x80, s31, s14, $0xb8;
	[tilespmem:$0x1C400] =	vst v63  }
0xf1: {  	_ = 	snop  }
0xf2: {  	[tilespmem:s17], [sflag:$0x2] =	stream.indirect.gather [hbm4b:s4+s14], $0x80, s1, s14, $0xb8;
	[tilespmem:$0x1C400] =	vst v63  }
0xf3: {  	_ =	swait.ge [sflag:s18], $0x4000  }
0xf4: {  	[sflag:s18] =	ssyncset.done $0x0  }
0xf5: {  	[sflag:s18] =	ssyncadd.s32 $0xFFFFC000  }
0xf6: {  	_ =	swait.ge [sflag:s19], $0x4000  }
0xf7: {  	[sflag:s19] =	ssyncset.done $0x0  }
0xf8: {  	[sflag:s19] =	ssyncadd.s32 $0xFFFFC000  }
0xf9: {  	[spmem:s2] =	stream.indirect.scatter.add.f32 [tilespmem:s15], [sflag:$0x3], $0x80, s0, s14, $0xb8;
	[tilespmem:$0x1C400] =	vst v63  }
0xfa: {  	_ =	swait.ge [sflag:s20], $0x4000  }
0xfb: {  	[sflag:s20] =	ssyncset.done $0x0  }
0xfc: {  	[sflag:s20] =	ssyncadd.s32 $0xFFFFC000  }
0xfd: {  	[spmem:s2] =	stream.indirect.scatter.add.f32 [tilespmem:s17], [sflag:$0x3], $0x80, s5, s14, $0xb8;
	[tilespmem:$0x1C400] =	vst v63  }
0xfe: {  	_ =	swait.ge [sflag:s20], $0x4000  }
0xff: {  	[sflag:s20] =	ssyncset.done $0x0  }
0x100: {  	[sflag:s20] =	ssyncadd.s32 $0xFFFFC000  }
0x101: {  	[bflag:$0x0] =	sbarrier.arrive $0xFFFF  }
0x102: {  	s7 =	rddreg [dreg:$0x5]  }
0x103: {  	s10 =	rddreg [dreg:$0x6]  }
0x104: {  	s8 =	rddreg [dreg:$0x8]  }
0x105: {  	[hbm:s10], [sflag:s7] =	dma.local [spmem:s8], $0x2780  }
0x106: {  	_ =	swait.ge [sflag:s11], $0x2780  }
0x107: {  	s10 =	rddreg [dreg:$0x9]  }
0x108: {  	s16 =	rddreg [dreg:$0x7];
	s10 =	sadd.s32 $0x1, s10  }
0x109: {  	p0 =	sne.s32 s10, s16  }
.Ltmp1:
0x10a: {  	_ = 	snop;
	(pc) =	sbr.rel @p0 .LBB2_1-.Ltmp1, $3  }
0x10b: {  	_ =	sdelay $0x1  }
0x10c: {  	[sflag:s11] =	ssyncset.done $0x0  }
0x10d: {  	[sflag:s11] =	ssyncadd.s32 $0xFFFFD880  }
0x10e: {  	_ =	sfence.sel $0x180000  }
0x10f: {  	[bflag:$0x0] =	sbarrier.arrive $0xFFFF  }
0x110: {  	_ =	strace $0x90000050  }
0x111: {  	s0 =	stileid.u32;
	[bflag:$0x2] =	sbarrier.arrive $0xFFFF  }
0x112: {  	p0 =	sne.s32 s0, $0x0;
	s0 =	rddreg [dreg:$0x2]  }
0x113: {  	s0 =	sadd.s32 @!p0 $0x100000, s0  }
0x114: {  	[sflag:s0] =	ssyncadd.tile.s32 @!p0 $0x1;
	_ =	shalt  }
.Lfunc_end2:
_tile_overlayer_lowered:
.L_overlay_start_2:
0x115: {  	(tag) =	ssettag $0x2  }
0x116: {  	s0 =	rddreg [dreg:$0x0];
	s2 =	stileid.u32  }
0x117: {  	s1 =	rddreg [dreg:$0x1];
	p0 =	sne.s32 s2, $0x0  }
0x118: {  	s3 =	rddreg [dreg:$0x2];
	[bflag:$0x3] =	sbarrier.arrive $0xFFFF;
	s2 =	simm.s32 @!p0 $0x1C04  }
0x119: {  	[timem:s3], [sflag:s2] =	dma.local @!p0 [hbm:s0], s1  }
0x11a: {  	s0 =	simm.s32 @!p0 $0x4  }
0x11b: {  	_ =	swait.ge @!p0 [sflag:s0], s1  }
0x11c: {  	s1 =	ssub.s32 @!p0 $0x0, s1;
	[sflag:s0] =	ssyncset.done @!p0 $0x0  }
0x11d: {  	[sflag:s0] =	ssyncadd.s32 @!p0 s1  }
0x11e: {  	[bflag:$0x3] =	sbarrier.arrive $0xFFFF  }
0x11f: {  	_ =	shalt  }

</sc_bundles>
